<compile_context>
chip_gen: v7x
topology: tpu7x:2x2x1
jax: 0.10.2.dev20260603
libtpu: 0.0.44.dev20260713+nightly
codegen_flags: <defaults>
</compile_context>

<pallas_src>
import functools

import jax
import jax.numpy as jnp
from jax import lax
from jax.experimental import pallas as pl
from jax.experimental.pallas import tpu as pltpu
from jax.experimental.pallas import tpu_sc as plsc

L = 2048
N = L * L
NC = 2
NS = 16
NW = NC * NS
NCHUNK = 1024
PER_W = NCHUNK // NW


def _sc_body(q_hbm, a_hbm, b_hbm, p_hbm, al_hbm, ga_hbm, out_hbm,
             av, bv, pv, qv, ov, alv, gav,
             sin0, sin1, sout0, sout1):
    wid = lax.axis_index("s") * NC + lax.axis_index("c")
    base = wid * PER_W

    pltpu.sync_copy(al_hbm, alv)
    pltpu.sync_copy(ga_hbm, gav)
    alpha = alv[...]
    gamma = gav[...]

    def rc(k):
        cid = base + k
        return cid // 4, (cid % 4) * 4

    def start_in(k, s, sem):
        r, cc = rc(k)
        pltpu.async_copy(a_hbm.at[r, pl.ds(cc, 4), :, :], av.at[s], sem)
        pltpu.async_copy(b_hbm.at[r, pl.ds(cc, 4), :, :], bv.at[s], sem)
        pltpu.async_copy(p_hbm.at[r, pl.ds(cc, 4), :, :], pv.at[s], sem)
        pltpu.async_copy(q_hbm.at[:, r, :, pl.ds(cc, 4), :, :], qv.at[s], sem)

    def wait_in(s, sem):
        pltpu.make_async_copy(a_hbm.at[0, pl.ds(0, 4), :, :], av.at[s], sem).wait()
        pltpu.make_async_copy(b_hbm.at[0, pl.ds(0, 4), :, :], bv.at[s], sem).wait()
        pltpu.make_async_copy(p_hbm.at[0, pl.ds(0, 4), :, :], pv.at[s], sem).wait()
        pltpu.make_async_copy(q_hbm.at[:, 0, :, pl.ds(0, 4), :, :], qv.at[s], sem).wait()

    def start_out(k, s, sem):
        r, cc = rc(k)
        pltpu.async_copy(ov.at[s], out_hbm.at[:, r, :, pl.ds(cc, 4), :, :], sem)

    def wait_out(s, sem):
        pltpu.make_async_copy(ov.at[s], out_hbm.at[:, 0, :, pl.ds(0, 4), :, :], sem).wait()

    def compute(s):
        @plsc.parallel_loop(0, 32, unroll=2)
        def do_pc(t):
            p = t >> 2
            c = t & 3
            for j in range(8):
                sl = pl.ds(j * 16, 16)
                a16 = av[s, c, p, sl]
                b16 = bv[s, c, p, sl]
                pr = pv[s, c, p, sl]
                q00 = qv[s, 0, p, c, 0, sl]
                q01 = qv[s, 0, p, c, 1, sl]
                q10 = qv[s, 1, p, c, 0, sl]
                q11 = qv[s, 1, p, c, 1, sl]
                ca = a16 == 0
                cb = b16 == 0
                maxv = jnp.where(cb, jnp.maximum(q00, q01),
                                 jnp.maximum(q10, q11))
                prg = pr + gamma * maxv
                zero = jnp.zeros_like(alpha)
                f00 = jnp.where(ca & cb, alpha, zero)
                f01 = jnp.where(ca & ~cb, alpha, zero)
                f10 = jnp.where(~ca & cb, alpha, zero)
                f11 = jnp.where(~ca & ~cb, alpha, zero)
                ov[s, 0, p, c, 0, sl] = q00 + f00 * (prg - q00)
                ov[s, 0, p, c, 1, sl] = q01 + f01 * (prg - q01)
                ov[s, 1, p, c, 0, sl] = q10 + f10 * (prg - q10)
                ov[s, 1, p, c, 1, sl] = q11 + f11 * (prg - q11)

    start_in(0, 0, sin0)
    start_in(1, 1, sin1)

    def ring(t, _):
        k0 = 2 * t
        wait_in(0, sin0)

        @pl.when(t > 0)
        def _():
            wait_out(0, sout0)

        compute(0)
        start_out(k0, 0, sout0)

        @pl.when(t < PER_W // 2 - 1)
        def _():
            start_in(k0 + 2, 0, sin0)

        wait_in(1, sin1)

        @pl.when(t > 0)
        def _():
            wait_out(1, sout1)

        compute(1)
        start_out(k0 + 1, 1, sout1)

        @pl.when(t < PER_W // 2 - 1)
        def _():
            start_in(k0 + 3, 1, sin1)

        return 0

    lax.fori_loop(0, PER_W // 2, ring, 0)
    wait_out(0, sout0)
    wait_out(1, sout1)


@jax.jit
def _run(q6, sa, sb, sp, al16, ga16):
    mesh = plsc.VectorSubcoreMesh(core_axis_name="c", subcore_axis_name="s")
    fn = functools.partial(
        pl.kernel,
        mesh=mesh,
        compiler_params=pltpu.CompilerParams(needs_layout_passes=False),
        out_type=jax.ShapeDtypeStruct((2, 256, 8, 16, 2, 128), jnp.float32),
        scratch_types=[
            pltpu.VMEM((2, 4, 8, 128), jnp.int32),
            pltpu.VMEM((2, 4, 8, 128), jnp.int32),
            pltpu.VMEM((2, 4, 8, 128), jnp.float32),
            pltpu.VMEM((2, 2, 8, 4, 2, 128), jnp.float32),
            pltpu.VMEM((2, 2, 8, 4, 2, 128), jnp.float32),
            pltpu.VMEM((16,), jnp.float32),
            pltpu.VMEM((16,), jnp.float32),
            pltpu.SemaphoreType.DMA,
            pltpu.SemaphoreType.DMA,
            pltpu.SemaphoreType.DMA,
            pltpu.SemaphoreType.DMA,
        ],
    )(_sc_body)
    return fn(q6, sa, sb, sp, al16, ga16)


def _tile_view(m):
    return m.reshape(256, 8, 16, 128).transpose(0, 2, 1, 3)


def kernel(alpha, gamma, type_t_matrix, type_t1_matrix, Q_tensor, profit_matrix):
    sa = _tile_view(type_t_matrix.astype(jnp.int32))
    sb = _tile_view(type_t1_matrix.astype(jnp.int32))
    sp = _tile_view(profit_matrix.astype(jnp.float32))
    q6 = (Q_tensor.reshape(32768, 128, 2, 2)
          .transpose(2, 0, 3, 1)
          .reshape(2, 256, 8, 16, 2, 128))
    al16 = jnp.full((16,), alpha, jnp.float32)
    ga16 = jnp.full((16,), gamma, jnp.float32)
    out = _run(q6, sa, sb, sp, al16, ga16)
    return (out.reshape(2, 32768, 2, 128)
            .transpose(1, 3, 0, 2)
            .reshape(N, 2, 2))

# --- scband reference (transcript-rebuilt; emitter-appended) ---
"""Pipeline reference for scband-spgg-qlearning-28544352649652 (READ-ONLY COPY).

The authoritative reference and input builder live on the scoring server;
editing this copy changes nothing except your own understanding.
"""

import jax, jax.numpy as jnp
import numpy as np

L = 2048
N = L * L


def setup_inputs(seed: int = 0) -> dict:
    key = jax.random.key(seed)
    k1, k2, k3, k4 = jax.random.split(key, 4)
    return {
        "alpha": jnp.ones((), dtype=jnp.float32),
        "gamma": jnp.ones((), dtype=jnp.float32),
        "type_t_matrix": jax.random.randint(k1, (L, L), 0, 2),
        "type_t1_matrix": jax.random.randint(k2, (L, L), 0, 2),
        "Q_tensor": jax.random.normal(k3, (N, 2, 2), dtype=jnp.float32),
        "profit_matrix": jax.random.normal(k4, (L, L), dtype=jnp.float32),
    }


def reference(alpha, gamma, type_t_matrix, type_t1_matrix, Q_tensor, profit_matrix):
    # Faithful translation of SPGG_Qlearning.updateQMatrix
    n = Q_tensor.shape[0]
    C_indices = jnp.arange(n)
    A_indices = type_t_matrix.reshape(-1).astype(jnp.int32)
    B_indices = type_t1_matrix.reshape(-1).astype(jnp.int32)
    # torch: Q_tensor[C_indices, B_indices] -> [N, 2]; max over dim=1
    q_cb = Q_tensor[C_indices, B_indices]
    max_values = jnp.max(q_cb, axis=1)
    # torch: Q_tensor[C_indices, A_indices, B_indices] -> [N]
    cur = Q_tensor[C_indices, A_indices, B_indices]
    update_values = cur + alpha * (profit_matrix.reshape(-1) + gamma * max_values - cur)
    # scatter-overwrite back into the Q table
    Q_new = Q_tensor.at[C_indices, A_indices, B_indices].set(update_values)
    return Q_new

if __name__ == "__main__":
    import jax
    _d = setup_inputs()
    print(jax.jit(kernel)(*tuple(_d.values())))

</pallas_src>

<mosaic_0001>
#map = affine_map<(d0, d1) -> (0, 0, 0, 0, 0, 0)>
#map1 = affine_map<(d0, d1) -> (0, 0, 0, 0)>
#map2 = affine_map<(d0, d1) -> (0)>
module attributes {stable_mosaic.version = 14 : i64} {
  func.func @_sc_body(%arg0: i32, %arg1: i32, %arg2: memref<2x256x8x16x2x128xf32, #tpu.memory_space<hbm>>, %arg3: memref<256x16x8x128xi32, #tpu.memory_space<hbm>>, %arg4: memref<256x16x8x128xi32, #tpu.memory_space<hbm>>, %arg5: memref<256x16x8x128xf32, #tpu.memory_space<hbm>>, %arg6: memref<16xf32, #tpu.memory_space<hbm>>, %arg7: memref<16xf32, #tpu.memory_space<hbm>>, %arg8: memref<2x256x8x16x2x128xf32, #tpu.memory_space<hbm>>, %arg9: memref<2x4x8x128xi32, #tpu.memory_space<vmem>>, %arg10: memref<2x4x8x128xi32, #tpu.memory_space<vmem>>, %arg11: memref<2x4x8x128xf32, #tpu.memory_space<vmem>>, %arg12: memref<2x2x8x4x2x128xf32, #tpu.memory_space<vmem>>, %arg13: memref<2x2x8x4x2x128xf32, #tpu.memory_space<vmem>>, %arg14: memref<16xf32, #tpu.memory_space<vmem>>, %arg15: memref<16xf32, #tpu.memory_space<vmem>>, %arg16: memref<!tpu.dma_semaphore, #tpu.memory_space<semaphore_mem>>, %arg17: memref<!tpu.dma_semaphore, #tpu.memory_space<semaphore_mem>>, %arg18: memref<!tpu.dma_semaphore, #tpu.memory_space<semaphore_mem>>, %arg19: memref<!tpu.dma_semaphore, #tpu.memory_space<semaphore_mem>>) attributes {dimension_semantics = [#tpu.dimension_semantics<core_parallel>, #tpu.dimension_semantics<subcore_parallel>], iteration_bounds = array<i64: 2, 16>, scalar_prefetch = 0 : i64, scratch_operands = 11 : i64, tpu.core_type = #tpu.core_type<sc_vector_subcore>, window_params = [{transform_indices = #map}, {transform_indices = #map1}, {transform_indices = #map1}, {transform_indices = #map1}, {transform_indices = #map2}, {transform_indices = #map2}, {transform_indices = #map}]} {
    %mul3A = arith.constant 2 : i32
    %mul3A_0 = arith.muli %arg1, %mul3A : i32
    %add3A = arith.addi %mul3A_0, %arg0 : i32
    %mul3A_1 = arith.constant 32 : i32
    %mul3A_2 = arith.muli %add3A, %mul3A_1 : i32
    "tpu.region"() ({
      %run_scoped3A = tpu.sem_alloc : memref<!tpu.dma_semaphore, #tpu.memory_space<semaphore_mem>>
      tpu.enqueue_dma source(%arg6 : memref<16xf32, #tpu.memory_space<hbm>>) target(%arg14 : memref<16xf32, #tpu.memory_space<vmem>>) target_semaphore(%run_scoped3A : memref<!tpu.dma_semaphore, #tpu.memory_space<semaphore_mem>>)
      tpu.wait_dma2 semaphore(%run_scoped3A : memref<!tpu.dma_semaphore, #tpu.memory_space<semaphore_mem>>) src(%arg6 : memref<16xf32, #tpu.memory_space<hbm>>) dst(%arg14 : memref<16xf32, #tpu.memory_space<vmem>>)
      tpu.yield
    }) : () -> ()
    "tpu.region"() ({
      %run_scoped3A = tpu.sem_alloc : memref<!tpu.dma_semaphore, #tpu.memory_space<semaphore_mem>>
      tpu.enqueue_dma source(%arg7 : memref<16xf32, #tpu.memory_space<hbm>>) target(%arg15 : memref<16xf32, #tpu.memory_space<vmem>>) target_semaphore(%run_scoped3A : memref<!tpu.dma_semaphore, #tpu.memory_space<semaphore_mem>>)
      tpu.wait_dma2 semaphore(%run_scoped3A : memref<!tpu.dma_semaphore, #tpu.memory_space<semaphore_mem>>) src(%arg7 : memref<16xf32, #tpu.memory_space<hbm>>) dst(%arg15 : memref<16xf32, #tpu.memory_space<vmem>>)
      tpu.yield
    }) : () -> ()
    %get3A = arith.constant 0 : index
    %get3A_3 = tpu.vector_load %arg14[%get3A] {strides = array<i32>} : memref<16xf32, #tpu.memory_space<vmem>>, vector<16xf32>,
    %get3A_4 = arith.constant 0 : index
    %get3A_5 = tpu.vector_load %arg15[%get3A_4] {strides = array<i32>} : memref<16xf32, #tpu.memory_space<vmem>>, vector<16xf32>,
    %add3A_6 = arith.constant 0 : i32
    %add3A_7 = arith.addi %mul3A_2, %add3A_6 : i32
    %jit3A = arith.constant 4 : i32
    %div3A = arith.divsi %add3A_7, %jit3A : i32
    %sign3A = arith.constant 0 : i32
    %sign3A_8 = arith.cmpi sgt, %add3A_7, %sign3A : i32
    %sign3A_9 = arith.extui %sign3A_8 : i1 to i32
    %sign3A_10 = arith.constant 0 : i32
    %sign3A_11 = arith.cmpi slt, %add3A_7, %sign3A_10 : i32
    %sign3A_12 = arith.extui %sign3A_11 : i1 to i32
    %sign3A_13 = arith.subi %sign3A_9, %sign3A_12 : i32
    %sign3A_14 = arith.constant 0 : i32
    %sign3A_15 = arith.cmpi sgt, %jit3A, %sign3A_14 : i32
    %sign3A_16 = arith.extui %sign3A_15 : i1 to i32
    %sign3A_17 = arith.constant 0 : i32
    %sign3A_18 = arith.cmpi slt, %jit3A, %sign3A_17 : i32
    %sign3A_19 = arith.extui %sign3A_18 : i1 to i32
    %sign3A_20 = arith.subi %sign3A_16, %sign3A_19 : i32
    %ne3A = arith.cmpi ne, %sign3A_13, %sign3A_20 : i32
    %rem3A = arith.remsi %add3A_7, %jit3A : i32
    %ne3A_21 = arith.constant 0 : i32
    %ne3A_22 = arith.cmpi ne, %rem3A, %ne3A_21 : i32
    %and3A = arith.andi %ne3A, %ne3A_22 : i1
    %sub3A = arith.constant 1 : i32
    %sub3A_23 = arith.subi %div3A, %sub3A : i32
    %select_n3A = arith.select %and3A, %sub3A_23, %div3A : i32
    %jit3A_24 = arith.constant 4 : i32
    %eq3A = arith.constant 0 : i32
    %eq3A_25 = arith.cmpi eq, %jit3A_24, %eq3A : i32
    %jit3A_26 = arith.constant 1 : i32
    %select_n3A_27 = arith.select %eq3A_25, %jit3A_26, %jit3A_24 : i32
    %rem3A_28 = arith.remsi %add3A_7, %select_n3A_27 : i32
    %ne3A_29 = arith.constant 0 : i32
    %ne3A_30 = arith.cmpi ne, %rem3A_28, %ne3A_29 : i32
    %lt3A = arith.constant 0 : i32
    %lt3A_31 = arith.cmpi slt, %rem3A_28, %lt3A : i32
    %lt3A_32 = arith.constant 0 : i32
    %lt3A_33 = arith.cmpi slt, %select_n3A_27, %lt3A_32 : i32
    %ne3A_34 = arith.xori %lt3A_31, %lt3A_33 : i1
    %and3A_35 = arith.andi %ne3A_34, %ne3A_30 : i1
    %add3A_36 = arith.addi %rem3A_28, %select_n3A_27 : i32
    %select_n3A_37 = arith.select %and3A_35, %add3A_36, %rem3A_28 : i32
    %mul3A_38 = arith.constant 4 : i32
    %mul3A_39 = arith.muli %select_n3A_37, %mul3A_38 : i32
    %dma_start3A = arith.constant 0 : i32
    %dma_start3A_40 = arith.constant 0 : i32
    %dma_start3A_41 = arith.constant 0 : i32
    %dma_start3A_42 = arith.constant 0 : i32
    %dma_start3A_43 = tpu.memref_slice %arg9[%dma_start3A, %dma_start3A_40, %dma_start3A_41, %dma_start3A_42] : memref<2x4x8x128xi32, #tpu.memory_space<vmem>> -> memref<1x4x8x128xi32, #tpu.memory_space<vmem>>
    %dma_start3A_44 = tpu.memref_squeeze %dma_start3A_43 : memref<1x4x8x128xi32, #tpu.memory_space<vmem>> -> memref<4x8x128xi32, #tpu.memory_space<vmem>>
    %dma_start3A_45 = arith.constant 0 : i32
    %dma_start3A_46 = arith.constant 0 : i32
    %dma_start3A_47 = tpu.memref_slice %arg3[%select_n3A, %mul3A_39, %dma_start3A_45, %dma_start3A_46] : memref<256x16x8x128xi32, #tpu.memory_space<hbm>> -> memref<1x4x8x128xi32, #tpu.memory_space<hbm>>
    %dma_start3A_48 = tpu.memref_squeeze %dma_start3A_47 : memref<1x4x8x128xi32, #tpu.memory_space<hbm>> -> memref<4x8x128xi32, #tpu.memory_space<hbm>>
    %dma_start3A_49 = arith.constant 0 : i32
    %dma_start3A_50 = arith.constant 0 : i32
    %dma_start3A_51 = arith.constant 0 : i32
    %dma_start3A_52 = tpu.memref_slice %arg9[%dma_start3A, %dma_start3A_49, %dma_start3A_50, %dma_start3A_51] : memref<2x4x8x128xi32, #tpu.memory_space<vmem>> -> memref<1x4x8x128xi32, #tpu.memory_space<vmem>>
    %dma_start3A_53 = tpu.memref_squeeze %dma_start3A_52 : memref<1x4x8x128xi32, #tpu.memory_space<vmem>> -> memref<4x8x128xi32, #tpu.memory_space<vmem>>
    %dma_start3A_54 = arith.constant 0 : i32
    %dma_start3A_55 = arith.constant 0 : i32
    %dma_start3A_56 = tpu.memref_slice %arg3[%select_n3A, %mul3A_39, %dma_start3A_54, %dma_start3A_55] : memref<256x16x8x128xi32, #tpu.memory_space<hbm>> -> memref<1x4x8x128xi32, #tpu.memory_space<hbm>>
    %dma_start3A_57 = tpu.memref_squeeze %dma_start3A_56 : memref<1x4x8x128xi32, #tpu.memory_space<hbm>> -> memref<4x8x128xi32, #tpu.memory_space<hbm>>
    tpu.enqueue_dma source(%dma_start3A_57 : memref<4x8x128xi32, #tpu.memory_space<hbm>>) target(%dma_start3A_53 : memref<4x8x128xi32, #tpu.memory_space<vmem>>) target_semaphore(%arg16 : memref<!tpu.dma_semaphore, #tpu.memory_space<semaphore_mem>>)
    %dma_start3A_58 = arith.constant 0 : i32
    %dma_start3A_59 = arith.constant 0 : i32
    %dma_start3A_60 = arith.constant 0 : i32
    %dma_start3A_61 = arith.constant 0 : i32
    %dma_start3A_62 = tpu.memref_slice %arg10[%dma_start3A_58, %dma_start3A_59, %dma_start3A_60, %dma_start3A_61] : memref<2x4x8x128xi32, #tpu.memory_space<vmem>> -> memref<1x4x8x128xi32, #tpu.memory_space<vmem>>
    %dma_start3A_63 = tpu.memref_squeeze %dma_start3A_62 : memref<1x4x8x128xi32, #tpu.memory_space<vmem>> -> memref<4x8x128xi32, #tpu.memory_space<vmem>>
    %dma_start3A_64 = arith.constant 0 : i32
    %dma_start3A_65 = arith.constant 0 : i32
    %dma_start3A_66 = tpu.memref_slice %arg4[%select_n3A, %mul3A_39, %dma_start3A_64, %dma_start3A_65] : memref<256x16x8x128xi32, #tpu.memory_space<hbm>> -> memref<1x4x8x128xi32, #tpu.memory_space<hbm>>
    %dma_start3A_67 = tpu.memref_squeeze %dma_start3A_66 : memref<1x4x8x128xi32, #tpu.memory_space<hbm>> -> memref<4x8x128xi32, #tpu.memory_space<hbm>>
    %dma_start3A_68 = arith.constant 0 : i32
    %dma_start3A_69 = arith.constant 0 : i32
    %dma_start3A_70 = arith.constant 0 : i32
    %dma_start3A_71 = tpu.memref_slice %arg10[%dma_start3A_58, %dma_start3A_68, %dma_start3A_69, %dma_start3A_70] : memref<2x4x8x128xi32, #tpu.memory_space<vmem>> -> memref<1x4x8x128xi32, #tpu.memory_space<vmem>>
    %dma_start3A_72 = tpu.memref_squeeze %dma_start3A_71 : memref<1x4x8x128xi32, #tpu.memory_space<vmem>> -> memref<4x8x128xi32, #tpu.memory_space<vmem>>
    %dma_start3A_73 = arith.constant 0 : i32
    %dma_start3A_74 = arith.constant 0 : i32
    %dma_start3A_75 = tpu.memref_slice %arg4[%select_n3A, %mul3A_39, %dma_start3A_73, %dma_start3A_74] : memref<256x16x8x128xi32, #tpu.memory_space<hbm>> -> memref<1x4x8x128xi32, #tpu.memory_space<hbm>>
    %dma_start3A_76 = tpu.memref_squeeze %dma_start3A_75 : memref<1x4x8x128xi32, #tpu.memory_space<hbm>> -> memref<4x8x128xi32, #tpu.memory_space<hbm>>
    tpu.enqueue_dma source(%dma_start3A_76 : memref<4x8x128xi32, #tpu.memory_space<hbm>>) target(%dma_start3A_72 : memref<4x8x128xi32, #tpu.memory_space<vmem>>) target_semaphore(%arg16 : memref<!tpu.dma_semaphore, #tpu.memory_space<semaphore_mem>>)
    %dma_start3A_77 = arith.constant 0 : i32
    %dma_start3A_78 = arith.constant 0 : i32
    %dma_start3A_79 = arith.constant 0 : i32
    %dma_start3A_80 = arith.constant 0 : i32
    %dma_start3A_81 = tpu.memref_slice %arg11[%dma_start3A_77, %dma_start3A_78, %dma_start3A_79, %dma_start3A_80] : memref<2x4x8x128xf32, #tpu.memory_space<vmem>> -> memref<1x4x8x128xf32, #tpu.memory_space<vmem>>
    %dma_start3A_82 = tpu.memref_squeeze %dma_start3A_81 : memref<1x4x8x128xf32, #tpu.memory_space<vmem>> -> memref<4x8x128xf32, #tpu.memory_space<vmem>>
    %dma_start3A_83 = arith.constant 0 : i32
    %dma_start3A_84 = arith.constant 0 : i32
    %dma_start3A_85 = tpu.memref_slice %arg5[%select_n3A, %mul3A_39, %dma_start3A_83, %dma_start3A_84] : memref<256x16x8x128xf32, #tpu.memory_space<hbm>> -> memref<1x4x8x128xf32, #tpu.memory_space<hbm>>
    %dma_start3A_86 = tpu.memref_squeeze %dma_start3A_85 : memref<1x4x8x128xf32, #tpu.memory_space<hbm>> -> memref<4x8x128xf32, #tpu.memory_space<hbm>>
    %dma_start3A_87 = arith.constant 0 : i32
    %dma_start3A_88 = arith.constant 0 : i32
    %dma_start3A_89 = arith.constant 0 : i32
    %dma_start3A_90 = tpu.memref_slice %arg11[%dma_start3A_77, %dma_start3A_87, %dma_start3A_88, %dma_start3A_89] : memref<2x4x8x128xf32, #tpu.memory_space<vmem>> -> memref<1x4x8x128xf32, #tpu.memory_space<vmem>>
    %dma_start3A_91 = tpu.memref_squeeze %dma_start3A_90 : memref<1x4x8x128xf32, #tpu.memory_space<vmem>> -> memref<4x8x128xf32, #tpu.memory_space<vmem>>
    %dma_start3A_92 = arith.constant 0 : i32
    %dma_start3A_93 = arith.constant 0 : i32
    %dma_start3A_94 = tpu.memref_slice %arg5[%select_n3A, %mul3A_39, %dma_start3A_92, %dma_start3A_93] : memref<256x16x8x128xf32, #tpu.memory_space<hbm>> -> memref<1x4x8x128xf32, #tpu.memory_space<hbm>>
    %dma_start3A_95 = tpu.memref_squeeze %dma_start3A_94 : memref<1x4x8x128xf32, #tpu.memory_space<hbm>> -> memref<4x8x128xf32, #tpu.memory_space<hbm>>
    tpu.enqueue_dma source(%dma_start3A_95 : memref<4x8x128xf32, #tpu.memory_space<hbm>>) target(%dma_start3A_91 : memref<4x8x128xf32, #tpu.memory_space<vmem>>) target_semaphore(%arg16 : memref<!tpu.dma_semaphore, #tpu.memory_space<semaphore_mem>>)
    %dma_start3A_96 = arith.constant 0 : i32
    %dma_start3A_97 = arith.constant 0 : i32
    %dma_start3A_98 = arith.constant 0 : i32
    %dma_start3A_99 = arith.constant 0 : i32
    %dma_start3A_100 = arith.constant 0 : i32
    %dma_start3A_101 = arith.constant 0 : i32
    %dma_start3A_102 = tpu.memref_slice %arg12[%dma_start3A_96, %dma_start3A_97, %dma_start3A_98, %dma_start3A_99, %dma_start3A_100, %dma_start3A_101] : memref<2x2x8x4x2x128xf32, #tpu.memory_space<vmem>> -> memref<1x2x8x4x2x128xf32, #tpu.memory_space<vmem>>
    %dma_start3A_103 = tpu.memref_squeeze %dma_start3A_102 : memref<1x2x8x4x2x128xf32, #tpu.memory_space<vmem>> -> memref<2x8x4x2x128xf32, #tpu.memory_space<vmem>>
    %dma_start3A_104 = arith.constant 0 : i32
    %dma_start3A_105 = arith.constant 0 : i32
    %dma_start3A_106 = arith.constant 0 : i32
    %dma_start3A_107 = arith.constant 0 : i32
    %dma_start3A_108 = tpu.memref_slice %arg2[%dma_start3A_104, %select_n3A, %dma_start3A_105, %mul3A_39, %dma_start3A_106, %dma_start3A_107] : memref<2x256x8x16x2x128xf32, #tpu.memory_space<hbm>> -> memref<2x1x8x4x2x128xf32, #tpu.memory_space<hbm>>
    %dma_start3A_109 = tpu.memref_squeeze %dma_start3A_108 : memref<2x1x8x4x2x128xf32, #tpu.memory_space<hbm>> -> memref<2x8x4x2x128xf32, #tpu.memory_space<hbm>>
    %dma_start3A_110 = arith.constant 0 : i32
    %dma_start3A_111 = arith.constant 0 : i32
    %dma_start3A_112 = arith.constant 0 : i32
    %dma_start3A_113 = arith.constant 0 : i32
    %dma_start3A_114 = arith.constant 0 : i32
    %dma_start3A_115 = tpu.memref_slice %arg12[%dma_start3A_96, %dma_start3A_110, %dma_start3A_111, %dma_start3A_112, %dma_start3A_113, %dma_start3A_114] : memref<2x2x8x4x2x128xf32, #tpu.memory_space<vmem>> -> memref<1x2x8x4x2x128xf32, #tpu.memory_space<vmem>>
    %dma_start3A_116 = tpu.memref_squeeze %dma_start3A_115 : memref<1x2x8x4x2x128xf32, #tpu.memory_space<vmem>> -> memref<2x8x4x2x128xf32, #tpu.memory_space<vmem>>
    %dma_start3A_117 = arith.constant 0 : i32
    %dma_start3A_118 = arith.constant 0 : i32
    %dma_start3A_119 = arith.constant 0 : i32
    %dma_start3A_120 = arith.constant 0 : i32
    %dma_start3A_121 = tpu.memref_slice %arg2[%dma_start3A_117, %select_n3A, %dma_start3A_118, %mul3A_39, %dma_start3A_119, %dma_start3A_120] : memref<2x256x8x16x2x128xf32, #tpu.memory_space<hbm>> -> memref<2x1x8x4x2x128xf32, #tpu.memory_space<hbm>>
    %dma_start3A_122 = tpu.memref_squeeze %dma_start3A_121 : memref<2x1x8x4x2x128xf32, #tpu.memory_space<hbm>> -> memref<2x8x4x2x128xf32, #tpu.memory_space<hbm>>
    tpu.enqueue_dma source(%dma_start3A_122 : memref<2x8x4x2x128xf32, #tpu.memory_space<hbm>>) target(%dma_start3A_116 : memref<2x8x4x2x128xf32, #tpu.memory_space<vmem>>) target_semaphore(%arg16 : memref<!tpu.dma_semaphore, #tpu.memory_space<semaphore_mem>>)
    %add3A_123 = arith.constant 1 : i32
    %add3A_124 = arith.addi %mul3A_2, %add3A_123 : i32
    %jit3A_125 = arith.constant 4 : i32
    %div3A_126 = arith.divsi %add3A_124, %jit3A_125 : i32
    %sign3A_127 = arith.constant 0 : i32
    %sign3A_128 = arith.cmpi sgt, %add3A_124, %sign3A_127 : i32
    %sign3A_129 = arith.extui %sign3A_128 : i1 to i32
    %sign3A_130 = arith.constant 0 : i32
    %sign3A_131 = arith.cmpi slt, %add3A_124, %sign3A_130 : i32
    %sign3A_132 = arith.extui %sign3A_131 : i1 to i32
    %sign3A_133 = arith.subi %sign3A_129, %sign3A_132 : i32
    %sign3A_134 = arith.constant 0 : i32
    %sign3A_135 = arith.cmpi sgt, %jit3A_125, %sign3A_134 : i32
    %sign3A_136 = arith.extui %sign3A_135 : i1 to i32
    %sign3A_137 = arith.constant 0 : i32
    %sign3A_138 = arith.cmpi slt, %jit3A_125, %sign3A_137 : i32
    %sign3A_139 = arith.extui %sign3A_138 : i1 to i32
    %sign3A_140 = arith.subi %sign3A_136, %sign3A_139 : i32
    %ne3A_141 = arith.cmpi ne, %sign3A_133, %sign3A_140 : i32
    %rem3A_142 = arith.remsi %add3A_124, %jit3A_125 : i32
    %ne3A_143 = arith.constant 0 : i32
    %ne3A_144 = arith.cmpi ne, %rem3A_142, %ne3A_143 : i32
    %and3A_145 = arith.andi %ne3A_141, %ne3A_144 : i1
    %sub3A_146 = arith.constant 1 : i32
    %sub3A_147 = arith.subi %div3A_126, %sub3A_146 : i32
    %select_n3A_148 = arith.select %and3A_145, %sub3A_147, %div3A_126 : i32
    %jit3A_149 = arith.constant 4 : i32
    %eq3A_150 = arith.constant 0 : i32
    %eq3A_151 = arith.cmpi eq, %jit3A_149, %eq3A_150 : i32
    %jit3A_152 = arith.constant 1 : i32
    %select_n3A_153 = arith.select %eq3A_151, %jit3A_152, %jit3A_149 : i32
    %rem3A_154 = arith.remsi %add3A_124, %select_n3A_153 : i32
    %ne3A_155 = arith.constant 0 : i32
    %ne3A_156 = arith.cmpi ne, %rem3A_154, %ne3A_155 : i32
    %lt3A_157 = arith.constant 0 : i32
    %lt3A_158 = arith.cmpi slt, %rem3A_154, %lt3A_157 : i32
    %lt3A_159 = arith.constant 0 : i32
    %lt3A_160 = arith.cmpi slt, %select_n3A_153, %lt3A_159 : i32
    %ne3A_161 = arith.xori %lt3A_158, %lt3A_160 : i1
    %and3A_162 = arith.andi %ne3A_161, %ne3A_156 : i1
    %add3A_163 = arith.addi %rem3A_154, %select_n3A_153 : i32
    %select_n3A_164 = arith.select %and3A_162, %add3A_163, %rem3A_154 : i32
    %mul3A_165 = arith.constant 4 : i32
    %mul3A_166 = arith.muli %select_n3A_164, %mul3A_165 : i32
    %dma_start3A_167 = arith.constant 1 : i32
    %dma_start3A_168 = arith.constant 0 : i32
    %dma_start3A_169 = arith.constant 0 : i32
    %dma_start3A_170 = arith.constant 0 : i32
    %dma_start3A_171 = tpu.memref_slice %arg9[%dma_start3A_167, %dma_start3A_168, %dma_start3A_169, %dma_start3A_170] : memref<2x4x8x128xi32, #tpu.memory_space<vmem>> -> memref<1x4x8x128xi32, #tpu.memory_space<vmem>>
    %dma_start3A_172 = tpu.memref_squeeze %dma_start3A_171 : memref<1x4x8x128xi32, #tpu.memory_space<vmem>> -> memref<4x8x128xi32, #tpu.memory_space<vmem>>
    %dma_start3A_173 = arith.constant 0 : i32
    %dma_start3A_174 = arith.constant 0 : i32
    %dma_start3A_175 = tpu.memref_slice %arg3[%select_n3A_148, %mul3A_166, %dma_start3A_173, %dma_start3A_174] : memref<256x16x8x128xi32, #tpu.memory_space<hbm>> -> memref<1x4x8x128xi32, #tpu.memory_space<hbm>>
    %dma_start3A_176 = tpu.memref_squeeze %dma_start3A_175 : memref<1x4x8x128xi32, #tpu.memory_space<hbm>> -> memref<4x8x128xi32, #tpu.memory_space<hbm>>
    %dma_start3A_177 = arith.constant 0 : i32
    %dma_start3A_178 = arith.constant 0 : i32
    %dma_start3A_179 = arith.constant 0 : i32
    %dma_start3A_180 = tpu.memref_slice %arg9[%dma_start3A_167, %dma_start3A_177, %dma_start3A_178, %dma_start3A_179] : memref<2x4x8x128xi32, #tpu.memory_space<vmem>> -> memref<1x4x8x128xi32, #tpu.memory_space<vmem>>
    %dma_start3A_181 = tpu.memref_squeeze %dma_start3A_180 : memref<1x4x8x128xi32, #tpu.memory_space<vmem>> -> memref<4x8x128xi32, #tpu.memory_space<vmem>>
    %dma_start3A_182 = arith.constant 0 : i32
    %dma_start3A_183 = arith.constant 0 : i32
    %dma_start3A_184 = tpu.memref_slice %arg3[%select_n3A_148, %mul3A_166, %dma_start3A_182, %dma_start3A_183] : memref<256x16x8x128xi32, #tpu.memory_space<hbm>> -> memref<1x4x8x128xi32, #tpu.memory_space<hbm>>
    %dma_start3A_185 = tpu.memref_squeeze %dma_start3A_184 : memref<1x4x8x128xi32, #tpu.memory_space<hbm>> -> memref<4x8x128xi32, #tpu.memory_space<hbm>>
    tpu.enqueue_dma source(%dma_start3A_185 : memref<4x8x128xi32, #tpu.memory_space<hbm>>) target(%dma_start3A_181 : memref<4x8x128xi32, #tpu.memory_space<vmem>>) target_semaphore(%arg17 : memref<!tpu.dma_semaphore, #tpu.memory_space<semaphore_mem>>)
    %dma_start3A_186 = arith.constant 1 : i32
    %dma_start3A_187 = arith.constant 0 : i32
    %dma_start3A_188 = arith.constant 0 : i32
    %dma_start3A_189 = arith.constant 0 : i32
    %dma_start3A_190 = tpu.memref_slice %arg10[%dma_start3A_186, %dma_start3A_187, %dma_start3A_188, %dma_start3A_189] : memref<2x4x8x128xi32, #tpu.memory_space<vmem>> -> memref<1x4x8x128xi32, #tpu.memory_space<vmem>>
    %dma_start3A_191 = tpu.memref_squeeze %dma_start3A_190 : memref<1x4x8x128xi32, #tpu.memory_space<vmem>> -> memref<4x8x128xi32, #tpu.memory_space<vmem>>
    %dma_start3A_192 = arith.constant 0 : i32
    %dma_start3A_193 = arith.constant 0 : i32
    %dma_start3A_194 = tpu.memref_slice %arg4[%select_n3A_148, %mul3A_166, %dma_start3A_192, %dma_start3A_193] : memref<256x16x8x128xi32, #tpu.memory_space<hbm>> -> memref<1x4x8x128xi32, #tpu.memory_space<hbm>>
    %dma_start3A_195 = tpu.memref_squeeze %dma_start3A_194 : memref<1x4x8x128xi32, #tpu.memory_space<hbm>> -> memref<4x8x128xi32, #tpu.memory_space<hbm>>
    %dma_start3A_196 = arith.constant 0 : i32
    %dma_start3A_197 = arith.constant 0 : i32
    %dma_start3A_198 = arith.constant 0 : i32
    %dma_start3A_199 = tpu.memref_slice %arg10[%dma_start3A_186, %dma_start3A_196, %dma_start3A_197, %dma_start3A_198] : memref<2x4x8x128xi32, #tpu.memory_space<vmem>> -> memref<1x4x8x128xi32, #tpu.memory_space<vmem>>
    %dma_start3A_200 = tpu.memref_squeeze %dma_start3A_199 : memref<1x4x8x128xi32, #tpu.memory_space<vmem>> -> memref<4x8x128xi32, #tpu.memory_space<vmem>>
    %dma_start3A_201 = arith.constant 0 : i32
    %dma_start3A_202 = arith.constant 0 : i32
    %dma_start3A_203 = tpu.memref_slice %arg4[%select_n3A_148, %mul3A_166, %dma_start3A_201, %dma_start3A_202] : memref<256x16x8x128xi32, #tpu.memory_space<hbm>> -> memref<1x4x8x128xi32, #tpu.memory_space<hbm>>
    %dma_start3A_204 = tpu.memref_squeeze %dma_start3A_203 : memref<1x4x8x128xi32, #tpu.memory_space<hbm>> -> memref<4x8x128xi32, #tpu.memory_space<hbm>>
    tpu.enqueue_dma source(%dma_start3A_204 : memref<4x8x128xi32, #tpu.memory_space<hbm>>) target(%dma_start3A_200 : memref<4x8x128xi32, #tpu.memory_space<vmem>>) target_semaphore(%arg17 : memref<!tpu.dma_semaphore, #tpu.memory_space<semaphore_mem>>)
    %dma_start3A_205 = arith.constant 1 : i32
    %dma_start3A_206 = arith.constant 0 : i32
    %dma_start3A_207 = arith.constant 0 : i32
    %dma_start3A_208 = arith.constant 0 : i32
    %dma_start3A_209 = tpu.memref_slice %arg11[%dma_start3A_205, %dma_start3A_206, %dma_start3A_207, %dma_start3A_208] : memref<2x4x8x128xf32, #tpu.memory_space<vmem>> -> memref<1x4x8x128xf32, #tpu.memory_space<vmem>>
    %dma_start3A_210 = tpu.memref_squeeze %dma_start3A_209 : memref<1x4x8x128xf32, #tpu.memory_space<vmem>> -> memref<4x8x128xf32, #tpu.memory_space<vmem>>
    %dma_start3A_211 = arith.constant 0 : i32
    %dma_start3A_212 = arith.constant 0 : i32
    %dma_start3A_213 = tpu.memref_slice %arg5[%select_n3A_148, %mul3A_166, %dma_start3A_211, %dma_start3A_212] : memref<256x16x8x128xf32, #tpu.memory_space<hbm>> -> memref<1x4x8x128xf32, #tpu.memory_space<hbm>>
    %dma_start3A_214 = tpu.memref_squeeze %dma_start3A_213 : memref<1x4x8x128xf32, #tpu.memory_space<hbm>> -> memref<4x8x128xf32, #tpu.memory_space<hbm>>
    %dma_start3A_215 = arith.constant 0 : i32
    %dma_start3A_216 = arith.constant 0 : i32
    %dma_start3A_217 = arith.constant 0 : i32
    %dma_start3A_218 = tpu.memref_slice %arg11[%dma_start3A_205, %dma_start3A_215, %dma_start3A_216, %dma_start3A_217] : memref<2x4x8x128xf32, #tpu.memory_space<vmem>> -> memref<1x4x8x128xf32, #tpu.memory_space<vmem>>
    %dma_start3A_219 = tpu.memref_squeeze %dma_start3A_218 : memref<1x4x8x128xf32, #tpu.memory_space<vmem>> -> memref<4x8x128xf32, #tpu.memory_space<vmem>>
    %dma_start3A_220 = arith.constant 0 : i32
    %dma_start3A_221 = arith.constant 0 : i32
    %dma_start3A_222 = tpu.memref_slice %arg5[%select_n3A_148, %mul3A_166, %dma_start3A_220, %dma_start3A_221] : memref<256x16x8x128xf32, #tpu.memory_space<hbm>> -> memref<1x4x8x128xf32, #tpu.memory_space<hbm>>
    %dma_start3A_223 = tpu.memref_squeeze %dma_start3A_222 : memref<1x4x8x128xf32, #tpu.memory_space<hbm>> -> memref<4x8x128xf32, #tpu.memory_space<hbm>>
    tpu.enqueue_dma source(%dma_start3A_223 : memref<4x8x128xf32, #tpu.memory_space<hbm>>) target(%dma_start3A_219 : memref<4x8x128xf32, #tpu.memory_space<vmem>>) target_semaphore(%arg17 : memref<!tpu.dma_semaphore, #tpu.memory_space<semaphore_mem>>)
    %dma_start3A_224 = arith.constant 1 : i32
    %dma_start3A_225 = arith.constant 0 : i32
    %dma_start3A_226 = arith.constant 0 : i32
    %dma_start3A_227 = arith.constant 0 : i32
    %dma_start3A_228 = arith.constant 0 : i32
    %dma_start3A_229 = arith.constant 0 : i32
    %dma_start3A_230 = tpu.memref_slice %arg12[%dma_start3A_224, %dma_start3A_225, %dma_start3A_226, %dma_start3A_227, %dma_start3A_228, %dma_start3A_229] : memref<2x2x8x4x2x128xf32, #tpu.memory_space<vmem>> -> memref<1x2x8x4x2x128xf32, #tpu.memory_space<vmem>>
    %dma_start3A_231 = tpu.memref_squeeze %dma_start3A_230 : memref<1x2x8x4x2x128xf32, #tpu.memory_space<vmem>> -> memref<2x8x4x2x128xf32, #tpu.memory_space<vmem>>
    %dma_start3A_232 = arith.constant 0 : i32
    %dma_start3A_233 = arith.constant 0 : i32
    %dma_start3A_234 = arith.constant 0 : i32
    %dma_start3A_235 = arith.constant 0 : i32
    %dma_start3A_236 = tpu.memref_slice %arg2[%dma_start3A_232, %select_n3A_148, %dma_start3A_233, %mul3A_166, %dma_start3A_234, %dma_start3A_235] : memref<2x256x8x16x2x128xf32, #tpu.memory_space<hbm>> -> memref<2x1x8x4x2x128xf32, #tpu.memory_space<hbm>>
    %dma_start3A_237 = tpu.memref_squeeze %dma_start3A_236 : memref<2x1x8x4x2x128xf32, #tpu.memory_space<hbm>> -> memref<2x8x4x2x128xf32, #tpu.memory_space<hbm>>
    %dma_start3A_238 = arith.constant 0 : i32
    %dma_start3A_239 = arith.constant 0 : i32
    %dma_start3A_240 = arith.constant 0 : i32
    %dma_start3A_241 = arith.constant 0 : i32
    %dma_start3A_242 = arith.constant 0 : i32
    %dma_start3A_243 = tpu.memref_slice %arg12[%dma_start3A_224, %dma_start3A_238, %dma_start3A_239, %dma_start3A_240, %dma_start3A_241, %dma_start3A_242] : memref<2x2x8x4x2x128xf32, #tpu.memory_space<vmem>> -> memref<1x2x8x4x2x128xf32, #tpu.memory_space<vmem>>
    %dma_start3A_244 = tpu.memref_squeeze %dma_start3A_243 : memref<1x2x8x4x2x128xf32, #tpu.memory_space<vmem>> -> memref<2x8x4x2x128xf32, #tpu.memory_space<vmem>>
    %dma_start3A_245 = arith.constant 0 : i32
    %dma_start3A_246 = arith.constant 0 : i32
    %dma_start3A_247 = arith.constant 0 : i32
    %dma_start3A_248 = arith.constant 0 : i32
    %dma_start3A_249 = tpu.memref_slice %arg2[%dma_start3A_245, %select_n3A_148, %dma_start3A_246, %mul3A_166, %dma_start3A_247, %dma_start3A_248] : memref<2x256x8x16x2x128xf32, #tpu.memory_space<hbm>> -> memref<2x1x8x4x2x128xf32, #tpu.memory_space<hbm>>
    %dma_start3A_250 = tpu.memref_squeeze %dma_start3A_249 : memref<2x1x8x4x2x128xf32, #tpu.memory_space<hbm>> -> memref<2x8x4x2x128xf32, #tpu.memory_space<hbm>>
    tpu.enqueue_dma source(%dma_start3A_250 : memref<2x8x4x2x128xf32, #tpu.memory_space<hbm>>) target(%dma_start3A_244 : memref<2x8x4x2x128xf32, #tpu.memory_space<vmem>>) target_semaphore(%arg17 : memref<!tpu.dma_semaphore, #tpu.memory_space<semaphore_mem>>)
    %scan3A = arith.constant 0 : i32
    %scan3A_251 = arith.constant 0 : i32
    %scan3A_252 = arith.constant 16 : i32
    %scan3A_253 = arith.addi %scan3A_251, %scan3A_252 : i32
    %scan3A_254 = arith.constant 1 : i32
    %scan3A_255 = scf.for %scan3A_316 = %scan3A_251 to %scan3A_253 step %scan3A_254 iter_args(%scan3A_317 = %scan3A) -> (i32)  : i32 {
      %mul3A_318 = arith.constant 2 : i32
      %mul3A_319 = arith.muli %mul3A_318, %scan3A_316 : i32
      %dma_wait3A_320 = arith.constant 0 : i32
      %dma_wait3A_321 = arith.constant 0 : i32
      %dma_wait3A_322 = arith.constant 0 : i32
      %dma_wait3A_323 = arith.constant 0 : i32
      %dma_wait3A_324 = arith.constant 0 : i32
      %dma_wait3A_325 = tpu.memref_slice %arg9[%dma_wait3A_321, %dma_wait3A_322, %dma_wait3A_323, %dma_wait3A_324] : memref<2x4x8x128xi32, #tpu.memory_space<vmem>> -> memref<1x4x8x128xi32, #tpu.memory_space<vmem>>
      %dma_wait3A_326 = tpu.memref_squeeze %dma_wait3A_325 : memref<1x4x8x128xi32, #tpu.memory_space<vmem>> -> memref<4x8x128xi32, #tpu.memory_space<vmem>>
      %dma_wait3A_327 = arith.constant 0 : i32
      %dma_wait3A_328 = arith.constant 0 : i32
      %dma_wait3A_329 = arith.constant 0 : i32
      %dma_wait3A_330 = tpu.memref_slice %arg3[%dma_wait3A_320, %dma_wait3A_327, %dma_wait3A_328, %dma_wait3A_329] : memref<256x16x8x128xi32, #tpu.memory_space<hbm>> -> memref<1x4x8x128xi32, #tpu.memory_space<hbm>>
      %dma_wait3A_331 = tpu.memref_squeeze %dma_wait3A_330 : memref<1x4x8x128xi32, #tpu.memory_space<hbm>> -> memref<4x8x128xi32, #tpu.memory_space<hbm>>
      %dma_wait3A_332 = arith.constant 0 : i32
      %dma_wait3A_333 = arith.constant 0 : i32
      %dma_wait3A_334 = arith.constant 0 : i32
      %dma_wait3A_335 = tpu.memref_slice %arg9[%dma_wait3A_321, %dma_wait3A_332, %dma_wait3A_333, %dma_wait3A_334] : memref<2x4x8x128xi32, #tpu.memory_space<vmem>> -> memref<1x4x8x128xi32, #tpu.memory_space<vmem>>
      %dma_wait3A_336 = tpu.memref_squeeze %dma_wait3A_335 : memref<1x4x8x128xi32, #tpu.memory_space<vmem>> -> memref<4x8x128xi32, #tpu.memory_space<vmem>>
      %dma_wait3A_337 = arith.constant 0 : i32
      %dma_wait3A_338 = arith.constant 0 : i32
      %dma_wait3A_339 = arith.constant 0 : i32
      %dma_wait3A_340 = tpu.memref_slice %arg3[%dma_wait3A_320, %dma_wait3A_337, %dma_wait3A_338, %dma_wait3A_339] : memref<256x16x8x128xi32, #tpu.memory_space<hbm>> -> memref<1x4x8x128xi32, #tpu.memory_space<hbm>>
      %dma_wait3A_341 = tpu.memref_squeeze %dma_wait3A_340 : memref<1x4x8x128xi32, #tpu.memory_space<hbm>> -> memref<4x8x128xi32, #tpu.memory_space<hbm>>
      tpu.wait_dma2 semaphore(%arg16 : memref<!tpu.dma_semaphore, #tpu.memory_space<semaphore_mem>>) src(%dma_wait3A_341 : memref<4x8x128xi32, #tpu.memory_space<hbm>>) dst(%dma_wait3A_336 : memref<4x8x128xi32, #tpu.memory_space<vmem>>)
      %dma_wait3A_342 = arith.constant 0 : i32
      %dma_wait3A_343 = arith.constant 0 : i32
      %dma_wait3A_344 = arith.constant 0 : i32
      %dma_wait3A_345 = arith.constant 0 : i32
      %dma_wait3A_346 = arith.constant 0 : i32
      %dma_wait3A_347 = tpu.memref_slice %arg10[%dma_wait3A_343, %dma_wait3A_344, %dma_wait3A_345, %dma_wait3A_346] : memref<2x4x8x128xi32, #tpu.memory_space<vmem>> -> memref<1x4x8x128xi32, #tpu.memory_space<vmem>>
      %dma_wait3A_348 = tpu.memref_squeeze %dma_wait3A_347 : memref<1x4x8x128xi32, #tpu.memory_space<vmem>> -> memref<4x8x128xi32, #tpu.memory_space<vmem>>
      %dma_wait3A_349 = arith.constant 0 : i32
      %dma_wait3A_350 = arith.constant 0 : i32
      %dma_wait3A_351 = arith.constant 0 : i32
      %dma_wait3A_352 = tpu.memref_slice %arg4[%dma_wait3A_342, %dma_wait3A_349, %dma_wait3A_350, %dma_wait3A_351] : memref<256x16x8x128xi32, #tpu.memory_space<hbm>> -> memref<1x4x8x128xi32, #tpu.memory_space<hbm>>
      %dma_wait3A_353 = tpu.memref_squeeze %dma_wait3A_352 : memref<1x4x8x128xi32, #tpu.memory_space<hbm>> -> memref<4x8x128xi32, #tpu.memory_space<hbm>>
      %dma_wait3A_354 = arith.constant 0 : i32
      %dma_wait3A_355 = arith.constant 0 : i32
      %dma_wait3A_356 = arith.constant 0 : i32
      %dma_wait3A_357 = tpu.memref_slice %arg10[%dma_wait3A_343, %dma_wait3A_354, %dma_wait3A_355, %dma_wait3A_356] : memref<2x4x8x128xi32, #tpu.memory_space<vmem>> -> memref<1x4x8x128xi32, #tpu.memory_space<vmem>>
      %dma_wait3A_358 = tpu.memref_squeeze %dma_wait3A_357 : memref<1x4x8x128xi32, #tpu.memory_space<vmem>> -> memref<4x8x128xi32, #tpu.memory_space<vmem>>
      %dma_wait3A_359 = arith.constant 0 : i32
      %dma_wait3A_360 = arith.constant 0 : i32
      %dma_wait3A_361 = arith.constant 0 : i32
      %dma_wait3A_362 = tpu.memref_slice %arg4[%dma_wait3A_342, %dma_wait3A_359, %dma_wait3A_360, %dma_wait3A_361] : memref<256x16x8x128xi32, #tpu.memory_space<hbm>> -> memref<1x4x8x128xi32, #tpu.memory_space<hbm>>
      %dma_wait3A_363 = tpu.memref_squeeze %dma_wait3A_362 : memref<1x4x8x128xi32, #tpu.memory_space<hbm>> -> memref<4x8x128xi32, #tpu.memory_space<hbm>>
      tpu.wait_dma2 semaphore(%arg16 : memref<!tpu.dma_semaphore, #tpu.memory_space<semaphore_mem>>) src(%dma_wait3A_363 : memref<4x8x128xi32, #tpu.memory_space<hbm>>) dst(%dma_wait3A_358 : memref<4x8x128xi32, #tpu.memory_space<vmem>>)
      %dma_wait3A_364 = arith.constant 0 : i32
      %dma_wait3A_365 = arith.constant 0 : i32
      %dma_wait3A_366 = arith.constant 0 : i32
      %dma_wait3A_367 = arith.constant 0 : i32
      %dma_wait3A_368 = arith.constant 0 : i32
      %dma_wait3A_369 = tpu.memref_slice %arg11[%dma_wait3A_365, %dma_wait3A_366, %dma_wait3A_367, %dma_wait3A_368] : memref<2x4x8x128xf32, #tpu.memory_space<vmem>> -> memref<1x4x8x128xf32, #tpu.memory_space<vmem>>
      %dma_wait3A_370 = tpu.memref_squeeze %dma_wait3A_369 : memref<1x4x8x128xf32, #tpu.memory_space<vmem>> -> memref<4x8x128xf32, #tpu.memory_space<vmem>>
      %dma_wait3A_371 = arith.constant 0 : i32
      %dma_wait3A_372 = arith.constant 0 : i32
      %dma_wait3A_373 = arith.constant 0 : i32
      %dma_wait3A_374 = tpu.memref_slice %arg5[%dma_wait3A_364, %dma_wait3A_371, %dma_wait3A_372, %dma_wait3A_373] : memref<256x16x8x128xf32, #tpu.memory_space<hbm>> -> memref<1x4x8x128xf32, #tpu.memory_space<hbm>>
      %dma_wait3A_375 = tpu.memref_squeeze %dma_wait3A_374 : memref<1x4x8x128xf32, #tpu.memory_space<hbm>> -> memref<4x8x128xf32, #tpu.memory_space<hbm>>
      %dma_wait3A_376 = arith.constant 0 : i32
      %dma_wait3A_377 = arith.constant 0 : i32
      %dma_wait3A_378 = arith.constant 0 : i32
      %dma_wait3A_379 = tpu.memref_slice %arg11[%dma_wait3A_365, %dma_wait3A_376, %dma_wait3A_377, %dma_wait3A_378] : memref<2x4x8x128xf32, #tpu.memory_space<vmem>> -> memref<1x4x8x128xf32, #tpu.memory_space<vmem>>
      %dma_wait3A_380 = tpu.memref_squeeze %dma_wait3A_379 : memref<1x4x8x128xf32, #tpu.memory_space<vmem>> -> memref<4x8x128xf32, #tpu.memory_space<vmem>>
      %dma_wait3A_381 = arith.constant 0 : i32
      %dma_wait3A_382 = arith.constant 0 : i32
      %dma_wait3A_383 = arith.constant 0 : i32
      %dma_wait3A_384 = tpu.memref_slice %arg5[%dma_wait3A_364, %dma_wait3A_381, %dma_wait3A_382, %dma_wait3A_383] : memref<256x16x8x128xf32, #tpu.memory_space<hbm>> -> memref<1x4x8x128xf32, #tpu.memory_space<hbm>>
      %dma_wait3A_385 = tpu.memref_squeeze %dma_wait3A_384 : memref<1x4x8x128xf32, #tpu.memory_space<hbm>> -> memref<4x8x128xf32, #tpu.memory_space<hbm>>
      tpu.wait_dma2 semaphore(%arg16 : memref<!tpu.dma_semaphore, #tpu.memory_space<semaphore_mem>>) src(%dma_wait3A_385 : memref<4x8x128xf32, #tpu.memory_space<hbm>>) dst(%dma_wait3A_380 : memref<4x8x128xf32, #tpu.memory_space<vmem>>)
      %dma_wait3A_386 = arith.constant 0 : i32
      %dma_wait3A_387 = arith.constant 0 : i32
      %dma_wait3A_388 = arith.constant 0 : i32
      %dma_wait3A_389 = arith.constant 0 : i32
      %dma_wait3A_390 = arith.constant 0 : i32
      %dma_wait3A_391 = arith.constant 0 : i32
      %dma_wait3A_392 = arith.constant 0 : i32
      %dma_wait3A_393 = tpu.memref_slice %arg12[%dma_wait3A_387, %dma_wait3A_388, %dma_wait3A_389, %dma_wait3A_390, %dma_wait3A_391, %dma_wait3A_392] : memref<2x2x8x4x2x128xf32, #tpu.memory_space<vmem>> -> memref<1x2x8x4x2x128xf32, #tpu.memory_space<vmem>>
      %dma_wait3A_394 = tpu.memref_squeeze %dma_wait3A_393 : memref<1x2x8x4x2x128xf32, #tpu.memory_space<vmem>> -> memref<2x8x4x2x128xf32, #tpu.memory_space<vmem>>
      %dma_wait3A_395 = arith.constant 0 : i32
      %dma_wait3A_396 = arith.constant 0 : i32
      %dma_wait3A_397 = arith.constant 0 : i32
      %dma_wait3A_398 = arith.constant 0 : i32
      %dma_wait3A_399 = arith.constant 0 : i32
      %dma_wait3A_400 = tpu.memref_slice %arg2[%dma_wait3A_395, %dma_wait3A_386, %dma_wait3A_396, %dma_wait3A_397, %dma_wait3A_398, %dma_wait3A_399] : memref<2x256x8x16x2x128xf32, #tpu.memory_space<hbm>> -> memref<2x1x8x4x2x128xf32, #tpu.memory_space<hbm>>
      %dma_wait3A_401 = tpu.memref_squeeze %dma_wait3A_400 : memref<2x1x8x4x2x128xf32, #tpu.memory_space<hbm>> -> memref<2x8x4x2x128xf32, #tpu.memory_space<hbm>>
      %dma_wait3A_402 = arith.constant 0 : i32
      %dma_wait3A_403 = arith.constant 0 : i32
      %dma_wait3A_404 = arith.constant 0 : i32
      %dma_wait3A_405 = arith.constant 0 : i32
      %dma_wait3A_406 = arith.constant 0 : i32
      %dma_wait3A_407 = tpu.memref_slice %arg12[%dma_wait3A_387, %dma_wait3A_402, %dma_wait3A_403, %dma_wait3A_404, %dma_wait3A_405, %dma_wait3A_406] : memref<2x2x8x4x2x128xf32, #tpu.memory_space<vmem>> -> memref<1x2x8x4x2x128xf32, #tpu.memory_space<vmem>>
      %dma_wait3A_408 = tpu.memref_squeeze %dma_wait3A_407 : memref<1x2x8x4x2x128xf32, #tpu.memory_space<vmem>> -> memref<2x8x4x2x128xf32, #tpu.memory_space<vmem>>
      %dma_wait3A_409 = arith.constant 0 : i32
      %dma_wait3A_410 = arith.constant 0 : i32
      %dma_wait3A_411 = arith.constant 0 : i32
      %dma_wait3A_412 = arith.constant 0 : i32
      %dma_wait3A_413 = arith.constant 0 : i32
      %dma_wait3A_414 = tpu.memref_slice %arg2[%dma_wait3A_409, %dma_wait3A_386, %dma_wait3A_410, %dma_wait3A_411, %dma_wait3A_412, %dma_wait3A_413] : memref<2x256x8x16x2x128xf32, #tpu.memory_space<hbm>> -> memref<2x1x8x4x2x128xf32, #tpu.memory_space<hbm>>
      %dma_wait3A_415 = tpu.memref_squeeze %dma_wait3A_414 : memref<2x1x8x4x2x128xf32, #tpu.memory_space<hbm>> -> memref<2x8x4x2x128xf32, #tpu.memory_space<hbm>>
      tpu.wait_dma2 semaphore(%arg16 : memref<!tpu.dma_semaphore, #tpu.memory_space<semaphore_mem>>) src(%dma_wait3A_415 : memref<2x8x4x2x128xf32, #tpu.memory_space<hbm>>) dst(%dma_wait3A_408 : memref<2x8x4x2x128xf32, #tpu.memory_space<vmem>>)
      %gt3A = arith.constant 0 : i32
      %gt3A_416 = arith.cmpi sgt, %scan3A_316, %gt3A : i32
      %convert_element_type3A = arith.extui %gt3A_416 : i1 to i32
      %cond3A = arith.constant 0 : i32
      %cond3A_417 = arith.cmpi ne, %convert_element_type3A, %cond3A : i32
      scf.if %cond3A_417 {
        %dma_wait3A_677 = arith.constant 0 : i32
        %dma_wait3A_678 = arith.constant 0 : i32
        %dma_wait3A_679 = arith.constant 0 : i32
        %dma_wait3A_680 = arith.constant 0 : i32
        %dma_wait3A_681 = arith.constant 0 : i32
        %dma_wait3A_682 = arith.constant 0 : i32
        %dma_wait3A_683 = arith.constant 0 : i32
        %dma_wait3A_684 = tpu.memref_slice %arg13[%dma_wait3A_677, %dma_wait3A_679, %dma_wait3A_680, %dma_wait3A_681, %dma_wait3A_682, %dma_wait3A_683] : memref<2x2x8x4x2x128xf32, #tpu.memory_space<vmem>> -> memref<1x2x8x4x2x128xf32, #tpu.memory_space<vmem>>
        %dma_wait3A_685 = tpu.memref_squeeze %dma_wait3A_684 : memref<1x2x8x4x2x128xf32, #tpu.memory_space<vmem>> -> memref<2x8x4x2x128xf32, #tpu.memory_space<vmem>>
        %dma_wait3A_686 = arith.constant 0 : i32
        %dma_wait3A_687 = arith.constant 0 : i32
        %dma_wait3A_688 = arith.constant 0 : i32
        %dma_wait3A_689 = arith.constant 0 : i32
        %dma_wait3A_690 = arith.constant 0 : i32
        %dma_wait3A_691 = tpu.memref_slice %arg8[%dma_wait3A_686, %dma_wait3A_678, %dma_wait3A_687, %dma_wait3A_688, %dma_wait3A_689, %dma_wait3A_690] : memref<2x256x8x16x2x128xf32, #tpu.memory_space<hbm>> -> memref<2x1x8x4x2x128xf32, #tpu.memory_space<hbm>>
        %dma_wait3A_692 = tpu.memref_squeeze %dma_wait3A_691 : memref<2x1x8x4x2x128xf32, #tpu.memory_space<hbm>> -> memref<2x8x4x2x128xf32, #tpu.memory_space<hbm>>
        %dma_wait3A_693 = arith.constant 0 : i32
        %dma_wait3A_694 = arith.constant 0 : i32
        %dma_wait3A_695 = arith.constant 0 : i32
        %dma_wait3A_696 = arith.constant 0 : i32
        %dma_wait3A_697 = arith.constant 0 : i32
        %dma_wait3A_698 = tpu.memref_slice %arg8[%dma_wait3A_693, %dma_wait3A_678, %dma_wait3A_694, %dma_wait3A_695, %dma_wait3A_696, %dma_wait3A_697] : memref<2x256x8x16x2x128xf32, #tpu.memory_space<hbm>> -> memref<2x1x8x4x2x128xf32, #tpu.memory_space<hbm>>
        %dma_wait3A_699 = tpu.memref_squeeze %dma_wait3A_698 : memref<2x1x8x4x2x128xf32, #tpu.memory_space<hbm>> -> memref<2x8x4x2x128xf32, #tpu.memory_space<hbm>>
        %dma_wait3A_700 = arith.constant 0 : i32
        %dma_wait3A_701 = arith.constant 0 : i32
        %dma_wait3A_702 = arith.constant 0 : i32
        %dma_wait3A_703 = arith.constant 0 : i32
        %dma_wait3A_704 = arith.constant 0 : i32
        %dma_wait3A_705 = tpu.memref_slice %arg13[%dma_wait3A_677, %dma_wait3A_700, %dma_wait3A_701, %dma_wait3A_702, %dma_wait3A_703, %dma_wait3A_704] : memref<2x2x8x4x2x128xf32, #tpu.memory_space<vmem>> -> memref<1x2x8x4x2x128xf32, #tpu.memory_space<vmem>>
        %dma_wait3A_706 = tpu.memref_squeeze %dma_wait3A_705 : memref<1x2x8x4x2x128xf32, #tpu.memory_space<vmem>> -> memref<2x8x4x2x128xf32, #tpu.memory_space<vmem>>
        tpu.wait_dma2 semaphore(%arg18 : memref<!tpu.dma_semaphore, #tpu.memory_space<semaphore_mem>>) src(%dma_wait3A_706 : memref<2x8x4x2x128xf32, #tpu.memory_space<vmem>>) dst(%dma_wait3A_699 : memref<2x8x4x2x128xf32, #tpu.memory_space<hbm>>)
      } else {
      }
      %parallel_loop3A = arith.constant 0 : i32
      %parallel_loop3A_418 = arith.constant 32 : i32
      %parallel_loop3A_419 = arith.constant 1 : i32
      scf.for %parallel_loop3A_677 = %parallel_loop3A to %parallel_loop3A_418 step %parallel_loop3A_419  : i32 {
        %parallel_loop3A_678 = arith.constant 2 : i32
        %parallel_loop3A_679 = arith.shrsi %parallel_loop3A_677, %parallel_loop3A_678 : i32
        %parallel_loop3A_680 = arith.constant 3 : i32
        %parallel_loop3A_681 = arith.andi %parallel_loop3A_677, %parallel_loop3A_680 : i32
        %parallel_loop3A_682 = arith.constant 0 : i32
        %parallel_loop3A_683 = arith.index_cast %parallel_loop3A_682 : i32 to index
        %parallel_loop3A_684 = arith.index_cast %parallel_loop3A_681 : i32 to index
        %parallel_loop3A_685 = arith.index_cast %parallel_loop3A_679 : i32 to index
        %parallel_loop3A_686 = arith.constant 0 : index
        %parallel_loop3A_687 = tpu.vector_load %arg9[%parallel_loop3A_683, %parallel_loop3A_684, %parallel_loop3A_685, %parallel_loop3A_686] {strides = array<i32>} : memref<2x4x8x128xi32, #tpu.memory_space<vmem>>, vector<16xi32>,
        %parallel_loop3A_688 = arith.constant 0 : i32
        %parallel_loop3A_689 = arith.index_cast %parallel_loop3A_688 : i32 to index
        %parallel_loop3A_690 = arith.index_cast %parallel_loop3A_681 : i32 to index
        %parallel_loop3A_691 = arith.index_cast %parallel_loop3A_679 : i32 to index
        %parallel_loop3A_692 = arith.constant 0 : index
        %parallel_loop3A_693 = tpu.vector_load %arg10[%parallel_loop3A_689, %parallel_loop3A_690, %parallel_loop3A_691, %parallel_loop3A_692] {strides = array<i32>} : memref<2x4x8x128xi32, #tpu.memory_space<vmem>>, vector<16xi32>,
        %parallel_loop3A_694 = arith.constant 0 : i32
        %parallel_loop3A_695 = arith.index_cast %parallel_loop3A_694 : i32 to index
        %parallel_loop3A_696 = arith.index_cast %parallel_loop3A_681 : i32 to index
        %parallel_loop3A_697 = arith.index_cast %parallel_loop3A_679 : i32 to index
        %parallel_loop3A_698 = arith.constant 0 : index
        %parallel_loop3A_699 = tpu.vector_load %arg11[%parallel_loop3A_695, %parallel_loop3A_696, %parallel_loop3A_697, %parallel_loop3A_698] {strides = array<i32>} : memref<2x4x8x128xf32, #tpu.memory_space<vmem>>, vector<16xf32>,
        %parallel_loop3A_700 = arith.constant 0 : i32
        %parallel_loop3A_701 = arith.constant 0 : i32
        %parallel_loop3A_702 = arith.constant 0 : i32
        %parallel_loop3A_703 = arith.index_cast %parallel_loop3A_700 : i32 to index
        %parallel_loop3A_704 = arith.index_cast %parallel_loop3A_701 : i32 to index
        %parallel_loop3A_705 = arith.index_cast %parallel_loop3A_679 : i32 to index
        %parallel_loop3A_706 = arith.index_cast %parallel_loop3A_681 : i32 to index
        %parallel_loop3A_707 = arith.index_cast %parallel_loop3A_702 : i32 to index
        %parallel_loop3A_708 = arith.constant 0 : index
        %parallel_loop3A_709 = tpu.vector_load %arg12[%parallel_loop3A_703, %parallel_loop3A_704, %parallel_loop3A_705, %parallel_loop3A_706, %parallel_loop3A_707, %parallel_loop3A_708] {strides = array<i32>} : memref<2x2x8x4x2x128xf32, #tpu.memory_space<vmem>>, vector<16xf32>,
        %parallel_loop3A_710 = arith.constant 0 : i32
        %parallel_loop3A_711 = arith.constant 0 : i32
        %parallel_loop3A_712 = arith.constant 1 : i32
        %parallel_loop3A_713 = arith.index_cast %parallel_loop3A_710 : i32 to index
        %parallel_loop3A_714 = arith.index_cast %parallel_loop3A_711 : i32 to index
        %parallel_loop3A_715 = arith.index_cast %parallel_loop3A_679 : i32 to index
        %parallel_loop3A_716 = arith.index_cast %parallel_loop3A_681 : i32 to index
        %parallel_loop3A_717 = arith.index_cast %parallel_loop3A_712 : i32 to index
        %parallel_loop3A_718 = arith.constant 0 : index
        %parallel_loop3A_719 = tpu.vector_load %arg12[%parallel_loop3A_713, %parallel_loop3A_714, %parallel_loop3A_715, %parallel_loop3A_716, %parallel_loop3A_717, %parallel_loop3A_718] {strides = array<i32>} : memref<2x2x8x4x2x128xf32, #tpu.memory_space<vmem>>, vector<16xf32>,
        %parallel_loop3A_720 = arith.constant 0 : i32
        %parallel_loop3A_721 = arith.constant 1 : i32
        %parallel_loop3A_722 = arith.constant 0 : i32
        %parallel_loop3A_723 = arith.index_cast %parallel_loop3A_720 : i32 to index
        %parallel_loop3A_724 = arith.index_cast %parallel_loop3A_721 : i32 to index
        %parallel_loop3A_725 = arith.index_cast %parallel_loop3A_679 : i32 to index
        %parallel_loop3A_726 = arith.index_cast %parallel_loop3A_681 : i32 to index
        %parallel_loop3A_727 = arith.index_cast %parallel_loop3A_722 : i32 to index
        %parallel_loop3A_728 = arith.constant 0 : index
        %parallel_loop3A_729 = tpu.vector_load %arg12[%parallel_loop3A_723, %parallel_loop3A_724, %parallel_loop3A_725, %parallel_loop3A_726, %parallel_loop3A_727, %parallel_loop3A_728] {strides = array<i32>} : memref<2x2x8x4x2x128xf32, #tpu.memory_space<vmem>>, vector<16xf32>,
        %parallel_loop3A_730 = arith.constant 0 : i32
        %parallel_loop3A_731 = arith.constant 1 : i32
        %parallel_loop3A_732 = arith.constant 1 : i32
        %parallel_loop3A_733 = arith.index_cast %parallel_loop3A_730 : i32 to index
        %parallel_loop3A_734 = arith.index_cast %parallel_loop3A_731 : i32 to index
        %parallel_loop3A_735 = arith.index_cast %parallel_loop3A_679 : i32 to index
        %parallel_loop3A_736 = arith.index_cast %parallel_loop3A_681 : i32 to index
        %parallel_loop3A_737 = arith.index_cast %parallel_loop3A_732 : i32 to index
        %parallel_loop3A_738 = arith.constant 0 : index
        %parallel_loop3A_739 = tpu.vector_load %arg12[%parallel_loop3A_733, %parallel_loop3A_734, %parallel_loop3A_735, %parallel_loop3A_736, %parallel_loop3A_737, %parallel_loop3A_738] {strides = array<i32>} : memref<2x2x8x4x2x128xf32, #tpu.memory_space<vmem>>, vector<16xf32>,
        %parallel_loop3A_740 = arith.constant 0 : i32
        %parallel_loop3A_741 = vector.broadcast %parallel_loop3A_740 : i32 to vector<16xi32>
        %parallel_loop3A_742 = arith.cmpi eq, %parallel_loop3A_687, %parallel_loop3A_741 : vector<16xi32>
        %parallel_loop3A_743 = arith.constant 0 : i32
        %parallel_loop3A_744 = vector.broadcast %parallel_loop3A_743 : i32 to vector<16xi32>
        %parallel_loop3A_745 = arith.cmpi eq, %parallel_loop3A_693, %parallel_loop3A_744 : vector<16xi32>
        %parallel_loop3A_746 = arith.maximumf %parallel_loop3A_709, %parallel_loop3A_719 : vector<16xf32>
        %parallel_loop3A_747 = arith.maximumf %parallel_loop3A_729, %parallel_loop3A_739 : vector<16xf32>
        %parallel_loop3A_748 = arith.select %parallel_loop3A_745, %parallel_loop3A_746, %parallel_loop3A_747 : vector<16xi1>, vector<16xf32>
        %parallel_loop3A_749 = arith.mulf %get3A_5, %parallel_loop3A_748 : vector<16xf32>
        %parallel_loop3A_750 = arith.addf %parallel_loop3A_699, %parallel_loop3A_749 : vector<16xf32>
        %parallel_loop3A_751 = arith.constant 0.000000e+00 : f32
        %parallel_loop3A_752 = vector.broadcast %parallel_loop3A_751 : f32 to vector<16xf32>
        %parallel_loop3A_753 = arith.andi %parallel_loop3A_742, %parallel_loop3A_745 : vector<16xi1>
        %parallel_loop3A_754 = arith.select %parallel_loop3A_753, %get3A_3, %parallel_loop3A_752 : vector<16xi1>, vector<16xf32>
        %parallel_loop3A_755 = arith.constant dense<true> : vector<16xi1>
        %parallel_loop3A_756 = arith.xori %parallel_loop3A_745, %parallel_loop3A_755 : vector<16xi1>
        %parallel_loop3A_757 = arith.andi %parallel_loop3A_742, %parallel_loop3A_756 : vector<16xi1>
        %parallel_loop3A_758 = arith.select %parallel_loop3A_757, %get3A_3, %parallel_loop3A_752 : vector<16xi1>, vector<16xf32>
        %parallel_loop3A_759 = arith.constant dense<true> : vector<16xi1>
        %parallel_loop3A_760 = arith.xori %parallel_loop3A_742, %parallel_loop3A_759 : vector<16xi1>
        %parallel_loop3A_761 = arith.andi %parallel_loop3A_760, %parallel_loop3A_745 : vector<16xi1>
        %parallel_loop3A_762 = arith.select %parallel_loop3A_761, %get3A_3, %parallel_loop3A_752 : vector<16xi1>, vector<16xf32>
        %parallel_loop3A_763 = arith.constant dense<true> : vector<16xi1>
        %parallel_loop3A_764 = arith.xori %parallel_loop3A_742, %parallel_loop3A_763 : vector<16xi1>
        %parallel_loop3A_765 = arith.constant dense<true> : vector<16xi1>
        %parallel_loop3A_766 = arith.xori %parallel_loop3A_745, %parallel_loop3A_765 : vector<16xi1>
        %parallel_loop3A_767 = arith.andi %parallel_loop3A_764, %parallel_loop3A_766 : vector<16xi1>
        %parallel_loop3A_768 = arith.select %parallel_loop3A_767, %get3A_3, %parallel_loop3A_752 : vector<16xi1>, vector<16xf32>
        %parallel_loop3A_769 = arith.subf %parallel_loop3A_750, %parallel_loop3A_709 : vector<16xf32>
        %parallel_loop3A_770 = arith.mulf %parallel_loop3A_754, %parallel_loop3A_769 : vector<16xf32>
        %parallel_loop3A_771 = arith.addf %parallel_loop3A_709, %parallel_loop3A_770 : vector<16xf32>
        %parallel_loop3A_772 = arith.constant 0 : i32
        %parallel_loop3A_773 = arith.constant 0 : i32
        %parallel_loop3A_774 = arith.constant 0 : i32
        %parallel_loop3A_775 = arith.index_cast %parallel_loop3A_772 : i32 to index
        %parallel_loop3A_776 = arith.index_cast %parallel_loop3A_773 : i32 to index
        %parallel_loop3A_777 = arith.index_cast %parallel_loop3A_679 : i32 to index
        %parallel_loop3A_778 = arith.index_cast %parallel_loop3A_681 : i32 to index
        %parallel_loop3A_779 = arith.index_cast %parallel_loop3A_774 : i32 to index
        %parallel_loop3A_780 = arith.constant 0 : index
        %parallel_loop3A_781 = tpu.vector_load %arg13[%parallel_loop3A_775, %parallel_loop3A_776, %parallel_loop3A_777, %parallel_loop3A_778, %parallel_loop3A_779, %parallel_loop3A_780] {strides = array<i32>} : memref<2x2x8x4x2x128xf32, #tpu.memory_space<vmem>>, vector<16xf32>,
        tpu.vector_store %arg13[%parallel_loop3A_775, %parallel_loop3A_776, %parallel_loop3A_777, %parallel_loop3A_778, %parallel_loop3A_779, %parallel_loop3A_780], %parallel_loop3A_771 {strides = array<i32>} : memref<2x2x8x4x2x128xf32, #tpu.memory_space<vmem>>, vector<16xf32>,
        %parallel_loop3A_782 = arith.subf %parallel_loop3A_750, %parallel_loop3A_719 : vector<16xf32>
        %parallel_loop3A_783 = arith.mulf %parallel_loop3A_758, %parallel_loop3A_782 : vector<16xf32>
        %parallel_loop3A_784 = arith.addf %parallel_loop3A_719, %parallel_loop3A_783 : vector<16xf32>
        %parallel_loop3A_785 = arith.constant 0 : i32
        %parallel_loop3A_786 = arith.constant 0 : i32
        %parallel_loop3A_787 = arith.constant 1 : i32
        %parallel_loop3A_788 = arith.index_cast %parallel_loop3A_785 : i32 to index
        %parallel_loop3A_789 = arith.index_cast %parallel_loop3A_786 : i32 to index
        %parallel_loop3A_790 = arith.index_cast %parallel_loop3A_679 : i32 to index
        %parallel_loop3A_791 = arith.index_cast %parallel_loop3A_681 : i32 to index
        %parallel_loop3A_792 = arith.index_cast %parallel_loop3A_787 : i32 to index
        %parallel_loop3A_793 = arith.constant 0 : index
        %parallel_loop3A_794 = tpu.vector_load %arg13[%parallel_loop3A_788, %parallel_loop3A_789, %parallel_loop3A_790, %parallel_loop3A_791, %parallel_loop3A_792, %parallel_loop3A_793] {strides = array<i32>} : memref<2x2x8x4x2x128xf32, #tpu.memory_space<vmem>>, vector<16xf32>,
        tpu.vector_store %arg13[%parallel_loop3A_788, %parallel_loop3A_789, %parallel_loop3A_790, %parallel_loop3A_791, %parallel_loop3A_792, %parallel_loop3A_793], %parallel_loop3A_784 {strides = array<i32>} : memref<2x2x8x4x2x128xf32, #tpu.memory_space<vmem>>, vector<16xf32>,
        %parallel_loop3A_795 = arith.subf %parallel_loop3A_750, %parallel_loop3A_729 : vector<16xf32>
        %parallel_loop3A_796 = arith.mulf %parallel_loop3A_762, %parallel_loop3A_795 : vector<16xf32>
        %parallel_loop3A_797 = arith.addf %parallel_loop3A_729, %parallel_loop3A_796 : vector<16xf32>
        %parallel_loop3A_798 = arith.constant 0 : i32
        %parallel_loop3A_799 = arith.constant 1 : i32
        %parallel_loop3A_800 = arith.constant 0 : i32
        %parallel_loop3A_801 = arith.index_cast %parallel_loop3A_798 : i32 to index
        %parallel_loop3A_802 = arith.index_cast %parallel_loop3A_799 : i32 to index
        %parallel_loop3A_803 = arith.index_cast %parallel_loop3A_679 : i32 to index
        %parallel_loop3A_804 = arith.index_cast %parallel_loop3A_681 : i32 to index
        %parallel_loop3A_805 = arith.index_cast %parallel_loop3A_800 : i32 to index
        %parallel_loop3A_806 = arith.constant 0 : index
        %parallel_loop3A_807 = tpu.vector_load %arg13[%parallel_loop3A_801, %parallel_loop3A_802, %parallel_loop3A_803, %parallel_loop3A_804, %parallel_loop3A_805, %parallel_loop3A_806] {strides = array<i32>} : memref<2x2x8x4x2x128xf32, #tpu.memory_space<vmem>>, vector<16xf32>,
        tpu.vector_store %arg13[%parallel_loop3A_801, %parallel_loop3A_802, %parallel_loop3A_803, %parallel_loop3A_804, %parallel_loop3A_805, %parallel_loop3A_806], %parallel_loop3A_797 {strides = array<i32>} : memref<2x2x8x4x2x128xf32, #tpu.memory_space<vmem>>, vector<16xf32>,
        %parallel_loop3A_808 = arith.subf %parallel_loop3A_750, %parallel_loop3A_739 : vector<16xf32>
        %parallel_loop3A_809 = arith.mulf %parallel_loop3A_768, %parallel_loop3A_808 : vector<16xf32>
        %parallel_loop3A_810 = arith.addf %parallel_loop3A_739, %parallel_loop3A_809 : vector<16xf32>
        %parallel_loop3A_811 = arith.constant 0 : i32
        %parallel_loop3A_812 = arith.constant 1 : i32
        %parallel_loop3A_813 = arith.constant 1 : i32
        %parallel_loop3A_814 = arith.index_cast %parallel_loop3A_811 : i32 to index
        %parallel_loop3A_815 = arith.index_cast %parallel_loop3A_812 : i32 to index
        %parallel_loop3A_816 = arith.index_cast %parallel_loop3A_679 : i32 to index
        %parallel_loop3A_817 = arith.index_cast %parallel_loop3A_681 : i32 to index
        %parallel_loop3A_818 = arith.index_cast %parallel_loop3A_813 : i32 to index
        %parallel_loop3A_819 = arith.constant 0 : index
        %parallel_loop3A_820 = tpu.vector_load %arg13[%parallel_loop3A_814, %parallel_loop3A_815, %parallel_loop3A_816, %parallel_loop3A_817, %parallel_loop3A_818, %parallel_loop3A_819] {strides = array<i32>} : memref<2x2x8x4x2x128xf32, #tpu.memory_space<vmem>>, vector<16xf32>,
        tpu.vector_store %arg13[%parallel_loop3A_814, %parallel_loop3A_815, %parallel_loop3A_816, %parallel_loop3A_817, %parallel_loop3A_818, %parallel_loop3A_819], %parallel_loop3A_810 {strides = array<i32>} : memref<2x2x8x4x2x128xf32, #tpu.memory_space<vmem>>, vector<16xf32>,
        %parallel_loop3A_821 = arith.constant 0 : i32
        %parallel_loop3A_822 = arith.index_cast %parallel_loop3A_821 : i32 to index
        %parallel_loop3A_823 = arith.index_cast %parallel_loop3A_681 : i32 to index
        %parallel_loop3A_824 = arith.index_cast %parallel_loop3A_679 : i32 to index
        %parallel_loop3A_825 = arith.constant 16 : index
        %parallel_loop3A_826 = tpu.vector_load %arg9[%parallel_loop3A_822, %parallel_loop3A_823, %parallel_loop3A_824, %parallel_loop3A_825] {strides = array<i32>} : memref<2x4x8x128xi32, #tpu.memory_space<vmem>>, vector<16xi32>,
        %parallel_loop3A_827 = arith.constant 0 : i32
        %parallel_loop3A_828 = arith.index_cast %parallel_loop3A_827 : i32 to index
        %parallel_loop3A_829 = arith.index_cast %parallel_loop3A_681 : i32 to index
        %parallel_loop3A_830 = arith.index_cast %parallel_loop3A_679 : i32 to index
        %parallel_loop3A_831 = arith.constant 16 : index
        %parallel_loop3A_832 = tpu.vector_load %arg10[%parallel_loop3A_828, %parallel_loop3A_829, %parallel_loop3A_830, %parallel_loop3A_831] {strides = array<i32>} : memref<2x4x8x128xi32, #tpu.memory_space<vmem>>, vector<16xi32>,
        %parallel_loop3A_833 = arith.constant 0 : i32
        %parallel_loop3A_834 = arith.index_cast %parallel_loop3A_833 : i32 to index
        %parallel_loop3A_835 = arith.index_cast %parallel_loop3A_681 : i32 to index
        %parallel_loop3A_836 = arith.index_cast %parallel_loop3A_679 : i32 to index
        %parallel_loop3A_837 = arith.constant 16 : index
        %parallel_loop3A_838 = tpu.vector_load %arg11[%parallel_loop3A_834, %parallel_loop3A_835, %parallel_loop3A_836, %parallel_loop3A_837] {strides = array<i32>} : memref<2x4x8x128xf32, #tpu.memory_space<vmem>>, vector<16xf32>,
        %parallel_loop3A_839 = arith.constant 0 : i32
        %parallel_loop3A_840 = arith.constant 0 : i32
        %parallel_loop3A_841 = arith.constant 0 : i32
        %parallel_loop3A_842 = arith.index_cast %parallel_loop3A_839 : i32 to index
        %parallel_loop3A_843 = arith.index_cast %parallel_loop3A_840 : i32 to index
        %parallel_loop3A_844 = arith.index_cast %parallel_loop3A_679 : i32 to index
        %parallel_loop3A_845 = arith.index_cast %parallel_loop3A_681 : i32 to index
        %parallel_loop3A_846 = arith.index_cast %parallel_loop3A_841 : i32 to index
        %parallel_loop3A_847 = arith.constant 16 : index
        %parallel_loop3A_848 = tpu.vector_load %arg12[%parallel_loop3A_842, %parallel_loop3A_843, %parallel_loop3A_844, %parallel_loop3A_845, %parallel_loop3A_846, %parallel_loop3A_847] {strides = array<i32>} : memref<2x2x8x4x2x128xf32, #tpu.memory_space<vmem>>, vector<16xf32>,
        %parallel_loop3A_849 = arith.constant 0 : i32
        %parallel_loop3A_850 = arith.constant 0 : i32
        %parallel_loop3A_851 = arith.constant 1 : i32
        %parallel_loop3A_852 = arith.index_cast %parallel_loop3A_849 : i32 to index
        %parallel_loop3A_853 = arith.index_cast %parallel_loop3A_850 : i32 to index
        %parallel_loop3A_854 = arith.index_cast %parallel_loop3A_679 : i32 to index
        %parallel_loop3A_855 = arith.index_cast %parallel_loop3A_681 : i32 to index
        %parallel_loop3A_856 = arith.index_cast %parallel_loop3A_851 : i32 to index
        %parallel_loop3A_857 = arith.constant 16 : index
        %parallel_loop3A_858 = tpu.vector_load %arg12[%parallel_loop3A_852, %parallel_loop3A_853, %parallel_loop3A_854, %parallel_loop3A_855, %parallel_loop3A_856, %parallel_loop3A_857] {strides = array<i32>} : memref<2x2x8x4x2x128xf32, #tpu.memory_space<vmem>>, vector<16xf32>,
        %parallel_loop3A_859 = arith.constant 0 : i32
        %parallel_loop3A_860 = arith.constant 1 : i32
        %parallel_loop3A_861 = arith.constant 0 : i32
        %parallel_loop3A_862 = arith.index_cast %parallel_loop3A_859 : i32 to index
        %parallel_loop3A_863 = arith.index_cast %parallel_loop3A_860 : i32 to index
        %parallel_loop3A_864 = arith.index_cast %parallel_loop3A_679 : i32 to index
        %parallel_loop3A_865 = arith.index_cast %parallel_loop3A_681 : i32 to index
        %parallel_loop3A_866 = arith.index_cast %parallel_loop3A_861 : i32 to index
        %parallel_loop3A_867 = arith.constant 16 : index
        %parallel_loop3A_868 = tpu.vector_load %arg12[%parallel_loop3A_862, %parallel_loop3A_863, %parallel_loop3A_864, %parallel_loop3A_865, %parallel_loop3A_866, %parallel_loop3A_867] {strides = array<i32>} : memref<2x2x8x4x2x128xf32, #tpu.memory_space<vmem>>, vector<16xf32>,
        %parallel_loop3A_869 = arith.constant 0 : i32
        %parallel_loop3A_870 = arith.constant 1 : i32
        %parallel_loop3A_871 = arith.constant 1 : i32
        %parallel_loop3A_872 = arith.index_cast %parallel_loop3A_869 : i32 to index
        %parallel_loop3A_873 = arith.index_cast %parallel_loop3A_870 : i32 to index
        %parallel_loop3A_874 = arith.index_cast %parallel_loop3A_679 : i32 to index
        %parallel_loop3A_875 = arith.index_cast %parallel_loop3A_681 : i32 to index
        %parallel_loop3A_876 = arith.index_cast %parallel_loop3A_871 : i32 to index
        %parallel_loop3A_877 = arith.constant 16 : index
        %parallel_loop3A_878 = tpu.vector_load %arg12[%parallel_loop3A_872, %parallel_loop3A_873, %parallel_loop3A_874, %parallel_loop3A_875, %parallel_loop3A_876, %parallel_loop3A_877] {strides = array<i32>} : memref<2x2x8x4x2x128xf32, #tpu.memory_space<vmem>>, vector<16xf32>,
        %parallel_loop3A_879 = arith.constant 0 : i32
        %parallel_loop3A_880 = vector.broadcast %parallel_loop3A_879 : i32 to vector<16xi32>
        %parallel_loop3A_881 = arith.cmpi eq, %parallel_loop3A_826, %parallel_loop3A_880 : vector<16xi32>
        %parallel_loop3A_882 = arith.constant 0 : i32
        %parallel_loop3A_883 = vector.broadcast %parallel_loop3A_882 : i32 to vector<16xi32>
        %parallel_loop3A_884 = arith.cmpi eq, %parallel_loop3A_832, %parallel_loop3A_883 : vector<16xi32>
        %parallel_loop3A_885 = arith.maximumf %parallel_loop3A_848, %parallel_loop3A_858 : vector<16xf32>
        %parallel_loop3A_886 = arith.maximumf %parallel_loop3A_868, %parallel_loop3A_878 : vector<16xf32>
        %parallel_loop3A_887 = arith.select %parallel_loop3A_884, %parallel_loop3A_885, %parallel_loop3A_886 : vector<16xi1>, vector<16xf32>
        %parallel_loop3A_888 = arith.mulf %get3A_5, %parallel_loop3A_887 : vector<16xf32>
        %parallel_loop3A_889 = arith.addf %parallel_loop3A_838, %parallel_loop3A_888 : vector<16xf32>
        %parallel_loop3A_890 = arith.constant 0.000000e+00 : f32
        %parallel_loop3A_891 = vector.broadcast %parallel_loop3A_890 : f32 to vector<16xf32>
        %parallel_loop3A_892 = arith.andi %parallel_loop3A_881, %parallel_loop3A_884 : vector<16xi1>
        %parallel_loop3A_893 = arith.select %parallel_loop3A_892, %get3A_3, %parallel_loop3A_891 : vector<16xi1>, vector<16xf32>
        %parallel_loop3A_894 = arith.constant dense<true> : vector<16xi1>
        %parallel_loop3A_895 = arith.xori %parallel_loop3A_884, %parallel_loop3A_894 : vector<16xi1>
        %parallel_loop3A_896 = arith.andi %parallel_loop3A_881, %parallel_loop3A_895 : vector<16xi1>
        %parallel_loop3A_897 = arith.select %parallel_loop3A_896, %get3A_3, %parallel_loop3A_891 : vector<16xi1>, vector<16xf32>
        %parallel_loop3A_898 = arith.constant dense<true> : vector<16xi1>
        %parallel_loop3A_899 = arith.xori %parallel_loop3A_881, %parallel_loop3A_898 : vector<16xi1>
        %parallel_loop3A_900 = arith.andi %parallel_loop3A_899, %parallel_loop3A_884 : vector<16xi1>
        %parallel_loop3A_901 = arith.select %parallel_loop3A_900, %get3A_3, %parallel_loop3A_891 : vector<16xi1>, vector<16xf32>
        %parallel_loop3A_902 = arith.constant dense<true> : vector<16xi1>
        %parallel_loop3A_903 = arith.xori %parallel_loop3A_881, %parallel_loop3A_902 : vector<16xi1>
        %parallel_loop3A_904 = arith.constant dense<true> : vector<16xi1>
        %parallel_loop3A_905 = arith.xori %parallel_loop3A_884, %parallel_loop3A_904 : vector<16xi1>
        %parallel_loop3A_906 = arith.andi %parallel_loop3A_903, %parallel_loop3A_905 : vector<16xi1>
        %parallel_loop3A_907 = arith.select %parallel_loop3A_906, %get3A_3, %parallel_loop3A_891 : vector<16xi1>, vector<16xf32>
        %parallel_loop3A_908 = arith.subf %parallel_loop3A_889, %parallel_loop3A_848 : vector<16xf32>
        %parallel_loop3A_909 = arith.mulf %parallel_loop3A_893, %parallel_loop3A_908 : vector<16xf32>
        %parallel_loop3A_910 = arith.addf %parallel_loop3A_848, %parallel_loop3A_909 : vector<16xf32>
        %parallel_loop3A_911 = arith.constant 0 : i32
        %parallel_loop3A_912 = arith.constant 0 : i32
        %parallel_loop3A_913 = arith.constant 0 : i32
        %parallel_loop3A_914 = arith.index_cast %parallel_loop3A_911 : i32 to index
        %parallel_loop3A_915 = arith.index_cast %parallel_loop3A_912 : i32 to index
        %parallel_loop3A_916 = arith.index_cast %parallel_loop3A_679 : i32 to index
        %parallel_loop3A_917 = arith.index_cast %parallel_loop3A_681 : i32 to index
        %parallel_loop3A_918 = arith.index_cast %parallel_loop3A_913 : i32 to index
        %parallel_loop3A_919 = arith.constant 16 : index
        %parallel_loop3A_920 = tpu.vector_load %arg13[%parallel_loop3A_914, %parallel_loop3A_915, %parallel_loop3A_916, %parallel_loop3A_917, %parallel_loop3A_918, %parallel_loop3A_919] {strides = array<i32>} : memref<2x2x8x4x2x128xf32, #tpu.memory_space<vmem>>, vector<16xf32>,
        tpu.vector_store %arg13[%parallel_loop3A_914, %parallel_loop3A_915, %parallel_loop3A_916, %parallel_loop3A_917, %parallel_loop3A_918, %parallel_loop3A_919], %parallel_loop3A_910 {strides = array<i32>} : memref<2x2x8x4x2x128xf32, #tpu.memory_space<vmem>>, vector<16xf32>,
        %parallel_loop3A_921 = arith.subf %parallel_loop3A_889, %parallel_loop3A_858 : vector<16xf32>
        %parallel_loop3A_922 = arith.mulf %parallel_loop3A_897, %parallel_loop3A_921 : vector<16xf32>
        %parallel_loop3A_923 = arith.addf %parallel_loop3A_858, %parallel_loop3A_922 : vector<16xf32>
        %parallel_loop3A_924 = arith.constant 0 : i32
        %parallel_loop3A_925 = arith.constant 0 : i32
        %parallel_loop3A_926 = arith.constant 1 : i32
        %parallel_loop3A_927 = arith.index_cast %parallel_loop3A_924 : i32 to index
        %parallel_loop3A_928 = arith.index_cast %parallel_loop3A_925 : i32 to index
        %parallel_loop3A_929 = arith.index_cast %parallel_loop3A_679 : i32 to index
        %parallel_loop3A_930 = arith.index_cast %parallel_loop3A_681 : i32 to index
        %parallel_loop3A_931 = arith.index_cast %parallel_loop3A_926 : i32 to index
        %parallel_loop3A_932 = arith.constant 16 : index
        %parallel_loop3A_933 = tpu.vector_load %arg13[%parallel_loop3A_927, %parallel_loop3A_928, %parallel_loop3A_929, %parallel_loop3A_930, %parallel_loop3A_931, %parallel_loop3A_932] {strides = array<i32>} : memref<2x2x8x4x2x128xf32, #tpu.memory_space<vmem>>, vector<16xf32>,
        tpu.vector_store %arg13[%parallel_loop3A_927, %parallel_loop3A_928, %parallel_loop3A_929, %parallel_loop3A_930, %parallel_loop3A_931, %parallel_loop3A_932], %parallel_loop3A_923 {strides = array<i32>} : memref<2x2x8x4x2x128xf32, #tpu.memory_space<vmem>>, vector<16xf32>,
        %parallel_loop3A_934 = arith.subf %parallel_loop3A_889, %parallel_loop3A_868 : vector<16xf32>
        %parallel_loop3A_935 = arith.mulf %parallel_loop3A_901, %parallel_loop3A_934 : vector<16xf32>
        %parallel_loop3A_936 = arith.addf %parallel_loop3A_868, %parallel_loop3A_935 : vector<16xf32>
        %parallel_loop3A_937 = arith.constant 0 : i32
        %parallel_loop3A_938 = arith.constant 1 : i32
        %parallel_loop3A_939 = arith.constant 0 : i32
        %parallel_loop3A_940 = arith.index_cast %parallel_loop3A_937 : i32 to index
        %parallel_loop3A_941 = arith.index_cast %parallel_loop3A_938 : i32 to index
        %parallel_loop3A_942 = arith.index_cast %parallel_loop3A_679 : i32 to index
        %parallel_loop3A_943 = arith.index_cast %parallel_loop3A_681 : i32 to index
        %parallel_loop3A_944 = arith.index_cast %parallel_loop3A_939 : i32 to index
        %parallel_loop3A_945 = arith.constant 16 : index
        %parallel_loop3A_946 = tpu.vector_load %arg13[%parallel_loop3A_940, %parallel_loop3A_941, %parallel_loop3A_942, %parallel_loop3A_943, %parallel_loop3A_944, %parallel_loop3A_945] {strides = array<i32>} : memref<2x2x8x4x2x128xf32, #tpu.memory_space<vmem>>, vector<16xf32>,
        tpu.vector_store %arg13[%parallel_loop3A_940, %parallel_loop3A_941, %parallel_loop3A_942, %parallel_loop3A_943, %parallel_loop3A_944, %parallel_loop3A_945], %parallel_loop3A_936 {strides = array<i32>} : memref<2x2x8x4x2x128xf32, #tpu.memory_space<vmem>>, vector<16xf32>,
        %parallel_loop3A_947 = arith.subf %parallel_loop3A_889, %parallel_loop3A_878 : vector<16xf32>
        %parallel_loop3A_948 = arith.mulf %parallel_loop3A_907, %parallel_loop3A_947 : vector<16xf32>
        %parallel_loop3A_949 = arith.addf %parallel_loop3A_878, %parallel_loop3A_948 : vector<16xf32>
        %parallel_loop3A_950 = arith.constant 0 : i32
        %parallel_loop3A_951 = arith.constant 1 : i32
        %parallel_loop3A_952 = arith.constant 1 : i32
        %parallel_loop3A_953 = arith.index_cast %parallel_loop3A_950 : i32 to index
        %parallel_loop3A_954 = arith.index_cast %parallel_loop3A_951 : i32 to index
        %parallel_loop3A_955 = arith.index_cast %parallel_loop3A_679 : i32 to index
        %parallel_loop3A_956 = arith.index_cast %parallel_loop3A_681 : i32 to index
        %parallel_loop3A_957 = arith.index_cast %parallel_loop3A_952 : i32 to index
        %parallel_loop3A_958 = arith.constant 16 : index
        %parallel_loop3A_959 = tpu.vector_load %arg13[%parallel_loop3A_953, %parallel_loop3A_954, %parallel_loop3A_955, %parallel_loop3A_956, %parallel_loop3A_957, %parallel_loop3A_958] {strides = array<i32>} : memref<2x2x8x4x2x128xf32, #tpu.memory_space<vmem>>, vector<16xf32>,
        tpu.vector_store %arg13[%parallel_loop3A_953, %parallel_loop3A_954, %parallel_loop3A_955, %parallel_loop3A_956, %parallel_loop3A_957, %parallel_loop3A_958], %parallel_loop3A_949 {strides = array<i32>} : memref<2x2x8x4x2x128xf32, #tpu.memory_space<vmem>>, vector<16xf32>,
        %parallel_loop3A_960 = arith.constant 0 : i32
        %parallel_loop3A_961 = arith.index_cast %parallel_loop3A_960 : i32 to index
        %parallel_loop3A_962 = arith.index_cast %parallel_loop3A_681 : i32 to index
        %parallel_loop3A_963 = arith.index_cast %parallel_loop3A_679 : i32 to index
        %parallel_loop3A_964 = arith.constant 32 : index
        %parallel_loop3A_965 = tpu.vector_load %arg9[%parallel_loop3A_961, %parallel_loop3A_962, %parallel_loop3A_963, %parallel_loop3A_964] {strides = array<i32>} : memref<2x4x8x128xi32, #tpu.memory_space<vmem>>, vector<16xi32>,
        %parallel_loop3A_966 = arith.constant 0 : i32
        %parallel_loop3A_967 = arith.index_cast %parallel_loop3A_966 : i32 to index
        %parallel_loop3A_968 = arith.index_cast %parallel_loop3A_681 : i32 to index
        %parallel_loop3A_969 = arith.index_cast %parallel_loop3A_679 : i32 to index
        %parallel_loop3A_970 = arith.constant 32 : index
        %parallel_loop3A_971 = tpu.vector_load %arg10[%parallel_loop3A_967, %parallel_loop3A_968, %parallel_loop3A_969, %parallel_loop3A_970] {strides = array<i32>} : memref<2x4x8x128xi32, #tpu.memory_space<vmem>>, vector<16xi32>,
        %parallel_loop3A_972 = arith.constant 0 : i32
        %parallel_loop3A_973 = arith.index_cast %parallel_loop3A_972 : i32 to index
        %parallel_loop3A_974 = arith.index_cast %parallel_loop3A_681 : i32 to index
        %parallel_loop3A_975 = arith.index_cast %parallel_loop3A_679 : i32 to index
        %parallel_loop3A_976 = arith.constant 32 : index
        %parallel_loop3A_977 = tpu.vector_load %arg11[%parallel_loop3A_973, %parallel_loop3A_974, %parallel_loop3A_975, %parallel_loop3A_976] {strides = array<i32>} : memref<2x4x8x128xf32, #tpu.memory_space<vmem>>, vector<16xf32>,
        %parallel_loop3A_978 = arith.constant 0 : i32
        %parallel_loop3A_979 = arith.constant 0 : i32
        %parallel_loop3A_980 = arith.constant 0 : i32
        %parallel_loop3A_981 = arith.index_cast %parallel_loop3A_978 : i32 to index
        %parallel_loop3A_982 = arith.index_cast %parallel_loop3A_979 : i32 to index
        %parallel_loop3A_983 = arith.index_cast %parallel_loop3A_679 : i32 to index
        %parallel_loop3A_984 = arith.index_cast %parallel_loop3A_681 : i32 to index
        %parallel_loop3A_985 = arith.index_cast %parallel_loop3A_980 : i32 to index
        %parallel_loop3A_986 = arith.constant 32 : index
        %parallel_loop3A_987 = tpu.vector_load %arg12[%parallel_loop3A_981, %parallel_loop3A_982, %parallel_loop3A_983, %parallel_loop3A_984, %parallel_loop3A_985, %parallel_loop3A_986] {strides = array<i32>} : memref<2x2x8x4x2x128xf32, #tpu.memory_space<vmem>>, vector<16xf32>,
        %parallel_loop3A_988 = arith.constant 0 : i32
        %parallel_loop3A_989 = arith.constant 0 : i32
        %parallel_loop3A_990 = arith.constant 1 : i32
        %parallel_loop3A_991 = arith.index_cast %parallel_loop3A_988 : i32 to index
        %parallel_loop3A_992 = arith.index_cast %parallel_loop3A_989 : i32 to index
        %parallel_loop3A_993 = arith.index_cast %parallel_loop3A_679 : i32 to index
        %parallel_loop3A_994 = arith.index_cast %parallel_loop3A_681 : i32 to index
        %parallel_loop3A_995 = arith.index_cast %parallel_loop3A_990 : i32 to index
        %parallel_loop3A_996 = arith.constant 32 : index
        %parallel_loop3A_997 = tpu.vector_load %arg12[%parallel_loop3A_991, %parallel_loop3A_992, %parallel_loop3A_993, %parallel_loop3A_994, %parallel_loop3A_995, %parallel_loop3A_996] {strides = array<i32>} : memref<2x2x8x4x2x128xf32, #tpu.memory_space<vmem>>, vector<16xf32>,
        %parallel_loop3A_998 = arith.constant 0 : i32
        %parallel_loop3A_999 = arith.constant 1 : i32
        %parallel_loop3A_1000 = arith.constant 0 : i32
        %parallel_loop3A_1001 = arith.index_cast %parallel_loop3A_998 : i32 to index
        %parallel_loop3A_1002 = arith.index_cast %parallel_loop3A_999 : i32 to index
        %parallel_loop3A_1003 = arith.index_cast %parallel_loop3A_679 : i32 to index
        %parallel_loop3A_1004 = arith.index_cast %parallel_loop3A_681 : i32 to index
        %parallel_loop3A_1005 = arith.index_cast %parallel_loop3A_1000 : i32 to index
        %parallel_loop3A_1006 = arith.constant 32 : index
        %parallel_loop3A_1007 = tpu.vector_load %arg12[%parallel_loop3A_1001, %parallel_loop3A_1002, %parallel_loop3A_1003, %parallel_loop3A_1004, %parallel_loop3A_1005, %parallel_loop3A_1006] {strides = array<i32>} : memref<2x2x8x4x2x128xf32, #tpu.memory_space<vmem>>, vector<16xf32>,
        %parallel_loop3A_1008 = arith.constant 0 : i32
        %parallel_loop3A_1009 = arith.constant 1 : i32
        %parallel_loop3A_1010 = arith.constant 1 : i32
        %parallel_loop3A_1011 = arith.index_cast %parallel_loop3A_1008 : i32 to index
        %parallel_loop3A_1012 = arith.index_cast %parallel_loop3A_1009 : i32 to index
        %parallel_loop3A_1013 = arith.index_cast %parallel_loop3A_679 : i32 to index
        %parallel_loop3A_1014 = arith.index_cast %parallel_loop3A_681 : i32 to index
        %parallel_loop3A_1015 = arith.index_cast %parallel_loop3A_1010 : i32 to index
        %parallel_loop3A_1016 = arith.constant 32 : index
        %parallel_loop3A_1017 = tpu.vector_load %arg12[%parallel_loop3A_1011, %parallel_loop3A_1012, %parallel_loop3A_1013, %parallel_loop3A_1014, %parallel_loop3A_1015, %parallel_loop3A_1016] {strides = array<i32>} : memref<2x2x8x4x2x128xf32, #tpu.memory_space<vmem>>, vector<16xf32>,
        %parallel_loop3A_1018 = arith.constant 0 : i32
        %parallel_loop3A_1019 = vector.broadcast %parallel_loop3A_1018 : i32 to vector<16xi32>
        %parallel_loop3A_1020 = arith.cmpi eq, %parallel_loop3A_965, %parallel_loop3A_1019 : vector<16xi32>
        %parallel_loop3A_1021 = arith.constant 0 : i32
        %parallel_loop3A_1022 = vector.broadcast %parallel_loop3A_1021 : i32 to vector<16xi32>
        %parallel_loop3A_1023 = arith.cmpi eq, %parallel_loop3A_971, %parallel_loop3A_1022 : vector<16xi32>
        %parallel_loop3A_1024 = arith.maximumf %parallel_loop3A_987, %parallel_loop3A_997 : vector<16xf32>
        %parallel_loop3A_1025 = arith.maximumf %parallel_loop3A_1007, %parallel_loop3A_1017 : vector<16xf32>
        %parallel_loop3A_1026 = arith.select %parallel_loop3A_1023, %parallel_loop3A_1024, %parallel_loop3A_1025 : vector<16xi1>, vector<16xf32>
        %parallel_loop3A_1027 = arith.mulf %get3A_5, %parallel_loop3A_1026 : vector<16xf32>
        %parallel_loop3A_1028 = arith.addf %parallel_loop3A_977, %parallel_loop3A_1027 : vector<16xf32>
        %parallel_loop3A_1029 = arith.constant 0.000000e+00 : f32
        %parallel_loop3A_1030 = vector.broadcast %parallel_loop3A_1029 : f32 to vector<16xf32>
        %parallel_loop3A_1031 = arith.andi %parallel_loop3A_1020, %parallel_loop3A_1023 : vector<16xi1>
        %parallel_loop3A_1032 = arith.select %parallel_loop3A_1031, %get3A_3, %parallel_loop3A_1030 : vector<16xi1>, vector<16xf32>
        %parallel_loop3A_1033 = arith.constant dense<true> : vector<16xi1>
        %parallel_loop3A_1034 = arith.xori %parallel_loop3A_1023, %parallel_loop3A_1033 : vector<16xi1>
        %parallel_loop3A_1035 = arith.andi %parallel_loop3A_1020, %parallel_loop3A_1034 : vector<16xi1>
        %parallel_loop3A_1036 = arith.select %parallel_loop3A_1035, %get3A_3, %parallel_loop3A_1030 : vector<16xi1>, vector<16xf32>
        %parallel_loop3A_1037 = arith.constant dense<true> : vector<16xi1>
        %parallel_loop3A_1038 = arith.xori %parallel_loop3A_1020, %parallel_loop3A_1037 : vector<16xi1>
        %parallel_loop3A_1039 = arith.andi %parallel_loop3A_1038, %parallel_loop3A_1023 : vector<16xi1>
        %parallel_loop3A_1040 = arith.select %parallel_loop3A_1039, %get3A_3, %parallel_loop3A_1030 : vector<16xi1>, vector<16xf32>
        %parallel_loop3A_1041 = arith.constant dense<true> : vector<16xi1>
        %parallel_loop3A_1042 = arith.xori %parallel_loop3A_1020, %parallel_loop3A_1041 : vector<16xi1>
        %parallel_loop3A_1043 = arith.constant dense<true> : vector<16xi1>
        %parallel_loop3A_1044 = arith.xori %parallel_loop3A_1023, %parallel_loop3A_1043 : vector<16xi1>
        %parallel_loop3A_1045 = arith.andi %parallel_loop3A_1042, %parallel_loop3A_1044 : vector<16xi1>
        %parallel_loop3A_1046 = arith.select %parallel_loop3A_1045, %get3A_3, %parallel_loop3A_1030 : vector<16xi1>, vector<16xf32>
        %parallel_loop3A_1047 = arith.subf %parallel_loop3A_1028, %parallel_loop3A_987 : vector<16xf32>
        %parallel_loop3A_1048 = arith.mulf %parallel_loop3A_1032, %parallel_loop3A_1047 : vector<16xf32>
        %parallel_loop3A_1049 = arith.addf %parallel_loop3A_987, %parallel_loop3A_1048 : vector<16xf32>
        %parallel_loop3A_1050 = arith.constant 0 : i32
        %parallel_loop3A_1051 = arith.constant 0 : i32
        %parallel_loop3A_1052 = arith.constant 0 : i32
        %parallel_loop3A_1053 = arith.index_cast %parallel_loop3A_1050 : i32 to index
        %parallel_loop3A_1054 = arith.index_cast %parallel_loop3A_1051 : i32 to index
        %parallel_loop3A_1055 = arith.index_cast %parallel_loop3A_679 : i32 to index
        %parallel_loop3A_1056 = arith.index_cast %parallel_loop3A_681 : i32 to index
        %parallel_loop3A_1057 = arith.index_cast %parallel_loop3A_1052 : i32 to index
        %parallel_loop3A_1058 = arith.constant 32 : index
        %parallel_loop3A_1059 = tpu.vector_load %arg13[%parallel_loop3A_1053, %parallel_loop3A_1054, %parallel_loop3A_1055, %parallel_loop3A_1056, %parallel_loop3A_1057, %parallel_loop3A_1058] {strides = array<i32>} : memref<2x2x8x4x2x128xf32, #tpu.memory_space<vmem>>, vector<16xf32>,
        tpu.vector_store %arg13[%parallel_loop3A_1053, %parallel_loop3A_1054, %parallel_loop3A_1055, %parallel_loop3A_1056, %parallel_loop3A_1057, %parallel_loop3A_1058], %parallel_loop3A_1049 {strides = array<i32>} : memref<2x2x8x4x2x128xf32, #tpu.memory_space<vmem>>, vector<16xf32>,
        %parallel_loop3A_1060 = arith.subf %parallel_loop3A_1028, %parallel_loop3A_997 : vector<16xf32>
        %parallel_loop3A_1061 = arith.mulf %parallel_loop3A_1036, %parallel_loop3A_1060 : vector<16xf32>
        %parallel_loop3A_1062 = arith.addf %parallel_loop3A_997, %parallel_loop3A_1061 : vector<16xf32>
        %parallel_loop3A_1063 = arith.constant 0 : i32
        %parallel_loop3A_1064 = arith.constant 0 : i32
        %parallel_loop3A_1065 = arith.constant 1 : i32
        %parallel_loop3A_1066 = arith.index_cast %parallel_loop3A_1063 : i32 to index
        %parallel_loop3A_1067 = arith.index_cast %parallel_loop3A_1064 : i32 to index
        %parallel_loop3A_1068 = arith.index_cast %parallel_loop3A_679 : i32 to index
        %parallel_loop3A_1069 = arith.index_cast %parallel_loop3A_681 : i32 to index
        %parallel_loop3A_1070 = arith.index_cast %parallel_loop3A_1065 : i32 to index
        %parallel_loop3A_1071 = arith.constant 32 : index
        %parallel_loop3A_1072 = tpu.vector_load %arg13[%parallel_loop3A_1066, %parallel_loop3A_1067, %parallel_loop3A_1068, %parallel_loop3A_1069, %parallel_loop3A_1070, %parallel_loop3A_1071] {strides = array<i32>} : memref<2x2x8x4x2x128xf32, #tpu.memory_space<vmem>>, vector<16xf32>,
        tpu.vector_store %arg13[%parallel_loop3A_1066, %parallel_loop3A_1067, %parallel_loop3A_1068, %parallel_loop3A_1069, %parallel_loop3A_1070, %parallel_loop3A_1071], %parallel_loop3A_1062 {strides = array<i32>} : memref<2x2x8x4x2x128xf32, #tpu.memory_space<vmem>>, vector<16xf32>,
        %parallel_loop3A_1073 = arith.subf %parallel_loop3A_1028, %parallel_loop3A_1007 : vector<16xf32>
        %parallel_loop3A_1074 = arith.mulf %parallel_loop3A_1040, %parallel_loop3A_1073 : vector<16xf32>
        %parallel_loop3A_1075 = arith.addf %parallel_loop3A_1007, %parallel_loop3A_1074 : vector<16xf32>
        %parallel_loop3A_1076 = arith.constant 0 : i32
        %parallel_loop3A_1077 = arith.constant 1 : i32
        %parallel_loop3A_1078 = arith.constant 0 : i32
        %parallel_loop3A_1079 = arith.index_cast %parallel_loop3A_1076 : i32 to index
        %parallel_loop3A_1080 = arith.index_cast %parallel_loop3A_1077 : i32 to index
        %parallel_loop3A_1081 = arith.index_cast %parallel_loop3A_679 : i32 to index
        %parallel_loop3A_1082 = arith.index_cast %parallel_loop3A_681 : i32 to index
        %parallel_loop3A_1083 = arith.index_cast %parallel_loop3A_1078 : i32 to index
        %parallel_loop3A_1084 = arith.constant 32 : index
        %parallel_loop3A_1085 = tpu.vector_load %arg13[%parallel_loop3A_1079, %parallel_loop3A_1080, %parallel_loop3A_1081, %parallel_loop3A_1082, %parallel_loop3A_1083, %parallel_loop3A_1084] {strides = array<i32>} : memref<2x2x8x4x2x128xf32, #tpu.memory_space<vmem>>, vector<16xf32>,
        tpu.vector_store %arg13[%parallel_loop3A_1079, %parallel_loop3A_1080, %parallel_loop3A_1081, %parallel_loop3A_1082, %parallel_loop3A_1083, %parallel_loop3A_1084], %parallel_loop3A_1075 {strides = array<i32>} : memref<2x2x8x4x2x128xf32, #tpu.memory_space<vmem>>, vector<16xf32>,
        %parallel_loop3A_1086 = arith.subf %parallel_loop3A_1028, %parallel_loop3A_1017 : vector<16xf32>
        %parallel_loop3A_1087 = arith.mulf %parallel_loop3A_1046, %parallel_loop3A_1086 : vector<16xf32>
        %parallel_loop3A_1088 = arith.addf %parallel_loop3A_1017, %parallel_loop3A_1087 : vector<16xf32>
        %parallel_loop3A_1089 = arith.constant 0 : i32
        %parallel_loop3A_1090 = arith.constant 1 : i32
        %parallel_loop3A_1091 = arith.constant 1 : i32
        %parallel_loop3A_1092 = arith.index_cast %parallel_loop3A_1089 : i32 to index
        %parallel_loop3A_1093 = arith.index_cast %parallel_loop3A_1090 : i32 to index
        %parallel_loop3A_1094 = arith.index_cast %parallel_loop3A_679 : i32 to index
        %parallel_loop3A_1095 = arith.index_cast %parallel_loop3A_681 : i32 to index
        %parallel_loop3A_1096 = arith.index_cast %parallel_loop3A_1091 : i32 to index
        %parallel_loop3A_1097 = arith.constant 32 : index
        %parallel_loop3A_1098 = tpu.vector_load %arg13[%parallel_loop3A_1092, %parallel_loop3A_1093, %parallel_loop3A_1094, %parallel_loop3A_1095, %parallel_loop3A_1096, %parallel_loop3A_1097] {strides = array<i32>} : memref<2x2x8x4x2x128xf32, #tpu.memory_space<vmem>>, vector<16xf32>,
        tpu.vector_store %arg13[%parallel_loop3A_1092, %parallel_loop3A_1093, %parallel_loop3A_1094, %parallel_loop3A_1095, %parallel_loop3A_1096, %parallel_loop3A_1097], %parallel_loop3A_1088 {strides = array<i32>} : memref<2x2x8x4x2x128xf32, #tpu.memory_space<vmem>>, vector<16xf32>,
        %parallel_loop3A_1099 = arith.constant 0 : i32
        %parallel_loop3A_1100 = arith.index_cast %parallel_loop3A_1099 : i32 to index
        %parallel_loop3A_1101 = arith.index_cast %parallel_loop3A_681 : i32 to index
        %parallel_loop3A_1102 = arith.index_cast %parallel_loop3A_679 : i32 to index
        %parallel_loop3A_1103 = arith.constant 48 : index
        %parallel_loop3A_1104 = tpu.vector_load %arg9[%parallel_loop3A_1100, %parallel_loop3A_1101, %parallel_loop3A_1102, %parallel_loop3A_1103] {strides = array<i32>} : memref<2x4x8x128xi32, #tpu.memory_space<vmem>>, vector<16xi32>,
        %parallel_loop3A_1105 = arith.constant 0 : i32
        %parallel_loop3A_1106 = arith.index_cast %parallel_loop3A_1105 : i32 to index
        %parallel_loop3A_1107 = arith.index_cast %parallel_loop3A_681 : i32 to index
        %parallel_loop3A_1108 = arith.index_cast %parallel_loop3A_679 : i32 to index
        %parallel_loop3A_1109 = arith.constant 48 : index
        %parallel_loop3A_1110 = tpu.vector_load %arg10[%parallel_loop3A_1106, %parallel_loop3A_1107, %parallel_loop3A_1108, %parallel_loop3A_1109] {strides = array<i32>} : memref<2x4x8x128xi32, #tpu.memory_space<vmem>>, vector<16xi32>,
        %parallel_loop3A_1111 = arith.constant 0 : i32
        %parallel_loop3A_1112 = arith.index_cast %parallel_loop3A_1111 : i32 to index
        %parallel_loop3A_1113 = arith.index_cast %parallel_loop3A_681 : i32 to index
        %parallel_loop3A_1114 = arith.index_cast %parallel_loop3A_679 : i32 to index
        %parallel_loop3A_1115 = arith.constant 48 : index
        %parallel_loop3A_1116 = tpu.vector_load %arg11[%parallel_loop3A_1112, %parallel_loop3A_1113, %parallel_loop3A_1114, %parallel_loop3A_1115] {strides = array<i32>} : memref<2x4x8x128xf32, #tpu.memory_space<vmem>>, vector<16xf32>,
        %parallel_loop3A_1117 = arith.constant 0 : i32
        %parallel_loop3A_1118 = arith.constant 0 : i32
        %parallel_loop3A_1119 = arith.constant 0 : i32
        %parallel_loop3A_1120 = arith.index_cast %parallel_loop3A_1117 : i32 to index
        %parallel_loop3A_1121 = arith.index_cast %parallel_loop3A_1118 : i32 to index
        %parallel_loop3A_1122 = arith.index_cast %parallel_loop3A_679 : i32 to index
        %parallel_loop3A_1123 = arith.index_cast %parallel_loop3A_681 : i32 to index
        %parallel_loop3A_1124 = arith.index_cast %parallel_loop3A_1119 : i32 to index
        %parallel_loop3A_1125 = arith.constant 48 : index
        %parallel_loop3A_1126 = tpu.vector_load %arg12[%parallel_loop3A_1120, %parallel_loop3A_1121, %parallel_loop3A_1122, %parallel_loop3A_1123, %parallel_loop3A_1124, %parallel_loop3A_1125] {strides = array<i32>} : memref<2x2x8x4x2x128xf32, #tpu.memory_space<vmem>>, vector<16xf32>,
        %parallel_loop3A_1127 = arith.constant 0 : i32
        %parallel_loop3A_1128 = arith.constant 0 : i32
        %parallel_loop3A_1129 = arith.constant 1 : i32
        %parallel_loop3A_1130 = arith.index_cast %parallel_loop3A_1127 : i32 to index
        %parallel_loop3A_1131 = arith.index_cast %parallel_loop3A_1128 : i32 to index
        %parallel_loop3A_1132 = arith.index_cast %parallel_loop3A_679 : i32 to index
        %parallel_loop3A_1133 = arith.index_cast %parallel_loop3A_681 : i32 to index
        %parallel_loop3A_1134 = arith.index_cast %parallel_loop3A_1129 : i32 to index
        %parallel_loop3A_1135 = arith.constant 48 : index
        %parallel_loop3A_1136 = tpu.vector_load %arg12[%parallel_loop3A_1130, %parallel_loop3A_1131, %parallel_loop3A_1132, %parallel_loop3A_1133, %parallel_loop3A_1134, %parallel_loop3A_1135] {strides = array<i32>} : memref<2x2x8x4x2x128xf32, #tpu.memory_space<vmem>>, vector<16xf32>,
        %parallel_loop3A_1137 = arith.constant 0 : i32
        %parallel_loop3A_1138 = arith.constant 1 : i32
        %parallel_loop3A_1139 = arith.constant 0 : i32
        %parallel_loop3A_1140 = arith.index_cast %parallel_loop3A_1137 : i32 to index
        %parallel_loop3A_1141 = arith.index_cast %parallel_loop3A_1138 : i32 to index
        %parallel_loop3A_1142 = arith.index_cast %parallel_loop3A_679 : i32 to index
        %parallel_loop3A_1143 = arith.index_cast %parallel_loop3A_681 : i32 to index
        %parallel_loop3A_1144 = arith.index_cast %parallel_loop3A_1139 : i32 to index
        %parallel_loop3A_1145 = arith.constant 48 : index
        %parallel_loop3A_1146 = tpu.vector_load %arg12[%parallel_loop3A_1140, %parallel_loop3A_1141, %parallel_loop3A_1142, %parallel_loop3A_1143, %parallel_loop3A_1144, %parallel_loop3A_1145] {strides = array<i32>} : memref<2x2x8x4x2x128xf32, #tpu.memory_space<vmem>>, vector<16xf32>,
        %parallel_loop3A_1147 = arith.constant 0 : i32
        %parallel_loop3A_1148 = arith.constant 1 : i32
        %parallel_loop3A_1149 = arith.constant 1 : i32
        %parallel_loop3A_1150 = arith.index_cast %parallel_loop3A_1147 : i32 to index
        %parallel_loop3A_1151 = arith.index_cast %parallel_loop3A_1148 : i32 to index
        %parallel_loop3A_1152 = arith.index_cast %parallel_loop3A_679 : i32 to index
        %parallel_loop3A_1153 = arith.index_cast %parallel_loop3A_681 : i32 to index
        %parallel_loop3A_1154 = arith.index_cast %parallel_loop3A_1149 : i32 to index
        %parallel_loop3A_1155 = arith.constant 48 : index
        %parallel_loop3A_1156 = tpu.vector_load %arg12[%parallel_loop3A_1150, %parallel_loop3A_1151, %parallel_loop3A_1152, %parallel_loop3A_1153, %parallel_loop3A_1154, %parallel_loop3A_1155] {strides = array<i32>} : memref<2x2x8x4x2x128xf32, #tpu.memory_space<vmem>>, vector<16xf32>,
        %parallel_loop3A_1157 = arith.constant 0 : i32
        %parallel_loop3A_1158 = vector.broadcast %parallel_loop3A_1157 : i32 to vector<16xi32>
        %parallel_loop3A_1159 = arith.cmpi eq, %parallel_loop3A_1104, %parallel_loop3A_1158 : vector<16xi32>
        %parallel_loop3A_1160 = arith.constant 0 : i32
        %parallel_loop3A_1161 = vector.broadcast %parallel_loop3A_1160 : i32 to vector<16xi32>
        %parallel_loop3A_1162 = arith.cmpi eq, %parallel_loop3A_1110, %parallel_loop3A_1161 : vector<16xi32>
        %parallel_loop3A_1163 = arith.maximumf %parallel_loop3A_1126, %parallel_loop3A_1136 : vector<16xf32>
        %parallel_loop3A_1164 = arith.maximumf %parallel_loop3A_1146, %parallel_loop3A_1156 : vector<16xf32>
        %parallel_loop3A_1165 = arith.select %parallel_loop3A_1162, %parallel_loop3A_1163, %parallel_loop3A_1164 : vector<16xi1>, vector<16xf32>
        %parallel_loop3A_1166 = arith.mulf %get3A_5, %parallel_loop3A_1165 : vector<16xf32>
        %parallel_loop3A_1167 = arith.addf %parallel_loop3A_1116, %parallel_loop3A_1166 : vector<16xf32>
        %parallel_loop3A_1168 = arith.constant 0.000000e+00 : f32
        %parallel_loop3A_1169 = vector.broadcast %parallel_loop3A_1168 : f32 to vector<16xf32>
        %parallel_loop3A_1170 = arith.andi %parallel_loop3A_1159, %parallel_loop3A_1162 : vector<16xi1>
        %parallel_loop3A_1171 = arith.select %parallel_loop3A_1170, %get3A_3, %parallel_loop3A_1169 : vector<16xi1>, vector<16xf32>
        %parallel_loop3A_1172 = arith.constant dense<true> : vector<16xi1>
        %parallel_loop3A_1173 = arith.xori %parallel_loop3A_1162, %parallel_loop3A_1172 : vector<16xi1>
        %parallel_loop3A_1174 = arith.andi %parallel_loop3A_1159, %parallel_loop3A_1173 : vector<16xi1>
        %parallel_loop3A_1175 = arith.select %parallel_loop3A_1174, %get3A_3, %parallel_loop3A_1169 : vector<16xi1>, vector<16xf32>
        %parallel_loop3A_1176 = arith.constant dense<true> : vector<16xi1>
        %parallel_loop3A_1177 = arith.xori %parallel_loop3A_1159, %parallel_loop3A_1176 : vector<16xi1>
        %parallel_loop3A_1178 = arith.andi %parallel_loop3A_1177, %parallel_loop3A_1162 : vector<16xi1>
        %parallel_loop3A_1179 = arith.select %parallel_loop3A_1178, %get3A_3, %parallel_loop3A_1169 : vector<16xi1>, vector<16xf32>
        %parallel_loop3A_1180 = arith.constant dense<true> : vector<16xi1>
        %parallel_loop3A_1181 = arith.xori %parallel_loop3A_1159, %parallel_loop3A_1180 : vector<16xi1>
        %parallel_loop3A_1182 = arith.constant dense<true> : vector<16xi1>
        %parallel_loop3A_1183 = arith.xori %parallel_loop3A_1162, %parallel_loop3A_1182 : vector<16xi1>
        %parallel_loop3A_1184 = arith.andi %parallel_loop3A_1181, %parallel_loop3A_1183 : vector<16xi1>
        %parallel_loop3A_1185 = arith.select %parallel_loop3A_1184, %get3A_3, %parallel_loop3A_1169 : vector<16xi1>, vector<16xf32>
        %parallel_loop3A_1186 = arith.subf %parallel_loop3A_1167, %parallel_loop3A_1126 : vector<16xf32>
        %parallel_loop3A_1187 = arith.mulf %parallel_loop3A_1171, %parallel_loop3A_1186 : vector<16xf32>
        %parallel_loop3A_1188 = arith.addf %parallel_loop3A_1126, %parallel_loop3A_1187 : vector<16xf32>
        %parallel_loop3A_1189 = arith.constant 0 : i32
        %parallel_loop3A_1190 = arith.constant 0 : i32
        %parallel_loop3A_1191 = arith.constant 0 : i32
        %parallel_loop3A_1192 = arith.index_cast %parallel_loop3A_1189 : i32 to index
        %parallel_loop3A_1193 = arith.index_cast %parallel_loop3A_1190 : i32 to index
        %parallel_loop3A_1194 = arith.index_cast %parallel_loop3A_679 : i32 to index
        %parallel_loop3A_1195 = arith.index_cast %parallel_loop3A_681 : i32 to index
        %parallel_loop3A_1196 = arith.index_cast %parallel_loop3A_1191 : i32 to index
        %parallel_loop3A_1197 = arith.constant 48 : index
        %parallel_loop3A_1198 = tpu.vector_load %arg13[%parallel_loop3A_1192, %parallel_loop3A_1193, %parallel_loop3A_1194, %parallel_loop3A_1195, %parallel_loop3A_1196, %parallel_loop3A_1197] {strides = array<i32>} : memref<2x2x8x4x2x128xf32, #tpu.memory_space<vmem>>, vector<16xf32>,
        tpu.vector_store %arg13[%parallel_loop3A_1192, %parallel_loop3A_1193, %parallel_loop3A_1194, %parallel_loop3A_1195, %parallel_loop3A_1196, %parallel_loop3A_1197], %parallel_loop3A_1188 {strides = array<i32>} : memref<2x2x8x4x2x128xf32, #tpu.memory_space<vmem>>, vector<16xf32>,
        %parallel_loop3A_1199 = arith.subf %parallel_loop3A_1167, %parallel_loop3A_1136 : vector<16xf32>
        %parallel_loop3A_1200 = arith.mulf %parallel_loop3A_1175, %parallel_loop3A_1199 : vector<16xf32>
        %parallel_loop3A_1201 = arith.addf %parallel_loop3A_1136, %parallel_loop3A_1200 : vector<16xf32>
        %parallel_loop3A_1202 = arith.constant 0 : i32
        %parallel_loop3A_1203 = arith.constant 0 : i32
        %parallel_loop3A_1204 = arith.constant 1 : i32
        %parallel_loop3A_1205 = arith.index_cast %parallel_loop3A_1202 : i32 to index
        %parallel_loop3A_1206 = arith.index_cast %parallel_loop3A_1203 : i32 to index
        %parallel_loop3A_1207 = arith.index_cast %parallel_loop3A_679 : i32 to index
        %parallel_loop3A_1208 = arith.index_cast %parallel_loop3A_681 : i32 to index
        %parallel_loop3A_1209 = arith.index_cast %parallel_loop3A_1204 : i32 to index
        %parallel_loop3A_1210 = arith.constant 48 : index
        %parallel_loop3A_1211 = tpu.vector_load %arg13[%parallel_loop3A_1205, %parallel_loop3A_1206, %parallel_loop3A_1207, %parallel_loop3A_1208, %parallel_loop3A_1209, %parallel_loop3A_1210] {strides = array<i32>} : memref<2x2x8x4x2x128xf32, #tpu.memory_space<vmem>>, vector<16xf32>,
        tpu.vector_store %arg13[%parallel_loop3A_1205, %parallel_loop3A_1206, %parallel_loop3A_1207, %parallel_loop3A_1208, %parallel_loop3A_1209, %parallel_loop3A_1210], %parallel_loop3A_1201 {strides = array<i32>} : memref<2x2x8x4x2x128xf32, #tpu.memory_space<vmem>>, vector<16xf32>,
        %parallel_loop3A_1212 = arith.subf %parallel_loop3A_1167, %parallel_loop3A_1146 : vector<16xf32>
        %parallel_loop3A_1213 = arith.mulf %parallel_loop3A_1179, %parallel_loop3A_1212 : vector<16xf32>
        %parallel_loop3A_1214 = arith.addf %parallel_loop3A_1146, %parallel_loop3A_1213 : vector<16xf32>
        %parallel_loop3A_1215 = arith.constant 0 : i32
        %parallel_loop3A_1216 = arith.constant 1 : i32
        %parallel_loop3A_1217 = arith.constant 0 : i32
        %parallel_loop3A_1218 = arith.index_cast %parallel_loop3A_1215 : i32 to index
        %parallel_loop3A_1219 = arith.index_cast %parallel_loop3A_1216 : i32 to index
        %parallel_loop3A_1220 = arith.index_cast %parallel_loop3A_679 : i32 to index
        %parallel_loop3A_1221 = arith.index_cast %parallel_loop3A_681 : i32 to index
        %parallel_loop3A_1222 = arith.index_cast %parallel_loop3A_1217 : i32 to index
        %parallel_loop3A_1223 = arith.constant 48 : index
        %parallel_loop3A_1224 = tpu.vector_load %arg13[%parallel_loop3A_1218, %parallel_loop3A_1219, %parallel_loop3A_1220, %parallel_loop3A_1221, %parallel_loop3A_1222, %parallel_loop3A_1223] {strides = array<i32>} : memref<2x2x8x4x2x128xf32, #tpu.memory_space<vmem>>, vector<16xf32>,
        tpu.vector_store %arg13[%parallel_loop3A_1218, %parallel_loop3A_1219, %parallel_loop3A_1220, %parallel_loop3A_1221, %parallel_loop3A_1222, %parallel_loop3A_1223], %parallel_loop3A_1214 {strides = array<i32>} : memref<2x2x8x4x2x128xf32, #tpu.memory_space<vmem>>, vector<16xf32>,
        %parallel_loop3A_1225 = arith.subf %parallel_loop3A_1167, %parallel_loop3A_1156 : vector<16xf32>
        %parallel_loop3A_1226 = arith.mulf %parallel_loop3A_1185, %parallel_loop3A_1225 : vector<16xf32>
        %parallel_loop3A_1227 = arith.addf %parallel_loop3A_1156, %parallel_loop3A_1226 : vector<16xf32>
        %parallel_loop3A_1228 = arith.constant 0 : i32
        %parallel_loop3A_1229 = arith.constant 1 : i32
        %parallel_loop3A_1230 = arith.constant 1 : i32
        %parallel_loop3A_1231 = arith.index_cast %parallel_loop3A_1228 : i32 to index
        %parallel_loop3A_1232 = arith.index_cast %parallel_loop3A_1229 : i32 to index
        %parallel_loop3A_1233 = arith.index_cast %parallel_loop3A_679 : i32 to index
        %parallel_loop3A_1234 = arith.index_cast %parallel_loop3A_681 : i32 to index
        %parallel_loop3A_1235 = arith.index_cast %parallel_loop3A_1230 : i32 to index
        %parallel_loop3A_1236 = arith.constant 48 : index
        %parallel_loop3A_1237 = tpu.vector_load %arg13[%parallel_loop3A_1231, %parallel_loop3A_1232, %parallel_loop3A_1233, %parallel_loop3A_1234, %parallel_loop3A_1235, %parallel_loop3A_1236] {strides = array<i32>} : memref<2x2x8x4x2x128xf32, #tpu.memory_space<vmem>>, vector<16xf32>,
        tpu.vector_store %arg13[%parallel_loop3A_1231, %parallel_loop3A_1232, %parallel_loop3A_1233, %parallel_loop3A_1234, %parallel_loop3A_1235, %parallel_loop3A_1236], %parallel_loop3A_1227 {strides = array<i32>} : memref<2x2x8x4x2x128xf32, #tpu.memory_space<vmem>>, vector<16xf32>,
        %parallel_loop3A_1238 = arith.constant 0 : i32
        %parallel_loop3A_1239 = arith.index_cast %parallel_loop3A_1238 : i32 to index
        %parallel_loop3A_1240 = arith.index_cast %parallel_loop3A_681 : i32 to index
        %parallel_loop3A_1241 = arith.index_cast %parallel_loop3A_679 : i32 to index
        %parallel_loop3A_1242 = arith.constant 64 : index
        %parallel_loop3A_1243 = tpu.vector_load %arg9[%parallel_loop3A_1239, %parallel_loop3A_1240, %parallel_loop3A_1241, %parallel_loop3A_1242] {strides = array<i32>} : memref<2x4x8x128xi32, #tpu.memory_space<vmem>>, vector<16xi32>,
        %parallel_loop3A_1244 = arith.constant 0 : i32
        %parallel_loop3A_1245 = arith.index_cast %parallel_loop3A_1244 : i32 to index
        %parallel_loop3A_1246 = arith.index_cast %parallel_loop3A_681 : i32 to index
        %parallel_loop3A_1247 = arith.index_cast %parallel_loop3A_679 : i32 to index
        %parallel_loop3A_1248 = arith.constant 64 : index
        %parallel_loop3A_1249 = tpu.vector_load %arg10[%parallel_loop3A_1245, %parallel_loop3A_1246, %parallel_loop3A_1247, %parallel_loop3A_1248] {strides = array<i32>} : memref<2x4x8x128xi32, #tpu.memory_space<vmem>>, vector<16xi32>,
        %parallel_loop3A_1250 = arith.constant 0 : i32
        %parallel_loop3A_1251 = arith.index_cast %parallel_loop3A_1250 : i32 to index
        %parallel_loop3A_1252 = arith.index_cast %parallel_loop3A_681 : i32 to index
        %parallel_loop3A_1253 = arith.index_cast %parallel_loop3A_679 : i32 to index
        %parallel_loop3A_1254 = arith.constant 64 : index
        %parallel_loop3A_1255 = tpu.vector_load %arg11[%parallel_loop3A_1251, %parallel_loop3A_1252, %parallel_loop3A_1253, %parallel_loop3A_1254] {strides = array<i32>} : memref<2x4x8x128xf32, #tpu.memory_space<vmem>>, vector<16xf32>,
        %parallel_loop3A_1256 = arith.constant 0 : i32
        %parallel_loop3A_1257 = arith.constant 0 : i32
        %parallel_loop3A_1258 = arith.constant 0 : i32
        %parallel_loop3A_1259 = arith.index_cast %parallel_loop3A_1256 : i32 to index
        %parallel_loop3A_1260 = arith.index_cast %parallel_loop3A_1257 : i32 to index
        %parallel_loop3A_1261 = arith.index_cast %parallel_loop3A_679 : i32 to index
        %parallel_loop3A_1262 = arith.index_cast %parallel_loop3A_681 : i32 to index
        %parallel_loop3A_1263 = arith.index_cast %parallel_loop3A_1258 : i32 to index
        %parallel_loop3A_1264 = arith.constant 64 : index
        %parallel_loop3A_1265 = tpu.vector_load %arg12[%parallel_loop3A_1259, %parallel_loop3A_1260, %parallel_loop3A_1261, %parallel_loop3A_1262, %parallel_loop3A_1263, %parallel_loop3A_1264] {strides = array<i32>} : memref<2x2x8x4x2x128xf32, #tpu.memory_space<vmem>>, vector<16xf32>,
        %parallel_loop3A_1266 = arith.constant 0 : i32
        %parallel_loop3A_1267 = arith.constant 0 : i32
        %parallel_loop3A_1268 = arith.constant 1 : i32
        %parallel_loop3A_1269 = arith.index_cast %parallel_loop3A_1266 : i32 to index
        %parallel_loop3A_1270 = arith.index_cast %parallel_loop3A_1267 : i32 to index
        %parallel_loop3A_1271 = arith.index_cast %parallel_loop3A_679 : i32 to index
        %parallel_loop3A_1272 = arith.index_cast %parallel_loop3A_681 : i32 to index
        %parallel_loop3A_1273 = arith.index_cast %parallel_loop3A_1268 : i32 to index
        %parallel_loop3A_1274 = arith.constant 64 : index
        %parallel_loop3A_1275 = tpu.vector_load %arg12[%parallel_loop3A_1269, %parallel_loop3A_1270, %parallel_loop3A_1271, %parallel_loop3A_1272, %parallel_loop3A_1273, %parallel_loop3A_1274] {strides = array<i32>} : memref<2x2x8x4x2x128xf32, #tpu.memory_space<vmem>>, vector<16xf32>,
        %parallel_loop3A_1276 = arith.constant 0 : i32
        %parallel_loop3A_1277 = arith.constant 1 : i32
        %parallel_loop3A_1278 = arith.constant 0 : i32
        %parallel_loop3A_1279 = arith.index_cast %parallel_loop3A_1276 : i32 to index
        %parallel_loop3A_1280 = arith.index_cast %parallel_loop3A_1277 : i32 to index
        %parallel_loop3A_1281 = arith.index_cast %parallel_loop3A_679 : i32 to index
        %parallel_loop3A_1282 = arith.index_cast %parallel_loop3A_681 : i32 to index
        %parallel_loop3A_1283 = arith.index_cast %parallel_loop3A_1278 : i32 to index
        %parallel_loop3A_1284 = arith.constant 64 : index
        %parallel_loop3A_1285 = tpu.vector_load %arg12[%parallel_loop3A_1279, %parallel_loop3A_1280, %parallel_loop3A_1281, %parallel_loop3A_1282, %parallel_loop3A_1283, %parallel_loop3A_1284] {strides = array<i32>} : memref<2x2x8x4x2x128xf32, #tpu.memory_space<vmem>>, vector<16xf32>,
        %parallel_loop3A_1286 = arith.constant 0 : i32
        %parallel_loop3A_1287 = arith.constant 1 : i32
        %parallel_loop3A_1288 = arith.constant 1 : i32
        %parallel_loop3A_1289 = arith.index_cast %parallel_loop3A_1286 : i32 to index
        %parallel_loop3A_1290 = arith.index_cast %parallel_loop3A_1287 : i32 to index
        %parallel_loop3A_1291 = arith.index_cast %parallel_loop3A_679 : i32 to index
        %parallel_loop3A_1292 = arith.index_cast %parallel_loop3A_681 : i32 to index
        %parallel_loop3A_1293 = arith.index_cast %parallel_loop3A_1288 : i32 to index
        %parallel_loop3A_1294 = arith.constant 64 : index
        %parallel_loop3A_1295 = tpu.vector_load %arg12[%parallel_loop3A_1289, %parallel_loop3A_1290, %parallel_loop3A_1291, %parallel_loop3A_1292, %parallel_loop3A_1293, %parallel_loop3A_1294] {strides = array<i32>} : memref<2x2x8x4x2x128xf32, #tpu.memory_space<vmem>>, vector<16xf32>,
        %parallel_loop3A_1296 = arith.constant 0 : i32
        %parallel_loop3A_1297 = vector.broadcast %parallel_loop3A_1296 : i32 to vector<16xi32>
        %parallel_loop3A_1298 = arith.cmpi eq, %parallel_loop3A_1243, %parallel_loop3A_1297 : vector<16xi32>
        %parallel_loop3A_1299 = arith.constant 0 : i32
        %parallel_loop3A_1300 = vector.broadcast %parallel_loop3A_1299 : i32 to vector<16xi32>
        %parallel_loop3A_1301 = arith.cmpi eq, %parallel_loop3A_1249, %parallel_loop3A_1300 : vector<16xi32>
        %parallel_loop3A_1302 = arith.maximumf %parallel_loop3A_1265, %parallel_loop3A_1275 : vector<16xf32>
        %parallel_loop3A_1303 = arith.maximumf %parallel_loop3A_1285, %parallel_loop3A_1295 : vector<16xf32>
        %parallel_loop3A_1304 = arith.select %parallel_loop3A_1301, %parallel_loop3A_1302, %parallel_loop3A_1303 : vector<16xi1>, vector<16xf32>
        %parallel_loop3A_1305 = arith.mulf %get3A_5, %parallel_loop3A_1304 : vector<16xf32>
        %parallel_loop3A_1306 = arith.addf %parallel_loop3A_1255, %parallel_loop3A_1305 : vector<16xf32>
        %parallel_loop3A_1307 = arith.constant 0.000000e+00 : f32
        %parallel_loop3A_1308 = vector.broadcast %parallel_loop3A_1307 : f32 to vector<16xf32>
        %parallel_loop3A_1309 = arith.andi %parallel_loop3A_1298, %parallel_loop3A_1301 : vector<16xi1>
        %parallel_loop3A_1310 = arith.select %parallel_loop3A_1309, %get3A_3, %parallel_loop3A_1308 : vector<16xi1>, vector<16xf32>
        %parallel_loop3A_1311 = arith.constant dense<true> : vector<16xi1>
        %parallel_loop3A_1312 = arith.xori %parallel_loop3A_1301, %parallel_loop3A_1311 : vector<16xi1>
        %parallel_loop3A_1313 = arith.andi %parallel_loop3A_1298, %parallel_loop3A_1312 : vector<16xi1>
        %parallel_loop3A_1314 = arith.select %parallel_loop3A_1313, %get3A_3, %parallel_loop3A_1308 : vector<16xi1>, vector<16xf32>
        %parallel_loop3A_1315 = arith.constant dense<true> : vector<16xi1>
        %parallel_loop3A_1316 = arith.xori %parallel_loop3A_1298, %parallel_loop3A_1315 : vector<16xi1>
        %parallel_loop3A_1317 = arith.andi %parallel_loop3A_1316, %parallel_loop3A_1301 : vector<16xi1>
        %parallel_loop3A_1318 = arith.select %parallel_loop3A_1317, %get3A_3, %parallel_loop3A_1308 : vector<16xi1>, vector<16xf32>
        %parallel_loop3A_1319 = arith.constant dense<true> : vector<16xi1>
        %parallel_loop3A_1320 = arith.xori %parallel_loop3A_1298, %parallel_loop3A_1319 : vector<16xi1>
        %parallel_loop3A_1321 = arith.constant dense<true> : vector<16xi1>
        %parallel_loop3A_1322 = arith.xori %parallel_loop3A_1301, %parallel_loop3A_1321 : vector<16xi1>
        %parallel_loop3A_1323 = arith.andi %parallel_loop3A_1320, %parallel_loop3A_1322 : vector<16xi1>
        %parallel_loop3A_1324 = arith.select %parallel_loop3A_1323, %get3A_3, %parallel_loop3A_1308 : vector<16xi1>, vector<16xf32>
        %parallel_loop3A_1325 = arith.subf %parallel_loop3A_1306, %parallel_loop3A_1265 : vector<16xf32>
        %parallel_loop3A_1326 = arith.mulf %parallel_loop3A_1310, %parallel_loop3A_1325 : vector<16xf32>
        %parallel_loop3A_1327 = arith.addf %parallel_loop3A_1265, %parallel_loop3A_1326 : vector<16xf32>
        %parallel_loop3A_1328 = arith.constant 0 : i32
        %parallel_loop3A_1329 = arith.constant 0 : i32
        %parallel_loop3A_1330 = arith.constant 0 : i32
        %parallel_loop3A_1331 = arith.index_cast %parallel_loop3A_1328 : i32 to index
        %parallel_loop3A_1332 = arith.index_cast %parallel_loop3A_1329 : i32 to index
        %parallel_loop3A_1333 = arith.index_cast %parallel_loop3A_679 : i32 to index
        %parallel_loop3A_1334 = arith.index_cast %parallel_loop3A_681 : i32 to index
        %parallel_loop3A_1335 = arith.index_cast %parallel_loop3A_1330 : i32 to index
        %parallel_loop3A_1336 = arith.constant 64 : index
        %parallel_loop3A_1337 = tpu.vector_load %arg13[%parallel_loop3A_1331, %parallel_loop3A_1332, %parallel_loop3A_1333, %parallel_loop3A_1334, %parallel_loop3A_1335, %parallel_loop3A_1336] {strides = array<i32>} : memref<2x2x8x4x2x128xf32, #tpu.memory_space<vmem>>, vector<16xf32>,
        tpu.vector_store %arg13[%parallel_loop3A_1331, %parallel_loop3A_1332, %parallel_loop3A_1333, %parallel_loop3A_1334, %parallel_loop3A_1335, %parallel_loop3A_1336], %parallel_loop3A_1327 {strides = array<i32>} : memref<2x2x8x4x2x128xf32, #tpu.memory_space<vmem>>, vector<16xf32>,
        %parallel_loop3A_1338 = arith.subf %parallel_loop3A_1306, %parallel_loop3A_1275 : vector<16xf32>
        %parallel_loop3A_1339 = arith.mulf %parallel_loop3A_1314, %parallel_loop3A_1338 : vector<16xf32>
        %parallel_loop3A_1340 = arith.addf %parallel_loop3A_1275, %parallel_loop3A_1339 : vector<16xf32>
        %parallel_loop3A_1341 = arith.constant 0 : i32
        %parallel_loop3A_1342 = arith.constant 0 : i32
        %parallel_loop3A_1343 = arith.constant 1 : i32
        %parallel_loop3A_1344 = arith.index_cast %parallel_loop3A_1341 : i32 to index
        %parallel_loop3A_1345 = arith.index_cast %parallel_loop3A_1342 : i32 to index
        %parallel_loop3A_1346 = arith.index_cast %parallel_loop3A_679 : i32 to index
        %parallel_loop3A_1347 = arith.index_cast %parallel_loop3A_681 : i32 to index
        %parallel_loop3A_1348 = arith.index_cast %parallel_loop3A_1343 : i32 to index
        %parallel_loop3A_1349 = arith.constant 64 : index
        %parallel_loop3A_1350 = tpu.vector_load %arg13[%parallel_loop3A_1344, %parallel_loop3A_1345, %parallel_loop3A_1346, %parallel_loop3A_1347, %parallel_loop3A_1348, %parallel_loop3A_1349] {strides = array<i32>} : memref<2x2x8x4x2x128xf32, #tpu.memory_space<vmem>>, vector<16xf32>,
        tpu.vector_store %arg13[%parallel_loop3A_1344, %parallel_loop3A_1345, %parallel_loop3A_1346, %parallel_loop3A_1347, %parallel_loop3A_1348, %parallel_loop3A_1349], %parallel_loop3A_1340 {strides = array<i32>} : memref<2x2x8x4x2x128xf32, #tpu.memory_space<vmem>>, vector<16xf32>,
        %parallel_loop3A_1351 = arith.subf %parallel_loop3A_1306, %parallel_loop3A_1285 : vector<16xf32>
        %parallel_loop3A_1352 = arith.mulf %parallel_loop3A_1318, %parallel_loop3A_1351 : vector<16xf32>
        %parallel_loop3A_1353 = arith.addf %parallel_loop3A_1285, %parallel_loop3A_1352 : vector<16xf32>
        %parallel_loop3A_1354 = arith.constant 0 : i32
        %parallel_loop3A_1355 = arith.constant 1 : i32
        %parallel_loop3A_1356 = arith.constant 0 : i32
        %parallel_loop3A_1357 = arith.index_cast %parallel_loop3A_1354 : i32 to index
        %parallel_loop3A_1358 = arith.index_cast %parallel_loop3A_1355 : i32 to index
        %parallel_loop3A_1359 = arith.index_cast %parallel_loop3A_679 : i32 to index
        %parallel_loop3A_1360 = arith.index_cast %parallel_loop3A_681 : i32 to index
        %parallel_loop3A_1361 = arith.index_cast %parallel_loop3A_1356 : i32 to index
        %parallel_loop3A_1362 = arith.constant 64 : index
        %parallel_loop3A_1363 = tpu.vector_load %arg13[%parallel_loop3A_1357, %parallel_loop3A_1358, %parallel_loop3A_1359, %parallel_loop3A_1360, %parallel_loop3A_1361, %parallel_loop3A_1362] {strides = array<i32>} : memref<2x2x8x4x2x128xf32, #tpu.memory_space<vmem>>, vector<16xf32>,
        tpu.vector_store %arg13[%parallel_loop3A_1357, %parallel_loop3A_1358, %parallel_loop3A_1359, %parallel_loop3A_1360, %parallel_loop3A_1361, %parallel_loop3A_1362], %parallel_loop3A_1353 {strides = array<i32>} : memref<2x2x8x4x2x128xf32, #tpu.memory_space<vmem>>, vector<16xf32>,
        %parallel_loop3A_1364 = arith.subf %parallel_loop3A_1306, %parallel_loop3A_1295 : vector<16xf32>
        %parallel_loop3A_1365 = arith.mulf %parallel_loop3A_1324, %parallel_loop3A_1364 : vector<16xf32>
        %parallel_loop3A_1366 = arith.addf %parallel_loop3A_1295, %parallel_loop3A_1365 : vector<16xf32>
        %parallel_loop3A_1367 = arith.constant 0 : i32
        %parallel_loop3A_1368 = arith.constant 1 : i32
        %parallel_loop3A_1369 = arith.constant 1 : i32
        %parallel_loop3A_1370 = arith.index_cast %parallel_loop3A_1367 : i32 to index
        %parallel_loop3A_1371 = arith.index_cast %parallel_loop3A_1368 : i32 to index
        %parallel_loop3A_1372 = arith.index_cast %parallel_loop3A_679 : i32 to index
        %parallel_loop3A_1373 = arith.index_cast %parallel_loop3A_681 : i32 to index
        %parallel_loop3A_1374 = arith.index_cast %parallel_loop3A_1369 : i32 to index
        %parallel_loop3A_1375 = arith.constant 64 : index
        %parallel_loop3A_1376 = tpu.vector_load %arg13[%parallel_loop3A_1370, %parallel_loop3A_1371, %parallel_loop3A_1372, %parallel_loop3A_1373, %parallel_loop3A_1374, %parallel_loop3A_1375] {strides = array<i32>} : memref<2x2x8x4x2x128xf32, #tpu.memory_space<vmem>>, vector<16xf32>,
        tpu.vector_store %arg13[%parallel_loop3A_1370, %parallel_loop3A_1371, %parallel_loop3A_1372, %parallel_loop3A_1373, %parallel_loop3A_1374, %parallel_loop3A_1375], %parallel_loop3A_1366 {strides = array<i32>} : memref<2x2x8x4x2x128xf32, #tpu.memory_space<vmem>>, vector<16xf32>,
        %parallel_loop3A_1377 = arith.constant 0 : i32
        %parallel_loop3A_1378 = arith.index_cast %parallel_loop3A_1377 : i32 to index
        %parallel_loop3A_1379 = arith.index_cast %parallel_loop3A_681 : i32 to index
        %parallel_loop3A_1380 = arith.index_cast %parallel_loop3A_679 : i32 to index
        %parallel_loop3A_1381 = arith.constant 80 : index
        %parallel_loop3A_1382 = tpu.vector_load %arg9[%parallel_loop3A_1378, %parallel_loop3A_1379, %parallel_loop3A_1380, %parallel_loop3A_1381] {strides = array<i32>} : memref<2x4x8x128xi32, #tpu.memory_space<vmem>>, vector<16xi32>,
        %parallel_loop3A_1383 = arith.constant 0 : i32
        %parallel_loop3A_1384 = arith.index_cast %parallel_loop3A_1383 : i32 to index
        %parallel_loop3A_1385 = arith.index_cast %parallel_loop3A_681 : i32 to index
        %parallel_loop3A_1386 = arith.index_cast %parallel_loop3A_679 : i32 to index
        %parallel_loop3A_1387 = arith.constant 80 : index
        %parallel_loop3A_1388 = tpu.vector_load %arg10[%parallel_loop3A_1384, %parallel_loop3A_1385, %parallel_loop3A_1386, %parallel_loop3A_1387] {strides = array<i32>} : memref<2x4x8x128xi32, #tpu.memory_space<vmem>>, vector<16xi32>,
        %parallel_loop3A_1389 = arith.constant 0 : i32
        %parallel_loop3A_1390 = arith.index_cast %parallel_loop3A_1389 : i32 to index
        %parallel_loop3A_1391 = arith.index_cast %parallel_loop3A_681 : i32 to index
        %parallel_loop3A_1392 = arith.index_cast %parallel_loop3A_679 : i32 to index
        %parallel_loop3A_1393 = arith.constant 80 : index
        %parallel_loop3A_1394 = tpu.vector_load %arg11[%parallel_loop3A_1390, %parallel_loop3A_1391, %parallel_loop3A_1392, %parallel_loop3A_1393] {strides = array<i32>} : memref<2x4x8x128xf32, #tpu.memory_space<vmem>>, vector<16xf32>,
        %parallel_loop3A_1395 = arith.constant 0 : i32
        %parallel_loop3A_1396 = arith.constant 0 : i32
        %parallel_loop3A_1397 = arith.constant 0 : i32
        %parallel_loop3A_1398 = arith.index_cast %parallel_loop3A_1395 : i32 to index
        %parallel_loop3A_1399 = arith.index_cast %parallel_loop3A_1396 : i32 to index
        %parallel_loop3A_1400 = arith.index_cast %parallel_loop3A_679 : i32 to index
        %parallel_loop3A_1401 = arith.index_cast %parallel_loop3A_681 : i32 to index
        %parallel_loop3A_1402 = arith.index_cast %parallel_loop3A_1397 : i32 to index
        %parallel_loop3A_1403 = arith.constant 80 : index
        %parallel_loop3A_1404 = tpu.vector_load %arg12[%parallel_loop3A_1398, %parallel_loop3A_1399, %parallel_loop3A_1400, %parallel_loop3A_1401, %parallel_loop3A_1402, %parallel_loop3A_1403] {strides = array<i32>} : memref<2x2x8x4x2x128xf32, #tpu.memory_space<vmem>>, vector<16xf32>,
        %parallel_loop3A_1405 = arith.constant 0 : i32
        %parallel_loop3A_1406 = arith.constant 0 : i32
        %parallel_loop3A_1407 = arith.constant 1 : i32
        %parallel_loop3A_1408 = arith.index_cast %parallel_loop3A_1405 : i32 to index
        %parallel_loop3A_1409 = arith.index_cast %parallel_loop3A_1406 : i32 to index
        %parallel_loop3A_1410 = arith.index_cast %parallel_loop3A_679 : i32 to index
        %parallel_loop3A_1411 = arith.index_cast %parallel_loop3A_681 : i32 to index
        %parallel_loop3A_1412 = arith.index_cast %parallel_loop3A_1407 : i32 to index
        %parallel_loop3A_1413 = arith.constant 80 : index
        %parallel_loop3A_1414 = tpu.vector_load %arg12[%parallel_loop3A_1408, %parallel_loop3A_1409, %parallel_loop3A_1410, %parallel_loop3A_1411, %parallel_loop3A_1412, %parallel_loop3A_1413] {strides = array<i32>} : memref<2x2x8x4x2x128xf32, #tpu.memory_space<vmem>>, vector<16xf32>,
        %parallel_loop3A_1415 = arith.constant 0 : i32
        %parallel_loop3A_1416 = arith.constant 1 : i32
        %parallel_loop3A_1417 = arith.constant 0 : i32
        %parallel_loop3A_1418 = arith.index_cast %parallel_loop3A_1415 : i32 to index
        %parallel_loop3A_1419 = arith.index_cast %parallel_loop3A_1416 : i32 to index
        %parallel_loop3A_1420 = arith.index_cast %parallel_loop3A_679 : i32 to index
        %parallel_loop3A_1421 = arith.index_cast %parallel_loop3A_681 : i32 to index
        %parallel_loop3A_1422 = arith.index_cast %parallel_loop3A_1417 : i32 to index
        %parallel_loop3A_1423 = arith.constant 80 : index
        %parallel_loop3A_1424 = tpu.vector_load %arg12[%parallel_loop3A_1418, %parallel_loop3A_1419, %parallel_loop3A_1420, %parallel_loop3A_1421, %parallel_loop3A_1422, %parallel_loop3A_1423] {strides = array<i32>} : memref<2x2x8x4x2x128xf32, #tpu.memory_space<vmem>>, vector<16xf32>,
        %parallel_loop3A_1425 = arith.constant 0 : i32
        %parallel_loop3A_1426 = arith.constant 1 : i32
        %parallel_loop3A_1427 = arith.constant 1 : i32
        %parallel_loop3A_1428 = arith.index_cast %parallel_loop3A_1425 : i32 to index
        %parallel_loop3A_1429 = arith.index_cast %parallel_loop3A_1426 : i32 to index
        %parallel_loop3A_1430 = arith.index_cast %parallel_loop3A_679 : i32 to index
        %parallel_loop3A_1431 = arith.index_cast %parallel_loop3A_681 : i32 to index
        %parallel_loop3A_1432 = arith.index_cast %parallel_loop3A_1427 : i32 to index
        %parallel_loop3A_1433 = arith.constant 80 : index
        %parallel_loop3A_1434 = tpu.vector_load %arg12[%parallel_loop3A_1428, %parallel_loop3A_1429, %parallel_loop3A_1430, %parallel_loop3A_1431, %parallel_loop3A_1432, %parallel_loop3A_1433] {strides = array<i32>} : memref<2x2x8x4x2x128xf32, #tpu.memory_space<vmem>>, vector<16xf32>,
        %parallel_loop3A_1435 = arith.constant 0 : i32
        %parallel_loop3A_1436 = vector.broadcast %parallel_loop3A_1435 : i32 to vector<16xi32>
        %parallel_loop3A_1437 = arith.cmpi eq, %parallel_loop3A_1382, %parallel_loop3A_1436 : vector<16xi32>
        %parallel_loop3A_1438 = arith.constant 0 : i32
        %parallel_loop3A_1439 = vector.broadcast %parallel_loop3A_1438 : i32 to vector<16xi32>
        %parallel_loop3A_1440 = arith.cmpi eq, %parallel_loop3A_1388, %parallel_loop3A_1439 : vector<16xi32>
        %parallel_loop3A_1441 = arith.maximumf %parallel_loop3A_1404, %parallel_loop3A_1414 : vector<16xf32>
        %parallel_loop3A_1442 = arith.maximumf %parallel_loop3A_1424, %parallel_loop3A_1434 : vector<16xf32>
        %parallel_loop3A_1443 = arith.select %parallel_loop3A_1440, %parallel_loop3A_1441, %parallel_loop3A_1442 : vector<16xi1>, vector<16xf32>
        %parallel_loop3A_1444 = arith.mulf %get3A_5, %parallel_loop3A_1443 : vector<16xf32>
        %parallel_loop3A_1445 = arith.addf %parallel_loop3A_1394, %parallel_loop3A_1444 : vector<16xf32>
        %parallel_loop3A_1446 = arith.constant 0.000000e+00 : f32
        %parallel_loop3A_1447 = vector.broadcast %parallel_loop3A_1446 : f32 to vector<16xf32>
        %parallel_loop3A_1448 = arith.andi %parallel_loop3A_1437, %parallel_loop3A_1440 : vector<16xi1>
        %parallel_loop3A_1449 = arith.select %parallel_loop3A_1448, %get3A_3, %parallel_loop3A_1447 : vector<16xi1>, vector<16xf32>
        %parallel_loop3A_1450 = arith.constant dense<true> : vector<16xi1>
        %parallel_loop3A_1451 = arith.xori %parallel_loop3A_1440, %parallel_loop3A_1450 : vector<16xi1>
        %parallel_loop3A_1452 = arith.andi %parallel_loop3A_1437, %parallel_loop3A_1451 : vector<16xi1>
        %parallel_loop3A_1453 = arith.select %parallel_loop3A_1452, %get3A_3, %parallel_loop3A_1447 : vector<16xi1>, vector<16xf32>
        %parallel_loop3A_1454 = arith.constant dense<true> : vector<16xi1>
        %parallel_loop3A_1455 = arith.xori %parallel_loop3A_1437, %parallel_loop3A_1454 : vector<16xi1>
        %parallel_loop3A_1456 = arith.andi %parallel_loop3A_1455, %parallel_loop3A_1440 : vector<16xi1>
        %parallel_loop3A_1457 = arith.select %parallel_loop3A_1456, %get3A_3, %parallel_loop3A_1447 : vector<16xi1>, vector<16xf32>
        %parallel_loop3A_1458 = arith.constant dense<true> : vector<16xi1>
        %parallel_loop3A_1459 = arith.xori %parallel_loop3A_1437, %parallel_loop3A_1458 : vector<16xi1>
        %parallel_loop3A_1460 = arith.constant dense<true> : vector<16xi1>
        %parallel_loop3A_1461 = arith.xori %parallel_loop3A_1440, %parallel_loop3A_1460 : vector<16xi1>
        %parallel_loop3A_1462 = arith.andi %parallel_loop3A_1459, %parallel_loop3A_1461 : vector<16xi1>
        %parallel_loop3A_1463 = arith.select %parallel_loop3A_1462, %get3A_3, %parallel_loop3A_1447 : vector<16xi1>, vector<16xf32>
        %parallel_loop3A_1464 = arith.subf %parallel_loop3A_1445, %parallel_loop3A_1404 : vector<16xf32>
        %parallel_loop3A_1465 = arith.mulf %parallel_loop3A_1449, %parallel_loop3A_1464 : vector<16xf32>
        %parallel_loop3A_1466 = arith.addf %parallel_loop3A_1404, %parallel_loop3A_1465 : vector<16xf32>
        %parallel_loop3A_1467 = arith.constant 0 : i32
        %parallel_loop3A_1468 = arith.constant 0 : i32
        %parallel_loop3A_1469 = arith.constant 0 : i32
        %parallel_loop3A_1470 = arith.index_cast %parallel_loop3A_1467 : i32 to index
        %parallel_loop3A_1471 = arith.index_cast %parallel_loop3A_1468 : i32 to index
        %parallel_loop3A_1472 = arith.index_cast %parallel_loop3A_679 : i32 to index
        %parallel_loop3A_1473 = arith.index_cast %parallel_loop3A_681 : i32 to index
        %parallel_loop3A_1474 = arith.index_cast %parallel_loop3A_1469 : i32 to index
        %parallel_loop3A_1475 = arith.constant 80 : index
        %parallel_loop3A_1476 = tpu.vector_load %arg13[%parallel_loop3A_1470, %parallel_loop3A_1471, %parallel_loop3A_1472, %parallel_loop3A_1473, %parallel_loop3A_1474, %parallel_loop3A_1475] {strides = array<i32>} : memref<2x2x8x4x2x128xf32, #tpu.memory_space<vmem>>, vector<16xf32>,
        tpu.vector_store %arg13[%parallel_loop3A_1470, %parallel_loop3A_1471, %parallel_loop3A_1472, %parallel_loop3A_1473, %parallel_loop3A_1474, %parallel_loop3A_1475], %parallel_loop3A_1466 {strides = array<i32>} : memref<2x2x8x4x2x128xf32, #tpu.memory_space<vmem>>, vector<16xf32>,
        %parallel_loop3A_1477 = arith.subf %parallel_loop3A_1445, %parallel_loop3A_1414 : vector<16xf32>
        %parallel_loop3A_1478 = arith.mulf %parallel_loop3A_1453, %parallel_loop3A_1477 : vector<16xf32>
        %parallel_loop3A_1479 = arith.addf %parallel_loop3A_1414, %parallel_loop3A_1478 : vector<16xf32>
        %parallel_loop3A_1480 = arith.constant 0 : i32
        %parallel_loop3A_1481 = arith.constant 0 : i32
        %parallel_loop3A_1482 = arith.constant 1 : i32
        %parallel_loop3A_1483 = arith.index_cast %parallel_loop3A_1480 : i32 to index
        %parallel_loop3A_1484 = arith.index_cast %parallel_loop3A_1481 : i32 to index
        %parallel_loop3A_1485 = arith.index_cast %parallel_loop3A_679 : i32 to index
        %parallel_loop3A_1486 = arith.index_cast %parallel_loop3A_681 : i32 to index
        %parallel_loop3A_1487 = arith.index_cast %parallel_loop3A_1482 : i32 to index
        %parallel_loop3A_1488 = arith.constant 80 : index
        %parallel_loop3A_1489 = tpu.vector_load %arg13[%parallel_loop3A_1483, %parallel_loop3A_1484, %parallel_loop3A_1485, %parallel_loop3A_1486, %parallel_loop3A_1487, %parallel_loop3A_1488] {strides = array<i32>} : memref<2x2x8x4x2x128xf32, #tpu.memory_space<vmem>>, vector<16xf32>,
        tpu.vector_store %arg13[%parallel_loop3A_1483, %parallel_loop3A_1484, %parallel_loop3A_1485, %parallel_loop3A_1486, %parallel_loop3A_1487, %parallel_loop3A_1488], %parallel_loop3A_1479 {strides = array<i32>} : memref<2x2x8x4x2x128xf32, #tpu.memory_space<vmem>>, vector<16xf32>,
        %parallel_loop3A_1490 = arith.subf %parallel_loop3A_1445, %parallel_loop3A_1424 : vector<16xf32>
        %parallel_loop3A_1491 = arith.mulf %parallel_loop3A_1457, %parallel_loop3A_1490 : vector<16xf32>
        %parallel_loop3A_1492 = arith.addf %parallel_loop3A_1424, %parallel_loop3A_1491 : vector<16xf32>
        %parallel_loop3A_1493 = arith.constant 0 : i32
        %parallel_loop3A_1494 = arith.constant 1 : i32
        %parallel_loop3A_1495 = arith.constant 0 : i32
        %parallel_loop3A_1496 = arith.index_cast %parallel_loop3A_1493 : i32 to index
        %parallel_loop3A_1497 = arith.index_cast %parallel_loop3A_1494 : i32 to index
        %parallel_loop3A_1498 = arith.index_cast %parallel_loop3A_679 : i32 to index
        %parallel_loop3A_1499 = arith.index_cast %parallel_loop3A_681 : i32 to index
        %parallel_loop3A_1500 = arith.index_cast %parallel_loop3A_1495 : i32 to index
        %parallel_loop3A_1501 = arith.constant 80 : index
        %parallel_loop3A_1502 = tpu.vector_load %arg13[%parallel_loop3A_1496, %parallel_loop3A_1497, %parallel_loop3A_1498, %parallel_loop3A_1499, %parallel_loop3A_1500, %parallel_loop3A_1501] {strides = array<i32>} : memref<2x2x8x4x2x128xf32, #tpu.memory_space<vmem>>, vector<16xf32>,
        tpu.vector_store %arg13[%parallel_loop3A_1496, %parallel_loop3A_1497, %parallel_loop3A_1498, %parallel_loop3A_1499, %parallel_loop3A_1500, %parallel_loop3A_1501], %parallel_loop3A_1492 {strides = array<i32>} : memref<2x2x8x4x2x128xf32, #tpu.memory_space<vmem>>, vector<16xf32>,
        %parallel_loop3A_1503 = arith.subf %parallel_loop3A_1445, %parallel_loop3A_1434 : vector<16xf32>
        %parallel_loop3A_1504 = arith.mulf %parallel_loop3A_1463, %parallel_loop3A_1503 : vector<16xf32>
        %parallel_loop3A_1505 = arith.addf %parallel_loop3A_1434, %parallel_loop3A_1504 : vector<16xf32>
        %parallel_loop3A_1506 = arith.constant 0 : i32
        %parallel_loop3A_1507 = arith.constant 1 : i32
        %parallel_loop3A_1508 = arith.constant 1 : i32
        %parallel_loop3A_1509 = arith.index_cast %parallel_loop3A_1506 : i32 to index
        %parallel_loop3A_1510 = arith.index_cast %parallel_loop3A_1507 : i32 to index
        %parallel_loop3A_1511 = arith.index_cast %parallel_loop3A_679 : i32 to index
        %parallel_loop3A_1512 = arith.index_cast %parallel_loop3A_681 : i32 to index
        %parallel_loop3A_1513 = arith.index_cast %parallel_loop3A_1508 : i32 to index
        %parallel_loop3A_1514 = arith.constant 80 : index
        %parallel_loop3A_1515 = tpu.vector_load %arg13[%parallel_loop3A_1509, %parallel_loop3A_1510, %parallel_loop3A_1511, %parallel_loop3A_1512, %parallel_loop3A_1513, %parallel_loop3A_1514] {strides = array<i32>} : memref<2x2x8x4x2x128xf32, #tpu.memory_space<vmem>>, vector<16xf32>,
        tpu.vector_store %arg13[%parallel_loop3A_1509, %parallel_loop3A_1510, %parallel_loop3A_1511, %parallel_loop3A_1512, %parallel_loop3A_1513, %parallel_loop3A_1514], %parallel_loop3A_1505 {strides = array<i32>} : memref<2x2x8x4x2x128xf32, #tpu.memory_space<vmem>>, vector<16xf32>,
        %parallel_loop3A_1516 = arith.constant 0 : i32
        %parallel_loop3A_1517 = arith.index_cast %parallel_loop3A_1516 : i32 to index
        %parallel_loop3A_1518 = arith.index_cast %parallel_loop3A_681 : i32 to index
        %parallel_loop3A_1519 = arith.index_cast %parallel_loop3A_679 : i32 to index
        %parallel_loop3A_1520 = arith.constant 96 : index
        %parallel_loop3A_1521 = tpu.vector_load %arg9[%parallel_loop3A_1517, %parallel_loop3A_1518, %parallel_loop3A_1519, %parallel_loop3A_1520] {strides = array<i32>} : memref<2x4x8x128xi32, #tpu.memory_space<vmem>>, vector<16xi32>,
        %parallel_loop3A_1522 = arith.constant 0 : i32
        %parallel_loop3A_1523 = arith.index_cast %parallel_loop3A_1522 : i32 to index
        %parallel_loop3A_1524 = arith.index_cast %parallel_loop3A_681 : i32 to index
        %parallel_loop3A_1525 = arith.index_cast %parallel_loop3A_679 : i32 to index
        %parallel_loop3A_1526 = arith.constant 96 : index
        %parallel_loop3A_1527 = tpu.vector_load %arg10[%parallel_loop3A_1523, %parallel_loop3A_1524, %parallel_loop3A_1525, %parallel_loop3A_1526] {strides = array<i32>} : memref<2x4x8x128xi32, #tpu.memory_space<vmem>>, vector<16xi32>,
        %parallel_loop3A_1528 = arith.constant 0 : i32
        %parallel_loop3A_1529 = arith.index_cast %parallel_loop3A_1528 : i32 to index
        %parallel_loop3A_1530 = arith.index_cast %parallel_loop3A_681 : i32 to index
        %parallel_loop3A_1531 = arith.index_cast %parallel_loop3A_679 : i32 to index
        %parallel_loop3A_1532 = arith.constant 96 : index
        %parallel_loop3A_1533 = tpu.vector_load %arg11[%parallel_loop3A_1529, %parallel_loop3A_1530, %parallel_loop3A_1531, %parallel_loop3A_1532] {strides = array<i32>} : memref<2x4x8x128xf32, #tpu.memory_space<vmem>>, vector<16xf32>,
        %parallel_loop3A_1534 = arith.constant 0 : i32
        %parallel_loop3A_1535 = arith.constant 0 : i32
        %parallel_loop3A_1536 = arith.constant 0 : i32
        %parallel_loop3A_1537 = arith.index_cast %parallel_loop3A_1534 : i32 to index
        %parallel_loop3A_1538 = arith.index_cast %parallel_loop3A_1535 : i32 to index
        %parallel_loop3A_1539 = arith.index_cast %parallel_loop3A_679 : i32 to index
        %parallel_loop3A_1540 = arith.index_cast %parallel_loop3A_681 : i32 to index
        %parallel_loop3A_1541 = arith.index_cast %parallel_loop3A_1536 : i32 to index
        %parallel_loop3A_1542 = arith.constant 96 : index
        %parallel_loop3A_1543 = tpu.vector_load %arg12[%parallel_loop3A_1537, %parallel_loop3A_1538, %parallel_loop3A_1539, %parallel_loop3A_1540, %parallel_loop3A_1541, %parallel_loop3A_1542] {strides = array<i32>} : memref<2x2x8x4x2x128xf32, #tpu.memory_space<vmem>>, vector<16xf32>,
        %parallel_loop3A_1544 = arith.constant 0 : i32
        %parallel_loop3A_1545 = arith.constant 0 : i32
        %parallel_loop3A_1546 = arith.constant 1 : i32
        %parallel_loop3A_1547 = arith.index_cast %parallel_loop3A_1544 : i32 to index
        %parallel_loop3A_1548 = arith.index_cast %parallel_loop3A_1545 : i32 to index
        %parallel_loop3A_1549 = arith.index_cast %parallel_loop3A_679 : i32 to index
        %parallel_loop3A_1550 = arith.index_cast %parallel_loop3A_681 : i32 to index
        %parallel_loop3A_1551 = arith.index_cast %parallel_loop3A_1546 : i32 to index
        %parallel_loop3A_1552 = arith.constant 96 : index
        %parallel_loop3A_1553 = tpu.vector_load %arg12[%parallel_loop3A_1547, %parallel_loop3A_1548, %parallel_loop3A_1549, %parallel_loop3A_1550, %parallel_loop3A_1551, %parallel_loop3A_1552] {strides = array<i32>} : memref<2x2x8x4x2x128xf32, #tpu.memory_space<vmem>>, vector<16xf32>,
        %parallel_loop3A_1554 = arith.constant 0 : i32
        %parallel_loop3A_1555 = arith.constant 1 : i32
        %parallel_loop3A_1556 = arith.constant 0 : i32
        %parallel_loop3A_1557 = arith.index_cast %parallel_loop3A_1554 : i32 to index
        %parallel_loop3A_1558 = arith.index_cast %parallel_loop3A_1555 : i32 to index
        %parallel_loop3A_1559 = arith.index_cast %parallel_loop3A_679 : i32 to index
        %parallel_loop3A_1560 = arith.index_cast %parallel_loop3A_681 : i32 to index
        %parallel_loop3A_1561 = arith.index_cast %parallel_loop3A_1556 : i32 to index
        %parallel_loop3A_1562 = arith.constant 96 : index
        %parallel_loop3A_1563 = tpu.vector_load %arg12[%parallel_loop3A_1557, %parallel_loop3A_1558, %parallel_loop3A_1559, %parallel_loop3A_1560, %parallel_loop3A_1561, %parallel_loop3A_1562] {strides = array<i32>} : memref<2x2x8x4x2x128xf32, #tpu.memory_space<vmem>>, vector<16xf32>,
        %parallel_loop3A_1564 = arith.constant 0 : i32
        %parallel_loop3A_1565 = arith.constant 1 : i32
        %parallel_loop3A_1566 = arith.constant 1 : i32
        %parallel_loop3A_1567 = arith.index_cast %parallel_loop3A_1564 : i32 to index
        %parallel_loop3A_1568 = arith.index_cast %parallel_loop3A_1565 : i32 to index
        %parallel_loop3A_1569 = arith.index_cast %parallel_loop3A_679 : i32 to index
        %parallel_loop3A_1570 = arith.index_cast %parallel_loop3A_681 : i32 to index
        %parallel_loop3A_1571 = arith.index_cast %parallel_loop3A_1566 : i32 to index
        %parallel_loop3A_1572 = arith.constant 96 : index
        %parallel_loop3A_1573 = tpu.vector_load %arg12[%parallel_loop3A_1567, %parallel_loop3A_1568, %parallel_loop3A_1569, %parallel_loop3A_1570, %parallel_loop3A_1571, %parallel_loop3A_1572] {strides = array<i32>} : memref<2x2x8x4x2x128xf32, #tpu.memory_space<vmem>>, vector<16xf32>,
        %parallel_loop3A_1574 = arith.constant 0 : i32
        %parallel_loop3A_1575 = vector.broadcast %parallel_loop3A_1574 : i32 to vector<16xi32>
        %parallel_loop3A_1576 = arith.cmpi eq, %parallel_loop3A_1521, %parallel_loop3A_1575 : vector<16xi32>
        %parallel_loop3A_1577 = arith.constant 0 : i32
        %parallel_loop3A_1578 = vector.broadcast %parallel_loop3A_1577 : i32 to vector<16xi32>
        %parallel_loop3A_1579 = arith.cmpi eq, %parallel_loop3A_1527, %parallel_loop3A_1578 : vector<16xi32>
        %parallel_loop3A_1580 = arith.maximumf %parallel_loop3A_1543, %parallel_loop3A_1553 : vector<16xf32>
        %parallel_loop3A_1581 = arith.maximumf %parallel_loop3A_1563, %parallel_loop3A_1573 : vector<16xf32>
        %parallel_loop3A_1582 = arith.select %parallel_loop3A_1579, %parallel_loop3A_1580, %parallel_loop3A_1581 : vector<16xi1>, vector<16xf32>
        %parallel_loop3A_1583 = arith.mulf %get3A_5, %parallel_loop3A_1582 : vector<16xf32>
        %parallel_loop3A_1584 = arith.addf %parallel_loop3A_1533, %parallel_loop3A_1583 : vector<16xf32>
        %parallel_loop3A_1585 = arith.constant 0.000000e+00 : f32
        %parallel_loop3A_1586 = vector.broadcast %parallel_loop3A_1585 : f32 to vector<16xf32>
        %parallel_loop3A_1587 = arith.andi %parallel_loop3A_1576, %parallel_loop3A_1579 : vector<16xi1>
        %parallel_loop3A_1588 = arith.select %parallel_loop3A_1587, %get3A_3, %parallel_loop3A_1586 : vector<16xi1>, vector<16xf32>
        %parallel_loop3A_1589 = arith.constant dense<true> : vector<16xi1>
        %parallel_loop3A_1590 = arith.xori %parallel_loop3A_1579, %parallel_loop3A_1589 : vector<16xi1>
        %parallel_loop3A_1591 = arith.andi %parallel_loop3A_1576, %parallel_loop3A_1590 : vector<16xi1>
        %parallel_loop3A_1592 = arith.select %parallel_loop3A_1591, %get3A_3, %parallel_loop3A_1586 : vector<16xi1>, vector<16xf32>
        %parallel_loop3A_1593 = arith.constant dense<true> : vector<16xi1>
        %parallel_loop3A_1594 = arith.xori %parallel_loop3A_1576, %parallel_loop3A_1593 : vector<16xi1>
        %parallel_loop3A_1595 = arith.andi %parallel_loop3A_1594, %parallel_loop3A_1579 : vector<16xi1>
        %parallel_loop3A_1596 = arith.select %parallel_loop3A_1595, %get3A_3, %parallel_loop3A_1586 : vector<16xi1>, vector<16xf32>
        %parallel_loop3A_1597 = arith.constant dense<true> : vector<16xi1>
        %parallel_loop3A_1598 = arith.xori %parallel_loop3A_1576, %parallel_loop3A_1597 : vector<16xi1>
        %parallel_loop3A_1599 = arith.constant dense<true> : vector<16xi1>
        %parallel_loop3A_1600 = arith.xori %parallel_loop3A_1579, %parallel_loop3A_1599 : vector<16xi1>
        %parallel_loop3A_1601 = arith.andi %parallel_loop3A_1598, %parallel_loop3A_1600 : vector<16xi1>
        %parallel_loop3A_1602 = arith.select %parallel_loop3A_1601, %get3A_3, %parallel_loop3A_1586 : vector<16xi1>, vector<16xf32>
        %parallel_loop3A_1603 = arith.subf %parallel_loop3A_1584, %parallel_loop3A_1543 : vector<16xf32>
        %parallel_loop3A_1604 = arith.mulf %parallel_loop3A_1588, %parallel_loop3A_1603 : vector<16xf32>
        %parallel_loop3A_1605 = arith.addf %parallel_loop3A_1543, %parallel_loop3A_1604 : vector<16xf32>
        %parallel_loop3A_1606 = arith.constant 0 : i32
        %parallel_loop3A_1607 = arith.constant 0 : i32
        %parallel_loop3A_1608 = arith.constant 0 : i32
        %parallel_loop3A_1609 = arith.index_cast %parallel_loop3A_1606 : i32 to index
        %parallel_loop3A_1610 = arith.index_cast %parallel_loop3A_1607 : i32 to index
        %parallel_loop3A_1611 = arith.index_cast %parallel_loop3A_679 : i32 to index
        %parallel_loop3A_1612 = arith.index_cast %parallel_loop3A_681 : i32 to index
        %parallel_loop3A_1613 = arith.index_cast %parallel_loop3A_1608 : i32 to index
        %parallel_loop3A_1614 = arith.constant 96 : index
        %parallel_loop3A_1615 = tpu.vector_load %arg13[%parallel_loop3A_1609, %parallel_loop3A_1610, %parallel_loop3A_1611, %parallel_loop3A_1612, %parallel_loop3A_1613, %parallel_loop3A_1614] {strides = array<i32>} : memref<2x2x8x4x2x128xf32, #tpu.memory_space<vmem>>, vector<16xf32>,
        tpu.vector_store %arg13[%parallel_loop3A_1609, %parallel_loop3A_1610, %parallel_loop3A_1611, %parallel_loop3A_1612, %parallel_loop3A_1613, %parallel_loop3A_1614], %parallel_loop3A_1605 {strides = array<i32>} : memref<2x2x8x4x2x128xf32, #tpu.memory_space<vmem>>, vector<16xf32>,
        %parallel_loop3A_1616 = arith.subf %parallel_loop3A_1584, %parallel_loop3A_1553 : vector<16xf32>
        %parallel_loop3A_1617 = arith.mulf %parallel_loop3A_1592, %parallel_loop3A_1616 : vector<16xf32>
        %parallel_loop3A_1618 = arith.addf %parallel_loop3A_1553, %parallel_loop3A_1617 : vector<16xf32>
        %parallel_loop3A_1619 = arith.constant 0 : i32
        %parallel_loop3A_1620 = arith.constant 0 : i32
        %parallel_loop3A_1621 = arith.constant 1 : i32
        %parallel_loop3A_1622 = arith.index_cast %parallel_loop3A_1619 : i32 to index
        %parallel_loop3A_1623 = arith.index_cast %parallel_loop3A_1620 : i32 to index
        %parallel_loop3A_1624 = arith.index_cast %parallel_loop3A_679 : i32 to index
        %parallel_loop3A_1625 = arith.index_cast %parallel_loop3A_681 : i32 to index
        %parallel_loop3A_1626 = arith.index_cast %parallel_loop3A_1621 : i32 to index
        %parallel_loop3A_1627 = arith.constant 96 : index
        %parallel_loop3A_1628 = tpu.vector_load %arg13[%parallel_loop3A_1622, %parallel_loop3A_1623, %parallel_loop3A_1624, %parallel_loop3A_1625, %parallel_loop3A_1626, %parallel_loop3A_1627] {strides = array<i32>} : memref<2x2x8x4x2x128xf32, #tpu.memory_space<vmem>>, vector<16xf32>,
        tpu.vector_store %arg13[%parallel_loop3A_1622, %parallel_loop3A_1623, %parallel_loop3A_1624, %parallel_loop3A_1625, %parallel_loop3A_1626, %parallel_loop3A_1627], %parallel_loop3A_1618 {strides = array<i32>} : memref<2x2x8x4x2x128xf32, #tpu.memory_space<vmem>>, vector<16xf32>,
        %parallel_loop3A_1629 = arith.subf %parallel_loop3A_1584, %parallel_loop3A_1563 : vector<16xf32>
        %parallel_loop3A_1630 = arith.mulf %parallel_loop3A_1596, %parallel_loop3A_1629 : vector<16xf32>
        %parallel_loop3A_1631 = arith.addf %parallel_loop3A_1563, %parallel_loop3A_1630 : vector<16xf32>
        %parallel_loop3A_1632 = arith.constant 0 : i32
        %parallel_loop3A_1633 = arith.constant 1 : i32
        %parallel_loop3A_1634 = arith.constant 0 : i32
        %parallel_loop3A_1635 = arith.index_cast %parallel_loop3A_1632 : i32 to index
        %parallel_loop3A_1636 = arith.index_cast %parallel_loop3A_1633 : i32 to index
        %parallel_loop3A_1637 = arith.index_cast %parallel_loop3A_679 : i32 to index
        %parallel_loop3A_1638 = arith.index_cast %parallel_loop3A_681 : i32 to index
        %parallel_loop3A_1639 = arith.index_cast %parallel_loop3A_1634 : i32 to index
        %parallel_loop3A_1640 = arith.constant 96 : index
        %parallel_loop3A_1641 = tpu.vector_load %arg13[%parallel_loop3A_1635, %parallel_loop3A_1636, %parallel_loop3A_1637, %parallel_loop3A_1638, %parallel_loop3A_1639, %parallel_loop3A_1640] {strides = array<i32>} : memref<2x2x8x4x2x128xf32, #tpu.memory_space<vmem>>, vector<16xf32>,
        tpu.vector_store %arg13[%parallel_loop3A_1635, %parallel_loop3A_1636, %parallel_loop3A_1637, %parallel_loop3A_1638, %parallel_loop3A_1639, %parallel_loop3A_1640], %parallel_loop3A_1631 {strides = array<i32>} : memref<2x2x8x4x2x128xf32, #tpu.memory_space<vmem>>, vector<16xf32>,
        %parallel_loop3A_1642 = arith.subf %parallel_loop3A_1584, %parallel_loop3A_1573 : vector<16xf32>
        %parallel_loop3A_1643 = arith.mulf %parallel_loop3A_1602, %parallel_loop3A_1642 : vector<16xf32>
        %parallel_loop3A_1644 = arith.addf %parallel_loop3A_1573, %parallel_loop3A_1643 : vector<16xf32>
        %parallel_loop3A_1645 = arith.constant 0 : i32
        %parallel_loop3A_1646 = arith.constant 1 : i32
        %parallel_loop3A_1647 = arith.constant 1 : i32
        %parallel_loop3A_1648 = arith.index_cast %parallel_loop3A_1645 : i32 to index
        %parallel_loop3A_1649 = arith.index_cast %parallel_loop3A_1646 : i32 to index
        %parallel_loop3A_1650 = arith.index_cast %parallel_loop3A_679 : i32 to index
        %parallel_loop3A_1651 = arith.index_cast %parallel_loop3A_681 : i32 to index
        %parallel_loop3A_1652 = arith.index_cast %parallel_loop3A_1647 : i32 to index
        %parallel_loop3A_1653 = arith.constant 96 : index
        %parallel_loop3A_1654 = tpu.vector_load %arg13[%parallel_loop3A_1648, %parallel_loop3A_1649, %parallel_loop3A_1650, %parallel_loop3A_1651, %parallel_loop3A_1652, %parallel_loop3A_1653] {strides = array<i32>} : memref<2x2x8x4x2x128xf32, #tpu.memory_space<vmem>>, vector<16xf32>,
        tpu.vector_store %arg13[%parallel_loop3A_1648, %parallel_loop3A_1649, %parallel_loop3A_1650, %parallel_loop3A_1651, %parallel_loop3A_1652, %parallel_loop3A_1653], %parallel_loop3A_1644 {strides = array<i32>} : memref<2x2x8x4x2x128xf32, #tpu.memory_space<vmem>>, vector<16xf32>,
        %parallel_loop3A_1655 = arith.constant 0 : i32
        %parallel_loop3A_1656 = arith.index_cast %parallel_loop3A_1655 : i32 to index
        %parallel_loop3A_1657 = arith.index_cast %parallel_loop3A_681 : i32 to index
        %parallel_loop3A_1658 = arith.index_cast %parallel_loop3A_679 : i32 to index
        %parallel_loop3A_1659 = arith.constant 112 : index
        %parallel_loop3A_1660 = tpu.vector_load %arg9[%parallel_loop3A_1656, %parallel_loop3A_1657, %parallel_loop3A_1658, %parallel_loop3A_1659] {strides = array<i32>} : memref<2x4x8x128xi32, #tpu.memory_space<vmem>>, vector<16xi32>,
        %parallel_loop3A_1661 = arith.constant 0 : i32
        %parallel_loop3A_1662 = arith.index_cast %parallel_loop3A_1661 : i32 to index
        %parallel_loop3A_1663 = arith.index_cast %parallel_loop3A_681 : i32 to index
        %parallel_loop3A_1664 = arith.index_cast %parallel_loop3A_679 : i32 to index
        %parallel_loop3A_1665 = arith.constant 112 : index
        %parallel_loop3A_1666 = tpu.vector_load %arg10[%parallel_loop3A_1662, %parallel_loop3A_1663, %parallel_loop3A_1664, %parallel_loop3A_1665] {strides = array<i32>} : memref<2x4x8x128xi32, #tpu.memory_space<vmem>>, vector<16xi32>,
        %parallel_loop3A_1667 = arith.constant 0 : i32
        %parallel_loop3A_1668 = arith.index_cast %parallel_loop3A_1667 : i32 to index
        %parallel_loop3A_1669 = arith.index_cast %parallel_loop3A_681 : i32 to index
        %parallel_loop3A_1670 = arith.index_cast %parallel_loop3A_679 : i32 to index
        %parallel_loop3A_1671 = arith.constant 112 : index
        %parallel_loop3A_1672 = tpu.vector_load %arg11[%parallel_loop3A_1668, %parallel_loop3A_1669, %parallel_loop3A_1670, %parallel_loop3A_1671] {strides = array<i32>} : memref<2x4x8x128xf32, #tpu.memory_space<vmem>>, vector<16xf32>,
        %parallel_loop3A_1673 = arith.constant 0 : i32
        %parallel_loop3A_1674 = arith.constant 0 : i32
        %parallel_loop3A_1675 = arith.constant 0 : i32
        %parallel_loop3A_1676 = arith.index_cast %parallel_loop3A_1673 : i32 to index
        %parallel_loop3A_1677 = arith.index_cast %parallel_loop3A_1674 : i32 to index
        %parallel_loop3A_1678 = arith.index_cast %parallel_loop3A_679 : i32 to index
        %parallel_loop3A_1679 = arith.index_cast %parallel_loop3A_681 : i32 to index
        %parallel_loop3A_1680 = arith.index_cast %parallel_loop3A_1675 : i32 to index
        %parallel_loop3A_1681 = arith.constant 112 : index
        %parallel_loop3A_1682 = tpu.vector_load %arg12[%parallel_loop3A_1676, %parallel_loop3A_1677, %parallel_loop3A_1678, %parallel_loop3A_1679, %parallel_loop3A_1680, %parallel_loop3A_1681] {strides = array<i32>} : memref<2x2x8x4x2x128xf32, #tpu.memory_space<vmem>>, vector<16xf32>,
        %parallel_loop3A_1683 = arith.constant 0 : i32
        %parallel_loop3A_1684 = arith.constant 0 : i32
        %parallel_loop3A_1685 = arith.constant 1 : i32
        %parallel_loop3A_1686 = arith.index_cast %parallel_loop3A_1683 : i32 to index
        %parallel_loop3A_1687 = arith.index_cast %parallel_loop3A_1684 : i32 to index
        %parallel_loop3A_1688 = arith.index_cast %parallel_loop3A_679 : i32 to index
        %parallel_loop3A_1689 = arith.index_cast %parallel_loop3A_681 : i32 to index
        %parallel_loop3A_1690 = arith.index_cast %parallel_loop3A_1685 : i32 to index
        %parallel_loop3A_1691 = arith.constant 112 : index
        %parallel_loop3A_1692 = tpu.vector_load %arg12[%parallel_loop3A_1686, %parallel_loop3A_1687, %parallel_loop3A_1688, %parallel_loop3A_1689, %parallel_loop3A_1690, %parallel_loop3A_1691] {strides = array<i32>} : memref<2x2x8x4x2x128xf32, #tpu.memory_space<vmem>>, vector<16xf32>,
        %parallel_loop3A_1693 = arith.constant 0 : i32
        %parallel_loop3A_1694 = arith.constant 1 : i32
        %parallel_loop3A_1695 = arith.constant 0 : i32
        %parallel_loop3A_1696 = arith.index_cast %parallel_loop3A_1693 : i32 to index
        %parallel_loop3A_1697 = arith.index_cast %parallel_loop3A_1694 : i32 to index
        %parallel_loop3A_1698 = arith.index_cast %parallel_loop3A_679 : i32 to index
        %parallel_loop3A_1699 = arith.index_cast %parallel_loop3A_681 : i32 to index
        %parallel_loop3A_1700 = arith.index_cast %parallel_loop3A_1695 : i32 to index
        %parallel_loop3A_1701 = arith.constant 112 : index
        %parallel_loop3A_1702 = tpu.vector_load %arg12[%parallel_loop3A_1696, %parallel_loop3A_1697, %parallel_loop3A_1698, %parallel_loop3A_1699, %parallel_loop3A_1700, %parallel_loop3A_1701] {strides = array<i32>} : memref<2x2x8x4x2x128xf32, #tpu.memory_space<vmem>>, vector<16xf32>,
        %parallel_loop3A_1703 = arith.constant 0 : i32
        %parallel_loop3A_1704 = arith.constant 1 : i32
        %parallel_loop3A_1705 = arith.constant 1 : i32
        %parallel_loop3A_1706 = arith.index_cast %parallel_loop3A_1703 : i32 to index
        %parallel_loop3A_1707 = arith.index_cast %parallel_loop3A_1704 : i32 to index
        %parallel_loop3A_1708 = arith.index_cast %parallel_loop3A_679 : i32 to index
        %parallel_loop3A_1709 = arith.index_cast %parallel_loop3A_681 : i32 to index
        %parallel_loop3A_1710 = arith.index_cast %parallel_loop3A_1705 : i32 to index
        %parallel_loop3A_1711 = arith.constant 112 : index
        %parallel_loop3A_1712 = tpu.vector_load %arg12[%parallel_loop3A_1706, %parallel_loop3A_1707, %parallel_loop3A_1708, %parallel_loop3A_1709, %parallel_loop3A_1710, %parallel_loop3A_1711] {strides = array<i32>} : memref<2x2x8x4x2x128xf32, #tpu.memory_space<vmem>>, vector<16xf32>,
        %parallel_loop3A_1713 = arith.constant 0 : i32
        %parallel_loop3A_1714 = vector.broadcast %parallel_loop3A_1713 : i32 to vector<16xi32>
        %parallel_loop3A_1715 = arith.cmpi eq, %parallel_loop3A_1660, %parallel_loop3A_1714 : vector<16xi32>
        %parallel_loop3A_1716 = arith.constant 0 : i32
        %parallel_loop3A_1717 = vector.broadcast %parallel_loop3A_1716 : i32 to vector<16xi32>
        %parallel_loop3A_1718 = arith.cmpi eq, %parallel_loop3A_1666, %parallel_loop3A_1717 : vector<16xi32>
        %parallel_loop3A_1719 = arith.maximumf %parallel_loop3A_1682, %parallel_loop3A_1692 : vector<16xf32>
        %parallel_loop3A_1720 = arith.maximumf %parallel_loop3A_1702, %parallel_loop3A_1712 : vector<16xf32>
        %parallel_loop3A_1721 = arith.select %parallel_loop3A_1718, %parallel_loop3A_1719, %parallel_loop3A_1720 : vector<16xi1>, vector<16xf32>
        %parallel_loop3A_1722 = arith.mulf %get3A_5, %parallel_loop3A_1721 : vector<16xf32>
        %parallel_loop3A_1723 = arith.addf %parallel_loop3A_1672, %parallel_loop3A_1722 : vector<16xf32>
        %parallel_loop3A_1724 = arith.constant 0.000000e+00 : f32
        %parallel_loop3A_1725 = vector.broadcast %parallel_loop3A_1724 : f32 to vector<16xf32>
        %parallel_loop3A_1726 = arith.andi %parallel_loop3A_1715, %parallel_loop3A_1718 : vector<16xi1>
        %parallel_loop3A_1727 = arith.select %parallel_loop3A_1726, %get3A_3, %parallel_loop3A_1725 : vector<16xi1>, vector<16xf32>
        %parallel_loop3A_1728 = arith.constant dense<true> : vector<16xi1>
        %parallel_loop3A_1729 = arith.xori %parallel_loop3A_1718, %parallel_loop3A_1728 : vector<16xi1>
        %parallel_loop3A_1730 = arith.andi %parallel_loop3A_1715, %parallel_loop3A_1729 : vector<16xi1>
        %parallel_loop3A_1731 = arith.select %parallel_loop3A_1730, %get3A_3, %parallel_loop3A_1725 : vector<16xi1>, vector<16xf32>
        %parallel_loop3A_1732 = arith.constant dense<true> : vector<16xi1>
        %parallel_loop3A_1733 = arith.xori %parallel_loop3A_1715, %parallel_loop3A_1732 : vector<16xi1>
        %parallel_loop3A_1734 = arith.andi %parallel_loop3A_1733, %parallel_loop3A_1718 : vector<16xi1>
        %parallel_loop3A_1735 = arith.select %parallel_loop3A_1734, %get3A_3, %parallel_loop3A_1725 : vector<16xi1>, vector<16xf32>
        %parallel_loop3A_1736 = arith.constant dense<true> : vector<16xi1>
        %parallel_loop3A_1737 = arith.xori %parallel_loop3A_1715, %parallel_loop3A_1736 : vector<16xi1>
        %parallel_loop3A_1738 = arith.constant dense<true> : vector<16xi1>
        %parallel_loop3A_1739 = arith.xori %parallel_loop3A_1718, %parallel_loop3A_1738 : vector<16xi1>
        %parallel_loop3A_1740 = arith.andi %parallel_loop3A_1737, %parallel_loop3A_1739 : vector<16xi1>
        %parallel_loop3A_1741 = arith.select %parallel_loop3A_1740, %get3A_3, %parallel_loop3A_1725 : vector<16xi1>, vector<16xf32>
        %parallel_loop3A_1742 = arith.subf %parallel_loop3A_1723, %parallel_loop3A_1682 : vector<16xf32>
        %parallel_loop3A_1743 = arith.mulf %parallel_loop3A_1727, %parallel_loop3A_1742 : vector<16xf32>
        %parallel_loop3A_1744 = arith.addf %parallel_loop3A_1682, %parallel_loop3A_1743 : vector<16xf32>
        %parallel_loop3A_1745 = arith.constant 0 : i32
        %parallel_loop3A_1746 = arith.constant 0 : i32
        %parallel_loop3A_1747 = arith.constant 0 : i32
        %parallel_loop3A_1748 = arith.index_cast %parallel_loop3A_1745 : i32 to index
        %parallel_loop3A_1749 = arith.index_cast %parallel_loop3A_1746 : i32 to index
        %parallel_loop3A_1750 = arith.index_cast %parallel_loop3A_679 : i32 to index
        %parallel_loop3A_1751 = arith.index_cast %parallel_loop3A_681 : i32 to index
        %parallel_loop3A_1752 = arith.index_cast %parallel_loop3A_1747 : i32 to index
        %parallel_loop3A_1753 = arith.constant 112 : index
        %parallel_loop3A_1754 = tpu.vector_load %arg13[%parallel_loop3A_1748, %parallel_loop3A_1749, %parallel_loop3A_1750, %parallel_loop3A_1751, %parallel_loop3A_1752, %parallel_loop3A_1753] {strides = array<i32>} : memref<2x2x8x4x2x128xf32, #tpu.memory_space<vmem>>, vector<16xf32>,
        tpu.vector_store %arg13[%parallel_loop3A_1748, %parallel_loop3A_1749, %parallel_loop3A_1750, %parallel_loop3A_1751, %parallel_loop3A_1752, %parallel_loop3A_1753], %parallel_loop3A_1744 {strides = array<i32>} : memref<2x2x8x4x2x128xf32, #tpu.memory_space<vmem>>, vector<16xf32>,
        %parallel_loop3A_1755 = arith.subf %parallel_loop3A_1723, %parallel_loop3A_1692 : vector<16xf32>
        %parallel_loop3A_1756 = arith.mulf %parallel_loop3A_1731, %parallel_loop3A_1755 : vector<16xf32>
        %parallel_loop3A_1757 = arith.addf %parallel_loop3A_1692, %parallel_loop3A_1756 : vector<16xf32>
        %parallel_loop3A_1758 = arith.constant 0 : i32
        %parallel_loop3A_1759 = arith.constant 0 : i32
        %parallel_loop3A_1760 = arith.constant 1 : i32
        %parallel_loop3A_1761 = arith.index_cast %parallel_loop3A_1758 : i32 to index
        %parallel_loop3A_1762 = arith.index_cast %parallel_loop3A_1759 : i32 to index
        %parallel_loop3A_1763 = arith.index_cast %parallel_loop3A_679 : i32 to index
        %parallel_loop3A_1764 = arith.index_cast %parallel_loop3A_681 : i32 to index
        %parallel_loop3A_1765 = arith.index_cast %parallel_loop3A_1760 : i32 to index
        %parallel_loop3A_1766 = arith.constant 112 : index
        %parallel_loop3A_1767 = tpu.vector_load %arg13[%parallel_loop3A_1761, %parallel_loop3A_1762, %parallel_loop3A_1763, %parallel_loop3A_1764, %parallel_loop3A_1765, %parallel_loop3A_1766] {strides = array<i32>} : memref<2x2x8x4x2x128xf32, #tpu.memory_space<vmem>>, vector<16xf32>,
        tpu.vector_store %arg13[%parallel_loop3A_1761, %parallel_loop3A_1762, %parallel_loop3A_1763, %parallel_loop3A_1764, %parallel_loop3A_1765, %parallel_loop3A_1766], %parallel_loop3A_1757 {strides = array<i32>} : memref<2x2x8x4x2x128xf32, #tpu.memory_space<vmem>>, vector<16xf32>,
        %parallel_loop3A_1768 = arith.subf %parallel_loop3A_1723, %parallel_loop3A_1702 : vector<16xf32>
        %parallel_loop3A_1769 = arith.mulf %parallel_loop3A_1735, %parallel_loop3A_1768 : vector<16xf32>
        %parallel_loop3A_1770 = arith.addf %parallel_loop3A_1702, %parallel_loop3A_1769 : vector<16xf32>
        %parallel_loop3A_1771 = arith.constant 0 : i32
        %parallel_loop3A_1772 = arith.constant 1 : i32
        %parallel_loop3A_1773 = arith.constant 0 : i32
        %parallel_loop3A_1774 = arith.index_cast %parallel_loop3A_1771 : i32 to index
        %parallel_loop3A_1775 = arith.index_cast %parallel_loop3A_1772 : i32 to index
        %parallel_loop3A_1776 = arith.index_cast %parallel_loop3A_679 : i32 to index
        %parallel_loop3A_1777 = arith.index_cast %parallel_loop3A_681 : i32 to index
        %parallel_loop3A_1778 = arith.index_cast %parallel_loop3A_1773 : i32 to index
        %parallel_loop3A_1779 = arith.constant 112 : index
        %parallel_loop3A_1780 = tpu.vector_load %arg13[%parallel_loop3A_1774, %parallel_loop3A_1775, %parallel_loop3A_1776, %parallel_loop3A_1777, %parallel_loop3A_1778, %parallel_loop3A_1779] {strides = array<i32>} : memref<2x2x8x4x2x128xf32, #tpu.memory_space<vmem>>, vector<16xf32>,
        tpu.vector_store %arg13[%parallel_loop3A_1774, %parallel_loop3A_1775, %parallel_loop3A_1776, %parallel_loop3A_1777, %parallel_loop3A_1778, %parallel_loop3A_1779], %parallel_loop3A_1770 {strides = array<i32>} : memref<2x2x8x4x2x128xf32, #tpu.memory_space<vmem>>, vector<16xf32>,
        %parallel_loop3A_1781 = arith.subf %parallel_loop3A_1723, %parallel_loop3A_1712 : vector<16xf32>
        %parallel_loop3A_1782 = arith.mulf %parallel_loop3A_1741, %parallel_loop3A_1781 : vector<16xf32>
        %parallel_loop3A_1783 = arith.addf %parallel_loop3A_1712, %parallel_loop3A_1782 : vector<16xf32>
        %parallel_loop3A_1784 = arith.constant 0 : i32
        %parallel_loop3A_1785 = arith.constant 1 : i32
        %parallel_loop3A_1786 = arith.constant 1 : i32
        %parallel_loop3A_1787 = arith.index_cast %parallel_loop3A_1784 : i32 to index
        %parallel_loop3A_1788 = arith.index_cast %parallel_loop3A_1785 : i32 to index
        %parallel_loop3A_1789 = arith.index_cast %parallel_loop3A_679 : i32 to index
        %parallel_loop3A_1790 = arith.index_cast %parallel_loop3A_681 : i32 to index
        %parallel_loop3A_1791 = arith.index_cast %parallel_loop3A_1786 : i32 to index
        %parallel_loop3A_1792 = arith.constant 112 : index
        %parallel_loop3A_1793 = tpu.vector_load %arg13[%parallel_loop3A_1787, %parallel_loop3A_1788, %parallel_loop3A_1789, %parallel_loop3A_1790, %parallel_loop3A_1791, %parallel_loop3A_1792] {strides = array<i32>} : memref<2x2x8x4x2x128xf32, #tpu.memory_space<vmem>>, vector<16xf32>,
        tpu.vector_store %arg13[%parallel_loop3A_1787, %parallel_loop3A_1788, %parallel_loop3A_1789, %parallel_loop3A_1790, %parallel_loop3A_1791, %parallel_loop3A_1792], %parallel_loop3A_1783 {strides = array<i32>} : memref<2x2x8x4x2x128xf32, #tpu.memory_space<vmem>>, vector<16xf32>,
      } {sc.loop_unroll_factor = 2 : i64, sc.parallel_access}
      %add3A_420 = arith.addi %mul3A_2, %mul3A_319 : i32
      %jit3A_421 = arith.constant 4 : i32
      %div3A_422 = arith.divsi %add3A_420, %jit3A_421 : i32
      %sign3A_423 = arith.constant 0 : i32
      %sign3A_424 = arith.cmpi sgt, %add3A_420, %sign3A_423 : i32
      %sign3A_425 = arith.extui %sign3A_424 : i1 to i32
      %sign3A_426 = arith.constant 0 : i32
      %sign3A_427 = arith.cmpi slt, %add3A_420, %sign3A_426 : i32
      %sign3A_428 = arith.extui %sign3A_427 : i1 to i32
      %sign3A_429 = arith.subi %sign3A_425, %sign3A_428 : i32
      %sign3A_430 = arith.constant 0 : i32
      %sign3A_431 = arith.cmpi sgt, %jit3A_421, %sign3A_430 : i32
      %sign3A_432 = arith.extui %sign3A_431 : i1 to i32
      %sign3A_433 = arith.constant 0 : i32
      %sign3A_434 = arith.cmpi slt, %jit3A_421, %sign3A_433 : i32
      %sign3A_435 = arith.extui %sign3A_434 : i1 to i32
      %sign3A_436 = arith.subi %sign3A_432, %sign3A_435 : i32
      %ne3A_437 = arith.cmpi ne, %sign3A_429, %sign3A_436 : i32
      %rem3A_438 = arith.remsi %add3A_420, %jit3A_421 : i32
      %ne3A_439 = arith.constant 0 : i32
      %ne3A_440 = arith.cmpi ne, %rem3A_438, %ne3A_439 : i32
      %and3A_441 = arith.andi %ne3A_437, %ne3A_440 : i1
      %sub3A_442 = arith.constant 1 : i32
      %sub3A_443 = arith.subi %div3A_422, %sub3A_442 : i32
      %select_n3A_444 = arith.select %and3A_441, %sub3A_443, %div3A_422 : i32
      %jit3A_445 = arith.constant 4 : i32
      %eq3A_446 = arith.constant 0 : i32
      %eq3A_447 = arith.cmpi eq, %jit3A_445, %eq3A_446 : i32
      %jit3A_448 = arith.constant 1 : i32
      %select_n3A_449 = arith.select %eq3A_447, %jit3A_448, %jit3A_445 : i32
      %rem3A_450 = arith.remsi %add3A_420, %select_n3A_449 : i32
      %ne3A_451 = arith.constant 0 : i32
      %ne3A_452 = arith.cmpi ne, %rem3A_450, %ne3A_451 : i32
      %lt3A_453 = arith.constant 0 : i32
      %lt3A_454 = arith.cmpi slt, %rem3A_450, %lt3A_453 : i32
      %lt3A_455 = arith.constant 0 : i32
      %lt3A_456 = arith.cmpi slt, %select_n3A_449, %lt3A_455 : i32
      %ne3A_457 = arith.xori %lt3A_454, %lt3A_456 : i1
      %and3A_458 = arith.andi %ne3A_457, %ne3A_452 : i1
      %add3A_459 = arith.addi %rem3A_450, %select_n3A_449 : i32
      %select_n3A_460 = arith.select %and3A_458, %add3A_459, %rem3A_450 : i32
      %mul3A_461 = arith.constant 4 : i32
      %mul3A_462 = arith.muli %select_n3A_460, %mul3A_461 : i32
      %dma_start3A_463 = arith.constant 0 : i32
      %dma_start3A_464 = arith.constant 0 : i32
      %dma_start3A_465 = arith.constant 0 : i32
      %dma_start3A_466 = arith.constant 0 : i32
      %dma_start3A_467 = arith.constant 0 : i32
      %dma_start3A_468 = arith.constant 0 : i32
      %dma_start3A_469 = tpu.memref_slice %arg13[%dma_start3A_463, %dma_start3A_464, %dma_start3A_465, %dma_start3A_466, %dma_start3A_467, %dma_start3A_468] : memref<2x2x8x4x2x128xf32, #tpu.memory_space<vmem>> -> memref<1x2x8x4x2x128xf32, #tpu.memory_space<vmem>>
      %dma_start3A_470 = tpu.memref_squeeze %dma_start3A_469 : memref<1x2x8x4x2x128xf32, #tpu.memory_space<vmem>> -> memref<2x8x4x2x128xf32, #tpu.memory_space<vmem>>
      %dma_start3A_471 = arith.constant 0 : i32
      %dma_start3A_472 = arith.constant 0 : i32
      %dma_start3A_473 = arith.constant 0 : i32
      %dma_start3A_474 = arith.constant 0 : i32
      %dma_start3A_475 = tpu.memref_slice %arg8[%dma_start3A_471, %select_n3A_444, %dma_start3A_472, %mul3A_462, %dma_start3A_473, %dma_start3A_474] : memref<2x256x8x16x2x128xf32, #tpu.memory_space<hbm>> -> memref<2x1x8x4x2x128xf32, #tpu.memory_space<hbm>>
      %dma_start3A_476 = tpu.memref_squeeze %dma_start3A_475 : memref<2x1x8x4x2x128xf32, #tpu.memory_space<hbm>> -> memref<2x8x4x2x128xf32, #tpu.memory_space<hbm>>
      %dma_start3A_477 = arith.constant 0 : i32
      %dma_start3A_478 = arith.constant 0 : i32
      %dma_start3A_479 = arith.constant 0 : i32
      %dma_start3A_480 = arith.constant 0 : i32
      %dma_start3A_481 = tpu.memref_slice %arg8[%dma_start3A_477, %select_n3A_444, %dma_start3A_478, %mul3A_462, %dma_start3A_479, %dma_start3A_480] : memref<2x256x8x16x2x128xf32, #tpu.memory_space<hbm>> -> memref<2x1x8x4x2x128xf32, #tpu.memory_space<hbm>>
      %dma_start3A_482 = tpu.memref_squeeze %dma_start3A_481 : memref<2x1x8x4x2x128xf32, #tpu.memory_space<hbm>> -> memref<2x8x4x2x128xf32, #tpu.memory_space<hbm>>
      %dma_start3A_483 = arith.constant 0 : i32
      %dma_start3A_484 = arith.constant 0 : i32
      %dma_start3A_485 = arith.constant 0 : i32
      %dma_start3A_486 = arith.constant 0 : i32
      %dma_start3A_487 = arith.constant 0 : i32
      %dma_start3A_488 = tpu.memref_slice %arg13[%dma_start3A_463, %dma_start3A_483, %dma_start3A_484, %dma_start3A_485, %dma_start3A_486, %dma_start3A_487] : memref<2x2x8x4x2x128xf32, #tpu.memory_space<vmem>> -> memref<1x2x8x4x2x128xf32, #tpu.memory_space<vmem>>
      %dma_start3A_489 = tpu.memref_squeeze %dma_start3A_488 : memref<1x2x8x4x2x128xf32, #tpu.memory_space<vmem>> -> memref<2x8x4x2x128xf32, #tpu.memory_space<vmem>>
      tpu.enqueue_dma source(%dma_start3A_489 : memref<2x8x4x2x128xf32, #tpu.memory_space<vmem>>) target(%dma_start3A_482 : memref<2x8x4x2x128xf32, #tpu.memory_space<hbm>>) target_semaphore(%arg18 : memref<!tpu.dma_semaphore, #tpu.memory_space<semaphore_mem>>)
      %lt3A_490 = arith.constant 15 : i32
      %lt3A_491 = arith.cmpi slt, %scan3A_316, %lt3A_490 : i32
      %convert_element_type3A_492 = arith.extui %lt3A_491 : i1 to i32
      %cond3A_493 = arith.constant 0 : i32
      %cond3A_494 = arith.cmpi ne, %convert_element_type3A_492, %cond3A_493 : i32
      scf.if %cond3A_494 {
        %add3A_677 = arith.constant 2 : i32
        %add3A_678 = arith.addi %mul3A_319, %add3A_677 : i32
        %add3A_679 = arith.addi %mul3A_2, %add3A_678 : i32
        %jit3A_680 = arith.constant 4 : i32
        %div3A_681 = arith.divsi %add3A_679, %jit3A_680 : i32
        %sign3A_682 = arith.constant 0 : i32
        %sign3A_683 = arith.cmpi sgt, %add3A_679, %sign3A_682 : i32
        %sign3A_684 = arith.extui %sign3A_683 : i1 to i32
        %sign3A_685 = arith.constant 0 : i32
        %sign3A_686 = arith.cmpi slt, %add3A_679, %sign3A_685 : i32
        %sign3A_687 = arith.extui %sign3A_686 : i1 to i32
        %sign3A_688 = arith.subi %sign3A_684, %sign3A_687 : i32
        %sign3A_689 = arith.constant 0 : i32
        %sign3A_690 = arith.cmpi sgt, %jit3A_680, %sign3A_689 : i32
        %sign3A_691 = arith.extui %sign3A_690 : i1 to i32
        %sign3A_692 = arith.constant 0 : i32
        %sign3A_693 = arith.cmpi slt, %jit3A_680, %sign3A_692 : i32
        %sign3A_694 = arith.extui %sign3A_693 : i1 to i32
        %sign3A_695 = arith.subi %sign3A_691, %sign3A_694 : i32
        %ne3A_696 = arith.cmpi ne, %sign3A_688, %sign3A_695 : i32
        %rem3A_697 = arith.remsi %add3A_679, %jit3A_680 : i32
        %ne3A_698 = arith.constant 0 : i32
        %ne3A_699 = arith.cmpi ne, %rem3A_697, %ne3A_698 : i32
        %and3A_700 = arith.andi %ne3A_696, %ne3A_699 : i1
        %sub3A_701 = arith.constant 1 : i32
        %sub3A_702 = arith.subi %div3A_681, %sub3A_701 : i32
        %select_n3A_703 = arith.select %and3A_700, %sub3A_702, %div3A_681 : i32
        %jit3A_704 = arith.constant 4 : i32
        %eq3A_705 = arith.constant 0 : i32
        %eq3A_706 = arith.cmpi eq, %jit3A_704, %eq3A_705 : i32
        %jit3A_707 = arith.constant 1 : i32
        %select_n3A_708 = arith.select %eq3A_706, %jit3A_707, %jit3A_704 : i32
        %rem3A_709 = arith.remsi %add3A_679, %select_n3A_708 : i32
        %ne3A_710 = arith.constant 0 : i32
        %ne3A_711 = arith.cmpi ne, %rem3A_709, %ne3A_710 : i32
        %lt3A_712 = arith.constant 0 : i32
        %lt3A_713 = arith.cmpi slt, %rem3A_709, %lt3A_712 : i32
        %lt3A_714 = arith.constant 0 : i32
        %lt3A_715 = arith.cmpi slt, %select_n3A_708, %lt3A_714 : i32
        %ne3A_716 = arith.xori %lt3A_713, %lt3A_715 : i1
        %and3A_717 = arith.andi %ne3A_716, %ne3A_711 : i1
        %add3A_718 = arith.addi %rem3A_709, %select_n3A_708 : i32
        %select_n3A_719 = arith.select %and3A_717, %add3A_718, %rem3A_709 : i32
        %mul3A_720 = arith.constant 4 : i32
        %mul3A_721 = arith.muli %select_n3A_719, %mul3A_720 : i32
        %dma_start3A_722 = arith.constant 0 : i32
        %dma_start3A_723 = arith.constant 0 : i32
        %dma_start3A_724 = arith.constant 0 : i32
        %dma_start3A_725 = arith.constant 0 : i32
        %dma_start3A_726 = tpu.memref_slice %arg9[%dma_start3A_722, %dma_start3A_723, %dma_start3A_724, %dma_start3A_725] : memref<2x4x8x128xi32, #tpu.memory_space<vmem>> -> memref<1x4x8x128xi32, #tpu.memory_space<vmem>>
        %dma_start3A_727 = tpu.memref_squeeze %dma_start3A_726 : memref<1x4x8x128xi32, #tpu.memory_space<vmem>> -> memref<4x8x128xi32, #tpu.memory_space<vmem>>
        %dma_start3A_728 = arith.constant 0 : i32
        %dma_start3A_729 = arith.constant 0 : i32
        %dma_start3A_730 = tpu.memref_slice %arg3[%select_n3A_703, %mul3A_721, %dma_start3A_728, %dma_start3A_729] : memref<256x16x8x128xi32, #tpu.memory_space<hbm>> -> memref<1x4x8x128xi32, #tpu.memory_space<hbm>>
        %dma_start3A_731 = tpu.memref_squeeze %dma_start3A_730 : memref<1x4x8x128xi32, #tpu.memory_space<hbm>> -> memref<4x8x128xi32, #tpu.memory_space<hbm>>
        %dma_start3A_732 = arith.constant 0 : i32
        %dma_start3A_733 = arith.constant 0 : i32
        %dma_start3A_734 = arith.constant 0 : i32
        %dma_start3A_735 = tpu.memref_slice %arg9[%dma_start3A_722, %dma_start3A_732, %dma_start3A_733, %dma_start3A_734] : memref<2x4x8x128xi32, #tpu.memory_space<vmem>> -> memref<1x4x8x128xi32, #tpu.memory_space<vmem>>
        %dma_start3A_736 = tpu.memref_squeeze %dma_start3A_735 : memref<1x4x8x128xi32, #tpu.memory_space<vmem>> -> memref<4x8x128xi32, #tpu.memory_space<vmem>>
        %dma_start3A_737 = arith.constant 0 : i32
        %dma_start3A_738 = arith.constant 0 : i32
        %dma_start3A_739 = tpu.memref_slice %arg3[%select_n3A_703, %mul3A_721, %dma_start3A_737, %dma_start3A_738] : memref<256x16x8x128xi32, #tpu.memory_space<hbm>> -> memref<1x4x8x128xi32, #tpu.memory_space<hbm>>
        %dma_start3A_740 = tpu.memref_squeeze %dma_start3A_739 : memref<1x4x8x128xi32, #tpu.memory_space<hbm>> -> memref<4x8x128xi32, #tpu.memory_space<hbm>>
        tpu.enqueue_dma source(%dma_start3A_740 : memref<4x8x128xi32, #tpu.memory_space<hbm>>) target(%dma_start3A_736 : memref<4x8x128xi32, #tpu.memory_space<vmem>>) target_semaphore(%arg16 : memref<!tpu.dma_semaphore, #tpu.memory_space<semaphore_mem>>)
        %dma_start3A_741 = arith.constant 0 : i32
        %dma_start3A_742 = arith.constant 0 : i32
        %dma_start3A_743 = arith.constant 0 : i32
        %dma_start3A_744 = arith.constant 0 : i32
        %dma_start3A_745 = tpu.memref_slice %arg10[%dma_start3A_741, %dma_start3A_742, %dma_start3A_743, %dma_start3A_744] : memref<2x4x8x128xi32, #tpu.memory_space<vmem>> -> memref<1x4x8x128xi32, #tpu.memory_space<vmem>>
        %dma_start3A_746 = tpu.memref_squeeze %dma_start3A_745 : memref<1x4x8x128xi32, #tpu.memory_space<vmem>> -> memref<4x8x128xi32, #tpu.memory_space<vmem>>
        %dma_start3A_747 = arith.constant 0 : i32
        %dma_start3A_748 = arith.constant 0 : i32
        %dma_start3A_749 = tpu.memref_slice %arg4[%select_n3A_703, %mul3A_721, %dma_start3A_747, %dma_start3A_748] : memref<256x16x8x128xi32, #tpu.memory_space<hbm>> -> memref<1x4x8x128xi32, #tpu.memory_space<hbm>>
        %dma_start3A_750 = tpu.memref_squeeze %dma_start3A_749 : memref<1x4x8x128xi32, #tpu.memory_space<hbm>> -> memref<4x8x128xi32, #tpu.memory_space<hbm>>
        %dma_start3A_751 = arith.constant 0 : i32
        %dma_start3A_752 = arith.constant 0 : i32
        %dma_start3A_753 = arith.constant 0 : i32
        %dma_start3A_754 = tpu.memref_slice %arg10[%dma_start3A_741, %dma_start3A_751, %dma_start3A_752, %dma_start3A_753] : memref<2x4x8x128xi32, #tpu.memory_space<vmem>> -> memref<1x4x8x128xi32, #tpu.memory_space<vmem>>
        %dma_start3A_755 = tpu.memref_squeeze %dma_start3A_754 : memref<1x4x8x128xi32, #tpu.memory_space<vmem>> -> memref<4x8x128xi32, #tpu.memory_space<vmem>>
        %dma_start3A_756 = arith.constant 0 : i32
        %dma_start3A_757 = arith.constant 0 : i32
        %dma_start3A_758 = tpu.memref_slice %arg4[%select_n3A_703, %mul3A_721, %dma_start3A_756, %dma_start3A_757] : memref<256x16x8x128xi32, #tpu.memory_space<hbm>> -> memref<1x4x8x128xi32, #tpu.memory_space<hbm>>
        %dma_start3A_759 = tpu.memref_squeeze %dma_start3A_758 : memref<1x4x8x128xi32, #tpu.memory_space<hbm>> -> memref<4x8x128xi32, #tpu.memory_space<hbm>>
        tpu.enqueue_dma source(%dma_start3A_759 : memref<4x8x128xi32, #tpu.memory_space<hbm>>) target(%dma_start3A_755 : memref<4x8x128xi32, #tpu.memory_space<vmem>>) target_semaphore(%arg16 : memref<!tpu.dma_semaphore, #tpu.memory_space<semaphore_mem>>)
        %dma_start3A_760 = arith.constant 0 : i32
        %dma_start3A_761 = arith.constant 0 : i32
        %dma_start3A_762 = arith.constant 0 : i32
        %dma_start3A_763 = arith.constant 0 : i32
        %dma_start3A_764 = tpu.memref_slice %arg11[%dma_start3A_760, %dma_start3A_761, %dma_start3A_762, %dma_start3A_763] : memref<2x4x8x128xf32, #tpu.memory_space<vmem>> -> memref<1x4x8x128xf32, #tpu.memory_space<vmem>>
        %dma_start3A_765 = tpu.memref_squeeze %dma_start3A_764 : memref<1x4x8x128xf32, #tpu.memory_space<vmem>> -> memref<4x8x128xf32, #tpu.memory_space<vmem>>
        %dma_start3A_766 = arith.constant 0 : i32
        %dma_start3A_767 = arith.constant 0 : i32
        %dma_start3A_768 = tpu.memref_slice %arg5[%select_n3A_703, %mul3A_721, %dma_start3A_766, %dma_start3A_767] : memref<256x16x8x128xf32, #tpu.memory_space<hbm>> -> memref<1x4x8x128xf32, #tpu.memory_space<hbm>>
        %dma_start3A_769 = tpu.memref_squeeze %dma_start3A_768 : memref<1x4x8x128xf32, #tpu.memory_space<hbm>> -> memref<4x8x128xf32, #tpu.memory_space<hbm>>
        %dma_start3A_770 = arith.constant 0 : i32
        %dma_start3A_771 = arith.constant 0 : i32
        %dma_start3A_772 = arith.constant 0 : i32
        %dma_start3A_773 = tpu.memref_slice %arg11[%dma_start3A_760, %dma_start3A_770, %dma_start3A_771, %dma_start3A_772] : memref<2x4x8x128xf32, #tpu.memory_space<vmem>> -> memref<1x4x8x128xf32, #tpu.memory_space<vmem>>
        %dma_start3A_774 = tpu.memref_squeeze %dma_start3A_773 : memref<1x4x8x128xf32, #tpu.memory_space<vmem>> -> memref<4x8x128xf32, #tpu.memory_space<vmem>>
        %dma_start3A_775 = arith.constant 0 : i32
        %dma_start3A_776 = arith.constant 0 : i32
        %dma_start3A_777 = tpu.memref_slice %arg5[%select_n3A_703, %mul3A_721, %dma_start3A_775, %dma_start3A_776] : memref<256x16x8x128xf32, #tpu.memory_space<hbm>> -> memref<1x4x8x128xf32, #tpu.memory_space<hbm>>
        %dma_start3A_778 = tpu.memref_squeeze %dma_start3A_777 : memref<1x4x8x128xf32, #tpu.memory_space<hbm>> -> memref<4x8x128xf32, #tpu.memory_space<hbm>>
        tpu.enqueue_dma source(%dma_start3A_778 : memref<4x8x128xf32, #tpu.memory_space<hbm>>) target(%dma_start3A_774 : memref<4x8x128xf32, #tpu.memory_space<vmem>>) target_semaphore(%arg16 : memref<!tpu.dma_semaphore, #tpu.memory_space<semaphore_mem>>)
        %dma_start3A_779 = arith.constant 0 : i32
        %dma_start3A_780 = arith.constant 0 : i32
        %dma_start3A_781 = arith.constant 0 : i32
        %dma_start3A_782 = arith.constant 0 : i32
        %dma_start3A_783 = arith.constant 0 : i32
        %dma_start3A_784 = arith.constant 0 : i32
        %dma_start3A_785 = tpu.memref_slice %arg12[%dma_start3A_779, %dma_start3A_780, %dma_start3A_781, %dma_start3A_782, %dma_start3A_783, %dma_start3A_784] : memref<2x2x8x4x2x128xf32, #tpu.memory_space<vmem>> -> memref<1x2x8x4x2x128xf32, #tpu.memory_space<vmem>>
        %dma_start3A_786 = tpu.memref_squeeze %dma_start3A_785 : memref<1x2x8x4x2x128xf32, #tpu.memory_space<vmem>> -> memref<2x8x4x2x128xf32, #tpu.memory_space<vmem>>
        %dma_start3A_787 = arith.constant 0 : i32
        %dma_start3A_788 = arith.constant 0 : i32
        %dma_start3A_789 = arith.constant 0 : i32
        %dma_start3A_790 = arith.constant 0 : i32
        %dma_start3A_791 = tpu.memref_slice %arg2[%dma_start3A_787, %select_n3A_703, %dma_start3A_788, %mul3A_721, %dma_start3A_789, %dma_start3A_790] : memref<2x256x8x16x2x128xf32, #tpu.memory_space<hbm>> -> memref<2x1x8x4x2x128xf32, #tpu.memory_space<hbm>>
        %dma_start3A_792 = tpu.memref_squeeze %dma_start3A_791 : memref<2x1x8x4x2x128xf32, #tpu.memory_space<hbm>> -> memref<2x8x4x2x128xf32, #tpu.memory_space<hbm>>
        %dma_start3A_793 = arith.constant 0 : i32
        %dma_start3A_794 = arith.constant 0 : i32
        %dma_start3A_795 = arith.constant 0 : i32
        %dma_start3A_796 = arith.constant 0 : i32
        %dma_start3A_797 = arith.constant 0 : i32
        %dma_start3A_798 = tpu.memref_slice %arg12[%dma_start3A_779, %dma_start3A_793, %dma_start3A_794, %dma_start3A_795, %dma_start3A_796, %dma_start3A_797] : memref<2x2x8x4x2x128xf32, #tpu.memory_space<vmem>> -> memref<1x2x8x4x2x128xf32, #tpu.memory_space<vmem>>
        %dma_start3A_799 = tpu.memref_squeeze %dma_start3A_798 : memref<1x2x8x4x2x128xf32, #tpu.memory_space<vmem>> -> memref<2x8x4x2x128xf32, #tpu.memory_space<vmem>>
        %dma_start3A_800 = arith.constant 0 : i32
        %dma_start3A_801 = arith.constant 0 : i32
        %dma_start3A_802 = arith.constant 0 : i32
        %dma_start3A_803 = arith.constant 0 : i32
        %dma_start3A_804 = tpu.memref_slice %arg2[%dma_start3A_800, %select_n3A_703, %dma_start3A_801, %mul3A_721, %dma_start3A_802, %dma_start3A_803] : memref<2x256x8x16x2x128xf32, #tpu.memory_space<hbm>> -> memref<2x1x8x4x2x128xf32, #tpu.memory_space<hbm>>
        %dma_start3A_805 = tpu.memref_squeeze %dma_start3A_804 : memref<2x1x8x4x2x128xf32, #tpu.memory_space<hbm>> -> memref<2x8x4x2x128xf32, #tpu.memory_space<hbm>>
        tpu.enqueue_dma source(%dma_start3A_805 : memref<2x8x4x2x128xf32, #tpu.memory_space<hbm>>) target(%dma_start3A_799 : memref<2x8x4x2x128xf32, #tpu.memory_space<vmem>>) target_semaphore(%arg16 : memref<!tpu.dma_semaphore, #tpu.memory_space<semaphore_mem>>)
      } else {
      }
      %dma_wait3A_495 = arith.constant 0 : i32
      %dma_wait3A_496 = arith.constant 1 : i32
      %dma_wait3A_497 = arith.constant 0 : i32
      %dma_wait3A_498 = arith.constant 0 : i32
      %dma_wait3A_499 = arith.constant 0 : i32
      %dma_wait3A_500 = tpu.memref_slice %arg9[%dma_wait3A_496, %dma_wait3A_497, %dma_wait3A_498, %dma_wait3A_499] : memref<2x4x8x128xi32, #tpu.memory_space<vmem>> -> memref<1x4x8x128xi32, #tpu.memory_space<vmem>>
      %dma_wait3A_501 = tpu.memref_squeeze %dma_wait3A_500 : memref<1x4x8x128xi32, #tpu.memory_space<vmem>> -> memref<4x8x128xi32, #tpu.memory_space<vmem>>
      %dma_wait3A_502 = arith.constant 0 : i32
      %dma_wait3A_503 = arith.constant 0 : i32
      %dma_wait3A_504 = arith.constant 0 : i32
      %dma_wait3A_505 = tpu.memref_slice %arg3[%dma_wait3A_495, %dma_wait3A_502, %dma_wait3A_503, %dma_wait3A_504] : memref<256x16x8x128xi32, #tpu.memory_space<hbm>> -> memref<1x4x8x128xi32, #tpu.memory_space<hbm>>
      %dma_wait3A_506 = tpu.memref_squeeze %dma_wait3A_505 : memref<1x4x8x128xi32, #tpu.memory_space<hbm>> -> memref<4x8x128xi32, #tpu.memory_space<hbm>>
      %dma_wait3A_507 = arith.constant 0 : i32
      %dma_wait3A_508 = arith.constant 0 : i32
      %dma_wait3A_509 = arith.constant 0 : i32
      %dma_wait3A_510 = tpu.memref_slice %arg9[%dma_wait3A_496, %dma_wait3A_507, %dma_wait3A_508, %dma_wait3A_509] : memref<2x4x8x128xi32, #tpu.memory_space<vmem>> -> memref<1x4x8x128xi32, #tpu.memory_space<vmem>>
      %dma_wait3A_511 = tpu.memref_squeeze %dma_wait3A_510 : memref<1x4x8x128xi32, #tpu.memory_space<vmem>> -> memref<4x8x128xi32, #tpu.memory_space<vmem>>
      %dma_wait3A_512 = arith.constant 0 : i32
      %dma_wait3A_513 = arith.constant 0 : i32
      %dma_wait3A_514 = arith.constant 0 : i32
      %dma_wait3A_515 = tpu.memref_slice %arg3[%dma_wait3A_495, %dma_wait3A_512, %dma_wait3A_513, %dma_wait3A_514] : memref<256x16x8x128xi32, #tpu.memory_space<hbm>> -> memref<1x4x8x128xi32, #tpu.memory_space<hbm>>
      %dma_wait3A_516 = tpu.memref_squeeze %dma_wait3A_515 : memref<1x4x8x128xi32, #tpu.memory_space<hbm>> -> memref<4x8x128xi32, #tpu.memory_space<hbm>>
      tpu.wait_dma2 semaphore(%arg17 : memref<!tpu.dma_semaphore, #tpu.memory_space<semaphore_mem>>) src(%dma_wait3A_516 : memref<4x8x128xi32, #tpu.memory_space<hbm>>) dst(%dma_wait3A_511 : memref<4x8x128xi32, #tpu.memory_space<vmem>>)
      %dma_wait3A_517 = arith.constant 0 : i32
      %dma_wait3A_518 = arith.constant 1 : i32
      %dma_wait3A_519 = arith.constant 0 : i32
      %dma_wait3A_520 = arith.constant 0 : i32
      %dma_wait3A_521 = arith.constant 0 : i32
      %dma_wait3A_522 = tpu.memref_slice %arg10[%dma_wait3A_518, %dma_wait3A_519, %dma_wait3A_520, %dma_wait3A_521] : memref<2x4x8x128xi32, #tpu.memory_space<vmem>> -> memref<1x4x8x128xi32, #tpu.memory_space<vmem>>
      %dma_wait3A_523 = tpu.memref_squeeze %dma_wait3A_522 : memref<1x4x8x128xi32, #tpu.memory_space<vmem>> -> memref<4x8x128xi32, #tpu.memory_space<vmem>>
      %dma_wait3A_524 = arith.constant 0 : i32
      %dma_wait3A_525 = arith.constant 0 : i32
      %dma_wait3A_526 = arith.constant 0 : i32
      %dma_wait3A_527 = tpu.memref_slice %arg4[%dma_wait3A_517, %dma_wait3A_524, %dma_wait3A_525, %dma_wait3A_526] : memref<256x16x8x128xi32, #tpu.memory_space<hbm>> -> memref<1x4x8x128xi32, #tpu.memory_space<hbm>>
      %dma_wait3A_528 = tpu.memref_squeeze %dma_wait3A_527 : memref<1x4x8x128xi32, #tpu.memory_space<hbm>> -> memref<4x8x128xi32, #tpu.memory_space<hbm>>
      %dma_wait3A_529 = arith.constant 0 : i32
      %dma_wait3A_530 = arith.constant 0 : i32
      %dma_wait3A_531 = arith.constant 0 : i32
      %dma_wait3A_532 = tpu.memref_slice %arg10[%dma_wait3A_518, %dma_wait3A_529, %dma_wait3A_530, %dma_wait3A_531] : memref<2x4x8x128xi32, #tpu.memory_space<vmem>> -> memref<1x4x8x128xi32, #tpu.memory_space<vmem>>
      %dma_wait3A_533 = tpu.memref_squeeze %dma_wait3A_532 : memref<1x4x8x128xi32, #tpu.memory_space<vmem>> -> memref<4x8x128xi32, #tpu.memory_space<vmem>>
      %dma_wait3A_534 = arith.constant 0 : i32
      %dma_wait3A_535 = arith.constant 0 : i32
      %dma_wait3A_536 = arith.constant 0 : i32
      %dma_wait3A_537 = tpu.memref_slice %arg4[%dma_wait3A_517, %dma_wait3A_534, %dma_wait3A_535, %dma_wait3A_536] : memref<256x16x8x128xi32, #tpu.memory_space<hbm>> -> memref<1x4x8x128xi32, #tpu.memory_space<hbm>>
      %dma_wait3A_538 = tpu.memref_squeeze %dma_wait3A_537 : memref<1x4x8x128xi32, #tpu.memory_space<hbm>> -> memref<4x8x128xi32, #tpu.memory_space<hbm>>
      tpu.wait_dma2 semaphore(%arg17 : memref<!tpu.dma_semaphore, #tpu.memory_space<semaphore_mem>>) src(%dma_wait3A_538 : memref<4x8x128xi32, #tpu.memory_space<hbm>>) dst(%dma_wait3A_533 : memref<4x8x128xi32, #tpu.memory_space<vmem>>)
      %dma_wait3A_539 = arith.constant 0 : i32
      %dma_wait3A_540 = arith.constant 1 : i32
      %dma_wait3A_541 = arith.constant 0 : i32
      %dma_wait3A_542 = arith.constant 0 : i32
      %dma_wait3A_543 = arith.constant 0 : i32
      %dma_wait3A_544 = tpu.memref_slice %arg11[%dma_wait3A_540, %dma_wait3A_541, %dma_wait3A_542, %dma_wait3A_543] : memref<2x4x8x128xf32, #tpu.memory_space<vmem>> -> memref<1x4x8x128xf32, #tpu.memory_space<vmem>>
      %dma_wait3A_545 = tpu.memref_squeeze %dma_wait3A_544 : memref<1x4x8x128xf32, #tpu.memory_space<vmem>> -> memref<4x8x128xf32, #tpu.memory_space<vmem>>
      %dma_wait3A_546 = arith.constant 0 : i32
      %dma_wait3A_547 = arith.constant 0 : i32
      %dma_wait3A_548 = arith.constant 0 : i32
      %dma_wait3A_549 = tpu.memref_slice %arg5[%dma_wait3A_539, %dma_wait3A_546, %dma_wait3A_547, %dma_wait3A_548] : memref<256x16x8x128xf32, #tpu.memory_space<hbm>> -> memref<1x4x8x128xf32, #tpu.memory_space<hbm>>
      %dma_wait3A_550 = tpu.memref_squeeze %dma_wait3A_549 : memref<1x4x8x128xf32, #tpu.memory_space<hbm>> -> memref<4x8x128xf32, #tpu.memory_space<hbm>>
      %dma_wait3A_551 = arith.constant 0 : i32
      %dma_wait3A_552 = arith.constant 0 : i32
      %dma_wait3A_553 = arith.constant 0 : i32
      %dma_wait3A_554 = tpu.memref_slice %arg11[%dma_wait3A_540, %dma_wait3A_551, %dma_wait3A_552, %dma_wait3A_553] : memref<2x4x8x128xf32, #tpu.memory_space<vmem>> -> memref<1x4x8x128xf32, #tpu.memory_space<vmem>>
      %dma_wait3A_555 = tpu.memref_squeeze %dma_wait3A_554 : memref<1x4x8x128xf32, #tpu.memory_space<vmem>> -> memref<4x8x128xf32, #tpu.memory_space<vmem>>
      %dma_wait3A_556 = arith.constant 0 : i32
      %dma_wait3A_557 = arith.constant 0 : i32
      %dma_wait3A_558 = arith.constant 0 : i32
      %dma_wait3A_559 = tpu.memref_slice %arg5[%dma_wait3A_539, %dma_wait3A_556, %dma_wait3A_557, %dma_wait3A_558] : memref<256x16x8x128xf32, #tpu.memory_space<hbm>> -> memref<1x4x8x128xf32, #tpu.memory_space<hbm>>
      %dma_wait3A_560 = tpu.memref_squeeze %dma_wait3A_559 : memref<1x4x8x128xf32, #tpu.memory_space<hbm>> -> memref<4x8x128xf32, #tpu.memory_space<hbm>>
      tpu.wait_dma2 semaphore(%arg17 : memref<!tpu.dma_semaphore, #tpu.memory_space<semaphore_mem>>) src(%dma_wait3A_560 : memref<4x8x128xf32, #tpu.memory_space<hbm>>) dst(%dma_wait3A_555 : memref<4x8x128xf32, #tpu.memory_space<vmem>>)
      %dma_wait3A_561 = arith.constant 0 : i32
      %dma_wait3A_562 = arith.constant 1 : i32
      %dma_wait3A_563 = arith.constant 0 : i32
      %dma_wait3A_564 = arith.constant 0 : i32
      %dma_wait3A_565 = arith.constant 0 : i32
      %dma_wait3A_566 = arith.constant 0 : i32
      %dma_wait3A_567 = arith.constant 0 : i32
      %dma_wait3A_568 = tpu.memref_slice %arg12[%dma_wait3A_562, %dma_wait3A_563, %dma_wait3A_564, %dma_wait3A_565, %dma_wait3A_566, %dma_wait3A_567] : memref<2x2x8x4x2x128xf32, #tpu.memory_space<vmem>> -> memref<1x2x8x4x2x128xf32, #tpu.memory_space<vmem>>
      %dma_wait3A_569 = tpu.memref_squeeze %dma_wait3A_568 : memref<1x2x8x4x2x128xf32, #tpu.memory_space<vmem>> -> memref<2x8x4x2x128xf32, #tpu.memory_space<vmem>>
      %dma_wait3A_570 = arith.constant 0 : i32
      %dma_wait3A_571 = arith.constant 0 : i32
      %dma_wait3A_572 = arith.constant 0 : i32
      %dma_wait3A_573 = arith.constant 0 : i32
      %dma_wait3A_574 = arith.constant 0 : i32
      %dma_wait3A_575 = tpu.memref_slice %arg2[%dma_wait3A_570, %dma_wait3A_561, %dma_wait3A_571, %dma_wait3A_572, %dma_wait3A_573, %dma_wait3A_574] : memref<2x256x8x16x2x128xf32, #tpu.memory_space<hbm>> -> memref<2x1x8x4x2x128xf32, #tpu.memory_space<hbm>>
      %dma_wait3A_576 = tpu.memref_squeeze %dma_wait3A_575 : memref<2x1x8x4x2x128xf32, #tpu.memory_space<hbm>> -> memref<2x8x4x2x128xf32, #tpu.memory_space<hbm>>
      %dma_wait3A_577 = arith.constant 0 : i32
      %dma_wait3A_578 = arith.constant 0 : i32
      %dma_wait3A_579 = arith.constant 0 : i32
      %dma_wait3A_580 = arith.constant 0 : i32
      %dma_wait3A_581 = arith.constant 0 : i32
      %dma_wait3A_582 = tpu.memref_slice %arg12[%dma_wait3A_562, %dma_wait3A_577, %dma_wait3A_578, %dma_wait3A_579, %dma_wait3A_580, %dma_wait3A_581] : memref<2x2x8x4x2x128xf32, #tpu.memory_space<vmem>> -> memref<1x2x8x4x2x128xf32, #tpu.memory_space<vmem>>
      %dma_wait3A_583 = tpu.memref_squeeze %dma_wait3A_582 : memref<1x2x8x4x2x128xf32, #tpu.memory_space<vmem>> -> memref<2x8x4x2x128xf32, #tpu.memory_space<vmem>>
      %dma_wait3A_584 = arith.constant 0 : i32
      %dma_wait3A_585 = arith.constant 0 : i32
      %dma_wait3A_586 = arith.constant 0 : i32
      %dma_wait3A_587 = arith.constant 0 : i32
      %dma_wait3A_588 = arith.constant 0 : i32
      %dma_wait3A_589 = tpu.memref_slice %arg2[%dma_wait3A_584, %dma_wait3A_561, %dma_wait3A_585, %dma_wait3A_586, %dma_wait3A_587, %dma_wait3A_588] : memref<2x256x8x16x2x128xf32, #tpu.memory_space<hbm>> -> memref<2x1x8x4x2x128xf32, #tpu.memory_space<hbm>>
      %dma_wait3A_590 = tpu.memref_squeeze %dma_wait3A_589 : memref<2x1x8x4x2x128xf32, #tpu.memory_space<hbm>> -> memref<2x8x4x2x128xf32, #tpu.memory_space<hbm>>
      tpu.wait_dma2 semaphore(%arg17 : memref<!tpu.dma_semaphore, #tpu.memory_space<semaphore_mem>>) src(%dma_wait3A_590 : memref<2x8x4x2x128xf32, #tpu.memory_space<hbm>>) dst(%dma_wait3A_583 : memref<2x8x4x2x128xf32, #tpu.memory_space<vmem>>)
      %gt3A_591 = arith.constant 0 : i32
      %gt3A_592 = arith.cmpi sgt, %scan3A_316, %gt3A_591 : i32
      %convert_element_type3A_593 = arith.extui %gt3A_592 : i1 to i32
      %cond3A_594 = arith.constant 0 : i32
      %cond3A_595 = arith.cmpi ne, %convert_element_type3A_593, %cond3A_594 : i32
      scf.if %cond3A_595 {
        %dma_wait3A_677 = arith.constant 1 : i32
        %dma_wait3A_678 = arith.constant 0 : i32
        %dma_wait3A_679 = arith.constant 0 : i32
        %dma_wait3A_680 = arith.constant 0 : i32
        %dma_wait3A_681 = arith.constant 0 : i32
        %dma_wait3A_682 = arith.constant 0 : i32
        %dma_wait3A_683 = arith.constant 0 : i32
        %dma_wait3A_684 = tpu.memref_slice %arg13[%dma_wait3A_677, %dma_wait3A_679, %dma_wait3A_680, %dma_wait3A_681, %dma_wait3A_682, %dma_wait3A_683] : memref<2x2x8x4x2x128xf32, #tpu.memory_space<vmem>> -> memref<1x2x8x4x2x128xf32, #tpu.memory_space<vmem>>
        %dma_wait3A_685 = tpu.memref_squeeze %dma_wait3A_684 : memref<1x2x8x4x2x128xf32, #tpu.memory_space<vmem>> -> memref<2x8x4x2x128xf32, #tpu.memory_space<vmem>>
        %dma_wait3A_686 = arith.constant 0 : i32
        %dma_wait3A_687 = arith.constant 0 : i32
        %dma_wait3A_688 = arith.constant 0 : i32
        %dma_wait3A_689 = arith.constant 0 : i32
        %dma_wait3A_690 = arith.constant 0 : i32
        %dma_wait3A_691 = tpu.memref_slice %arg8[%dma_wait3A_686, %dma_wait3A_678, %dma_wait3A_687, %dma_wait3A_688, %dma_wait3A_689, %dma_wait3A_690] : memref<2x256x8x16x2x128xf32, #tpu.memory_space<hbm>> -> memref<2x1x8x4x2x128xf32, #tpu.memory_space<hbm>>
        %dma_wait3A_692 = tpu.memref_squeeze %dma_wait3A_691 : memref<2x1x8x4x2x128xf32, #tpu.memory_space<hbm>> -> memref<2x8x4x2x128xf32, #tpu.memory_space<hbm>>
        %dma_wait3A_693 = arith.constant 0 : i32
        %dma_wait3A_694 = arith.constant 0 : i32
        %dma_wait3A_695 = arith.constant 0 : i32
        %dma_wait3A_696 = arith.constant 0 : i32
        %dma_wait3A_697 = arith.constant 0 : i32
        %dma_wait3A_698 = tpu.memref_slice %arg8[%dma_wait3A_693, %dma_wait3A_678, %dma_wait3A_694, %dma_wait3A_695, %dma_wait3A_696, %dma_wait3A_697] : memref<2x256x8x16x2x128xf32, #tpu.memory_space<hbm>> -> memref<2x1x8x4x2x128xf32, #tpu.memory_space<hbm>>
        %dma_wait3A_699 = tpu.memref_squeeze %dma_wait3A_698 : memref<2x1x8x4x2x128xf32, #tpu.memory_space<hbm>> -> memref<2x8x4x2x128xf32, #tpu.memory_space<hbm>>
        %dma_wait3A_700 = arith.constant 0 : i32
        %dma_wait3A_701 = arith.constant 0 : i32
        %dma_wait3A_702 = arith.constant 0 : i32
        %dma_wait3A_703 = arith.constant 0 : i32
        %dma_wait3A_704 = arith.constant 0 : i32
        %dma_wait3A_705 = tpu.memref_slice %arg13[%dma_wait3A_677, %dma_wait3A_700, %dma_wait3A_701, %dma_wait3A_702, %dma_wait3A_703, %dma_wait3A_704] : memref<2x2x8x4x2x128xf32, #tpu.memory_space<vmem>> -> memref<1x2x8x4x2x128xf32, #tpu.memory_space<vmem>>
        %dma_wait3A_706 = tpu.memref_squeeze %dma_wait3A_705 : memref<1x2x8x4x2x128xf32, #tpu.memory_space<vmem>> -> memref<2x8x4x2x128xf32, #tpu.memory_space<vmem>>
        tpu.wait_dma2 semaphore(%arg19 : memref<!tpu.dma_semaphore, #tpu.memory_space<semaphore_mem>>) src(%dma_wait3A_706 : memref<2x8x4x2x128xf32, #tpu.memory_space<vmem>>) dst(%dma_wait3A_699 : memref<2x8x4x2x128xf32, #tpu.memory_space<hbm>>)
      } else {
      }
      %parallel_loop3A_596 = arith.constant 0 : i32
      %parallel_loop3A_597 = arith.constant 32 : i32
      %parallel_loop3A_598 = arith.constant 1 : i32
      scf.for %parallel_loop3A_677 = %parallel_loop3A_596 to %parallel_loop3A_597 step %parallel_loop3A_598  : i32 {
        %parallel_loop3A_678 = arith.constant 2 : i32
        %parallel_loop3A_679 = arith.shrsi %parallel_loop3A_677, %parallel_loop3A_678 : i32
        %parallel_loop3A_680 = arith.constant 3 : i32
        %parallel_loop3A_681 = arith.andi %parallel_loop3A_677, %parallel_loop3A_680 : i32
        %parallel_loop3A_682 = arith.constant 1 : i32
        %parallel_loop3A_683 = arith.index_cast %parallel_loop3A_682 : i32 to index
        %parallel_loop3A_684 = arith.index_cast %parallel_loop3A_681 : i32 to index
        %parallel_loop3A_685 = arith.index_cast %parallel_loop3A_679 : i32 to index
        %parallel_loop3A_686 = arith.constant 0 : index
        %parallel_loop3A_687 = tpu.vector_load %arg9[%parallel_loop3A_683, %parallel_loop3A_684, %parallel_loop3A_685, %parallel_loop3A_686] {strides = array<i32>} : memref<2x4x8x128xi32, #tpu.memory_space<vmem>>, vector<16xi32>,
        %parallel_loop3A_688 = arith.constant 1 : i32
        %parallel_loop3A_689 = arith.index_cast %parallel_loop3A_688 : i32 to index
        %parallel_loop3A_690 = arith.index_cast %parallel_loop3A_681 : i32 to index
        %parallel_loop3A_691 = arith.index_cast %parallel_loop3A_679 : i32 to index
        %parallel_loop3A_692 = arith.constant 0 : index
        %parallel_loop3A_693 = tpu.vector_load %arg10[%parallel_loop3A_689, %parallel_loop3A_690, %parallel_loop3A_691, %parallel_loop3A_692] {strides = array<i32>} : memref<2x4x8x128xi32, #tpu.memory_space<vmem>>, vector<16xi32>,
        %parallel_loop3A_694 = arith.constant 1 : i32
        %parallel_loop3A_695 = arith.index_cast %parallel_loop3A_694 : i32 to index
        %parallel_loop3A_696 = arith.index_cast %parallel_loop3A_681 : i32 to index
        %parallel_loop3A_697 = arith.index_cast %parallel_loop3A_679 : i32 to index
        %parallel_loop3A_698 = arith.constant 0 : index
        %parallel_loop3A_699 = tpu.vector_load %arg11[%parallel_loop3A_695, %parallel_loop3A_696, %parallel_loop3A_697, %parallel_loop3A_698] {strides = array<i32>} : memref<2x4x8x128xf32, #tpu.memory_space<vmem>>, vector<16xf32>,
        %parallel_loop3A_700 = arith.constant 1 : i32
        %parallel_loop3A_701 = arith.constant 0 : i32
        %parallel_loop3A_702 = arith.constant 0 : i32
        %parallel_loop3A_703 = arith.index_cast %parallel_loop3A_700 : i32 to index
        %parallel_loop3A_704 = arith.index_cast %parallel_loop3A_701 : i32 to index
        %parallel_loop3A_705 = arith.index_cast %parallel_loop3A_679 : i32 to index
        %parallel_loop3A_706 = arith.index_cast %parallel_loop3A_681 : i32 to index
        %parallel_loop3A_707 = arith.index_cast %parallel_loop3A_702 : i32 to index
        %parallel_loop3A_708 = arith.constant 0 : index
        %parallel_loop3A_709 = tpu.vector_load %arg12[%parallel_loop3A_703, %parallel_loop3A_704, %parallel_loop3A_705, %parallel_loop3A_706, %parallel_loop3A_707, %parallel_loop3A_708] {strides = array<i32>} : memref<2x2x8x4x2x128xf32, #tpu.memory_space<vmem>>, vector<16xf32>,
        %parallel_loop3A_710 = arith.constant 1 : i32
        %parallel_loop3A_711 = arith.constant 0 : i32
        %parallel_loop3A_712 = arith.constant 1 : i32
        %parallel_loop3A_713 = arith.index_cast %parallel_loop3A_710 : i32 to index
        %parallel_loop3A_714 = arith.index_cast %parallel_loop3A_711 : i32 to index
        %parallel_loop3A_715 = arith.index_cast %parallel_loop3A_679 : i32 to index
        %parallel_loop3A_716 = arith.index_cast %parallel_loop3A_681 : i32 to index
        %parallel_loop3A_717 = arith.index_cast %parallel_loop3A_712 : i32 to index
        %parallel_loop3A_718 = arith.constant 0 : index
        %parallel_loop3A_719 = tpu.vector_load %arg12[%parallel_loop3A_713, %parallel_loop3A_714, %parallel_loop3A_715, %parallel_loop3A_716, %parallel_loop3A_717, %parallel_loop3A_718] {strides = array<i32>} : memref<2x2x8x4x2x128xf32, #tpu.memory_space<vmem>>, vector<16xf32>,
        %parallel_loop3A_720 = arith.constant 1 : i32
        %parallel_loop3A_721 = arith.constant 1 : i32
        %parallel_loop3A_722 = arith.constant 0 : i32
        %parallel_loop3A_723 = arith.index_cast %parallel_loop3A_720 : i32 to index
        %parallel_loop3A_724 = arith.index_cast %parallel_loop3A_721 : i32 to index
        %parallel_loop3A_725 = arith.index_cast %parallel_loop3A_679 : i32 to index
        %parallel_loop3A_726 = arith.index_cast %parallel_loop3A_681 : i32 to index
        %parallel_loop3A_727 = arith.index_cast %parallel_loop3A_722 : i32 to index
        %parallel_loop3A_728 = arith.constant 0 : index
        %parallel_loop3A_729 = tpu.vector_load %arg12[%parallel_loop3A_723, %parallel_loop3A_724, %parallel_loop3A_725, %parallel_loop3A_726, %parallel_loop3A_727, %parallel_loop3A_728] {strides = array<i32>} : memref<2x2x8x4x2x128xf32, #tpu.memory_space<vmem>>, vector<16xf32>,
        %parallel_loop3A_730 = arith.constant 1 : i32
        %parallel_loop3A_731 = arith.constant 1 : i32
        %parallel_loop3A_732 = arith.constant 1 : i32
        %parallel_loop3A_733 = arith.index_cast %parallel_loop3A_730 : i32 to index
        %parallel_loop3A_734 = arith.index_cast %parallel_loop3A_731 : i32 to index
        %parallel_loop3A_735 = arith.index_cast %parallel_loop3A_679 : i32 to index
        %parallel_loop3A_736 = arith.index_cast %parallel_loop3A_681 : i32 to index
        %parallel_loop3A_737 = arith.index_cast %parallel_loop3A_732 : i32 to index
        %parallel_loop3A_738 = arith.constant 0 : index
        %parallel_loop3A_739 = tpu.vector_load %arg12[%parallel_loop3A_733, %parallel_loop3A_734, %parallel_loop3A_735, %parallel_loop3A_736, %parallel_loop3A_737, %parallel_loop3A_738] {strides = array<i32>} : memref<2x2x8x4x2x128xf32, #tpu.memory_space<vmem>>, vector<16xf32>,
        %parallel_loop3A_740 = arith.constant 0 : i32
        %parallel_loop3A_741 = vector.broadcast %parallel_loop3A_740 : i32 to vector<16xi32>
        %parallel_loop3A_742 = arith.cmpi eq, %parallel_loop3A_687, %parallel_loop3A_741 : vector<16xi32>
        %parallel_loop3A_743 = arith.constant 0 : i32
        %parallel_loop3A_744 = vector.broadcast %parallel_loop3A_743 : i32 to vector<16xi32>
        %parallel_loop3A_745 = arith.cmpi eq, %parallel_loop3A_693, %parallel_loop3A_744 : vector<16xi32>
        %parallel_loop3A_746 = arith.maximumf %parallel_loop3A_709, %parallel_loop3A_719 : vector<16xf32>
        %parallel_loop3A_747 = arith.maximumf %parallel_loop3A_729, %parallel_loop3A_739 : vector<16xf32>
        %parallel_loop3A_748 = arith.select %parallel_loop3A_745, %parallel_loop3A_746, %parallel_loop3A_747 : vector<16xi1>, vector<16xf32>
        %parallel_loop3A_749 = arith.mulf %get3A_5, %parallel_loop3A_748 : vector<16xf32>
        %parallel_loop3A_750 = arith.addf %parallel_loop3A_699, %parallel_loop3A_749 : vector<16xf32>
        %parallel_loop3A_751 = arith.constant 0.000000e+00 : f32
        %parallel_loop3A_752 = vector.broadcast %parallel_loop3A_751 : f32 to vector<16xf32>
        %parallel_loop3A_753 = arith.andi %parallel_loop3A_742, %parallel_loop3A_745 : vector<16xi1>
        %parallel_loop3A_754 = arith.select %parallel_loop3A_753, %get3A_3, %parallel_loop3A_752 : vector<16xi1>, vector<16xf32>
        %parallel_loop3A_755 = arith.constant dense<true> : vector<16xi1>
        %parallel_loop3A_756 = arith.xori %parallel_loop3A_745, %parallel_loop3A_755 : vector<16xi1>
        %parallel_loop3A_757 = arith.andi %parallel_loop3A_742, %parallel_loop3A_756 : vector<16xi1>
        %parallel_loop3A_758 = arith.select %parallel_loop3A_757, %get3A_3, %parallel_loop3A_752 : vector<16xi1>, vector<16xf32>
        %parallel_loop3A_759 = arith.constant dense<true> : vector<16xi1>
        %parallel_loop3A_760 = arith.xori %parallel_loop3A_742, %parallel_loop3A_759 : vector<16xi1>
        %parallel_loop3A_761 = arith.andi %parallel_loop3A_760, %parallel_loop3A_745 : vector<16xi1>
        %parallel_loop3A_762 = arith.select %parallel_loop3A_761, %get3A_3, %parallel_loop3A_752 : vector<16xi1>, vector<16xf32>
        %parallel_loop3A_763 = arith.constant dense<true> : vector<16xi1>
        %parallel_loop3A_764 = arith.xori %parallel_loop3A_742, %parallel_loop3A_763 : vector<16xi1>
        %parallel_loop3A_765 = arith.constant dense<true> : vector<16xi1>
        %parallel_loop3A_766 = arith.xori %parallel_loop3A_745, %parallel_loop3A_765 : vector<16xi1>
        %parallel_loop3A_767 = arith.andi %parallel_loop3A_764, %parallel_loop3A_766 : vector<16xi1>
        %parallel_loop3A_768 = arith.select %parallel_loop3A_767, %get3A_3, %parallel_loop3A_752 : vector<16xi1>, vector<16xf32>
        %parallel_loop3A_769 = arith.subf %parallel_loop3A_750, %parallel_loop3A_709 : vector<16xf32>
        %parallel_loop3A_770 = arith.mulf %parallel_loop3A_754, %parallel_loop3A_769 : vector<16xf32>
        %parallel_loop3A_771 = arith.addf %parallel_loop3A_709, %parallel_loop3A_770 : vector<16xf32>
        %parallel_loop3A_772 = arith.constant 1 : i32
        %parallel_loop3A_773 = arith.constant 0 : i32
        %parallel_loop3A_774 = arith.constant 0 : i32
        %parallel_loop3A_775 = arith.index_cast %parallel_loop3A_772 : i32 to index
        %parallel_loop3A_776 = arith.index_cast %parallel_loop3A_773 : i32 to index
        %parallel_loop3A_777 = arith.index_cast %parallel_loop3A_679 : i32 to index
        %parallel_loop3A_778 = arith.index_cast %parallel_loop3A_681 : i32 to index
        %parallel_loop3A_779 = arith.index_cast %parallel_loop3A_774 : i32 to index
        %parallel_loop3A_780 = arith.constant 0 : index
        %parallel_loop3A_781 = tpu.vector_load %arg13[%parallel_loop3A_775, %parallel_loop3A_776, %parallel_loop3A_777, %parallel_loop3A_778, %parallel_loop3A_779, %parallel_loop3A_780] {strides = array<i32>} : memref<2x2x8x4x2x128xf32, #tpu.memory_space<vmem>>, vector<16xf32>,
        tpu.vector_store %arg13[%parallel_loop3A_775, %parallel_loop3A_776, %parallel_loop3A_777, %parallel_loop3A_778, %parallel_loop3A_779, %parallel_loop3A_780], %parallel_loop3A_771 {strides = array<i32>} : memref<2x2x8x4x2x128xf32, #tpu.memory_space<vmem>>, vector<16xf32>,
        %parallel_loop3A_782 = arith.subf %parallel_loop3A_750, %parallel_loop3A_719 : vector<16xf32>
        %parallel_loop3A_783 = arith.mulf %parallel_loop3A_758, %parallel_loop3A_782 : vector<16xf32>
        %parallel_loop3A_784 = arith.addf %parallel_loop3A_719, %parallel_loop3A_783 : vector<16xf32>
        %parallel_loop3A_785 = arith.constant 1 : i32
        %parallel_loop3A_786 = arith.constant 0 : i32
        %parallel_loop3A_787 = arith.constant 1 : i32
        %parallel_loop3A_788 = arith.index_cast %parallel_loop3A_785 : i32 to index
        %parallel_loop3A_789 = arith.index_cast %parallel_loop3A_786 : i32 to index
        %parallel_loop3A_790 = arith.index_cast %parallel_loop3A_679 : i32 to index
        %parallel_loop3A_791 = arith.index_cast %parallel_loop3A_681 : i32 to index
        %parallel_loop3A_792 = arith.index_cast %parallel_loop3A_787 : i32 to index
        %parallel_loop3A_793 = arith.constant 0 : index
        %parallel_loop3A_794 = tpu.vector_load %arg13[%parallel_loop3A_788, %parallel_loop3A_789, %parallel_loop3A_790, %parallel_loop3A_791, %parallel_loop3A_792, %parallel_loop3A_793] {strides = array<i32>} : memref<2x2x8x4x2x128xf32, #tpu.memory_space<vmem>>, vector<16xf32>,
        tpu.vector_store %arg13[%parallel_loop3A_788, %parallel_loop3A_789, %parallel_loop3A_790, %parallel_loop3A_791, %parallel_loop3A_792, %parallel_loop3A_793], %parallel_loop3A_784 {strides = array<i32>} : memref<2x2x8x4x2x128xf32, #tpu.memory_space<vmem>>, vector<16xf32>,
        %parallel_loop3A_795 = arith.subf %parallel_loop3A_750, %parallel_loop3A_729 : vector<16xf32>
        %parallel_loop3A_796 = arith.mulf %parallel_loop3A_762, %parallel_loop3A_795 : vector<16xf32>
        %parallel_loop3A_797 = arith.addf %parallel_loop3A_729, %parallel_loop3A_796 : vector<16xf32>
        %parallel_loop3A_798 = arith.constant 1 : i32
        %parallel_loop3A_799 = arith.constant 1 : i32
        %parallel_loop3A_800 = arith.constant 0 : i32
        %parallel_loop3A_801 = arith.index_cast %parallel_loop3A_798 : i32 to index
        %parallel_loop3A_802 = arith.index_cast %parallel_loop3A_799 : i32 to index
        %parallel_loop3A_803 = arith.index_cast %parallel_loop3A_679 : i32 to index
        %parallel_loop3A_804 = arith.index_cast %parallel_loop3A_681 : i32 to index
        %parallel_loop3A_805 = arith.index_cast %parallel_loop3A_800 : i32 to index
        %parallel_loop3A_806 = arith.constant 0 : index
        %parallel_loop3A_807 = tpu.vector_load %arg13[%parallel_loop3A_801, %parallel_loop3A_802, %parallel_loop3A_803, %parallel_loop3A_804, %parallel_loop3A_805, %parallel_loop3A_806] {strides = array<i32>} : memref<2x2x8x4x2x128xf32, #tpu.memory_space<vmem>>, vector<16xf32>,
        tpu.vector_store %arg13[%parallel_loop3A_801, %parallel_loop3A_802, %parallel_loop3A_803, %parallel_loop3A_804, %parallel_loop3A_805, %parallel_loop3A_806], %parallel_loop3A_797 {strides = array<i32>} : memref<2x2x8x4x2x128xf32, #tpu.memory_space<vmem>>, vector<16xf32>,
        %parallel_loop3A_808 = arith.subf %parallel_loop3A_750, %parallel_loop3A_739 : vector<16xf32>
        %parallel_loop3A_809 = arith.mulf %parallel_loop3A_768, %parallel_loop3A_808 : vector<16xf32>
        %parallel_loop3A_810 = arith.addf %parallel_loop3A_739, %parallel_loop3A_809 : vector<16xf32>
        %parallel_loop3A_811 = arith.constant 1 : i32
        %parallel_loop3A_812 = arith.constant 1 : i32
        %parallel_loop3A_813 = arith.constant 1 : i32
        %parallel_loop3A_814 = arith.index_cast %parallel_loop3A_811 : i32 to index
        %parallel_loop3A_815 = arith.index_cast %parallel_loop3A_812 : i32 to index
        %parallel_loop3A_816 = arith.index_cast %parallel_loop3A_679 : i32 to index
        %parallel_loop3A_817 = arith.index_cast %parallel_loop3A_681 : i32 to index
        %parallel_loop3A_818 = arith.index_cast %parallel_loop3A_813 : i32 to index
        %parallel_loop3A_819 = arith.constant 0 : index
        %parallel_loop3A_820 = tpu.vector_load %arg13[%parallel_loop3A_814, %parallel_loop3A_815, %parallel_loop3A_816, %parallel_loop3A_817, %parallel_loop3A_818, %parallel_loop3A_819] {strides = array<i32>} : memref<2x2x8x4x2x128xf32, #tpu.memory_space<vmem>>, vector<16xf32>,
        tpu.vector_store %arg13[%parallel_loop3A_814, %parallel_loop3A_815, %parallel_loop3A_816, %parallel_loop3A_817, %parallel_loop3A_818, %parallel_loop3A_819], %parallel_loop3A_810 {strides = array<i32>} : memref<2x2x8x4x2x128xf32, #tpu.memory_space<vmem>>, vector<16xf32>,
        %parallel_loop3A_821 = arith.constant 1 : i32
        %parallel_loop3A_822 = arith.index_cast %parallel_loop3A_821 : i32 to index
        %parallel_loop3A_823 = arith.index_cast %parallel_loop3A_681 : i32 to index
        %parallel_loop3A_824 = arith.index_cast %parallel_loop3A_679 : i32 to index
        %parallel_loop3A_825 = arith.constant 16 : index
        %parallel_loop3A_826 = tpu.vector_load %arg9[%parallel_loop3A_822, %parallel_loop3A_823, %parallel_loop3A_824, %parallel_loop3A_825] {strides = array<i32>} : memref<2x4x8x128xi32, #tpu.memory_space<vmem>>, vector<16xi32>,
        %parallel_loop3A_827 = arith.constant 1 : i32
        %parallel_loop3A_828 = arith.index_cast %parallel_loop3A_827 : i32 to index
        %parallel_loop3A_829 = arith.index_cast %parallel_loop3A_681 : i32 to index
        %parallel_loop3A_830 = arith.index_cast %parallel_loop3A_679 : i32 to index
        %parallel_loop3A_831 = arith.constant 16 : index
        %parallel_loop3A_832 = tpu.vector_load %arg10[%parallel_loop3A_828, %parallel_loop3A_829, %parallel_loop3A_830, %parallel_loop3A_831] {strides = array<i32>} : memref<2x4x8x128xi32, #tpu.memory_space<vmem>>, vector<16xi32>,
        %parallel_loop3A_833 = arith.constant 1 : i32
        %parallel_loop3A_834 = arith.index_cast %parallel_loop3A_833 : i32 to index
        %parallel_loop3A_835 = arith.index_cast %parallel_loop3A_681 : i32 to index
        %parallel_loop3A_836 = arith.index_cast %parallel_loop3A_679 : i32 to index
        %parallel_loop3A_837 = arith.constant 16 : index
        %parallel_loop3A_838 = tpu.vector_load %arg11[%parallel_loop3A_834, %parallel_loop3A_835, %parallel_loop3A_836, %parallel_loop3A_837] {strides = array<i32>} : memref<2x4x8x128xf32, #tpu.memory_space<vmem>>, vector<16xf32>,
        %parallel_loop3A_839 = arith.constant 1 : i32
        %parallel_loop3A_840 = arith.constant 0 : i32
        %parallel_loop3A_841 = arith.constant 0 : i32
        %parallel_loop3A_842 = arith.index_cast %parallel_loop3A_839 : i32 to index
        %parallel_loop3A_843 = arith.index_cast %parallel_loop3A_840 : i32 to index
        %parallel_loop3A_844 = arith.index_cast %parallel_loop3A_679 : i32 to index
        %parallel_loop3A_845 = arith.index_cast %parallel_loop3A_681 : i32 to index
        %parallel_loop3A_846 = arith.index_cast %parallel_loop3A_841 : i32 to index
        %parallel_loop3A_847 = arith.constant 16 : index
        %parallel_loop3A_848 = tpu.vector_load %arg12[%parallel_loop3A_842, %parallel_loop3A_843, %parallel_loop3A_844, %parallel_loop3A_845, %parallel_loop3A_846, %parallel_loop3A_847] {strides = array<i32>} : memref<2x2x8x4x2x128xf32, #tpu.memory_space<vmem>>, vector<16xf32>,
        %parallel_loop3A_849 = arith.constant 1 : i32
        %parallel_loop3A_850 = arith.constant 0 : i32
        %parallel_loop3A_851 = arith.constant 1 : i32
        %parallel_loop3A_852 = arith.index_cast %parallel_loop3A_849 : i32 to index
        %parallel_loop3A_853 = arith.index_cast %parallel_loop3A_850 : i32 to index
        %parallel_loop3A_854 = arith.index_cast %parallel_loop3A_679 : i32 to index
        %parallel_loop3A_855 = arith.index_cast %parallel_loop3A_681 : i32 to index
        %parallel_loop3A_856 = arith.index_cast %parallel_loop3A_851 : i32 to index
        %parallel_loop3A_857 = arith.constant 16 : index
        %parallel_loop3A_858 = tpu.vector_load %arg12[%parallel_loop3A_852, %parallel_loop3A_853, %parallel_loop3A_854, %parallel_loop3A_855, %parallel_loop3A_856, %parallel_loop3A_857] {strides = array<i32>} : memref<2x2x8x4x2x128xf32, #tpu.memory_space<vmem>>, vector<16xf32>,
        %parallel_loop3A_859 = arith.constant 1 : i32
        %parallel_loop3A_860 = arith.constant 1 : i32
        %parallel_loop3A_861 = arith.constant 0 : i32
        %parallel_loop3A_862 = arith.index_cast %parallel_loop3A_859 : i32 to index
        %parallel_loop3A_863 = arith.index_cast %parallel_loop3A_860 : i32 to index
        %parallel_loop3A_864 = arith.index_cast %parallel_loop3A_679 : i32 to index
        %parallel_loop3A_865 = arith.index_cast %parallel_loop3A_681 : i32 to index
        %parallel_loop3A_866 = arith.index_cast %parallel_loop3A_861 : i32 to index
        %parallel_loop3A_867 = arith.constant 16 : index
        %parallel_loop3A_868 = tpu.vector_load %arg12[%parallel_loop3A_862, %parallel_loop3A_863, %parallel_loop3A_864, %parallel_loop3A_865, %parallel_loop3A_866, %parallel_loop3A_867] {strides = array<i32>} : memref<2x2x8x4x2x128xf32, #tpu.memory_space<vmem>>, vector<16xf32>,
        %parallel_loop3A_869 = arith.constant 1 : i32
        %parallel_loop3A_870 = arith.constant 1 : i32
        %parallel_loop3A_871 = arith.constant 1 : i32
        %parallel_loop3A_872 = arith.index_cast %parallel_loop3A_869 : i32 to index
        %parallel_loop3A_873 = arith.index_cast %parallel_loop3A_870 : i32 to index
        %parallel_loop3A_874 = arith.index_cast %parallel_loop3A_679 : i32 to index
        %parallel_loop3A_875 = arith.index_cast %parallel_loop3A_681 : i32 to index
        %parallel_loop3A_876 = arith.index_cast %parallel_loop3A_871 : i32 to index
        %parallel_loop3A_877 = arith.constant 16 : index
        %parallel_loop3A_878 = tpu.vector_load %arg12[%parallel_loop3A_872, %parallel_loop3A_873, %parallel_loop3A_874, %parallel_loop3A_875, %parallel_loop3A_876, %parallel_loop3A_877] {strides = array<i32>} : memref<2x2x8x4x2x128xf32, #tpu.memory_space<vmem>>, vector<16xf32>,
        %parallel_loop3A_879 = arith.constant 0 : i32
        %parallel_loop3A_880 = vector.broadcast %parallel_loop3A_879 : i32 to vector<16xi32>
        %parallel_loop3A_881 = arith.cmpi eq, %parallel_loop3A_826, %parallel_loop3A_880 : vector<16xi32>
        %parallel_loop3A_882 = arith.constant 0 : i32
        %parallel_loop3A_883 = vector.broadcast %parallel_loop3A_882 : i32 to vector<16xi32>
        %parallel_loop3A_884 = arith.cmpi eq, %parallel_loop3A_832, %parallel_loop3A_883 : vector<16xi32>
        %parallel_loop3A_885 = arith.maximumf %parallel_loop3A_848, %parallel_loop3A_858 : vector<16xf32>
        %parallel_loop3A_886 = arith.maximumf %parallel_loop3A_868, %parallel_loop3A_878 : vector<16xf32>
        %parallel_loop3A_887 = arith.select %parallel_loop3A_884, %parallel_loop3A_885, %parallel_loop3A_886 : vector<16xi1>, vector<16xf32>
        %parallel_loop3A_888 = arith.mulf %get3A_5, %parallel_loop3A_887 : vector<16xf32>
        %parallel_loop3A_889 = arith.addf %parallel_loop3A_838, %parallel_loop3A_888 : vector<16xf32>
        %parallel_loop3A_890 = arith.constant 0.000000e+00 : f32
        %parallel_loop3A_891 = vector.broadcast %parallel_loop3A_890 : f32 to vector<16xf32>
        %parallel_loop3A_892 = arith.andi %parallel_loop3A_881, %parallel_loop3A_884 : vector<16xi1>
        %parallel_loop3A_893 = arith.select %parallel_loop3A_892, %get3A_3, %parallel_loop3A_891 : vector<16xi1>, vector<16xf32>
        %parallel_loop3A_894 = arith.constant dense<true> : vector<16xi1>
        %parallel_loop3A_895 = arith.xori %parallel_loop3A_884, %parallel_loop3A_894 : vector<16xi1>
        %parallel_loop3A_896 = arith.andi %parallel_loop3A_881, %parallel_loop3A_895 : vector<16xi1>
        %parallel_loop3A_897 = arith.select %parallel_loop3A_896, %get3A_3, %parallel_loop3A_891 : vector<16xi1>, vector<16xf32>
        %parallel_loop3A_898 = arith.constant dense<true> : vector<16xi1>
        %parallel_loop3A_899 = arith.xori %parallel_loop3A_881, %parallel_loop3A_898 : vector<16xi1>
        %parallel_loop3A_900 = arith.andi %parallel_loop3A_899, %parallel_loop3A_884 : vector<16xi1>
        %parallel_loop3A_901 = arith.select %parallel_loop3A_900, %get3A_3, %parallel_loop3A_891 : vector<16xi1>, vector<16xf32>
        %parallel_loop3A_902 = arith.constant dense<true> : vector<16xi1>
        %parallel_loop3A_903 = arith.xori %parallel_loop3A_881, %parallel_loop3A_902 : vector<16xi1>
        %parallel_loop3A_904 = arith.constant dense<true> : vector<16xi1>
        %parallel_loop3A_905 = arith.xori %parallel_loop3A_884, %parallel_loop3A_904 : vector<16xi1>
        %parallel_loop3A_906 = arith.andi %parallel_loop3A_903, %parallel_loop3A_905 : vector<16xi1>
        %parallel_loop3A_907 = arith.select %parallel_loop3A_906, %get3A_3, %parallel_loop3A_891 : vector<16xi1>, vector<16xf32>
        %parallel_loop3A_908 = arith.subf %parallel_loop3A_889, %parallel_loop3A_848 : vector<16xf32>
        %parallel_loop3A_909 = arith.mulf %parallel_loop3A_893, %parallel_loop3A_908 : vector<16xf32>
        %parallel_loop3A_910 = arith.addf %parallel_loop3A_848, %parallel_loop3A_909 : vector<16xf32>
        %parallel_loop3A_911 = arith.constant 1 : i32
        %parallel_loop3A_912 = arith.constant 0 : i32
        %parallel_loop3A_913 = arith.constant 0 : i32
        %parallel_loop3A_914 = arith.index_cast %parallel_loop3A_911 : i32 to index
        %parallel_loop3A_915 = arith.index_cast %parallel_loop3A_912 : i32 to index
        %parallel_loop3A_916 = arith.index_cast %parallel_loop3A_679 : i32 to index
        %parallel_loop3A_917 = arith.index_cast %parallel_loop3A_681 : i32 to index
        %parallel_loop3A_918 = arith.index_cast %parallel_loop3A_913 : i32 to index
        %parallel_loop3A_919 = arith.constant 16 : index
        %parallel_loop3A_920 = tpu.vector_load %arg13[%parallel_loop3A_914, %parallel_loop3A_915, %parallel_loop3A_916, %parallel_loop3A_917, %parallel_loop3A_918, %parallel_loop3A_919] {strides = array<i32>} : memref<2x2x8x4x2x128xf32, #tpu.memory_space<vmem>>, vector<16xf32>,
        tpu.vector_store %arg13[%parallel_loop3A_914, %parallel_loop3A_915, %parallel_loop3A_916, %parallel_loop3A_917, %parallel_loop3A_918, %parallel_loop3A_919], %parallel_loop3A_910 {strides = array<i32>} : memref<2x2x8x4x2x128xf32, #tpu.memory_space<vmem>>, vector<16xf32>,
        %parallel_loop3A_921 = arith.subf %parallel_loop3A_889, %parallel_loop3A_858 : vector<16xf32>
        %parallel_loop3A_922 = arith.mulf %parallel_loop3A_897, %parallel_loop3A_921 : vector<16xf32>
        %parallel_loop3A_923 = arith.addf %parallel_loop3A_858, %parallel_loop3A_922 : vector<16xf32>
        %parallel_loop3A_924 = arith.constant 1 : i32
        %parallel_loop3A_925 = arith.constant 0 : i32
        %parallel_loop3A_926 = arith.constant 1 : i32
        %parallel_loop3A_927 = arith.index_cast %parallel_loop3A_924 : i32 to index
        %parallel_loop3A_928 = arith.index_cast %parallel_loop3A_925 : i32 to index
        %parallel_loop3A_929 = arith.index_cast %parallel_loop3A_679 : i32 to index
        %parallel_loop3A_930 = arith.index_cast %parallel_loop3A_681 : i32 to index
        %parallel_loop3A_931 = arith.index_cast %parallel_loop3A_926 : i32 to index
        %parallel_loop3A_932 = arith.constant 16 : index
        %parallel_loop3A_933 = tpu.vector_load %arg13[%parallel_loop3A_927, %parallel_loop3A_928, %parallel_loop3A_929, %parallel_loop3A_930, %parallel_loop3A_931, %parallel_loop3A_932] {strides = array<i32>} : memref<2x2x8x4x2x128xf32, #tpu.memory_space<vmem>>, vector<16xf32>,
        tpu.vector_store %arg13[%parallel_loop3A_927, %parallel_loop3A_928, %parallel_loop3A_929, %parallel_loop3A_930, %parallel_loop3A_931, %parallel_loop3A_932], %parallel_loop3A_923 {strides = array<i32>} : memref<2x2x8x4x2x128xf32, #tpu.memory_space<vmem>>, vector<16xf32>,
        %parallel_loop3A_934 = arith.subf %parallel_loop3A_889, %parallel_loop3A_868 : vector<16xf32>
        %parallel_loop3A_935 = arith.mulf %parallel_loop3A_901, %parallel_loop3A_934 : vector<16xf32>
        %parallel_loop3A_936 = arith.addf %parallel_loop3A_868, %parallel_loop3A_935 : vector<16xf32>
        %parallel_loop3A_937 = arith.constant 1 : i32
        %parallel_loop3A_938 = arith.constant 1 : i32
        %parallel_loop3A_939 = arith.constant 0 : i32
        %parallel_loop3A_940 = arith.index_cast %parallel_loop3A_937 : i32 to index
        %parallel_loop3A_941 = arith.index_cast %parallel_loop3A_938 : i32 to index
        %parallel_loop3A_942 = arith.index_cast %parallel_loop3A_679 : i32 to index
        %parallel_loop3A_943 = arith.index_cast %parallel_loop3A_681 : i32 to index
        %parallel_loop3A_944 = arith.index_cast %parallel_loop3A_939 : i32 to index
        %parallel_loop3A_945 = arith.constant 16 : index
        %parallel_loop3A_946 = tpu.vector_load %arg13[%parallel_loop3A_940, %parallel_loop3A_941, %parallel_loop3A_942, %parallel_loop3A_943, %parallel_loop3A_944, %parallel_loop3A_945] {strides = array<i32>} : memref<2x2x8x4x2x128xf32, #tpu.memory_space<vmem>>, vector<16xf32>,
        tpu.vector_store %arg13[%parallel_loop3A_940, %parallel_loop3A_941, %parallel_loop3A_942, %parallel_loop3A_943, %parallel_loop3A_944, %parallel_loop3A_945], %parallel_loop3A_936 {strides = array<i32>} : memref<2x2x8x4x2x128xf32, #tpu.memory_space<vmem>>, vector<16xf32>,
        %parallel_loop3A_947 = arith.subf %parallel_loop3A_889, %parallel_loop3A_878 : vector<16xf32>
        %parallel_loop3A_948 = arith.mulf %parallel_loop3A_907, %parallel_loop3A_947 : vector<16xf32>
        %parallel_loop3A_949 = arith.addf %parallel_loop3A_878, %parallel_loop3A_948 : vector<16xf32>
        %parallel_loop3A_950 = arith.constant 1 : i32
        %parallel_loop3A_951 = arith.constant 1 : i32
        %parallel_loop3A_952 = arith.constant 1 : i32
        %parallel_loop3A_953 = arith.index_cast %parallel_loop3A_950 : i32 to index
        %parallel_loop3A_954 = arith.index_cast %parallel_loop3A_951 : i32 to index
        %parallel_loop3A_955 = arith.index_cast %parallel_loop3A_679 : i32 to index
        %parallel_loop3A_956 = arith.index_cast %parallel_loop3A_681 : i32 to index
        %parallel_loop3A_957 = arith.index_cast %parallel_loop3A_952 : i32 to index
        %parallel_loop3A_958 = arith.constant 16 : index
        %parallel_loop3A_959 = tpu.vector_load %arg13[%parallel_loop3A_953, %parallel_loop3A_954, %parallel_loop3A_955, %parallel_loop3A_956, %parallel_loop3A_957, %parallel_loop3A_958] {strides = array<i32>} : memref<2x2x8x4x2x128xf32, #tpu.memory_space<vmem>>, vector<16xf32>,
        tpu.vector_store %arg13[%parallel_loop3A_953, %parallel_loop3A_954, %parallel_loop3A_955, %parallel_loop3A_956, %parallel_loop3A_957, %parallel_loop3A_958], %parallel_loop3A_949 {strides = array<i32>} : memref<2x2x8x4x2x128xf32, #tpu.memory_space<vmem>>, vector<16xf32>,
        %parallel_loop3A_960 = arith.constant 1 : i32
        %parallel_loop3A_961 = arith.index_cast %parallel_loop3A_960 : i32 to index
        %parallel_loop3A_962 = arith.index_cast %parallel_loop3A_681 : i32 to index
        %parallel_loop3A_963 = arith.index_cast %parallel_loop3A_679 : i32 to index
        %parallel_loop3A_964 = arith.constant 32 : index
        %parallel_loop3A_965 = tpu.vector_load %arg9[%parallel_loop3A_961, %parallel_loop3A_962, %parallel_loop3A_963, %parallel_loop3A_964] {strides = array<i32>} : memref<2x4x8x128xi32, #tpu.memory_space<vmem>>, vector<16xi32>,
        %parallel_loop3A_966 = arith.constant 1 : i32
        %parallel_loop3A_967 = arith.index_cast %parallel_loop3A_966 : i32 to index
        %parallel_loop3A_968 = arith.index_cast %parallel_loop3A_681 : i32 to index
        %parallel_loop3A_969 = arith.index_cast %parallel_loop3A_679 : i32 to index
        %parallel_loop3A_970 = arith.constant 32 : index
        %parallel_loop3A_971 = tpu.vector_load %arg10[%parallel_loop3A_967, %parallel_loop3A_968, %parallel_loop3A_969, %parallel_loop3A_970] {strides = array<i32>} : memref<2x4x8x128xi32, #tpu.memory_space<vmem>>, vector<16xi32>,
        %parallel_loop3A_972 = arith.constant 1 : i32
        %parallel_loop3A_973 = arith.index_cast %parallel_loop3A_972 : i32 to index
        %parallel_loop3A_974 = arith.index_cast %parallel_loop3A_681 : i32 to index
        %parallel_loop3A_975 = arith.index_cast %parallel_loop3A_679 : i32 to index
        %parallel_loop3A_976 = arith.constant 32 : index
        %parallel_loop3A_977 = tpu.vector_load %arg11[%parallel_loop3A_973, %parallel_loop3A_974, %parallel_loop3A_975, %parallel_loop3A_976] {strides = array<i32>} : memref<2x4x8x128xf32, #tpu.memory_space<vmem>>, vector<16xf32>,
        %parallel_loop3A_978 = arith.constant 1 : i32
        %parallel_loop3A_979 = arith.constant 0 : i32
        %parallel_loop3A_980 = arith.constant 0 : i32
        %parallel_loop3A_981 = arith.index_cast %parallel_loop3A_978 : i32 to index
        %parallel_loop3A_982 = arith.index_cast %parallel_loop3A_979 : i32 to index
        %parallel_loop3A_983 = arith.index_cast %parallel_loop3A_679 : i32 to index
        %parallel_loop3A_984 = arith.index_cast %parallel_loop3A_681 : i32 to index
        %parallel_loop3A_985 = arith.index_cast %parallel_loop3A_980 : i32 to index
        %parallel_loop3A_986 = arith.constant 32 : index
        %parallel_loop3A_987 = tpu.vector_load %arg12[%parallel_loop3A_981, %parallel_loop3A_982, %parallel_loop3A_983, %parallel_loop3A_984, %parallel_loop3A_985, %parallel_loop3A_986] {strides = array<i32>} : memref<2x2x8x4x2x128xf32, #tpu.memory_space<vmem>>, vector<16xf32>,
        %parallel_loop3A_988 = arith.constant 1 : i32
        %parallel_loop3A_989 = arith.constant 0 : i32
        %parallel_loop3A_990 = arith.constant 1 : i32
        %parallel_loop3A_991 = arith.index_cast %parallel_loop3A_988 : i32 to index
        %parallel_loop3A_992 = arith.index_cast %parallel_loop3A_989 : i32 to index
        %parallel_loop3A_993 = arith.index_cast %parallel_loop3A_679 : i32 to index
        %parallel_loop3A_994 = arith.index_cast %parallel_loop3A_681 : i32 to index
        %parallel_loop3A_995 = arith.index_cast %parallel_loop3A_990 : i32 to index
        %parallel_loop3A_996 = arith.constant 32 : index
        %parallel_loop3A_997 = tpu.vector_load %arg12[%parallel_loop3A_991, %parallel_loop3A_992, %parallel_loop3A_993, %parallel_loop3A_994, %parallel_loop3A_995, %parallel_loop3A_996] {strides = array<i32>} : memref<2x2x8x4x2x128xf32, #tpu.memory_space<vmem>>, vector<16xf32>,
        %parallel_loop3A_998 = arith.constant 1 : i32
        %parallel_loop3A_999 = arith.constant 1 : i32
        %parallel_loop3A_1000 = arith.constant 0 : i32
        %parallel_loop3A_1001 = arith.index_cast %parallel_loop3A_998 : i32 to index
        %parallel_loop3A_1002 = arith.index_cast %parallel_loop3A_999 : i32 to index
        %parallel_loop3A_1003 = arith.index_cast %parallel_loop3A_679 : i32 to index
        %parallel_loop3A_1004 = arith.index_cast %parallel_loop3A_681 : i32 to index
        %parallel_loop3A_1005 = arith.index_cast %parallel_loop3A_1000 : i32 to index
        %parallel_loop3A_1006 = arith.constant 32 : index
        %parallel_loop3A_1007 = tpu.vector_load %arg12[%parallel_loop3A_1001, %parallel_loop3A_1002, %parallel_loop3A_1003, %parallel_loop3A_1004, %parallel_loop3A_1005, %parallel_loop3A_1006] {strides = array<i32>} : memref<2x2x8x4x2x128xf32, #tpu.memory_space<vmem>>, vector<16xf32>,
        %parallel_loop3A_1008 = arith.constant 1 : i32
        %parallel_loop3A_1009 = arith.constant 1 : i32
        %parallel_loop3A_1010 = arith.constant 1 : i32
        %parallel_loop3A_1011 = arith.index_cast %parallel_loop3A_1008 : i32 to index
        %parallel_loop3A_1012 = arith.index_cast %parallel_loop3A_1009 : i32 to index
        %parallel_loop3A_1013 = arith.index_cast %parallel_loop3A_679 : i32 to index
        %parallel_loop3A_1014 = arith.index_cast %parallel_loop3A_681 : i32 to index
        %parallel_loop3A_1015 = arith.index_cast %parallel_loop3A_1010 : i32 to index
        %parallel_loop3A_1016 = arith.constant 32 : index
        %parallel_loop3A_1017 = tpu.vector_load %arg12[%parallel_loop3A_1011, %parallel_loop3A_1012, %parallel_loop3A_1013, %parallel_loop3A_1014, %parallel_loop3A_1015, %parallel_loop3A_1016] {strides = array<i32>} : memref<2x2x8x4x2x128xf32, #tpu.memory_space<vmem>>, vector<16xf32>,
        %parallel_loop3A_1018 = arith.constant 0 : i32
        %parallel_loop3A_1019 = vector.broadcast %parallel_loop3A_1018 : i32 to vector<16xi32>
        %parallel_loop3A_1020 = arith.cmpi eq, %parallel_loop3A_965, %parallel_loop3A_1019 : vector<16xi32>
        %parallel_loop3A_1021 = arith.constant 0 : i32
        %parallel_loop3A_1022 = vector.broadcast %parallel_loop3A_1021 : i32 to vector<16xi32>
        %parallel_loop3A_1023 = arith.cmpi eq, %parallel_loop3A_971, %parallel_loop3A_1022 : vector<16xi32>
        %parallel_loop3A_1024 = arith.maximumf %parallel_loop3A_987, %parallel_loop3A_997 : vector<16xf32>
        %parallel_loop3A_1025 = arith.maximumf %parallel_loop3A_1007, %parallel_loop3A_1017 : vector<16xf32>
        %parallel_loop3A_1026 = arith.select %parallel_loop3A_1023, %parallel_loop3A_1024, %parallel_loop3A_1025 : vector<16xi1>, vector<16xf32>
        %parallel_loop3A_1027 = arith.mulf %get3A_5, %parallel_loop3A_1026 : vector<16xf32>
        %parallel_loop3A_1028 = arith.addf %parallel_loop3A_977, %parallel_loop3A_1027 : vector<16xf32>
        %parallel_loop3A_1029 = arith.constant 0.000000e+00 : f32
        %parallel_loop3A_1030 = vector.broadcast %parallel_loop3A_1029 : f32 to vector<16xf32>
        %parallel_loop3A_1031 = arith.andi %parallel_loop3A_1020, %parallel_loop3A_1023 : vector<16xi1>
        %parallel_loop3A_1032 = arith.select %parallel_loop3A_1031, %get3A_3, %parallel_loop3A_1030 : vector<16xi1>, vector<16xf32>
        %parallel_loop3A_1033 = arith.constant dense<true> : vector<16xi1>
        %parallel_loop3A_1034 = arith.xori %parallel_loop3A_1023, %parallel_loop3A_1033 : vector<16xi1>
        %parallel_loop3A_1035 = arith.andi %parallel_loop3A_1020, %parallel_loop3A_1034 : vector<16xi1>
        %parallel_loop3A_1036 = arith.select %parallel_loop3A_1035, %get3A_3, %parallel_loop3A_1030 : vector<16xi1>, vector<16xf32>
        %parallel_loop3A_1037 = arith.constant dense<true> : vector<16xi1>
        %parallel_loop3A_1038 = arith.xori %parallel_loop3A_1020, %parallel_loop3A_1037 : vector<16xi1>
        %parallel_loop3A_1039 = arith.andi %parallel_loop3A_1038, %parallel_loop3A_1023 : vector<16xi1>
        %parallel_loop3A_1040 = arith.select %parallel_loop3A_1039, %get3A_3, %parallel_loop3A_1030 : vector<16xi1>, vector<16xf32>
        %parallel_loop3A_1041 = arith.constant dense<true> : vector<16xi1>
        %parallel_loop3A_1042 = arith.xori %parallel_loop3A_1020, %parallel_loop3A_1041 : vector<16xi1>
        %parallel_loop3A_1043 = arith.constant dense<true> : vector<16xi1>
        %parallel_loop3A_1044 = arith.xori %parallel_loop3A_1023, %parallel_loop3A_1043 : vector<16xi1>
        %parallel_loop3A_1045 = arith.andi %parallel_loop3A_1042, %parallel_loop3A_1044 : vector<16xi1>
        %parallel_loop3A_1046 = arith.select %parallel_loop3A_1045, %get3A_3, %parallel_loop3A_1030 : vector<16xi1>, vector<16xf32>
        %parallel_loop3A_1047 = arith.subf %parallel_loop3A_1028, %parallel_loop3A_987 : vector<16xf32>
        %parallel_loop3A_1048 = arith.mulf %parallel_loop3A_1032, %parallel_loop3A_1047 : vector<16xf32>
        %parallel_loop3A_1049 = arith.addf %parallel_loop3A_987, %parallel_loop3A_1048 : vector<16xf32>
        %parallel_loop3A_1050 = arith.constant 1 : i32
        %parallel_loop3A_1051 = arith.constant 0 : i32
        %parallel_loop3A_1052 = arith.constant 0 : i32
        %parallel_loop3A_1053 = arith.index_cast %parallel_loop3A_1050 : i32 to index
        %parallel_loop3A_1054 = arith.index_cast %parallel_loop3A_1051 : i32 to index
        %parallel_loop3A_1055 = arith.index_cast %parallel_loop3A_679 : i32 to index
        %parallel_loop3A_1056 = arith.index_cast %parallel_loop3A_681 : i32 to index
        %parallel_loop3A_1057 = arith.index_cast %parallel_loop3A_1052 : i32 to index
        %parallel_loop3A_1058 = arith.constant 32 : index
        %parallel_loop3A_1059 = tpu.vector_load %arg13[%parallel_loop3A_1053, %parallel_loop3A_1054, %parallel_loop3A_1055, %parallel_loop3A_1056, %parallel_loop3A_1057, %parallel_loop3A_1058] {strides = array<i32>} : memref<2x2x8x4x2x128xf32, #tpu.memory_space<vmem>>, vector<16xf32>,
        tpu.vector_store %arg13[%parallel_loop3A_1053, %parallel_loop3A_1054, %parallel_loop3A_1055, %parallel_loop3A_1056, %parallel_loop3A_1057, %parallel_loop3A_1058], %parallel_loop3A_1049 {strides = array<i32>} : memref<2x2x8x4x2x128xf32, #tpu.memory_space<vmem>>, vector<16xf32>,
        %parallel_loop3A_1060 = arith.subf %parallel_loop3A_1028, %parallel_loop3A_997 : vector<16xf32>
        %parallel_loop3A_1061 = arith.mulf %parallel_loop3A_1036, %parallel_loop3A_1060 : vector<16xf32>
        %parallel_loop3A_1062 = arith.addf %parallel_loop3A_997, %parallel_loop3A_1061 : vector<16xf32>
        %parallel_loop3A_1063 = arith.constant 1 : i32
        %parallel_loop3A_1064 = arith.constant 0 : i32
        %parallel_loop3A_1065 = arith.constant 1 : i32
        %parallel_loop3A_1066 = arith.index_cast %parallel_loop3A_1063 : i32 to index
        %parallel_loop3A_1067 = arith.index_cast %parallel_loop3A_1064 : i32 to index
        %parallel_loop3A_1068 = arith.index_cast %parallel_loop3A_679 : i32 to index
        %parallel_loop3A_1069 = arith.index_cast %parallel_loop3A_681 : i32 to index
        %parallel_loop3A_1070 = arith.index_cast %parallel_loop3A_1065 : i32 to index
        %parallel_loop3A_1071 = arith.constant 32 : index
        %parallel_loop3A_1072 = tpu.vector_load %arg13[%parallel_loop3A_1066, %parallel_loop3A_1067, %parallel_loop3A_1068, %parallel_loop3A_1069, %parallel_loop3A_1070, %parallel_loop3A_1071] {strides = array<i32>} : memref<2x2x8x4x2x128xf32, #tpu.memory_space<vmem>>, vector<16xf32>,
        tpu.vector_store %arg13[%parallel_loop3A_1066, %parallel_loop3A_1067, %parallel_loop3A_1068, %parallel_loop3A_1069, %parallel_loop3A_1070, %parallel_loop3A_1071], %parallel_loop3A_1062 {strides = array<i32>} : memref<2x2x8x4x2x128xf32, #tpu.memory_space<vmem>>, vector<16xf32>,
        %parallel_loop3A_1073 = arith.subf %parallel_loop3A_1028, %parallel_loop3A_1007 : vector<16xf32>
        %parallel_loop3A_1074 = arith.mulf %parallel_loop3A_1040, %parallel_loop3A_1073 : vector<16xf32>
        %parallel_loop3A_1075 = arith.addf %parallel_loop3A_1007, %parallel_loop3A_1074 : vector<16xf32>
        %parallel_loop3A_1076 = arith.constant 1 : i32
        %parallel_loop3A_1077 = arith.constant 1 : i32
        %parallel_loop3A_1078 = arith.constant 0 : i32
        %parallel_loop3A_1079 = arith.index_cast %parallel_loop3A_1076 : i32 to index
        %parallel_loop3A_1080 = arith.index_cast %parallel_loop3A_1077 : i32 to index
        %parallel_loop3A_1081 = arith.index_cast %parallel_loop3A_679 : i32 to index
        %parallel_loop3A_1082 = arith.index_cast %parallel_loop3A_681 : i32 to index
        %parallel_loop3A_1083 = arith.index_cast %parallel_loop3A_1078 : i32 to index
        %parallel_loop3A_1084 = arith.constant 32 : index
        %parallel_loop3A_1085 = tpu.vector_load %arg13[%parallel_loop3A_1079, %parallel_loop3A_1080, %parallel_loop3A_1081, %parallel_loop3A_1082, %parallel_loop3A_1083, %parallel_loop3A_1084] {strides = array<i32>} : memref<2x2x8x4x2x128xf32, #tpu.memory_space<vmem>>, vector<16xf32>,
        tpu.vector_store %arg13[%parallel_loop3A_1079, %parallel_loop3A_1080, %parallel_loop3A_1081, %parallel_loop3A_1082, %parallel_loop3A_1083, %parallel_loop3A_1084], %parallel_loop3A_1075 {strides = array<i32>} : memref<2x2x8x4x2x128xf32, #tpu.memory_space<vmem>>, vector<16xf32>,
        %parallel_loop3A_1086 = arith.subf %parallel_loop3A_1028, %parallel_loop3A_1017 : vector<16xf32>
        %parallel_loop3A_1087 = arith.mulf %parallel_loop3A_1046, %parallel_loop3A_1086 : vector<16xf32>
        %parallel_loop3A_1088 = arith.addf %parallel_loop3A_1017, %parallel_loop3A_1087 : vector<16xf32>
        %parallel_loop3A_1089 = arith.constant 1 : i32
        %parallel_loop3A_1090 = arith.constant 1 : i32
        %parallel_loop3A_1091 = arith.constant 1 : i32
        %parallel_loop3A_1092 = arith.index_cast %parallel_loop3A_1089 : i32 to index
        %parallel_loop3A_1093 = arith.index_cast %parallel_loop3A_1090 : i32 to index
        %parallel_loop3A_1094 = arith.index_cast %parallel_loop3A_679 : i32 to index
        %parallel_loop3A_1095 = arith.index_cast %parallel_loop3A_681 : i32 to index
        %parallel_loop3A_1096 = arith.index_cast %parallel_loop3A_1091 : i32 to index
        %parallel_loop3A_1097 = arith.constant 32 : index
        %parallel_loop3A_1098 = tpu.vector_load %arg13[%parallel_loop3A_1092, %parallel_loop3A_1093, %parallel_loop3A_1094, %parallel_loop3A_1095, %parallel_loop3A_1096, %parallel_loop3A_1097] {strides = array<i32>} : memref<2x2x8x4x2x128xf32, #tpu.memory_space<vmem>>, vector<16xf32>,
        tpu.vector_store %arg13[%parallel_loop3A_1092, %parallel_loop3A_1093, %parallel_loop3A_1094, %parallel_loop3A_1095, %parallel_loop3A_1096, %parallel_loop3A_1097], %parallel_loop3A_1088 {strides = array<i32>} : memref<2x2x8x4x2x128xf32, #tpu.memory_space<vmem>>, vector<16xf32>,
        %parallel_loop3A_1099 = arith.constant 1 : i32
        %parallel_loop3A_1100 = arith.index_cast %parallel_loop3A_1099 : i32 to index
        %parallel_loop3A_1101 = arith.index_cast %parallel_loop3A_681 : i32 to index
        %parallel_loop3A_1102 = arith.index_cast %parallel_loop3A_679 : i32 to index
        %parallel_loop3A_1103 = arith.constant 48 : index
        %parallel_loop3A_1104 = tpu.vector_load %arg9[%parallel_loop3A_1100, %parallel_loop3A_1101, %parallel_loop3A_1102, %parallel_loop3A_1103] {strides = array<i32>} : memref<2x4x8x128xi32, #tpu.memory_space<vmem>>, vector<16xi32>,
        %parallel_loop3A_1105 = arith.constant 1 : i32
        %parallel_loop3A_1106 = arith.index_cast %parallel_loop3A_1105 : i32 to index
        %parallel_loop3A_1107 = arith.index_cast %parallel_loop3A_681 : i32 to index
        %parallel_loop3A_1108 = arith.index_cast %parallel_loop3A_679 : i32 to index
        %parallel_loop3A_1109 = arith.constant 48 : index
        %parallel_loop3A_1110 = tpu.vector_load %arg10[%parallel_loop3A_1106, %parallel_loop3A_1107, %parallel_loop3A_1108, %parallel_loop3A_1109] {strides = array<i32>} : memref<2x4x8x128xi32, #tpu.memory_space<vmem>>, vector<16xi32>,
        %parallel_loop3A_1111 = arith.constant 1 : i32
        %parallel_loop3A_1112 = arith.index_cast %parallel_loop3A_1111 : i32 to index
        %parallel_loop3A_1113 = arith.index_cast %parallel_loop3A_681 : i32 to index
        %parallel_loop3A_1114 = arith.index_cast %parallel_loop3A_679 : i32 to index
        %parallel_loop3A_1115 = arith.constant 48 : index
        %parallel_loop3A_1116 = tpu.vector_load %arg11[%parallel_loop3A_1112, %parallel_loop3A_1113, %parallel_loop3A_1114, %parallel_loop3A_1115] {strides = array<i32>} : memref<2x4x8x128xf32, #tpu.memory_space<vmem>>, vector<16xf32>,
        %parallel_loop3A_1117 = arith.constant 1 : i32
        %parallel_loop3A_1118 = arith.constant 0 : i32
        %parallel_loop3A_1119 = arith.constant 0 : i32
        %parallel_loop3A_1120 = arith.index_cast %parallel_loop3A_1117 : i32 to index
        %parallel_loop3A_1121 = arith.index_cast %parallel_loop3A_1118 : i32 to index
        %parallel_loop3A_1122 = arith.index_cast %parallel_loop3A_679 : i32 to index
        %parallel_loop3A_1123 = arith.index_cast %parallel_loop3A_681 : i32 to index
        %parallel_loop3A_1124 = arith.index_cast %parallel_loop3A_1119 : i32 to index
        %parallel_loop3A_1125 = arith.constant 48 : index
        %parallel_loop3A_1126 = tpu.vector_load %arg12[%parallel_loop3A_1120, %parallel_loop3A_1121, %parallel_loop3A_1122, %parallel_loop3A_1123, %parallel_loop3A_1124, %parallel_loop3A_1125] {strides = array<i32>} : memref<2x2x8x4x2x128xf32, #tpu.memory_space<vmem>>, vector<16xf32>,
        %parallel_loop3A_1127 = arith.constant 1 : i32
        %parallel_loop3A_1128 = arith.constant 0 : i32
        %parallel_loop3A_1129 = arith.constant 1 : i32
        %parallel_loop3A_1130 = arith.index_cast %parallel_loop3A_1127 : i32 to index
        %parallel_loop3A_1131 = arith.index_cast %parallel_loop3A_1128 : i32 to index
        %parallel_loop3A_1132 = arith.index_cast %parallel_loop3A_679 : i32 to index
        %parallel_loop3A_1133 = arith.index_cast %parallel_loop3A_681 : i32 to index
        %parallel_loop3A_1134 = arith.index_cast %parallel_loop3A_1129 : i32 to index
        %parallel_loop3A_1135 = arith.constant 48 : index
        %parallel_loop3A_1136 = tpu.vector_load %arg12[%parallel_loop3A_1130, %parallel_loop3A_1131, %parallel_loop3A_1132, %parallel_loop3A_1133, %parallel_loop3A_1134, %parallel_loop3A_1135] {strides = array<i32>} : memref<2x2x8x4x2x128xf32, #tpu.memory_space<vmem>>, vector<16xf32>,
        %parallel_loop3A_1137 = arith.constant 1 : i32
        %parallel_loop3A_1138 = arith.constant 1 : i32
        %parallel_loop3A_1139 = arith.constant 0 : i32
        %parallel_loop3A_1140 = arith.index_cast %parallel_loop3A_1137 : i32 to index
        %parallel_loop3A_1141 = arith.index_cast %parallel_loop3A_1138 : i32 to index
        %parallel_loop3A_1142 = arith.index_cast %parallel_loop3A_679 : i32 to index
        %parallel_loop3A_1143 = arith.index_cast %parallel_loop3A_681 : i32 to index
        %parallel_loop3A_1144 = arith.index_cast %parallel_loop3A_1139 : i32 to index
        %parallel_loop3A_1145 = arith.constant 48 : index
        %parallel_loop3A_1146 = tpu.vector_load %arg12[%parallel_loop3A_1140, %parallel_loop3A_1141, %parallel_loop3A_1142, %parallel_loop3A_1143, %parallel_loop3A_1144, %parallel_loop3A_1145] {strides = array<i32>} : memref<2x2x8x4x2x128xf32, #tpu.memory_space<vmem>>, vector<16xf32>,
        %parallel_loop3A_1147 = arith.constant 1 : i32
        %parallel_loop3A_1148 = arith.constant 1 : i32
        %parallel_loop3A_1149 = arith.constant 1 : i32
        %parallel_loop3A_1150 = arith.index_cast %parallel_loop3A_1147 : i32 to index
        %parallel_loop3A_1151 = arith.index_cast %parallel_loop3A_1148 : i32 to index
        %parallel_loop3A_1152 = arith.index_cast %parallel_loop3A_679 : i32 to index
        %parallel_loop3A_1153 = arith.index_cast %parallel_loop3A_681 : i32 to index
        %parallel_loop3A_1154 = arith.index_cast %parallel_loop3A_1149 : i32 to index
        %parallel_loop3A_1155 = arith.constant 48 : index
        %parallel_loop3A_1156 = tpu.vector_load %arg12[%parallel_loop3A_1150, %parallel_loop3A_1151, %parallel_loop3A_1152, %parallel_loop3A_1153, %parallel_loop3A_1154, %parallel_loop3A_1155] {strides = array<i32>} : memref<2x2x8x4x2x128xf32, #tpu.memory_space<vmem>>, vector<16xf32>,
        %parallel_loop3A_1157 = arith.constant 0 : i32
        %parallel_loop3A_1158 = vector.broadcast %parallel_loop3A_1157 : i32 to vector<16xi32>
        %parallel_loop3A_1159 = arith.cmpi eq, %parallel_loop3A_1104, %parallel_loop3A_1158 : vector<16xi32>
        %parallel_loop3A_1160 = arith.constant 0 : i32
        %parallel_loop3A_1161 = vector.broadcast %parallel_loop3A_1160 : i32 to vector<16xi32>
        %parallel_loop3A_1162 = arith.cmpi eq, %parallel_loop3A_1110, %parallel_loop3A_1161 : vector<16xi32>
        %parallel_loop3A_1163 = arith.maximumf %parallel_loop3A_1126, %parallel_loop3A_1136 : vector<16xf32>
        %parallel_loop3A_1164 = arith.maximumf %parallel_loop3A_1146, %parallel_loop3A_1156 : vector<16xf32>
        %parallel_loop3A_1165 = arith.select %parallel_loop3A_1162, %parallel_loop3A_1163, %parallel_loop3A_1164 : vector<16xi1>, vector<16xf32>
        %parallel_loop3A_1166 = arith.mulf %get3A_5, %parallel_loop3A_1165 : vector<16xf32>
        %parallel_loop3A_1167 = arith.addf %parallel_loop3A_1116, %parallel_loop3A_1166 : vector<16xf32>
        %parallel_loop3A_1168 = arith.constant 0.000000e+00 : f32
        %parallel_loop3A_1169 = vector.broadcast %parallel_loop3A_1168 : f32 to vector<16xf32>
        %parallel_loop3A_1170 = arith.andi %parallel_loop3A_1159, %parallel_loop3A_1162 : vector<16xi1>
        %parallel_loop3A_1171 = arith.select %parallel_loop3A_1170, %get3A_3, %parallel_loop3A_1169 : vector<16xi1>, vector<16xf32>
        %parallel_loop3A_1172 = arith.constant dense<true> : vector<16xi1>
        %parallel_loop3A_1173 = arith.xori %parallel_loop3A_1162, %parallel_loop3A_1172 : vector<16xi1>
        %parallel_loop3A_1174 = arith.andi %parallel_loop3A_1159, %parallel_loop3A_1173 : vector<16xi1>
        %parallel_loop3A_1175 = arith.select %parallel_loop3A_1174, %get3A_3, %parallel_loop3A_1169 : vector<16xi1>, vector<16xf32>
        %parallel_loop3A_1176 = arith.constant dense<true> : vector<16xi1>
        %parallel_loop3A_1177 = arith.xori %parallel_loop3A_1159, %parallel_loop3A_1176 : vector<16xi1>
        %parallel_loop3A_1178 = arith.andi %parallel_loop3A_1177, %parallel_loop3A_1162 : vector<16xi1>
        %parallel_loop3A_1179 = arith.select %parallel_loop3A_1178, %get3A_3, %parallel_loop3A_1169 : vector<16xi1>, vector<16xf32>
        %parallel_loop3A_1180 = arith.constant dense<true> : vector<16xi1>
        %parallel_loop3A_1181 = arith.xori %parallel_loop3A_1159, %parallel_loop3A_1180 : vector<16xi1>
        %parallel_loop3A_1182 = arith.constant dense<true> : vector<16xi1>
        %parallel_loop3A_1183 = arith.xori %parallel_loop3A_1162, %parallel_loop3A_1182 : vector<16xi1>
        %parallel_loop3A_1184 = arith.andi %parallel_loop3A_1181, %parallel_loop3A_1183 : vector<16xi1>
        %parallel_loop3A_1185 = arith.select %parallel_loop3A_1184, %get3A_3, %parallel_loop3A_1169 : vector<16xi1>, vector<16xf32>
        %parallel_loop3A_1186 = arith.subf %parallel_loop3A_1167, %parallel_loop3A_1126 : vector<16xf32>
        %parallel_loop3A_1187 = arith.mulf %parallel_loop3A_1171, %parallel_loop3A_1186 : vector<16xf32>
        %parallel_loop3A_1188 = arith.addf %parallel_loop3A_1126, %parallel_loop3A_1187 : vector<16xf32>
        %parallel_loop3A_1189 = arith.constant 1 : i32
        %parallel_loop3A_1190 = arith.constant 0 : i32
        %parallel_loop3A_1191 = arith.constant 0 : i32
        %parallel_loop3A_1192 = arith.index_cast %parallel_loop3A_1189 : i32 to index
        %parallel_loop3A_1193 = arith.index_cast %parallel_loop3A_1190 : i32 to index
        %parallel_loop3A_1194 = arith.index_cast %parallel_loop3A_679 : i32 to index
        %parallel_loop3A_1195 = arith.index_cast %parallel_loop3A_681 : i32 to index
        %parallel_loop3A_1196 = arith.index_cast %parallel_loop3A_1191 : i32 to index
        %parallel_loop3A_1197 = arith.constant 48 : index
        %parallel_loop3A_1198 = tpu.vector_load %arg13[%parallel_loop3A_1192, %parallel_loop3A_1193, %parallel_loop3A_1194, %parallel_loop3A_1195, %parallel_loop3A_1196, %parallel_loop3A_1197] {strides = array<i32>} : memref<2x2x8x4x2x128xf32, #tpu.memory_space<vmem>>, vector<16xf32>,
        tpu.vector_store %arg13[%parallel_loop3A_1192, %parallel_loop3A_1193, %parallel_loop3A_1194, %parallel_loop3A_1195, %parallel_loop3A_1196, %parallel_loop3A_1197], %parallel_loop3A_1188 {strides = array<i32>} : memref<2x2x8x4x2x128xf32, #tpu.memory_space<vmem>>, vector<16xf32>,
        %parallel_loop3A_1199 = arith.subf %parallel_loop3A_1167, %parallel_loop3A_1136 : vector<16xf32>
        %parallel_loop3A_1200 = arith.mulf %parallel_loop3A_1175, %parallel_loop3A_1199 : vector<16xf32>
        %parallel_loop3A_1201 = arith.addf %parallel_loop3A_1136, %parallel_loop3A_1200 : vector<16xf32>
        %parallel_loop3A_1202 = arith.constant 1 : i32
        %parallel_loop3A_1203 = arith.constant 0 : i32
        %parallel_loop3A_1204 = arith.constant 1 : i32
        %parallel_loop3A_1205 = arith.index_cast %parallel_loop3A_1202 : i32 to index
        %parallel_loop3A_1206 = arith.index_cast %parallel_loop3A_1203 : i32 to index
        %parallel_loop3A_1207 = arith.index_cast %parallel_loop3A_679 : i32 to index
        %parallel_loop3A_1208 = arith.index_cast %parallel_loop3A_681 : i32 to index
        %parallel_loop3A_1209 = arith.index_cast %parallel_loop3A_1204 : i32 to index
        %parallel_loop3A_1210 = arith.constant 48 : index
        %parallel_loop3A_1211 = tpu.vector_load %arg13[%parallel_loop3A_1205, %parallel_loop3A_1206, %parallel_loop3A_1207, %parallel_loop3A_1208, %parallel_loop3A_1209, %parallel_loop3A_1210] {strides = array<i32>} : memref<2x2x8x4x2x128xf32, #tpu.memory_space<vmem>>, vector<16xf32>,
        tpu.vector_store %arg13[%parallel_loop3A_1205, %parallel_loop3A_1206, %parallel_loop3A_1207, %parallel_loop3A_1208, %parallel_loop3A_1209, %parallel_loop3A_1210], %parallel_loop3A_1201 {strides = array<i32>} : memref<2x2x8x4x2x128xf32, #tpu.memory_space<vmem>>, vector<16xf32>,
        %parallel_loop3A_1212 = arith.subf %parallel_loop3A_1167, %parallel_loop3A_1146 : vector<16xf32>
        %parallel_loop3A_1213 = arith.mulf %parallel_loop3A_1179, %parallel_loop3A_1212 : vector<16xf32>
        %parallel_loop3A_1214 = arith.addf %parallel_loop3A_1146, %parallel_loop3A_1213 : vector<16xf32>
        %parallel_loop3A_1215 = arith.constant 1 : i32
        %parallel_loop3A_1216 = arith.constant 1 : i32
        %parallel_loop3A_1217 = arith.constant 0 : i32
        %parallel_loop3A_1218 = arith.index_cast %parallel_loop3A_1215 : i32 to index
        %parallel_loop3A_1219 = arith.index_cast %parallel_loop3A_1216 : i32 to index
        %parallel_loop3A_1220 = arith.index_cast %parallel_loop3A_679 : i32 to index
        %parallel_loop3A_1221 = arith.index_cast %parallel_loop3A_681 : i32 to index
        %parallel_loop3A_1222 = arith.index_cast %parallel_loop3A_1217 : i32 to index
        %parallel_loop3A_1223 = arith.constant 48 : index
        %parallel_loop3A_1224 = tpu.vector_load %arg13[%parallel_loop3A_1218, %parallel_loop3A_1219, %parallel_loop3A_1220, %parallel_loop3A_1221, %parallel_loop3A_1222, %parallel_loop3A_1223] {strides = array<i32>} : memref<2x2x8x4x2x128xf32, #tpu.memory_space<vmem>>, vector<16xf32>,
        tpu.vector_store %arg13[%parallel_loop3A_1218, %parallel_loop3A_1219, %parallel_loop3A_1220, %parallel_loop3A_1221, %parallel_loop3A_1222, %parallel_loop3A_1223], %parallel_loop3A_1214 {strides = array<i32>} : memref<2x2x8x4x2x128xf32, #tpu.memory_space<vmem>>, vector<16xf32>,
        %parallel_loop3A_1225 = arith.subf %parallel_loop3A_1167, %parallel_loop3A_1156 : vector<16xf32>
        %parallel_loop3A_1226 = arith.mulf %parallel_loop3A_1185, %parallel_loop3A_1225 : vector<16xf32>
        %parallel_loop3A_1227 = arith.addf %parallel_loop3A_1156, %parallel_loop3A_1226 : vector<16xf32>
        %parallel_loop3A_1228 = arith.constant 1 : i32
        %parallel_loop3A_1229 = arith.constant 1 : i32
        %parallel_loop3A_1230 = arith.constant 1 : i32
        %parallel_loop3A_1231 = arith.index_cast %parallel_loop3A_1228 : i32 to index
        %parallel_loop3A_1232 = arith.index_cast %parallel_loop3A_1229 : i32 to index
        %parallel_loop3A_1233 = arith.index_cast %parallel_loop3A_679 : i32 to index
        %parallel_loop3A_1234 = arith.index_cast %parallel_loop3A_681 : i32 to index
        %parallel_loop3A_1235 = arith.index_cast %parallel_loop3A_1230 : i32 to index
        %parallel_loop3A_1236 = arith.constant 48 : index
        %parallel_loop3A_1237 = tpu.vector_load %arg13[%parallel_loop3A_1231, %parallel_loop3A_1232, %parallel_loop3A_1233, %parallel_loop3A_1234, %parallel_loop3A_1235, %parallel_loop3A_1236] {strides = array<i32>} : memref<2x2x8x4x2x128xf32, #tpu.memory_space<vmem>>, vector<16xf32>,
        tpu.vector_store %arg13[%parallel_loop3A_1231, %parallel_loop3A_1232, %parallel_loop3A_1233, %parallel_loop3A_1234, %parallel_loop3A_1235, %parallel_loop3A_1236], %parallel_loop3A_1227 {strides = array<i32>} : memref<2x2x8x4x2x128xf32, #tpu.memory_space<vmem>>, vector<16xf32>,
        %parallel_loop3A_1238 = arith.constant 1 : i32
        %parallel_loop3A_1239 = arith.index_cast %parallel_loop3A_1238 : i32 to index
        %parallel_loop3A_1240 = arith.index_cast %parallel_loop3A_681 : i32 to index
        %parallel_loop3A_1241 = arith.index_cast %parallel_loop3A_679 : i32 to index
        %parallel_loop3A_1242 = arith.constant 64 : index
        %parallel_loop3A_1243 = tpu.vector_load %arg9[%parallel_loop3A_1239, %parallel_loop3A_1240, %parallel_loop3A_1241, %parallel_loop3A_1242] {strides = array<i32>} : memref<2x4x8x128xi32, #tpu.memory_space<vmem>>, vector<16xi32>,
        %parallel_loop3A_1244 = arith.constant 1 : i32
        %parallel_loop3A_1245 = arith.index_cast %parallel_loop3A_1244 : i32 to index
        %parallel_loop3A_1246 = arith.index_cast %parallel_loop3A_681 : i32 to index
        %parallel_loop3A_1247 = arith.index_cast %parallel_loop3A_679 : i32 to index
        %parallel_loop3A_1248 = arith.constant 64 : index
        %parallel_loop3A_1249 = tpu.vector_load %arg10[%parallel_loop3A_1245, %parallel_loop3A_1246, %parallel_loop3A_1247, %parallel_loop3A_1248] {strides = array<i32>} : memref<2x4x8x128xi32, #tpu.memory_space<vmem>>, vector<16xi32>,
        %parallel_loop3A_1250 = arith.constant 1 : i32
        %parallel_loop3A_1251 = arith.index_cast %parallel_loop3A_1250 : i32 to index
        %parallel_loop3A_1252 = arith.index_cast %parallel_loop3A_681 : i32 to index
        %parallel_loop3A_1253 = arith.index_cast %parallel_loop3A_679 : i32 to index
        %parallel_loop3A_1254 = arith.constant 64 : index
        %parallel_loop3A_1255 = tpu.vector_load %arg11[%parallel_loop3A_1251, %parallel_loop3A_1252, %parallel_loop3A_1253, %parallel_loop3A_1254] {strides = array<i32>} : memref<2x4x8x128xf32, #tpu.memory_space<vmem>>, vector<16xf32>,
        %parallel_loop3A_1256 = arith.constant 1 : i32
        %parallel_loop3A_1257 = arith.constant 0 : i32
        %parallel_loop3A_1258 = arith.constant 0 : i32
        %parallel_loop3A_1259 = arith.index_cast %parallel_loop3A_1256 : i32 to index
        %parallel_loop3A_1260 = arith.index_cast %parallel_loop3A_1257 : i32 to index
        %parallel_loop3A_1261 = arith.index_cast %parallel_loop3A_679 : i32 to index
        %parallel_loop3A_1262 = arith.index_cast %parallel_loop3A_681 : i32 to index
        %parallel_loop3A_1263 = arith.index_cast %parallel_loop3A_1258 : i32 to index
        %parallel_loop3A_1264 = arith.constant 64 : index
        %parallel_loop3A_1265 = tpu.vector_load %arg12[%parallel_loop3A_1259, %parallel_loop3A_1260, %parallel_loop3A_1261, %parallel_loop3A_1262, %parallel_loop3A_1263, %parallel_loop3A_1264] {strides = array<i32>} : memref<2x2x8x4x2x128xf32, #tpu.memory_space<vmem>>, vector<16xf32>,
        %parallel_loop3A_1266 = arith.constant 1 : i32
        %parallel_loop3A_1267 = arith.constant 0 : i32
        %parallel_loop3A_1268 = arith.constant 1 : i32
        %parallel_loop3A_1269 = arith.index_cast %parallel_loop3A_1266 : i32 to index
        %parallel_loop3A_1270 = arith.index_cast %parallel_loop3A_1267 : i32 to index
        %parallel_loop3A_1271 = arith.index_cast %parallel_loop3A_679 : i32 to index
        %parallel_loop3A_1272 = arith.index_cast %parallel_loop3A_681 : i32 to index
        %parallel_loop3A_1273 = arith.index_cast %parallel_loop3A_1268 : i32 to index
        %parallel_loop3A_1274 = arith.constant 64 : index
        %parallel_loop3A_1275 = tpu.vector_load %arg12[%parallel_loop3A_1269, %parallel_loop3A_1270, %parallel_loop3A_1271, %parallel_loop3A_1272, %parallel_loop3A_1273, %parallel_loop3A_1274] {strides = array<i32>} : memref<2x2x8x4x2x128xf32, #tpu.memory_space<vmem>>, vector<16xf32>,
        %parallel_loop3A_1276 = arith.constant 1 : i32
        %parallel_loop3A_1277 = arith.constant 1 : i32
        %parallel_loop3A_1278 = arith.constant 0 : i32
        %parallel_loop3A_1279 = arith.index_cast %parallel_loop3A_1276 : i32 to index
        %parallel_loop3A_1280 = arith.index_cast %parallel_loop3A_1277 : i32 to index
        %parallel_loop3A_1281 = arith.index_cast %parallel_loop3A_679 : i32 to index
        %parallel_loop3A_1282 = arith.index_cast %parallel_loop3A_681 : i32 to index
        %parallel_loop3A_1283 = arith.index_cast %parallel_loop3A_1278 : i32 to index
        %parallel_loop3A_1284 = arith.constant 64 : index
        %parallel_loop3A_1285 = tpu.vector_load %arg12[%parallel_loop3A_1279, %parallel_loop3A_1280, %parallel_loop3A_1281, %parallel_loop3A_1282, %parallel_loop3A_1283, %parallel_loop3A_1284] {strides = array<i32>} : memref<2x2x8x4x2x128xf32, #tpu.memory_space<vmem>>, vector<16xf32>,
        %parallel_loop3A_1286 = arith.constant 1 : i32
        %parallel_loop3A_1287 = arith.constant 1 : i32
        %parallel_loop3A_1288 = arith.constant 1 : i32
        %parallel_loop3A_1289 = arith.index_cast %parallel_loop3A_1286 : i32 to index
        %parallel_loop3A_1290 = arith.index_cast %parallel_loop3A_1287 : i32 to index
        %parallel_loop3A_1291 = arith.index_cast %parallel_loop3A_679 : i32 to index
        %parallel_loop3A_1292 = arith.index_cast %parallel_loop3A_681 : i32 to index
        %parallel_loop3A_1293 = arith.index_cast %parallel_loop3A_1288 : i32 to index
        %parallel_loop3A_1294 = arith.constant 64 : index
        %parallel_loop3A_1295 = tpu.vector_load %arg12[%parallel_loop3A_1289, %parallel_loop3A_1290, %parallel_loop3A_1291, %parallel_loop3A_1292, %parallel_loop3A_1293, %parallel_loop3A_1294] {strides = array<i32>} : memref<2x2x8x4x2x128xf32, #tpu.memory_space<vmem>>, vector<16xf32>,
        %parallel_loop3A_1296 = arith.constant 0 : i32
        %parallel_loop3A_1297 = vector.broadcast %parallel_loop3A_1296 : i32 to vector<16xi32>
        %parallel_loop3A_1298 = arith.cmpi eq, %parallel_loop3A_1243, %parallel_loop3A_1297 : vector<16xi32>
        %parallel_loop3A_1299 = arith.constant 0 : i32
        %parallel_loop3A_1300 = vector.broadcast %parallel_loop3A_1299 : i32 to vector<16xi32>
        %parallel_loop3A_1301 = arith.cmpi eq, %parallel_loop3A_1249, %parallel_loop3A_1300 : vector<16xi32>
        %parallel_loop3A_1302 = arith.maximumf %parallel_loop3A_1265, %parallel_loop3A_1275 : vector<16xf32>
        %parallel_loop3A_1303 = arith.maximumf %parallel_loop3A_1285, %parallel_loop3A_1295 : vector<16xf32>
        %parallel_loop3A_1304 = arith.select %parallel_loop3A_1301, %parallel_loop3A_1302, %parallel_loop3A_1303 : vector<16xi1>, vector<16xf32>
        %parallel_loop3A_1305 = arith.mulf %get3A_5, %parallel_loop3A_1304 : vector<16xf32>
        %parallel_loop3A_1306 = arith.addf %parallel_loop3A_1255, %parallel_loop3A_1305 : vector<16xf32>
        %parallel_loop3A_1307 = arith.constant 0.000000e+00 : f32
        %parallel_loop3A_1308 = vector.broadcast %parallel_loop3A_1307 : f32 to vector<16xf32>
        %parallel_loop3A_1309 = arith.andi %parallel_loop3A_1298, %parallel_loop3A_1301 : vector<16xi1>
        %parallel_loop3A_1310 = arith.select %parallel_loop3A_1309, %get3A_3, %parallel_loop3A_1308 : vector<16xi1>, vector<16xf32>
        %parallel_loop3A_1311 = arith.constant dense<true> : vector<16xi1>
        %parallel_loop3A_1312 = arith.xori %parallel_loop3A_1301, %parallel_loop3A_1311 : vector<16xi1>
        %parallel_loop3A_1313 = arith.andi %parallel_loop3A_1298, %parallel_loop3A_1312 : vector<16xi1>
        %parallel_loop3A_1314 = arith.select %parallel_loop3A_1313, %get3A_3, %parallel_loop3A_1308 : vector<16xi1>, vector<16xf32>
        %parallel_loop3A_1315 = arith.constant dense<true> : vector<16xi1>
        %parallel_loop3A_1316 = arith.xori %parallel_loop3A_1298, %parallel_loop3A_1315 : vector<16xi1>
        %parallel_loop3A_1317 = arith.andi %parallel_loop3A_1316, %parallel_loop3A_1301 : vector<16xi1>
        %parallel_loop3A_1318 = arith.select %parallel_loop3A_1317, %get3A_3, %parallel_loop3A_1308 : vector<16xi1>, vector<16xf32>
        %parallel_loop3A_1319 = arith.constant dense<true> : vector<16xi1>
        %parallel_loop3A_1320 = arith.xori %parallel_loop3A_1298, %parallel_loop3A_1319 : vector<16xi1>
        %parallel_loop3A_1321 = arith.constant dense<true> : vector<16xi1>
        %parallel_loop3A_1322 = arith.xori %parallel_loop3A_1301, %parallel_loop3A_1321 : vector<16xi1>
        %parallel_loop3A_1323 = arith.andi %parallel_loop3A_1320, %parallel_loop3A_1322 : vector<16xi1>
        %parallel_loop3A_1324 = arith.select %parallel_loop3A_1323, %get3A_3, %parallel_loop3A_1308 : vector<16xi1>, vector<16xf32>
        %parallel_loop3A_1325 = arith.subf %parallel_loop3A_1306, %parallel_loop3A_1265 : vector<16xf32>
        %parallel_loop3A_1326 = arith.mulf %parallel_loop3A_1310, %parallel_loop3A_1325 : vector<16xf32>
        %parallel_loop3A_1327 = arith.addf %parallel_loop3A_1265, %parallel_loop3A_1326 : vector<16xf32>
        %parallel_loop3A_1328 = arith.constant 1 : i32
        %parallel_loop3A_1329 = arith.constant 0 : i32
        %parallel_loop3A_1330 = arith.constant 0 : i32
        %parallel_loop3A_1331 = arith.index_cast %parallel_loop3A_1328 : i32 to index
        %parallel_loop3A_1332 = arith.index_cast %parallel_loop3A_1329 : i32 to index
        %parallel_loop3A_1333 = arith.index_cast %parallel_loop3A_679 : i32 to index
        %parallel_loop3A_1334 = arith.index_cast %parallel_loop3A_681 : i32 to index
        %parallel_loop3A_1335 = arith.index_cast %parallel_loop3A_1330 : i32 to index
        %parallel_loop3A_1336 = arith.constant 64 : index
        %parallel_loop3A_1337 = tpu.vector_load %arg13[%parallel_loop3A_1331, %parallel_loop3A_1332, %parallel_loop3A_1333, %parallel_loop3A_1334, %parallel_loop3A_1335, %parallel_loop3A_1336] {strides = array<i32>} : memref<2x2x8x4x2x128xf32, #tpu.memory_space<vmem>>, vector<16xf32>,
        tpu.vector_store %arg13[%parallel_loop3A_1331, %parallel_loop3A_1332, %parallel_loop3A_1333, %parallel_loop3A_1334, %parallel_loop3A_1335, %parallel_loop3A_1336], %parallel_loop3A_1327 {strides = array<i32>} : memref<2x2x8x4x2x128xf32, #tpu.memory_space<vmem>>, vector<16xf32>,
        %parallel_loop3A_1338 = arith.subf %parallel_loop3A_1306, %parallel_loop3A_1275 : vector<16xf32>
        %parallel_loop3A_1339 = arith.mulf %parallel_loop3A_1314, %parallel_loop3A_1338 : vector<16xf32>
        %parallel_loop3A_1340 = arith.addf %parallel_loop3A_1275, %parallel_loop3A_1339 : vector<16xf32>
        %parallel_loop3A_1341 = arith.constant 1 : i32
        %parallel_loop3A_1342 = arith.constant 0 : i32
        %parallel_loop3A_1343 = arith.constant 1 : i32
        %parallel_loop3A_1344 = arith.index_cast %parallel_loop3A_1341 : i32 to index
        %parallel_loop3A_1345 = arith.index_cast %parallel_loop3A_1342 : i32 to index
        %parallel_loop3A_1346 = arith.index_cast %parallel_loop3A_679 : i32 to index
        %parallel_loop3A_1347 = arith.index_cast %parallel_loop3A_681 : i32 to index
        %parallel_loop3A_1348 = arith.index_cast %parallel_loop3A_1343 : i32 to index
        %parallel_loop3A_1349 = arith.constant 64 : index
        %parallel_loop3A_1350 = tpu.vector_load %arg13[%parallel_loop3A_1344, %parallel_loop3A_1345, %parallel_loop3A_1346, %parallel_loop3A_1347, %parallel_loop3A_1348, %parallel_loop3A_1349] {strides = array<i32>} : memref<2x2x8x4x2x128xf32, #tpu.memory_space<vmem>>, vector<16xf32>,
        tpu.vector_store %arg13[%parallel_loop3A_1344, %parallel_loop3A_1345, %parallel_loop3A_1346, %parallel_loop3A_1347, %parallel_loop3A_1348, %parallel_loop3A_1349], %parallel_loop3A_1340 {strides = array<i32>} : memref<2x2x8x4x2x128xf32, #tpu.memory_space<vmem>>, vector<16xf32>,
        %parallel_loop3A_1351 = arith.subf %parallel_loop3A_1306, %parallel_loop3A_1285 : vector<16xf32>
        %parallel_loop3A_1352 = arith.mulf %parallel_loop3A_1318, %parallel_loop3A_1351 : vector<16xf32>
        %parallel_loop3A_1353 = arith.addf %parallel_loop3A_1285, %parallel_loop3A_1352 : vector<16xf32>
        %parallel_loop3A_1354 = arith.constant 1 : i32
        %parallel_loop3A_1355 = arith.constant 1 : i32
        %parallel_loop3A_1356 = arith.constant 0 : i32
        %parallel_loop3A_1357 = arith.index_cast %parallel_loop3A_1354 : i32 to index
        %parallel_loop3A_1358 = arith.index_cast %parallel_loop3A_1355 : i32 to index
        %parallel_loop3A_1359 = arith.index_cast %parallel_loop3A_679 : i32 to index
        %parallel_loop3A_1360 = arith.index_cast %parallel_loop3A_681 : i32 to index
        %parallel_loop3A_1361 = arith.index_cast %parallel_loop3A_1356 : i32 to index
        %parallel_loop3A_1362 = arith.constant 64 : index
        %parallel_loop3A_1363 = tpu.vector_load %arg13[%parallel_loop3A_1357, %parallel_loop3A_1358, %parallel_loop3A_1359, %parallel_loop3A_1360, %parallel_loop3A_1361, %parallel_loop3A_1362] {strides = array<i32>} : memref<2x2x8x4x2x128xf32, #tpu.memory_space<vmem>>, vector<16xf32>,
        tpu.vector_store %arg13[%parallel_loop3A_1357, %parallel_loop3A_1358, %parallel_loop3A_1359, %parallel_loop3A_1360, %parallel_loop3A_1361, %parallel_loop3A_1362], %parallel_loop3A_1353 {strides = array<i32>} : memref<2x2x8x4x2x128xf32, #tpu.memory_space<vmem>>, vector<16xf32>,
        %parallel_loop3A_1364 = arith.subf %parallel_loop3A_1306, %parallel_loop3A_1295 : vector<16xf32>
        %parallel_loop3A_1365 = arith.mulf %parallel_loop3A_1324, %parallel_loop3A_1364 : vector<16xf32>
        %parallel_loop3A_1366 = arith.addf %parallel_loop3A_1295, %parallel_loop3A_1365 : vector<16xf32>
        %parallel_loop3A_1367 = arith.constant 1 : i32
        %parallel_loop3A_1368 = arith.constant 1 : i32
        %parallel_loop3A_1369 = arith.constant 1 : i32
        %parallel_loop3A_1370 = arith.index_cast %parallel_loop3A_1367 : i32 to index
        %parallel_loop3A_1371 = arith.index_cast %parallel_loop3A_1368 : i32 to index
        %parallel_loop3A_1372 = arith.index_cast %parallel_loop3A_679 : i32 to index
        %parallel_loop3A_1373 = arith.index_cast %parallel_loop3A_681 : i32 to index
        %parallel_loop3A_1374 = arith.index_cast %parallel_loop3A_1369 : i32 to index
        %parallel_loop3A_1375 = arith.constant 64 : index
        %parallel_loop3A_1376 = tpu.vector_load %arg13[%parallel_loop3A_1370, %parallel_loop3A_1371, %parallel_loop3A_1372, %parallel_loop3A_1373, %parallel_loop3A_1374, %parallel_loop3A_1375] {strides = array<i32>} : memref<2x2x8x4x2x128xf32, #tpu.memory_space<vmem>>, vector<16xf32>,
        tpu.vector_store %arg13[%parallel_loop3A_1370, %parallel_loop3A_1371, %parallel_loop3A_1372, %parallel_loop3A_1373, %parallel_loop3A_1374, %parallel_loop3A_1375], %parallel_loop3A_1366 {strides = array<i32>} : memref<2x2x8x4x2x128xf32, #tpu.memory_space<vmem>>, vector<16xf32>,
        %parallel_loop3A_1377 = arith.constant 1 : i32
        %parallel_loop3A_1378 = arith.index_cast %parallel_loop3A_1377 : i32 to index
        %parallel_loop3A_1379 = arith.index_cast %parallel_loop3A_681 : i32 to index
        %parallel_loop3A_1380 = arith.index_cast %parallel_loop3A_679 : i32 to index
        %parallel_loop3A_1381 = arith.constant 80 : index
        %parallel_loop3A_1382 = tpu.vector_load %arg9[%parallel_loop3A_1378, %parallel_loop3A_1379, %parallel_loop3A_1380, %parallel_loop3A_1381] {strides = array<i32>} : memref<2x4x8x128xi32, #tpu.memory_space<vmem>>, vector<16xi32>,
        %parallel_loop3A_1383 = arith.constant 1 : i32
        %parallel_loop3A_1384 = arith.index_cast %parallel_loop3A_1383 : i32 to index
        %parallel_loop3A_1385 = arith.index_cast %parallel_loop3A_681 : i32 to index
        %parallel_loop3A_1386 = arith.index_cast %parallel_loop3A_679 : i32 to index
        %parallel_loop3A_1387 = arith.constant 80 : index
        %parallel_loop3A_1388 = tpu.vector_load %arg10[%parallel_loop3A_1384, %parallel_loop3A_1385, %parallel_loop3A_1386, %parallel_loop3A_1387] {strides = array<i32>} : memref<2x4x8x128xi32, #tpu.memory_space<vmem>>, vector<16xi32>,
        %parallel_loop3A_1389 = arith.constant 1 : i32
        %parallel_loop3A_1390 = arith.index_cast %parallel_loop3A_1389 : i32 to index
        %parallel_loop3A_1391 = arith.index_cast %parallel_loop3A_681 : i32 to index
        %parallel_loop3A_1392 = arith.index_cast %parallel_loop3A_679 : i32 to index
        %parallel_loop3A_1393 = arith.constant 80 : index
        %parallel_loop3A_1394 = tpu.vector_load %arg11[%parallel_loop3A_1390, %parallel_loop3A_1391, %parallel_loop3A_1392, %parallel_loop3A_1393] {strides = array<i32>} : memref<2x4x8x128xf32, #tpu.memory_space<vmem>>, vector<16xf32>,
        %parallel_loop3A_1395 = arith.constant 1 : i32
        %parallel_loop3A_1396 = arith.constant 0 : i32
        %parallel_loop3A_1397 = arith.constant 0 : i32
        %parallel_loop3A_1398 = arith.index_cast %parallel_loop3A_1395 : i32 to index
        %parallel_loop3A_1399 = arith.index_cast %parallel_loop3A_1396 : i32 to index
        %parallel_loop3A_1400 = arith.index_cast %parallel_loop3A_679 : i32 to index
        %parallel_loop3A_1401 = arith.index_cast %parallel_loop3A_681 : i32 to index
        %parallel_loop3A_1402 = arith.index_cast %parallel_loop3A_1397 : i32 to index
        %parallel_loop3A_1403 = arith.constant 80 : index
        %parallel_loop3A_1404 = tpu.vector_load %arg12[%parallel_loop3A_1398, %parallel_loop3A_1399, %parallel_loop3A_1400, %parallel_loop3A_1401, %parallel_loop3A_1402, %parallel_loop3A_1403] {strides = array<i32>} : memref<2x2x8x4x2x128xf32, #tpu.memory_space<vmem>>, vector<16xf32>,
        %parallel_loop3A_1405 = arith.constant 1 : i32
        %parallel_loop3A_1406 = arith.constant 0 : i32
        %parallel_loop3A_1407 = arith.constant 1 : i32
        %parallel_loop3A_1408 = arith.index_cast %parallel_loop3A_1405 : i32 to index
        %parallel_loop3A_1409 = arith.index_cast %parallel_loop3A_1406 : i32 to index
        %parallel_loop3A_1410 = arith.index_cast %parallel_loop3A_679 : i32 to index
        %parallel_loop3A_1411 = arith.index_cast %parallel_loop3A_681 : i32 to index
        %parallel_loop3A_1412 = arith.index_cast %parallel_loop3A_1407 : i32 to index
        %parallel_loop3A_1413 = arith.constant 80 : index
        %parallel_loop3A_1414 = tpu.vector_load %arg12[%parallel_loop3A_1408, %parallel_loop3A_1409, %parallel_loop3A_1410, %parallel_loop3A_1411, %parallel_loop3A_1412, %parallel_loop3A_1413] {strides = array<i32>} : memref<2x2x8x4x2x128xf32, #tpu.memory_space<vmem>>, vector<16xf32>,
        %parallel_loop3A_1415 = arith.constant 1 : i32
        %parallel_loop3A_1416 = arith.constant 1 : i32
        %parallel_loop3A_1417 = arith.constant 0 : i32
        %parallel_loop3A_1418 = arith.index_cast %parallel_loop3A_1415 : i32 to index
        %parallel_loop3A_1419 = arith.index_cast %parallel_loop3A_1416 : i32 to index
        %parallel_loop3A_1420 = arith.index_cast %parallel_loop3A_679 : i32 to index
        %parallel_loop3A_1421 = arith.index_cast %parallel_loop3A_681 : i32 to index
        %parallel_loop3A_1422 = arith.index_cast %parallel_loop3A_1417 : i32 to index
        %parallel_loop3A_1423 = arith.constant 80 : index
        %parallel_loop3A_1424 = tpu.vector_load %arg12[%parallel_loop3A_1418, %parallel_loop3A_1419, %parallel_loop3A_1420, %parallel_loop3A_1421, %parallel_loop3A_1422, %parallel_loop3A_1423] {strides = array<i32>} : memref<2x2x8x4x2x128xf32, #tpu.memory_space<vmem>>, vector<16xf32>,
        %parallel_loop3A_1425 = arith.constant 1 : i32
        %parallel_loop3A_1426 = arith.constant 1 : i32
        %parallel_loop3A_1427 = arith.constant 1 : i32
        %parallel_loop3A_1428 = arith.index_cast %parallel_loop3A_1425 : i32 to index
        %parallel_loop3A_1429 = arith.index_cast %parallel_loop3A_1426 : i32 to index
        %parallel_loop3A_1430 = arith.index_cast %parallel_loop3A_679 : i32 to index
        %parallel_loop3A_1431 = arith.index_cast %parallel_loop3A_681 : i32 to index
        %parallel_loop3A_1432 = arith.index_cast %parallel_loop3A_1427 : i32 to index
        %parallel_loop3A_1433 = arith.constant 80 : index
        %parallel_loop3A_1434 = tpu.vector_load %arg12[%parallel_loop3A_1428, %parallel_loop3A_1429, %parallel_loop3A_1430, %parallel_loop3A_1431, %parallel_loop3A_1432, %parallel_loop3A_1433] {strides = array<i32>} : memref<2x2x8x4x2x128xf32, #tpu.memory_space<vmem>>, vector<16xf32>,
        %parallel_loop3A_1435 = arith.constant 0 : i32
        %parallel_loop3A_1436 = vector.broadcast %parallel_loop3A_1435 : i32 to vector<16xi32>
        %parallel_loop3A_1437 = arith.cmpi eq, %parallel_loop3A_1382, %parallel_loop3A_1436 : vector<16xi32>
        %parallel_loop3A_1438 = arith.constant 0 : i32
        %parallel_loop3A_1439 = vector.broadcast %parallel_loop3A_1438 : i32 to vector<16xi32>
        %parallel_loop3A_1440 = arith.cmpi eq, %parallel_loop3A_1388, %parallel_loop3A_1439 : vector<16xi32>
        %parallel_loop3A_1441 = arith.maximumf %parallel_loop3A_1404, %parallel_loop3A_1414 : vector<16xf32>
        %parallel_loop3A_1442 = arith.maximumf %parallel_loop3A_1424, %parallel_loop3A_1434 : vector<16xf32>
        %parallel_loop3A_1443 = arith.select %parallel_loop3A_1440, %parallel_loop3A_1441, %parallel_loop3A_1442 : vector<16xi1>, vector<16xf32>
        %parallel_loop3A_1444 = arith.mulf %get3A_5, %parallel_loop3A_1443 : vector<16xf32>
        %parallel_loop3A_1445 = arith.addf %parallel_loop3A_1394, %parallel_loop3A_1444 : vector<16xf32>
        %parallel_loop3A_1446 = arith.constant 0.000000e+00 : f32
        %parallel_loop3A_1447 = vector.broadcast %parallel_loop3A_1446 : f32 to vector<16xf32>
        %parallel_loop3A_1448 = arith.andi %parallel_loop3A_1437, %parallel_loop3A_1440 : vector<16xi1>
        %parallel_loop3A_1449 = arith.select %parallel_loop3A_1448, %get3A_3, %parallel_loop3A_1447 : vector<16xi1>, vector<16xf32>
        %parallel_loop3A_1450 = arith.constant dense<true> : vector<16xi1>
        %parallel_loop3A_1451 = arith.xori %parallel_loop3A_1440, %parallel_loop3A_1450 : vector<16xi1>
        %parallel_loop3A_1452 = arith.andi %parallel_loop3A_1437, %parallel_loop3A_1451 : vector<16xi1>
        %parallel_loop3A_1453 = arith.select %parallel_loop3A_1452, %get3A_3, %parallel_loop3A_1447 : vector<16xi1>, vector<16xf32>
        %parallel_loop3A_1454 = arith.constant dense<true> : vector<16xi1>
        %parallel_loop3A_1455 = arith.xori %parallel_loop3A_1437, %parallel_loop3A_1454 : vector<16xi1>
        %parallel_loop3A_1456 = arith.andi %parallel_loop3A_1455, %parallel_loop3A_1440 : vector<16xi1>
        %parallel_loop3A_1457 = arith.select %parallel_loop3A_1456, %get3A_3, %parallel_loop3A_1447 : vector<16xi1>, vector<16xf32>
        %parallel_loop3A_1458 = arith.constant dense<true> : vector<16xi1>
        %parallel_loop3A_1459 = arith.xori %parallel_loop3A_1437, %parallel_loop3A_1458 : vector<16xi1>
        %parallel_loop3A_1460 = arith.constant dense<true> : vector<16xi1>
        %parallel_loop3A_1461 = arith.xori %parallel_loop3A_1440, %parallel_loop3A_1460 : vector<16xi1>
        %parallel_loop3A_1462 = arith.andi %parallel_loop3A_1459, %parallel_loop3A_1461 : vector<16xi1>
        %parallel_loop3A_1463 = arith.select %parallel_loop3A_1462, %get3A_3, %parallel_loop3A_1447 : vector<16xi1>, vector<16xf32>
        %parallel_loop3A_1464 = arith.subf %parallel_loop3A_1445, %parallel_loop3A_1404 : vector<16xf32>
        %parallel_loop3A_1465 = arith.mulf %parallel_loop3A_1449, %parallel_loop3A_1464 : vector<16xf32>
        %parallel_loop3A_1466 = arith.addf %parallel_loop3A_1404, %parallel_loop3A_1465 : vector<16xf32>
        %parallel_loop3A_1467 = arith.constant 1 : i32
        %parallel_loop3A_1468 = arith.constant 0 : i32
        %parallel_loop3A_1469 = arith.constant 0 : i32
        %parallel_loop3A_1470 = arith.index_cast %parallel_loop3A_1467 : i32 to index
        %parallel_loop3A_1471 = arith.index_cast %parallel_loop3A_1468 : i32 to index
        %parallel_loop3A_1472 = arith.index_cast %parallel_loop3A_679 : i32 to index
        %parallel_loop3A_1473 = arith.index_cast %parallel_loop3A_681 : i32 to index
        %parallel_loop3A_1474 = arith.index_cast %parallel_loop3A_1469 : i32 to index
        %parallel_loop3A_1475 = arith.constant 80 : index
        %parallel_loop3A_1476 = tpu.vector_load %arg13[%parallel_loop3A_1470, %parallel_loop3A_1471, %parallel_loop3A_1472, %parallel_loop3A_1473, %parallel_loop3A_1474, %parallel_loop3A_1475] {strides = array<i32>} : memref<2x2x8x4x2x128xf32, #tpu.memory_space<vmem>>, vector<16xf32>,
        tpu.vector_store %arg13[%parallel_loop3A_1470, %parallel_loop3A_1471, %parallel_loop3A_1472, %parallel_loop3A_1473, %parallel_loop3A_1474, %parallel_loop3A_1475], %parallel_loop3A_1466 {strides = array<i32>} : memref<2x2x8x4x2x128xf32, #tpu.memory_space<vmem>>, vector<16xf32>,
        %parallel_loop3A_1477 = arith.subf %parallel_loop3A_1445, %parallel_loop3A_1414 : vector<16xf32>
        %parallel_loop3A_1478 = arith.mulf %parallel_loop3A_1453, %parallel_loop3A_1477 : vector<16xf32>
        %parallel_loop3A_1479 = arith.addf %parallel_loop3A_1414, %parallel_loop3A_1478 : vector<16xf32>
        %parallel_loop3A_1480 = arith.constant 1 : i32
        %parallel_loop3A_1481 = arith.constant 0 : i32
        %parallel_loop3A_1482 = arith.constant 1 : i32
        %parallel_loop3A_1483 = arith.index_cast %parallel_loop3A_1480 : i32 to index
        %parallel_loop3A_1484 = arith.index_cast %parallel_loop3A_1481 : i32 to index
        %parallel_loop3A_1485 = arith.index_cast %parallel_loop3A_679 : i32 to index
        %parallel_loop3A_1486 = arith.index_cast %parallel_loop3A_681 : i32 to index
        %parallel_loop3A_1487 = arith.index_cast %parallel_loop3A_1482 : i32 to index
        %parallel_loop3A_1488 = arith.constant 80 : index
        %parallel_loop3A_1489 = tpu.vector_load %arg13[%parallel_loop3A_1483, %parallel_loop3A_1484, %parallel_loop3A_1485, %parallel_loop3A_1486, %parallel_loop3A_1487, %parallel_loop3A_1488] {strides = array<i32>} : memref<2x2x8x4x2x128xf32, #tpu.memory_space<vmem>>, vector<16xf32>,
        tpu.vector_store %arg13[%parallel_loop3A_1483, %parallel_loop3A_1484, %parallel_loop3A_1485, %parallel_loop3A_1486, %parallel_loop3A_1487, %parallel_loop3A_1488], %parallel_loop3A_1479 {strides = array<i32>} : memref<2x2x8x4x2x128xf32, #tpu.memory_space<vmem>>, vector<16xf32>,
        %parallel_loop3A_1490 = arith.subf %parallel_loop3A_1445, %parallel_loop3A_1424 : vector<16xf32>
        %parallel_loop3A_1491 = arith.mulf %parallel_loop3A_1457, %parallel_loop3A_1490 : vector<16xf32>
        %parallel_loop3A_1492 = arith.addf %parallel_loop3A_1424, %parallel_loop3A_1491 : vector<16xf32>
        %parallel_loop3A_1493 = arith.constant 1 : i32
        %parallel_loop3A_1494 = arith.constant 1 : i32
        %parallel_loop3A_1495 = arith.constant 0 : i32
        %parallel_loop3A_1496 = arith.index_cast %parallel_loop3A_1493 : i32 to index
        %parallel_loop3A_1497 = arith.index_cast %parallel_loop3A_1494 : i32 to index
        %parallel_loop3A_1498 = arith.index_cast %parallel_loop3A_679 : i32 to index
        %parallel_loop3A_1499 = arith.index_cast %parallel_loop3A_681 : i32 to index
        %parallel_loop3A_1500 = arith.index_cast %parallel_loop3A_1495 : i32 to index
        %parallel_loop3A_1501 = arith.constant 80 : index
        %parallel_loop3A_1502 = tpu.vector_load %arg13[%parallel_loop3A_1496, %parallel_loop3A_1497, %parallel_loop3A_1498, %parallel_loop3A_1499, %parallel_loop3A_1500, %parallel_loop3A_1501] {strides = array<i32>} : memref<2x2x8x4x2x128xf32, #tpu.memory_space<vmem>>, vector<16xf32>,
        tpu.vector_store %arg13[%parallel_loop3A_1496, %parallel_loop3A_1497, %parallel_loop3A_1498, %parallel_loop3A_1499, %parallel_loop3A_1500, %parallel_loop3A_1501], %parallel_loop3A_1492 {strides = array<i32>} : memref<2x2x8x4x2x128xf32, #tpu.memory_space<vmem>>, vector<16xf32>,
        %parallel_loop3A_1503 = arith.subf %parallel_loop3A_1445, %parallel_loop3A_1434 : vector<16xf32>
        %parallel_loop3A_1504 = arith.mulf %parallel_loop3A_1463, %parallel_loop3A_1503 : vector<16xf32>
        %parallel_loop3A_1505 = arith.addf %parallel_loop3A_1434, %parallel_loop3A_1504 : vector<16xf32>
        %parallel_loop3A_1506 = arith.constant 1 : i32
        %parallel_loop3A_1507 = arith.constant 1 : i32
        %parallel_loop3A_1508 = arith.constant 1 : i32
        %parallel_loop3A_1509 = arith.index_cast %parallel_loop3A_1506 : i32 to index
        %parallel_loop3A_1510 = arith.index_cast %parallel_loop3A_1507 : i32 to index
        %parallel_loop3A_1511 = arith.index_cast %parallel_loop3A_679 : i32 to index
        %parallel_loop3A_1512 = arith.index_cast %parallel_loop3A_681 : i32 to index
        %parallel_loop3A_1513 = arith.index_cast %parallel_loop3A_1508 : i32 to index
        %parallel_loop3A_1514 = arith.constant 80 : index
        %parallel_loop3A_1515 = tpu.vector_load %arg13[%parallel_loop3A_1509, %parallel_loop3A_1510, %parallel_loop3A_1511, %parallel_loop3A_1512, %parallel_loop3A_1513, %parallel_loop3A_1514] {strides = array<i32>} : memref<2x2x8x4x2x128xf32, #tpu.memory_space<vmem>>, vector<16xf32>,
        tpu.vector_store %arg13[%parallel_loop3A_1509, %parallel_loop3A_1510, %parallel_loop3A_1511, %parallel_loop3A_1512, %parallel_loop3A_1513, %parallel_loop3A_1514], %parallel_loop3A_1505 {strides = array<i32>} : memref<2x2x8x4x2x128xf32, #tpu.memory_space<vmem>>, vector<16xf32>,
        %parallel_loop3A_1516 = arith.constant 1 : i32
        %parallel_loop3A_1517 = arith.index_cast %parallel_loop3A_1516 : i32 to index
        %parallel_loop3A_1518 = arith.index_cast %parallel_loop3A_681 : i32 to index
        %parallel_loop3A_1519 = arith.index_cast %parallel_loop3A_679 : i32 to index
        %parallel_loop3A_1520 = arith.constant 96 : index
        %parallel_loop3A_1521 = tpu.vector_load %arg9[%parallel_loop3A_1517, %parallel_loop3A_1518, %parallel_loop3A_1519, %parallel_loop3A_1520] {strides = array<i32>} : memref<2x4x8x128xi32, #tpu.memory_space<vmem>>, vector<16xi32>,
        %parallel_loop3A_1522 = arith.constant 1 : i32
        %parallel_loop3A_1523 = arith.index_cast %parallel_loop3A_1522 : i32 to index
        %parallel_loop3A_1524 = arith.index_cast %parallel_loop3A_681 : i32 to index
        %parallel_loop3A_1525 = arith.index_cast %parallel_loop3A_679 : i32 to index
        %parallel_loop3A_1526 = arith.constant 96 : index
        %parallel_loop3A_1527 = tpu.vector_load %arg10[%parallel_loop3A_1523, %parallel_loop3A_1524, %parallel_loop3A_1525, %parallel_loop3A_1526] {strides = array<i32>} : memref<2x4x8x128xi32, #tpu.memory_space<vmem>>, vector<16xi32>,
        %parallel_loop3A_1528 = arith.constant 1 : i32
        %parallel_loop3A_1529 = arith.index_cast %parallel_loop3A_1528 : i32 to index
        %parallel_loop3A_1530 = arith.index_cast %parallel_loop3A_681 : i32 to index
        %parallel_loop3A_1531 = arith.index_cast %parallel_loop3A_679 : i32 to index
        %parallel_loop3A_1532 = arith.constant 96 : index
        %parallel_loop3A_1533 = tpu.vector_load %arg11[%parallel_loop3A_1529, %parallel_loop3A_1530, %parallel_loop3A_1531, %parallel_loop3A_1532] {strides = array<i32>} : memref<2x4x8x128xf32, #tpu.memory_space<vmem>>, vector<16xf32>,
        %parallel_loop3A_1534 = arith.constant 1 : i32
        %parallel_loop3A_1535 = arith.constant 0 : i32
        %parallel_loop3A_1536 = arith.constant 0 : i32
        %parallel_loop3A_1537 = arith.index_cast %parallel_loop3A_1534 : i32 to index
        %parallel_loop3A_1538 = arith.index_cast %parallel_loop3A_1535 : i32 to index
        %parallel_loop3A_1539 = arith.index_cast %parallel_loop3A_679 : i32 to index
        %parallel_loop3A_1540 = arith.index_cast %parallel_loop3A_681 : i32 to index
        %parallel_loop3A_1541 = arith.index_cast %parallel_loop3A_1536 : i32 to index
        %parallel_loop3A_1542 = arith.constant 96 : index
        %parallel_loop3A_1543 = tpu.vector_load %arg12[%parallel_loop3A_1537, %parallel_loop3A_1538, %parallel_loop3A_1539, %parallel_loop3A_1540, %parallel_loop3A_1541, %parallel_loop3A_1542] {strides = array<i32>} : memref<2x2x8x4x2x128xf32, #tpu.memory_space<vmem>>, vector<16xf32>,
        %parallel_loop3A_1544 = arith.constant 1 : i32
        %parallel_loop3A_1545 = arith.constant 0 : i32
        %parallel_loop3A_1546 = arith.constant 1 : i32
        %parallel_loop3A_1547 = arith.index_cast %parallel_loop3A_1544 : i32 to index
        %parallel_loop3A_1548 = arith.index_cast %parallel_loop3A_1545 : i32 to index
        %parallel_loop3A_1549 = arith.index_cast %parallel_loop3A_679 : i32 to index
        %parallel_loop3A_1550 = arith.index_cast %parallel_loop3A_681 : i32 to index
        %parallel_loop3A_1551 = arith.index_cast %parallel_loop3A_1546 : i32 to index
        %parallel_loop3A_1552 = arith.constant 96 : index
        %parallel_loop3A_1553 = tpu.vector_load %arg12[%parallel_loop3A_1547, %parallel_loop3A_1548, %parallel_loop3A_1549, %parallel_loop3A_1550, %parallel_loop3A_1551, %parallel_loop3A_1552] {strides = array<i32>} : memref<2x2x8x4x2x128xf32, #tpu.memory_space<vmem>>, vector<16xf32>,
        %parallel_loop3A_1554 = arith.constant 1 : i32
        %parallel_loop3A_1555 = arith.constant 1 : i32
        %parallel_loop3A_1556 = arith.constant 0 : i32
        %parallel_loop3A_1557 = arith.index_cast %parallel_loop3A_1554 : i32 to index
        %parallel_loop3A_1558 = arith.index_cast %parallel_loop3A_1555 : i32 to index
        %parallel_loop3A_1559 = arith.index_cast %parallel_loop3A_679 : i32 to index
        %parallel_loop3A_1560 = arith.index_cast %parallel_loop3A_681 : i32 to index
        %parallel_loop3A_1561 = arith.index_cast %parallel_loop3A_1556 : i32 to index
        %parallel_loop3A_1562 = arith.constant 96 : index
        %parallel_loop3A_1563 = tpu.vector_load %arg12[%parallel_loop3A_1557, %parallel_loop3A_1558, %parallel_loop3A_1559, %parallel_loop3A_1560, %parallel_loop3A_1561, %parallel_loop3A_1562] {strides = array<i32>} : memref<2x2x8x4x2x128xf32, #tpu.memory_space<vmem>>, vector<16xf32>,
        %parallel_loop3A_1564 = arith.constant 1 : i32
        %parallel_loop3A_1565 = arith.constant 1 : i32
        %parallel_loop3A_1566 = arith.constant 1 : i32
        %parallel_loop3A_1567 = arith.index_cast %parallel_loop3A_1564 : i32 to index
        %parallel_loop3A_1568 = arith.index_cast %parallel_loop3A_1565 : i32 to index
        %parallel_loop3A_1569 = arith.index_cast %parallel_loop3A_679 : i32 to index
        %parallel_loop3A_1570 = arith.index_cast %parallel_loop3A_681 : i32 to index
        %parallel_loop3A_1571 = arith.index_cast %parallel_loop3A_1566 : i32 to index
        %parallel_loop3A_1572 = arith.constant 96 : index
        %parallel_loop3A_1573 = tpu.vector_load %arg12[%parallel_loop3A_1567, %parallel_loop3A_1568, %parallel_loop3A_1569, %parallel_loop3A_1570, %parallel_loop3A_1571, %parallel_loop3A_1572] {strides = array<i32>} : memref<2x2x8x4x2x128xf32, #tpu.memory_space<vmem>>, vector<16xf32>,
        %parallel_loop3A_1574 = arith.constant 0 : i32
        %parallel_loop3A_1575 = vector.broadcast %parallel_loop3A_1574 : i32 to vector<16xi32>
        %parallel_loop3A_1576 = arith.cmpi eq, %parallel_loop3A_1521, %parallel_loop3A_1575 : vector<16xi32>
        %parallel_loop3A_1577 = arith.constant 0 : i32
        %parallel_loop3A_1578 = vector.broadcast %parallel_loop3A_1577 : i32 to vector<16xi32>
        %parallel_loop3A_1579 = arith.cmpi eq, %parallel_loop3A_1527, %parallel_loop3A_1578 : vector<16xi32>
        %parallel_loop3A_1580 = arith.maximumf %parallel_loop3A_1543, %parallel_loop3A_1553 : vector<16xf32>
        %parallel_loop3A_1581 = arith.maximumf %parallel_loop3A_1563, %parallel_loop3A_1573 : vector<16xf32>
        %parallel_loop3A_1582 = arith.select %parallel_loop3A_1579, %parallel_loop3A_1580, %parallel_loop3A_1581 : vector<16xi1>, vector<16xf32>
        %parallel_loop3A_1583 = arith.mulf %get3A_5, %parallel_loop3A_1582 : vector<16xf32>
        %parallel_loop3A_1584 = arith.addf %parallel_loop3A_1533, %parallel_loop3A_1583 : vector<16xf32>
        %parallel_loop3A_1585 = arith.constant 0.000000e+00 : f32
        %parallel_loop3A_1586 = vector.broadcast %parallel_loop3A_1585 : f32 to vector<16xf32>
        %parallel_loop3A_1587 = arith.andi %parallel_loop3A_1576, %parallel_loop3A_1579 : vector<16xi1>
        %parallel_loop3A_1588 = arith.select %parallel_loop3A_1587, %get3A_3, %parallel_loop3A_1586 : vector<16xi1>, vector<16xf32>
        %parallel_loop3A_1589 = arith.constant dense<true> : vector<16xi1>
        %parallel_loop3A_1590 = arith.xori %parallel_loop3A_1579, %parallel_loop3A_1589 : vector<16xi1>
        %parallel_loop3A_1591 = arith.andi %parallel_loop3A_1576, %parallel_loop3A_1590 : vector<16xi1>
        %parallel_loop3A_1592 = arith.select %parallel_loop3A_1591, %get3A_3, %parallel_loop3A_1586 : vector<16xi1>, vector<16xf32>
        %parallel_loop3A_1593 = arith.constant dense<true> : vector<16xi1>
        %parallel_loop3A_1594 = arith.xori %parallel_loop3A_1576, %parallel_loop3A_1593 : vector<16xi1>
        %parallel_loop3A_1595 = arith.andi %parallel_loop3A_1594, %parallel_loop3A_1579 : vector<16xi1>
        %parallel_loop3A_1596 = arith.select %parallel_loop3A_1595, %get3A_3, %parallel_loop3A_1586 : vector<16xi1>, vector<16xf32>
        %parallel_loop3A_1597 = arith.constant dense<true> : vector<16xi1>
        %parallel_loop3A_1598 = arith.xori %parallel_loop3A_1576, %parallel_loop3A_1597 : vector<16xi1>
        %parallel_loop3A_1599 = arith.constant dense<true> : vector<16xi1>
        %parallel_loop3A_1600 = arith.xori %parallel_loop3A_1579, %parallel_loop3A_1599 : vector<16xi1>
        %parallel_loop3A_1601 = arith.andi %parallel_loop3A_1598, %parallel_loop3A_1600 : vector<16xi1>
        %parallel_loop3A_1602 = arith.select %parallel_loop3A_1601, %get3A_3, %parallel_loop3A_1586 : vector<16xi1>, vector<16xf32>
        %parallel_loop3A_1603 = arith.subf %parallel_loop3A_1584, %parallel_loop3A_1543 : vector<16xf32>
        %parallel_loop3A_1604 = arith.mulf %parallel_loop3A_1588, %parallel_loop3A_1603 : vector<16xf32>
        %parallel_loop3A_1605 = arith.addf %parallel_loop3A_1543, %parallel_loop3A_1604 : vector<16xf32>
        %parallel_loop3A_1606 = arith.constant 1 : i32
        %parallel_loop3A_1607 = arith.constant 0 : i32
        %parallel_loop3A_1608 = arith.constant 0 : i32
        %parallel_loop3A_1609 = arith.index_cast %parallel_loop3A_1606 : i32 to index
        %parallel_loop3A_1610 = arith.index_cast %parallel_loop3A_1607 : i32 to index
        %parallel_loop3A_1611 = arith.index_cast %parallel_loop3A_679 : i32 to index
        %parallel_loop3A_1612 = arith.index_cast %parallel_loop3A_681 : i32 to index
        %parallel_loop3A_1613 = arith.index_cast %parallel_loop3A_1608 : i32 to index
        %parallel_loop3A_1614 = arith.constant 96 : index
        %parallel_loop3A_1615 = tpu.vector_load %arg13[%parallel_loop3A_1609, %parallel_loop3A_1610, %parallel_loop3A_1611, %parallel_loop3A_1612, %parallel_loop3A_1613, %parallel_loop3A_1614] {strides = array<i32>} : memref<2x2x8x4x2x128xf32, #tpu.memory_space<vmem>>, vector<16xf32>,
        tpu.vector_store %arg13[%parallel_loop3A_1609, %parallel_loop3A_1610, %parallel_loop3A_1611, %parallel_loop3A_1612, %parallel_loop3A_1613, %parallel_loop3A_1614], %parallel_loop3A_1605 {strides = array<i32>} : memref<2x2x8x4x2x128xf32, #tpu.memory_space<vmem>>, vector<16xf32>,
        %parallel_loop3A_1616 = arith.subf %parallel_loop3A_1584, %parallel_loop3A_1553 : vector<16xf32>
        %parallel_loop3A_1617 = arith.mulf %parallel_loop3A_1592, %parallel_loop3A_1616 : vector<16xf32>
        %parallel_loop3A_1618 = arith.addf %parallel_loop3A_1553, %parallel_loop3A_1617 : vector<16xf32>
        %parallel_loop3A_1619 = arith.constant 1 : i32
        %parallel_loop3A_1620 = arith.constant 0 : i32
        %parallel_loop3A_1621 = arith.constant 1 : i32
        %parallel_loop3A_1622 = arith.index_cast %parallel_loop3A_1619 : i32 to index
        %parallel_loop3A_1623 = arith.index_cast %parallel_loop3A_1620 : i32 to index
        %parallel_loop3A_1624 = arith.index_cast %parallel_loop3A_679 : i32 to index
        %parallel_loop3A_1625 = arith.index_cast %parallel_loop3A_681 : i32 to index
        %parallel_loop3A_1626 = arith.index_cast %parallel_loop3A_1621 : i32 to index
        %parallel_loop3A_1627 = arith.constant 96 : index
        %parallel_loop3A_1628 = tpu.vector_load %arg13[%parallel_loop3A_1622, %parallel_loop3A_1623, %parallel_loop3A_1624, %parallel_loop3A_1625, %parallel_loop3A_1626, %parallel_loop3A_1627] {strides = array<i32>} : memref<2x2x8x4x2x128xf32, #tpu.memory_space<vmem>>, vector<16xf32>,
        tpu.vector_store %arg13[%parallel_loop3A_1622, %parallel_loop3A_1623, %parallel_loop3A_1624, %parallel_loop3A_1625, %parallel_loop3A_1626, %parallel_loop3A_1627], %parallel_loop3A_1618 {strides = array<i32>} : memref<2x2x8x4x2x128xf32, #tpu.memory_space<vmem>>, vector<16xf32>,
        %parallel_loop3A_1629 = arith.subf %parallel_loop3A_1584, %parallel_loop3A_1563 : vector<16xf32>
        %parallel_loop3A_1630 = arith.mulf %parallel_loop3A_1596, %parallel_loop3A_1629 : vector<16xf32>
        %parallel_loop3A_1631 = arith.addf %parallel_loop3A_1563, %parallel_loop3A_1630 : vector<16xf32>
        %parallel_loop3A_1632 = arith.constant 1 : i32
        %parallel_loop3A_1633 = arith.constant 1 : i32
        %parallel_loop3A_1634 = arith.constant 0 : i32
        %parallel_loop3A_1635 = arith.index_cast %parallel_loop3A_1632 : i32 to index
        %parallel_loop3A_1636 = arith.index_cast %parallel_loop3A_1633 : i32 to index
        %parallel_loop3A_1637 = arith.index_cast %parallel_loop3A_679 : i32 to index
        %parallel_loop3A_1638 = arith.index_cast %parallel_loop3A_681 : i32 to index
        %parallel_loop3A_1639 = arith.index_cast %parallel_loop3A_1634 : i32 to index
        %parallel_loop3A_1640 = arith.constant 96 : index
        %parallel_loop3A_1641 = tpu.vector_load %arg13[%parallel_loop3A_1635, %parallel_loop3A_1636, %parallel_loop3A_1637, %parallel_loop3A_1638, %parallel_loop3A_1639, %parallel_loop3A_1640] {strides = array<i32>} : memref<2x2x8x4x2x128xf32, #tpu.memory_space<vmem>>, vector<16xf32>,
        tpu.vector_store %arg13[%parallel_loop3A_1635, %parallel_loop3A_1636, %parallel_loop3A_1637, %parallel_loop3A_1638, %parallel_loop3A_1639, %parallel_loop3A_1640], %parallel_loop3A_1631 {strides = array<i32>} : memref<2x2x8x4x2x128xf32, #tpu.memory_space<vmem>>, vector<16xf32>,
        %parallel_loop3A_1642 = arith.subf %parallel_loop3A_1584, %parallel_loop3A_1573 : vector<16xf32>
        %parallel_loop3A_1643 = arith.mulf %parallel_loop3A_1602, %parallel_loop3A_1642 : vector<16xf32>
        %parallel_loop3A_1644 = arith.addf %parallel_loop3A_1573, %parallel_loop3A_1643 : vector<16xf32>
        %parallel_loop3A_1645 = arith.constant 1 : i32
        %parallel_loop3A_1646 = arith.constant 1 : i32
        %parallel_loop3A_1647 = arith.constant 1 : i32
        %parallel_loop3A_1648 = arith.index_cast %parallel_loop3A_1645 : i32 to index
        %parallel_loop3A_1649 = arith.index_cast %parallel_loop3A_1646 : i32 to index
        %parallel_loop3A_1650 = arith.index_cast %parallel_loop3A_679 : i32 to index
        %parallel_loop3A_1651 = arith.index_cast %parallel_loop3A_681 : i32 to index
        %parallel_loop3A_1652 = arith.index_cast %parallel_loop3A_1647 : i32 to index
        %parallel_loop3A_1653 = arith.constant 96 : index
        %parallel_loop3A_1654 = tpu.vector_load %arg13[%parallel_loop3A_1648, %parallel_loop3A_1649, %parallel_loop3A_1650, %parallel_loop3A_1651, %parallel_loop3A_1652, %parallel_loop3A_1653] {strides = array<i32>} : memref<2x2x8x4x2x128xf32, #tpu.memory_space<vmem>>, vector<16xf32>,
        tpu.vector_store %arg13[%parallel_loop3A_1648, %parallel_loop3A_1649, %parallel_loop3A_1650, %parallel_loop3A_1651, %parallel_loop3A_1652, %parallel_loop3A_1653], %parallel_loop3A_1644 {strides = array<i32>} : memref<2x2x8x4x2x128xf32, #tpu.memory_space<vmem>>, vector<16xf32>,
        %parallel_loop3A_1655 = arith.constant 1 : i32
        %parallel_loop3A_1656 = arith.index_cast %parallel_loop3A_1655 : i32 to index
        %parallel_loop3A_1657 = arith.index_cast %parallel_loop3A_681 : i32 to index
        %parallel_loop3A_1658 = arith.index_cast %parallel_loop3A_679 : i32 to index
        %parallel_loop3A_1659 = arith.constant 112 : index
        %parallel_loop3A_1660 = tpu.vector_load %arg9[%parallel_loop3A_1656, %parallel_loop3A_1657, %parallel_loop3A_1658, %parallel_loop3A_1659] {strides = array<i32>} : memref<2x4x8x128xi32, #tpu.memory_space<vmem>>, vector<16xi32>,
        %parallel_loop3A_1661 = arith.constant 1 : i32
        %parallel_loop3A_1662 = arith.index_cast %parallel_loop3A_1661 : i32 to index
        %parallel_loop3A_1663 = arith.index_cast %parallel_loop3A_681 : i32 to index
        %parallel_loop3A_1664 = arith.index_cast %parallel_loop3A_679 : i32 to index
        %parallel_loop3A_1665 = arith.constant 112 : index
        %parallel_loop3A_1666 = tpu.vector_load %arg10[%parallel_loop3A_1662, %parallel_loop3A_1663, %parallel_loop3A_1664, %parallel_loop3A_1665] {strides = array<i32>} : memref<2x4x8x128xi32, #tpu.memory_space<vmem>>, vector<16xi32>,
        %parallel_loop3A_1667 = arith.constant 1 : i32
        %parallel_loop3A_1668 = arith.index_cast %parallel_loop3A_1667 : i32 to index
        %parallel_loop3A_1669 = arith.index_cast %parallel_loop3A_681 : i32 to index
        %parallel_loop3A_1670 = arith.index_cast %parallel_loop3A_679 : i32 to index
        %parallel_loop3A_1671 = arith.constant 112 : index
        %parallel_loop3A_1672 = tpu.vector_load %arg11[%parallel_loop3A_1668, %parallel_loop3A_1669, %parallel_loop3A_1670, %parallel_loop3A_1671] {strides = array<i32>} : memref<2x4x8x128xf32, #tpu.memory_space<vmem>>, vector<16xf32>,
        %parallel_loop3A_1673 = arith.constant 1 : i32
        %parallel_loop3A_1674 = arith.constant 0 : i32
        %parallel_loop3A_1675 = arith.constant 0 : i32
        %parallel_loop3A_1676 = arith.index_cast %parallel_loop3A_1673 : i32 to index
        %parallel_loop3A_1677 = arith.index_cast %parallel_loop3A_1674 : i32 to index
        %parallel_loop3A_1678 = arith.index_cast %parallel_loop3A_679 : i32 to index
        %parallel_loop3A_1679 = arith.index_cast %parallel_loop3A_681 : i32 to index
        %parallel_loop3A_1680 = arith.index_cast %parallel_loop3A_1675 : i32 to index
        %parallel_loop3A_1681 = arith.constant 112 : index
        %parallel_loop3A_1682 = tpu.vector_load %arg12[%parallel_loop3A_1676, %parallel_loop3A_1677, %parallel_loop3A_1678, %parallel_loop3A_1679, %parallel_loop3A_1680, %parallel_loop3A_1681] {strides = array<i32>} : memref<2x2x8x4x2x128xf32, #tpu.memory_space<vmem>>, vector<16xf32>,
        %parallel_loop3A_1683 = arith.constant 1 : i32
        %parallel_loop3A_1684 = arith.constant 0 : i32
        %parallel_loop3A_1685 = arith.constant 1 : i32
        %parallel_loop3A_1686 = arith.index_cast %parallel_loop3A_1683 : i32 to index
        %parallel_loop3A_1687 = arith.index_cast %parallel_loop3A_1684 : i32 to index
        %parallel_loop3A_1688 = arith.index_cast %parallel_loop3A_679 : i32 to index
        %parallel_loop3A_1689 = arith.index_cast %parallel_loop3A_681 : i32 to index
        %parallel_loop3A_1690 = arith.index_cast %parallel_loop3A_1685 : i32 to index
        %parallel_loop3A_1691 = arith.constant 112 : index
        %parallel_loop3A_1692 = tpu.vector_load %arg12[%parallel_loop3A_1686, %parallel_loop3A_1687, %parallel_loop3A_1688, %parallel_loop3A_1689, %parallel_loop3A_1690, %parallel_loop3A_1691] {strides = array<i32>} : memref<2x2x8x4x2x128xf32, #tpu.memory_space<vmem>>, vector<16xf32>,
        %parallel_loop3A_1693 = arith.constant 1 : i32
        %parallel_loop3A_1694 = arith.constant 1 : i32
        %parallel_loop3A_1695 = arith.constant 0 : i32
        %parallel_loop3A_1696 = arith.index_cast %parallel_loop3A_1693 : i32 to index
        %parallel_loop3A_1697 = arith.index_cast %parallel_loop3A_1694 : i32 to index
        %parallel_loop3A_1698 = arith.index_cast %parallel_loop3A_679 : i32 to index
        %parallel_loop3A_1699 = arith.index_cast %parallel_loop3A_681 : i32 to index
        %parallel_loop3A_1700 = arith.index_cast %parallel_loop3A_1695 : i32 to index
        %parallel_loop3A_1701 = arith.constant 112 : index
        %parallel_loop3A_1702 = tpu.vector_load %arg12[%parallel_loop3A_1696, %parallel_loop3A_1697, %parallel_loop3A_1698, %parallel_loop3A_1699, %parallel_loop3A_1700, %parallel_loop3A_1701] {strides = array<i32>} : memref<2x2x8x4x2x128xf32, #tpu.memory_space<vmem>>, vector<16xf32>,
        %parallel_loop3A_1703 = arith.constant 1 : i32
        %parallel_loop3A_1704 = arith.constant 1 : i32
        %parallel_loop3A_1705 = arith.constant 1 : i32
        %parallel_loop3A_1706 = arith.index_cast %parallel_loop3A_1703 : i32 to index
        %parallel_loop3A_1707 = arith.index_cast %parallel_loop3A_1704 : i32 to index
        %parallel_loop3A_1708 = arith.index_cast %parallel_loop3A_679 : i32 to index
        %parallel_loop3A_1709 = arith.index_cast %parallel_loop3A_681 : i32 to index
        %parallel_loop3A_1710 = arith.index_cast %parallel_loop3A_1705 : i32 to index
        %parallel_loop3A_1711 = arith.constant 112 : index
        %parallel_loop3A_1712 = tpu.vector_load %arg12[%parallel_loop3A_1706, %parallel_loop3A_1707, %parallel_loop3A_1708, %parallel_loop3A_1709, %parallel_loop3A_1710, %parallel_loop3A_1711] {strides = array<i32>} : memref<2x2x8x4x2x128xf32, #tpu.memory_space<vmem>>, vector<16xf32>,
        %parallel_loop3A_1713 = arith.constant 0 : i32
        %parallel_loop3A_1714 = vector.broadcast %parallel_loop3A_1713 : i32 to vector<16xi32>
        %parallel_loop3A_1715 = arith.cmpi eq, %parallel_loop3A_1660, %parallel_loop3A_1714 : vector<16xi32>
        %parallel_loop3A_1716 = arith.constant 0 : i32
        %parallel_loop3A_1717 = vector.broadcast %parallel_loop3A_1716 : i32 to vector<16xi32>
        %parallel_loop3A_1718 = arith.cmpi eq, %parallel_loop3A_1666, %parallel_loop3A_1717 : vector<16xi32>
        %parallel_loop3A_1719 = arith.maximumf %parallel_loop3A_1682, %parallel_loop3A_1692 : vector<16xf32>
        %parallel_loop3A_1720 = arith.maximumf %parallel_loop3A_1702, %parallel_loop3A_1712 : vector<16xf32>
        %parallel_loop3A_1721 = arith.select %parallel_loop3A_1718, %parallel_loop3A_1719, %parallel_loop3A_1720 : vector<16xi1>, vector<16xf32>
        %parallel_loop3A_1722 = arith.mulf %get3A_5, %parallel_loop3A_1721 : vector<16xf32>
        %parallel_loop3A_1723 = arith.addf %parallel_loop3A_1672, %parallel_loop3A_1722 : vector<16xf32>
        %parallel_loop3A_1724 = arith.constant 0.000000e+00 : f32
        %parallel_loop3A_1725 = vector.broadcast %parallel_loop3A_1724 : f32 to vector<16xf32>
        %parallel_loop3A_1726 = arith.andi %parallel_loop3A_1715, %parallel_loop3A_1718 : vector<16xi1>
        %parallel_loop3A_1727 = arith.select %parallel_loop3A_1726, %get3A_3, %parallel_loop3A_1725 : vector<16xi1>, vector<16xf32>
        %parallel_loop3A_1728 = arith.constant dense<true> : vector<16xi1>
        %parallel_loop3A_1729 = arith.xori %parallel_loop3A_1718, %parallel_loop3A_1728 : vector<16xi1>
        %parallel_loop3A_1730 = arith.andi %parallel_loop3A_1715, %parallel_loop3A_1729 : vector<16xi1>
        %parallel_loop3A_1731 = arith.select %parallel_loop3A_1730, %get3A_3, %parallel_loop3A_1725 : vector<16xi1>, vector<16xf32>
        %parallel_loop3A_1732 = arith.constant dense<true> : vector<16xi1>
        %parallel_loop3A_1733 = arith.xori %parallel_loop3A_1715, %parallel_loop3A_1732 : vector<16xi1>
        %parallel_loop3A_1734 = arith.andi %parallel_loop3A_1733, %parallel_loop3A_1718 : vector<16xi1>
        %parallel_loop3A_1735 = arith.select %parallel_loop3A_1734, %get3A_3, %parallel_loop3A_1725 : vector<16xi1>, vector<16xf32>
        %parallel_loop3A_1736 = arith.constant dense<true> : vector<16xi1>
        %parallel_loop3A_1737 = arith.xori %parallel_loop3A_1715, %parallel_loop3A_1736 : vector<16xi1>
        %parallel_loop3A_1738 = arith.constant dense<true> : vector<16xi1>
        %parallel_loop3A_1739 = arith.xori %parallel_loop3A_1718, %parallel_loop3A_1738 : vector<16xi1>
        %parallel_loop3A_1740 = arith.andi %parallel_loop3A_1737, %parallel_loop3A_1739 : vector<16xi1>
        %parallel_loop3A_1741 = arith.select %parallel_loop3A_1740, %get3A_3, %parallel_loop3A_1725 : vector<16xi1>, vector<16xf32>
        %parallel_loop3A_1742 = arith.subf %parallel_loop3A_1723, %parallel_loop3A_1682 : vector<16xf32>
        %parallel_loop3A_1743 = arith.mulf %parallel_loop3A_1727, %parallel_loop3A_1742 : vector<16xf32>
        %parallel_loop3A_1744 = arith.addf %parallel_loop3A_1682, %parallel_loop3A_1743 : vector<16xf32>
        %parallel_loop3A_1745 = arith.constant 1 : i32
        %parallel_loop3A_1746 = arith.constant 0 : i32
        %parallel_loop3A_1747 = arith.constant 0 : i32
        %parallel_loop3A_1748 = arith.index_cast %parallel_loop3A_1745 : i32 to index
        %parallel_loop3A_1749 = arith.index_cast %parallel_loop3A_1746 : i32 to index
        %parallel_loop3A_1750 = arith.index_cast %parallel_loop3A_679 : i32 to index
        %parallel_loop3A_1751 = arith.index_cast %parallel_loop3A_681 : i32 to index
        %parallel_loop3A_1752 = arith.index_cast %parallel_loop3A_1747 : i32 to index
        %parallel_loop3A_1753 = arith.constant 112 : index
        %parallel_loop3A_1754 = tpu.vector_load %arg13[%parallel_loop3A_1748, %parallel_loop3A_1749, %parallel_loop3A_1750, %parallel_loop3A_1751, %parallel_loop3A_1752, %parallel_loop3A_1753] {strides = array<i32>} : memref<2x2x8x4x2x128xf32, #tpu.memory_space<vmem>>, vector<16xf32>,
        tpu.vector_store %arg13[%parallel_loop3A_1748, %parallel_loop3A_1749, %parallel_loop3A_1750, %parallel_loop3A_1751, %parallel_loop3A_1752, %parallel_loop3A_1753], %parallel_loop3A_1744 {strides = array<i32>} : memref<2x2x8x4x2x128xf32, #tpu.memory_space<vmem>>, vector<16xf32>,
        %parallel_loop3A_1755 = arith.subf %parallel_loop3A_1723, %parallel_loop3A_1692 : vector<16xf32>
        %parallel_loop3A_1756 = arith.mulf %parallel_loop3A_1731, %parallel_loop3A_1755 : vector<16xf32>
        %parallel_loop3A_1757 = arith.addf %parallel_loop3A_1692, %parallel_loop3A_1756 : vector<16xf32>
        %parallel_loop3A_1758 = arith.constant 1 : i32
        %parallel_loop3A_1759 = arith.constant 0 : i32
        %parallel_loop3A_1760 = arith.constant 1 : i32
        %parallel_loop3A_1761 = arith.index_cast %parallel_loop3A_1758 : i32 to index
        %parallel_loop3A_1762 = arith.index_cast %parallel_loop3A_1759 : i32 to index
        %parallel_loop3A_1763 = arith.index_cast %parallel_loop3A_679 : i32 to index
        %parallel_loop3A_1764 = arith.index_cast %parallel_loop3A_681 : i32 to index
        %parallel_loop3A_1765 = arith.index_cast %parallel_loop3A_1760 : i32 to index
        %parallel_loop3A_1766 = arith.constant 112 : index
        %parallel_loop3A_1767 = tpu.vector_load %arg13[%parallel_loop3A_1761, %parallel_loop3A_1762, %parallel_loop3A_1763, %parallel_loop3A_1764, %parallel_loop3A_1765, %parallel_loop3A_1766] {strides = array<i32>} : memref<2x2x8x4x2x128xf32, #tpu.memory_space<vmem>>, vector<16xf32>,
        tpu.vector_store %arg13[%parallel_loop3A_1761, %parallel_loop3A_1762, %parallel_loop3A_1763, %parallel_loop3A_1764, %parallel_loop3A_1765, %parallel_loop3A_1766], %parallel_loop3A_1757 {strides = array<i32>} : memref<2x2x8x4x2x128xf32, #tpu.memory_space<vmem>>, vector<16xf32>,
        %parallel_loop3A_1768 = arith.subf %parallel_loop3A_1723, %parallel_loop3A_1702 : vector<16xf32>
        %parallel_loop3A_1769 = arith.mulf %parallel_loop3A_1735, %parallel_loop3A_1768 : vector<16xf32>
        %parallel_loop3A_1770 = arith.addf %parallel_loop3A_1702, %parallel_loop3A_1769 : vector<16xf32>
        %parallel_loop3A_1771 = arith.constant 1 : i32
        %parallel_loop3A_1772 = arith.constant 1 : i32
        %parallel_loop3A_1773 = arith.constant 0 : i32
        %parallel_loop3A_1774 = arith.index_cast %parallel_loop3A_1771 : i32 to index
        %parallel_loop3A_1775 = arith.index_cast %parallel_loop3A_1772 : i32 to index
        %parallel_loop3A_1776 = arith.index_cast %parallel_loop3A_679 : i32 to index
        %parallel_loop3A_1777 = arith.index_cast %parallel_loop3A_681 : i32 to index
        %parallel_loop3A_1778 = arith.index_cast %parallel_loop3A_1773 : i32 to index
        %parallel_loop3A_1779 = arith.constant 112 : index
        %parallel_loop3A_1780 = tpu.vector_load %arg13[%parallel_loop3A_1774, %parallel_loop3A_1775, %parallel_loop3A_1776, %parallel_loop3A_1777, %parallel_loop3A_1778, %parallel_loop3A_1779] {strides = array<i32>} : memref<2x2x8x4x2x128xf32, #tpu.memory_space<vmem>>, vector<16xf32>,
        tpu.vector_store %arg13[%parallel_loop3A_1774, %parallel_loop3A_1775, %parallel_loop3A_1776, %parallel_loop3A_1777, %parallel_loop3A_1778, %parallel_loop3A_1779], %parallel_loop3A_1770 {strides = array<i32>} : memref<2x2x8x4x2x128xf32, #tpu.memory_space<vmem>>, vector<16xf32>,
        %parallel_loop3A_1781 = arith.subf %parallel_loop3A_1723, %parallel_loop3A_1712 : vector<16xf32>
        %parallel_loop3A_1782 = arith.mulf %parallel_loop3A_1741, %parallel_loop3A_1781 : vector<16xf32>
        %parallel_loop3A_1783 = arith.addf %parallel_loop3A_1712, %parallel_loop3A_1782 : vector<16xf32>
        %parallel_loop3A_1784 = arith.constant 1 : i32
        %parallel_loop3A_1785 = arith.constant 1 : i32
        %parallel_loop3A_1786 = arith.constant 1 : i32
        %parallel_loop3A_1787 = arith.index_cast %parallel_loop3A_1784 : i32 to index
        %parallel_loop3A_1788 = arith.index_cast %parallel_loop3A_1785 : i32 to index
        %parallel_loop3A_1789 = arith.index_cast %parallel_loop3A_679 : i32 to index
        %parallel_loop3A_1790 = arith.index_cast %parallel_loop3A_681 : i32 to index
        %parallel_loop3A_1791 = arith.index_cast %parallel_loop3A_1786 : i32 to index
        %parallel_loop3A_1792 = arith.constant 112 : index
        %parallel_loop3A_1793 = tpu.vector_load %arg13[%parallel_loop3A_1787, %parallel_loop3A_1788, %parallel_loop3A_1789, %parallel_loop3A_1790, %parallel_loop3A_1791, %parallel_loop3A_1792] {strides = array<i32>} : memref<2x2x8x4x2x128xf32, #tpu.memory_space<vmem>>, vector<16xf32>,
        tpu.vector_store %arg13[%parallel_loop3A_1787, %parallel_loop3A_1788, %parallel_loop3A_1789, %parallel_loop3A_1790, %parallel_loop3A_1791, %parallel_loop3A_1792], %parallel_loop3A_1783 {strides = array<i32>} : memref<2x2x8x4x2x128xf32, #tpu.memory_space<vmem>>, vector<16xf32>,
      } {sc.loop_unroll_factor = 2 : i64, sc.parallel_access}
      %add3A_599 = arith.constant 1 : i32
      %add3A_600 = arith.addi %mul3A_319, %add3A_599 : i32
      %add3A_601 = arith.addi %mul3A_2, %add3A_600 : i32
      %jit3A_602 = arith.constant 4 : i32
      %div3A_603 = arith.divsi %add3A_601, %jit3A_602 : i32
      %sign3A_604 = arith.constant 0 : i32
      %sign3A_605 = arith.cmpi sgt, %add3A_601, %sign3A_604 : i32
      %sign3A_606 = arith.extui %sign3A_605 : i1 to i32
      %sign3A_607 = arith.constant 0 : i32
      %sign3A_608 = arith.cmpi slt, %add3A_601, %sign3A_607 : i32
      %sign3A_609 = arith.extui %sign3A_608 : i1 to i32
      %sign3A_610 = arith.subi %sign3A_606, %sign3A_609 : i32
      %sign3A_611 = arith.constant 0 : i32
      %sign3A_612 = arith.cmpi sgt, %jit3A_602, %sign3A_611 : i32
      %sign3A_613 = arith.extui %sign3A_612 : i1 to i32
      %sign3A_614 = arith.constant 0 : i32
      %sign3A_615 = arith.cmpi slt, %jit3A_602, %sign3A_614 : i32
      %sign3A_616 = arith.extui %sign3A_615 : i1 to i32
      %sign3A_617 = arith.subi %sign3A_613, %sign3A_616 : i32
      %ne3A_618 = arith.cmpi ne, %sign3A_610, %sign3A_617 : i32
      %rem3A_619 = arith.remsi %add3A_601, %jit3A_602 : i32
      %ne3A_620 = arith.constant 0 : i32
      %ne3A_621 = arith.cmpi ne, %rem3A_619, %ne3A_620 : i32
      %and3A_622 = arith.andi %ne3A_618, %ne3A_621 : i1
      %sub3A_623 = arith.constant 1 : i32
      %sub3A_624 = arith.subi %div3A_603, %sub3A_623 : i32
      %select_n3A_625 = arith.select %and3A_622, %sub3A_624, %div3A_603 : i32
      %jit3A_626 = arith.constant 4 : i32
      %eq3A_627 = arith.constant 0 : i32
      %eq3A_628 = arith.cmpi eq, %jit3A_626, %eq3A_627 : i32
      %jit3A_629 = arith.constant 1 : i32
      %select_n3A_630 = arith.select %eq3A_628, %jit3A_629, %jit3A_626 : i32
      %rem3A_631 = arith.remsi %add3A_601, %select_n3A_630 : i32
      %ne3A_632 = arith.constant 0 : i32
      %ne3A_633 = arith.cmpi ne, %rem3A_631, %ne3A_632 : i32
      %lt3A_634 = arith.constant 0 : i32
      %lt3A_635 = arith.cmpi slt, %rem3A_631, %lt3A_634 : i32
      %lt3A_636 = arith.constant 0 : i32
      %lt3A_637 = arith.cmpi slt, %select_n3A_630, %lt3A_636 : i32
      %ne3A_638 = arith.xori %lt3A_635, %lt3A_637 : i1
      %and3A_639 = arith.andi %ne3A_638, %ne3A_633 : i1
      %add3A_640 = arith.addi %rem3A_631, %select_n3A_630 : i32
      %select_n3A_641 = arith.select %and3A_639, %add3A_640, %rem3A_631 : i32
      %mul3A_642 = arith.constant 4 : i32
      %mul3A_643 = arith.muli %select_n3A_641, %mul3A_642 : i32
      %dma_start3A_644 = arith.constant 1 : i32
      %dma_start3A_645 = arith.constant 0 : i32
      %dma_start3A_646 = arith.constant 0 : i32
      %dma_start3A_647 = arith.constant 0 : i32
      %dma_start3A_648 = arith.constant 0 : i32
      %dma_start3A_649 = arith.constant 0 : i32
      %dma_start3A_650 = tpu.memref_slice %arg13[%dma_start3A_644, %dma_start3A_645, %dma_start3A_646, %dma_start3A_647, %dma_start3A_648, %dma_start3A_649] : memref<2x2x8x4x2x128xf32, #tpu.memory_space<vmem>> -> memref<1x2x8x4x2x128xf32, #tpu.memory_space<vmem>>
      %dma_start3A_651 = tpu.memref_squeeze %dma_start3A_650 : memref<1x2x8x4x2x128xf32, #tpu.memory_space<vmem>> -> memref<2x8x4x2x128xf32, #tpu.memory_space<vmem>>
      %dma_start3A_652 = arith.constant 0 : i32
      %dma_start3A_653 = arith.constant 0 : i32
      %dma_start3A_654 = arith.constant 0 : i32
      %dma_start3A_655 = arith.constant 0 : i32
      %dma_start3A_656 = tpu.memref_slice %arg8[%dma_start3A_652, %select_n3A_625, %dma_start3A_653, %mul3A_643, %dma_start3A_654, %dma_start3A_655] : memref<2x256x8x16x2x128xf32, #tpu.memory_space<hbm>> -> memref<2x1x8x4x2x128xf32, #tpu.memory_space<hbm>>
      %dma_start3A_657 = tpu.memref_squeeze %dma_start3A_656 : memref<2x1x8x4x2x128xf32, #tpu.memory_space<hbm>> -> memref<2x8x4x2x128xf32, #tpu.memory_space<hbm>>
      %dma_start3A_658 = arith.constant 0 : i32
      %dma_start3A_659 = arith.constant 0 : i32
      %dma_start3A_660 = arith.constant 0 : i32
      %dma_start3A_661 = arith.constant 0 : i32
      %dma_start3A_662 = tpu.memref_slice %arg8[%dma_start3A_658, %select_n3A_625, %dma_start3A_659, %mul3A_643, %dma_start3A_660, %dma_start3A_661] : memref<2x256x8x16x2x128xf32, #tpu.memory_space<hbm>> -> memref<2x1x8x4x2x128xf32, #tpu.memory_space<hbm>>
      %dma_start3A_663 = tpu.memref_squeeze %dma_start3A_662 : memref<2x1x8x4x2x128xf32, #tpu.memory_space<hbm>> -> memref<2x8x4x2x128xf32, #tpu.memory_space<hbm>>
      %dma_start3A_664 = arith.constant 0 : i32
      %dma_start3A_665 = arith.constant 0 : i32
      %dma_start3A_666 = arith.constant 0 : i32
      %dma_start3A_667 = arith.constant 0 : i32
      %dma_start3A_668 = arith.constant 0 : i32
      %dma_start3A_669 = tpu.memref_slice %arg13[%dma_start3A_644, %dma_start3A_664, %dma_start3A_665, %dma_start3A_666, %dma_start3A_667, %dma_start3A_668] : memref<2x2x8x4x2x128xf32, #tpu.memory_space<vmem>> -> memref<1x2x8x4x2x128xf32, #tpu.memory_space<vmem>>
      %dma_start3A_670 = tpu.memref_squeeze %dma_start3A_669 : memref<1x2x8x4x2x128xf32, #tpu.memory_space<vmem>> -> memref<2x8x4x2x128xf32, #tpu.memory_space<vmem>>
      tpu.enqueue_dma source(%dma_start3A_670 : memref<2x8x4x2x128xf32, #tpu.memory_space<vmem>>) target(%dma_start3A_663 : memref<2x8x4x2x128xf32, #tpu.memory_space<hbm>>) target_semaphore(%arg19 : memref<!tpu.dma_semaphore, #tpu.memory_space<semaphore_mem>>)
      %lt3A_671 = arith.constant 15 : i32
      %lt3A_672 = arith.cmpi slt, %scan3A_316, %lt3A_671 : i32
      %convert_element_type3A_673 = arith.extui %lt3A_672 : i1 to i32
      %cond3A_674 = arith.constant 0 : i32
      %cond3A_675 = arith.cmpi ne, %convert_element_type3A_673, %cond3A_674 : i32
      scf.if %cond3A_675 {
        %add3A_677 = arith.constant 3 : i32
        %add3A_678 = arith.addi %mul3A_319, %add3A_677 : i32
        %add3A_679 = arith.addi %mul3A_2, %add3A_678 : i32
        %jit3A_680 = arith.constant 4 : i32
        %div3A_681 = arith.divsi %add3A_679, %jit3A_680 : i32
        %sign3A_682 = arith.constant 0 : i32
        %sign3A_683 = arith.cmpi sgt, %add3A_679, %sign3A_682 : i32
        %sign3A_684 = arith.extui %sign3A_683 : i1 to i32
        %sign3A_685 = arith.constant 0 : i32
        %sign3A_686 = arith.cmpi slt, %add3A_679, %sign3A_685 : i32
        %sign3A_687 = arith.extui %sign3A_686 : i1 to i32
        %sign3A_688 = arith.subi %sign3A_684, %sign3A_687 : i32
        %sign3A_689 = arith.constant 0 : i32
        %sign3A_690 = arith.cmpi sgt, %jit3A_680, %sign3A_689 : i32
        %sign3A_691 = arith.extui %sign3A_690 : i1 to i32
        %sign3A_692 = arith.constant 0 : i32
        %sign3A_693 = arith.cmpi slt, %jit3A_680, %sign3A_692 : i32
        %sign3A_694 = arith.extui %sign3A_693 : i1 to i32
        %sign3A_695 = arith.subi %sign3A_691, %sign3A_694 : i32
        %ne3A_696 = arith.cmpi ne, %sign3A_688, %sign3A_695 : i32
        %rem3A_697 = arith.remsi %add3A_679, %jit3A_680 : i32
        %ne3A_698 = arith.constant 0 : i32
        %ne3A_699 = arith.cmpi ne, %rem3A_697, %ne3A_698 : i32
        %and3A_700 = arith.andi %ne3A_696, %ne3A_699 : i1
        %sub3A_701 = arith.constant 1 : i32
        %sub3A_702 = arith.subi %div3A_681, %sub3A_701 : i32
        %select_n3A_703 = arith.select %and3A_700, %sub3A_702, %div3A_681 : i32
        %jit3A_704 = arith.constant 4 : i32
        %eq3A_705 = arith.constant 0 : i32
        %eq3A_706 = arith.cmpi eq, %jit3A_704, %eq3A_705 : i32
        %jit3A_707 = arith.constant 1 : i32
        %select_n3A_708 = arith.select %eq3A_706, %jit3A_707, %jit3A_704 : i32
        %rem3A_709 = arith.remsi %add3A_679, %select_n3A_708 : i32
        %ne3A_710 = arith.constant 0 : i32
        %ne3A_711 = arith.cmpi ne, %rem3A_709, %ne3A_710 : i32
        %lt3A_712 = arith.constant 0 : i32
        %lt3A_713 = arith.cmpi slt, %rem3A_709, %lt3A_712 : i32
        %lt3A_714 = arith.constant 0 : i32
        %lt3A_715 = arith.cmpi slt, %select_n3A_708, %lt3A_714 : i32
        %ne3A_716 = arith.xori %lt3A_713, %lt3A_715 : i1
        %and3A_717 = arith.andi %ne3A_716, %ne3A_711 : i1
        %add3A_718 = arith.addi %rem3A_709, %select_n3A_708 : i32
        %select_n3A_719 = arith.select %and3A_717, %add3A_718, %rem3A_709 : i32
        %mul3A_720 = arith.constant 4 : i32
        %mul3A_721 = arith.muli %select_n3A_719, %mul3A_720 : i32
        %dma_start3A_722 = arith.constant 1 : i32
        %dma_start3A_723 = arith.constant 0 : i32
        %dma_start3A_724 = arith.constant 0 : i32
        %dma_start3A_725 = arith.constant 0 : i32
        %dma_start3A_726 = tpu.memref_slice %arg9[%dma_start3A_722, %dma_start3A_723, %dma_start3A_724, %dma_start3A_725] : memref<2x4x8x128xi32, #tpu.memory_space<vmem>> -> memref<1x4x8x128xi32, #tpu.memory_space<vmem>>
        %dma_start3A_727 = tpu.memref_squeeze %dma_start3A_726 : memref<1x4x8x128xi32, #tpu.memory_space<vmem>> -> memref<4x8x128xi32, #tpu.memory_space<vmem>>
        %dma_start3A_728 = arith.constant 0 : i32
        %dma_start3A_729 = arith.constant 0 : i32
        %dma_start3A_730 = tpu.memref_slice %arg3[%select_n3A_703, %mul3A_721, %dma_start3A_728, %dma_start3A_729] : memref<256x16x8x128xi32, #tpu.memory_space<hbm>> -> memref<1x4x8x128xi32, #tpu.memory_space<hbm>>
        %dma_start3A_731 = tpu.memref_squeeze %dma_start3A_730 : memref<1x4x8x128xi32, #tpu.memory_space<hbm>> -> memref<4x8x128xi32, #tpu.memory_space<hbm>>
        %dma_start3A_732 = arith.constant 0 : i32
        %dma_start3A_733 = arith.constant 0 : i32
        %dma_start3A_734 = arith.constant 0 : i32
        %dma_start3A_735 = tpu.memref_slice %arg9[%dma_start3A_722, %dma_start3A_732, %dma_start3A_733, %dma_start3A_734] : memref<2x4x8x128xi32, #tpu.memory_space<vmem>> -> memref<1x4x8x128xi32, #tpu.memory_space<vmem>>
        %dma_start3A_736 = tpu.memref_squeeze %dma_start3A_735 : memref<1x4x8x128xi32, #tpu.memory_space<vmem>> -> memref<4x8x128xi32, #tpu.memory_space<vmem>>
        %dma_start3A_737 = arith.constant 0 : i32
        %dma_start3A_738 = arith.constant 0 : i32
        %dma_start3A_739 = tpu.memref_slice %arg3[%select_n3A_703, %mul3A_721, %dma_start3A_737, %dma_start3A_738] : memref<256x16x8x128xi32, #tpu.memory_space<hbm>> -> memref<1x4x8x128xi32, #tpu.memory_space<hbm>>
        %dma_start3A_740 = tpu.memref_squeeze %dma_start3A_739 : memref<1x4x8x128xi32, #tpu.memory_space<hbm>> -> memref<4x8x128xi32, #tpu.memory_space<hbm>>
        tpu.enqueue_dma source(%dma_start3A_740 : memref<4x8x128xi32, #tpu.memory_space<hbm>>) target(%dma_start3A_736 : memref<4x8x128xi32, #tpu.memory_space<vmem>>) target_semaphore(%arg17 : memref<!tpu.dma_semaphore, #tpu.memory_space<semaphore_mem>>)
        %dma_start3A_741 = arith.constant 1 : i32
        %dma_start3A_742 = arith.constant 0 : i32
        %dma_start3A_743 = arith.constant 0 : i32
        %dma_start3A_744 = arith.constant 0 : i32
        %dma_start3A_745 = tpu.memref_slice %arg10[%dma_start3A_741, %dma_start3A_742, %dma_start3A_743, %dma_start3A_744] : memref<2x4x8x128xi32, #tpu.memory_space<vmem>> -> memref<1x4x8x128xi32, #tpu.memory_space<vmem>>
        %dma_start3A_746 = tpu.memref_squeeze %dma_start3A_745 : memref<1x4x8x128xi32, #tpu.memory_space<vmem>> -> memref<4x8x128xi32, #tpu.memory_space<vmem>>
        %dma_start3A_747 = arith.constant 0 : i32
        %dma_start3A_748 = arith.constant 0 : i32
        %dma_start3A_749 = tpu.memref_slice %arg4[%select_n3A_703, %mul3A_721, %dma_start3A_747, %dma_start3A_748] : memref<256x16x8x128xi32, #tpu.memory_space<hbm>> -> memref<1x4x8x128xi32, #tpu.memory_space<hbm>>
        %dma_start3A_750 = tpu.memref_squeeze %dma_start3A_749 : memref<1x4x8x128xi32, #tpu.memory_space<hbm>> -> memref<4x8x128xi32, #tpu.memory_space<hbm>>
        %dma_start3A_751 = arith.constant 0 : i32
        %dma_start3A_752 = arith.constant 0 : i32
        %dma_start3A_753 = arith.constant 0 : i32
        %dma_start3A_754 = tpu.memref_slice %arg10[%dma_start3A_741, %dma_start3A_751, %dma_start3A_752, %dma_start3A_753] : memref<2x4x8x128xi32, #tpu.memory_space<vmem>> -> memref<1x4x8x128xi32, #tpu.memory_space<vmem>>
        %dma_start3A_755 = tpu.memref_squeeze %dma_start3A_754 : memref<1x4x8x128xi32, #tpu.memory_space<vmem>> -> memref<4x8x128xi32, #tpu.memory_space<vmem>>
        %dma_start3A_756 = arith.constant 0 : i32
        %dma_start3A_757 = arith.constant 0 : i32
        %dma_start3A_758 = tpu.memref_slice %arg4[%select_n3A_703, %mul3A_721, %dma_start3A_756, %dma_start3A_757] : memref<256x16x8x128xi32, #tpu.memory_space<hbm>> -> memref<1x4x8x128xi32, #tpu.memory_space<hbm>>
        %dma_start3A_759 = tpu.memref_squeeze %dma_start3A_758 : memref<1x4x8x128xi32, #tpu.memory_space<hbm>> -> memref<4x8x128xi32, #tpu.memory_space<hbm>>
        tpu.enqueue_dma source(%dma_start3A_759 : memref<4x8x128xi32, #tpu.memory_space<hbm>>) target(%dma_start3A_755 : memref<4x8x128xi32, #tpu.memory_space<vmem>>) target_semaphore(%arg17 : memref<!tpu.dma_semaphore, #tpu.memory_space<semaphore_mem>>)
        %dma_start3A_760 = arith.constant 1 : i32
        %dma_start3A_761 = arith.constant 0 : i32
        %dma_start3A_762 = arith.constant 0 : i32
        %dma_start3A_763 = arith.constant 0 : i32
        %dma_start3A_764 = tpu.memref_slice %arg11[%dma_start3A_760, %dma_start3A_761, %dma_start3A_762, %dma_start3A_763] : memref<2x4x8x128xf32, #tpu.memory_space<vmem>> -> memref<1x4x8x128xf32, #tpu.memory_space<vmem>>
        %dma_start3A_765 = tpu.memref_squeeze %dma_start3A_764 : memref<1x4x8x128xf32, #tpu.memory_space<vmem>> -> memref<4x8x128xf32, #tpu.memory_space<vmem>>
        %dma_start3A_766 = arith.constant 0 : i32
        %dma_start3A_767 = arith.constant 0 : i32
        %dma_start3A_768 = tpu.memref_slice %arg5[%select_n3A_703, %mul3A_721, %dma_start3A_766, %dma_start3A_767] : memref<256x16x8x128xf32, #tpu.memory_space<hbm>> -> memref<1x4x8x128xf32, #tpu.memory_space<hbm>>
        %dma_start3A_769 = tpu.memref_squeeze %dma_start3A_768 : memref<1x4x8x128xf32, #tpu.memory_space<hbm>> -> memref<4x8x128xf32, #tpu.memory_space<hbm>>
        %dma_start3A_770 = arith.constant 0 : i32
        %dma_start3A_771 = arith.constant 0 : i32
        %dma_start3A_772 = arith.constant 0 : i32
        %dma_start3A_773 = tpu.memref_slice %arg11[%dma_start3A_760, %dma_start3A_770, %dma_start3A_771, %dma_start3A_772] : memref<2x4x8x128xf32, #tpu.memory_space<vmem>> -> memref<1x4x8x128xf32, #tpu.memory_space<vmem>>
        %dma_start3A_774 = tpu.memref_squeeze %dma_start3A_773 : memref<1x4x8x128xf32, #tpu.memory_space<vmem>> -> memref<4x8x128xf32, #tpu.memory_space<vmem>>
        %dma_start3A_775 = arith.constant 0 : i32
        %dma_start3A_776 = arith.constant 0 : i32
        %dma_start3A_777 = tpu.memref_slice %arg5[%select_n3A_703, %mul3A_721, %dma_start3A_775, %dma_start3A_776] : memref<256x16x8x128xf32, #tpu.memory_space<hbm>> -> memref<1x4x8x128xf32, #tpu.memory_space<hbm>>
        %dma_start3A_778 = tpu.memref_squeeze %dma_start3A_777 : memref<1x4x8x128xf32, #tpu.memory_space<hbm>> -> memref<4x8x128xf32, #tpu.memory_space<hbm>>
        tpu.enqueue_dma source(%dma_start3A_778 : memref<4x8x128xf32, #tpu.memory_space<hbm>>) target(%dma_start3A_774 : memref<4x8x128xf32, #tpu.memory_space<vmem>>) target_semaphore(%arg17 : memref<!tpu.dma_semaphore, #tpu.memory_space<semaphore_mem>>)
        %dma_start3A_779 = arith.constant 1 : i32
        %dma_start3A_780 = arith.constant 0 : i32
        %dma_start3A_781 = arith.constant 0 : i32
        %dma_start3A_782 = arith.constant 0 : i32
        %dma_start3A_783 = arith.constant 0 : i32
        %dma_start3A_784 = arith.constant 0 : i32
        %dma_start3A_785 = tpu.memref_slice %arg12[%dma_start3A_779, %dma_start3A_780, %dma_start3A_781, %dma_start3A_782, %dma_start3A_783, %dma_start3A_784] : memref<2x2x8x4x2x128xf32, #tpu.memory_space<vmem>> -> memref<1x2x8x4x2x128xf32, #tpu.memory_space<vmem>>
        %dma_start3A_786 = tpu.memref_squeeze %dma_start3A_785 : memref<1x2x8x4x2x128xf32, #tpu.memory_space<vmem>> -> memref<2x8x4x2x128xf32, #tpu.memory_space<vmem>>
        %dma_start3A_787 = arith.constant 0 : i32
        %dma_start3A_788 = arith.constant 0 : i32
        %dma_start3A_789 = arith.constant 0 : i32
        %dma_start3A_790 = arith.constant 0 : i32
        %dma_start3A_791 = tpu.memref_slice %arg2[%dma_start3A_787, %select_n3A_703, %dma_start3A_788, %mul3A_721, %dma_start3A_789, %dma_start3A_790] : memref<2x256x8x16x2x128xf32, #tpu.memory_space<hbm>> -> memref<2x1x8x4x2x128xf32, #tpu.memory_space<hbm>>
        %dma_start3A_792 = tpu.memref_squeeze %dma_start3A_791 : memref<2x1x8x4x2x128xf32, #tpu.memory_space<hbm>> -> memref<2x8x4x2x128xf32, #tpu.memory_space<hbm>>
        %dma_start3A_793 = arith.constant 0 : i32
        %dma_start3A_794 = arith.constant 0 : i32
        %dma_start3A_795 = arith.constant 0 : i32
        %dma_start3A_796 = arith.constant 0 : i32
        %dma_start3A_797 = arith.constant 0 : i32
        %dma_start3A_798 = tpu.memref_slice %arg12[%dma_start3A_779, %dma_start3A_793, %dma_start3A_794, %dma_start3A_795, %dma_start3A_796, %dma_start3A_797] : memref<2x2x8x4x2x128xf32, #tpu.memory_space<vmem>> -> memref<1x2x8x4x2x128xf32, #tpu.memory_space<vmem>>
        %dma_start3A_799 = tpu.memref_squeeze %dma_start3A_798 : memref<1x2x8x4x2x128xf32, #tpu.memory_space<vmem>> -> memref<2x8x4x2x128xf32, #tpu.memory_space<vmem>>
        %dma_start3A_800 = arith.constant 0 : i32
        %dma_start3A_801 = arith.constant 0 : i32
        %dma_start3A_802 = arith.constant 0 : i32
        %dma_start3A_803 = arith.constant 0 : i32
        %dma_start3A_804 = tpu.memref_slice %arg2[%dma_start3A_800, %select_n3A_703, %dma_start3A_801, %mul3A_721, %dma_start3A_802, %dma_start3A_803] : memref<2x256x8x16x2x128xf32, #tpu.memory_space<hbm>> -> memref<2x1x8x4x2x128xf32, #tpu.memory_space<hbm>>
        %dma_start3A_805 = tpu.memref_squeeze %dma_start3A_804 : memref<2x1x8x4x2x128xf32, #tpu.memory_space<hbm>> -> memref<2x8x4x2x128xf32, #tpu.memory_space<hbm>>
        tpu.enqueue_dma source(%dma_start3A_805 : memref<2x8x4x2x128xf32, #tpu.memory_space<hbm>>) target(%dma_start3A_799 : memref<2x8x4x2x128xf32, #tpu.memory_space<vmem>>) target_semaphore(%arg17 : memref<!tpu.dma_semaphore, #tpu.memory_space<semaphore_mem>>)
      } else {
      }
      %scan3A_676 = arith.constant 0 : i32
      scf.yield %scan3A_676 : i32
    }
    %scan3A_256 = arith.constant 16 : i32
    %dma_wait3A = arith.constant 0 : i32
    %dma_wait3A_257 = arith.constant 0 : i32
    %dma_wait3A_258 = arith.constant 0 : i32
    %dma_wait3A_259 = arith.constant 0 : i32
    %dma_wait3A_260 = arith.constant 0 : i32
    %dma_wait3A_261 = arith.constant 0 : i32
    %dma_wait3A_262 = arith.constant 0 : i32
    %dma_wait3A_263 = tpu.memref_slice %arg13[%dma_wait3A, %dma_wait3A_258, %dma_wait3A_259, %dma_wait3A_260, %dma_wait3A_261, %dma_wait3A_262] : memref<2x2x8x4x2x128xf32, #tpu.memory_space<vmem>> -> memref<1x2x8x4x2x128xf32, #tpu.memory_space<vmem>>
    %dma_wait3A_264 = tpu.memref_squeeze %dma_wait3A_263 : memref<1x2x8x4x2x128xf32, #tpu.memory_space<vmem>> -> memref<2x8x4x2x128xf32, #tpu.memory_space<vmem>>
    %dma_wait3A_265 = arith.constant 0 : i32
    %dma_wait3A_266 = arith.constant 0 : i32
    %dma_wait3A_267 = arith.constant 0 : i32
    %dma_wait3A_268 = arith.constant 0 : i32
    %dma_wait3A_269 = arith.constant 0 : i32
    %dma_wait3A_270 = tpu.memref_slice %arg8[%dma_wait3A_265, %dma_wait3A_257, %dma_wait3A_266, %dma_wait3A_267, %dma_wait3A_268, %dma_wait3A_269] : memref<2x256x8x16x2x128xf32, #tpu.memory_space<hbm>> -> memref<2x1x8x4x2x128xf32, #tpu.memory_space<hbm>>
    %dma_wait3A_271 = tpu.memref_squeeze %dma_wait3A_270 : memref<2x1x8x4x2x128xf32, #tpu.memory_space<hbm>> -> memref<2x8x4x2x128xf32, #tpu.memory_space<hbm>>
    %dma_wait3A_272 = arith.constant 0 : i32
    %dma_wait3A_273 = arith.constant 0 : i32
    %dma_wait3A_274 = arith.constant 0 : i32
    %dma_wait3A_275 = arith.constant 0 : i32
    %dma_wait3A_276 = arith.constant 0 : i32
    %dma_wait3A_277 = tpu.memref_slice %arg8[%dma_wait3A_272, %dma_wait3A_257, %dma_wait3A_273, %dma_wait3A_274, %dma_wait3A_275, %dma_wait3A_276] : memref<2x256x8x16x2x128xf32, #tpu.memory_space<hbm>> -> memref<2x1x8x4x2x128xf32, #tpu.memory_space<hbm>>
    %dma_wait3A_278 = tpu.memref_squeeze %dma_wait3A_277 : memref<2x1x8x4x2x128xf32, #tpu.memory_space<hbm>> -> memref<2x8x4x2x128xf32, #tpu.memory_space<hbm>>
    %dma_wait3A_279 = arith.constant 0 : i32
    %dma_wait3A_280 = arith.constant 0 : i32
    %dma_wait3A_281 = arith.constant 0 : i32
    %dma_wait3A_282 = arith.constant 0 : i32
    %dma_wait3A_283 = arith.constant 0 : i32
    %dma_wait3A_284 = tpu.memref_slice %arg13[%dma_wait3A, %dma_wait3A_279, %dma_wait3A_280, %dma_wait3A_281, %dma_wait3A_282, %dma_wait3A_283] : memref<2x2x8x4x2x128xf32, #tpu.memory_space<vmem>> -> memref<1x2x8x4x2x128xf32, #tpu.memory_space<vmem>>
    %dma_wait3A_285 = tpu.memref_squeeze %dma_wait3A_284 : memref<1x2x8x4x2x128xf32, #tpu.memory_space<vmem>> -> memref<2x8x4x2x128xf32, #tpu.memory_space<vmem>>
    tpu.wait_dma2 semaphore(%arg18 : memref<!tpu.dma_semaphore, #tpu.memory_space<semaphore_mem>>) src(%dma_wait3A_285 : memref<2x8x4x2x128xf32, #tpu.memory_space<vmem>>) dst(%dma_wait3A_278 : memref<2x8x4x2x128xf32, #tpu.memory_space<hbm>>)
    %dma_wait3A_286 = arith.constant 1 : i32
    %dma_wait3A_287 = arith.constant 0 : i32
    %dma_wait3A_288 = arith.constant 0 : i32
    %dma_wait3A_289 = arith.constant 0 : i32
    %dma_wait3A_290 = arith.constant 0 : i32
    %dma_wait3A_291 = arith.constant 0 : i32
    %dma_wait3A_292 = arith.constant 0 : i32
    %dma_wait3A_293 = tpu.memref_slice %arg13[%dma_wait3A_286, %dma_wait3A_288, %dma_wait3A_289, %dma_wait3A_290, %dma_wait3A_291, %dma_wait3A_292] : memref<2x2x8x4x2x128xf32, #tpu.memory_space<vmem>> -> memref<1x2x8x4x2x128xf32, #tpu.memory_space<vmem>>
    %dma_wait3A_294 = tpu.memref_squeeze %dma_wait3A_293 : memref<1x2x8x4x2x128xf32, #tpu.memory_space<vmem>> -> memref<2x8x4x2x128xf32, #tpu.memory_space<vmem>>
    %dma_wait3A_295 = arith.constant 0 : i32
    %dma_wait3A_296 = arith.constant 0 : i32
    %dma_wait3A_297 = arith.constant 0 : i32
    %dma_wait3A_298 = arith.constant 0 : i32
    %dma_wait3A_299 = arith.constant 0 : i32
    %dma_wait3A_300 = tpu.memref_slice %arg8[%dma_wait3A_295, %dma_wait3A_287, %dma_wait3A_296, %dma_wait3A_297, %dma_wait3A_298, %dma_wait3A_299] : memref<2x256x8x16x2x128xf32, #tpu.memory_space<hbm>> -> memref<2x1x8x4x2x128xf32, #tpu.memory_space<hbm>>
    %dma_wait3A_301 = tpu.memref_squeeze %dma_wait3A_300 : memref<2x1x8x4x2x128xf32, #tpu.memory_space<hbm>> -> memref<2x8x4x2x128xf32, #tpu.memory_space<hbm>>
    %dma_wait3A_302 = arith.constant 0 : i32
    %dma_wait3A_303 = arith.constant 0 : i32
    %dma_wait3A_304 = arith.constant 0 : i32
    %dma_wait3A_305 = arith.constant 0 : i32
    %dma_wait3A_306 = arith.constant 0 : i32
    %dma_wait3A_307 = tpu.memref_slice %arg8[%dma_wait3A_302, %dma_wait3A_287, %dma_wait3A_303, %dma_wait3A_304, %dma_wait3A_305, %dma_wait3A_306] : memref<2x256x8x16x2x128xf32, #tpu.memory_space<hbm>> -> memref<2x1x8x4x2x128xf32, #tpu.memory_space<hbm>>
    %dma_wait3A_308 = tpu.memref_squeeze %dma_wait3A_307 : memref<2x1x8x4x2x128xf32, #tpu.memory_space<hbm>> -> memref<2x8x4x2x128xf32, #tpu.memory_space<hbm>>
    %dma_wait3A_309 = arith.constant 0 : i32
    %dma_wait3A_310 = arith.constant 0 : i32
    %dma_wait3A_311 = arith.constant 0 : i32
    %dma_wait3A_312 = arith.constant 0 : i32
    %dma_wait3A_313 = arith.constant 0 : i32
    %dma_wait3A_314 = tpu.memref_slice %arg13[%dma_wait3A_286, %dma_wait3A_309, %dma_wait3A_310, %dma_wait3A_311, %dma_wait3A_312, %dma_wait3A_313] : memref<2x2x8x4x2x128xf32, #tpu.memory_space<vmem>> -> memref<1x2x8x4x2x128xf32, #tpu.memory_space<vmem>>
    %dma_wait3A_315 = tpu.memref_squeeze %dma_wait3A_314 : memref<1x2x8x4x2x128xf32, #tpu.memory_space<vmem>> -> memref<2x8x4x2x128xf32, #tpu.memory_space<vmem>>
    tpu.wait_dma2 semaphore(%arg19 : memref<!tpu.dma_semaphore, #tpu.memory_space<semaphore_mem>>) src(%dma_wait3A_315 : memref<2x8x4x2x128xf32, #tpu.memory_space<vmem>>) dst(%dma_wait3A_308 : memref<2x8x4x2x128xf32, #tpu.memory_space<hbm>>)
    return
  }
}

</mosaic_0001>

<sc_bundles>
// kernel: _run.3.cloned.1.call-start
scs
__scs_entry_jumppad:
0x0: {  	(pc) =	sbr.rel $0x88, $3  }
0x1: {  	(tag) =	ssettag $0x0;
	lr =	simm.s32 $0x1  }
0x2: {  	[smem:$0x3F9B] =	sst lr;
	_ =	strace $0xD0000000  }
0x3: {  	_ = 	snop  }
0x4: {  	_ = 	snop  }
0x5: {  	_ = 	snop  }
0x6: {  	_ = 	snop  }
0x7: {  	_ = 	snop  }
__scs_overlays_trampoline_lowered:
0x8: {  	[smem:$0x3FAA] =	sst s0  }
0x9: {  	[smem:$0x3FAB] =	sst s1  }
0xa: {  	[smem:$0x3FAC] =	sst s2  }
0xb: {  	[smem:$0x3FAD] =	sst s3  }
0xc: {  	[smem:$0x3FAE] =	sst s4  }
0xd: {  	[smem:$0x3FAF] =	sst s5  }
0xe: {  	[smem:$0x3FB0] =	sst s6  }
0xf: {  	[smem:$0x3FB1] =	sst s7  }
0x10: {  	[smem:$0x3FB2] =	sst s8  }
0x11: {  	[smem:$0x3FB3] =	sst s9;
	s0 =	simm.s32 @!p0 $0x0  }
0x12: {  	s1 =	sld [smem:$0x3F99];
	s0 =	simm.s32 @p0 $0x1  }
0x13: {  	[smem:$0x3FB4] =	sst s0;
	s0 =	simm.s32 @!p1 $0x0  }
0x14: {  	s2 =	sld [smem:$0x3F98];
	s0 =	simm.s32 @p1 $0x1  }
0x15: {  	[smem:$0x3FB5] =	sst s0;
	s0 =	simm.s32 @!p2 $0x0  }
0x16: {  	s3 =	sld [smem:$0x3FDB];
	s0 =	simm.s32 @p2 $0x1  }
0x17: {  	s4 =	simm.s32 $0x1BF5;
	[smem:$0x3FB7] =	sst s0  }
0x18: {  	s0 =	sld [smem:$0x3F9A];
	_ =	swait.ge [sflag:s4], $0x0  }
0x19: {  	s7 =	sld [smem:$0x3F9B]  }
0x1a: {  	s8 =	sadd.s32 $0xFFFFE003, lr  }
0x1b: {  	s9 =	sadd.s32 $0xFFFFFEF7, lr;
	s5 =	simm.s32 $0xFFFFFFFF;
	p2 =	slt.u32 s8, $0xFFFFF086  }
0x1c: {  	p1 =	slt.u32 s9, $0xF7A;
	s5 =	simm.s32 @!p2 $0x0  }
0x1d: {  	s5 =	simm.s32 @p1 $0x1;
	p0 =	seq.s32 s7, s2  }
0x1e: {  	s7 =	smul.u32 @!p0 $0xF7A, s2;
	p2 =	seq.s32 @!p0 s5, $0x0  }
0x1f: {  	s9 =	smul.u32 $0xF7A, s1;
	s8 =	simm.s32 @!p0 $0x1BF5;
	p2 =	por !p2, p0  }
0x20: {  	[sflag:s8] =	ssyncset.s32 @!p0 $0xFFFFF086;
	s6 =	sadd.s32 @!p0 s3, s7;
	s7 =	simm.s32 @!p0 $0x108  }
0x21: {  	s3 =	sadd.s32 s3, s9;
	s6 =	sadd.s32 @!p0 $0x88, s6;
	s7 =	simm.s32 @p2 $0x1082  }
0x22: {  	[simem:s7], [sflag:s8] =	dma.local @!p0 [hbm:s6], $0xF7A  }
0x23: {  	s9 =	sor.u32 $0xD0000000, s2;
	s6 =	simm.s32 $0x108;
	_ =	swait.ge @!p0 [sflag:s8], $0x0  }
0x24: {  	s3 =	sadd.s32 $0x88, s3;
	s6 =	simm.s32 @!p1 $0x1082;
	[sflag:s4] =	ssyncset.s32 $0xFFFFF086  }
0x25: {  	[simem:s6], [sflag:s4] =	dma.local [hbm:s3], $0xF7A  }
0x26: {  	[smem:$0x3F9B] =	sst s1;
	(tag) =	ssettag s2;
	_ =	strace s9  }
0x27: {  	s1 =	sld [smem:$0x3FAB]  }
0x28: {  	s2 =	sld [smem:$0x3FAC]  }
0x29: {  	s4 =	sld [smem:$0x3FAE]  }
0x2a: {  	p0 =	seq.s32 s5, $0x0;
	s5 =	sld [smem:$0x3FAF]  }
0x2b: {  	s6 =	sld [smem:$0x3FB0]  }
0x2c: {  	s7 =	sld [smem:$0x3FB1]  }
0x2d: {  	s3 =	simm.s32 $0x108;
	s8 =	sld [smem:$0x3FB2]  }
0x2e: {  	s3 =	simm.s32 @!p0 $0x1082;
	s9 =	sld [smem:$0x3FB3]  }
0x2f: {  	lr =	sadd.s32 s0, s3;
	s0 =	sld [smem:$0x3FAA]  }
0x30: {  	s3 =	sld [smem:$0x3FAD]  }
0x31: {  	[smem:$0x3FB6] =	sst s10  }
0x32: {  	s10 =	sld [smem:$0x3FB4];
	_ =	sdelay $0x3  }
0x33: {  	p0 =	seq.s32 s10, $0x1;
	s10 =	sld [smem:$0x3FB6];
	_ =	sdelay $0x3  }
0x34: {  	[smem:$0x3FB6] =	sst s10  }
0x35: {  	s10 =	sld [smem:$0x3FB5];
	_ =	sdelay $0x3  }
0x36: {  	p1 =	seq.s32 s10, $0x1;
	s10 =	sld [smem:$0x3FB6];
	_ =	sdelay $0x3  }
0x37: {  	[smem:$0x3FB6] =	sst s10  }
0x38: {  	s10 =	sld [smem:$0x3FB7]  }
0x39: {  	_ = 	snop;
	(pc) =	sbr.ind lr, $3  }
0x3a: {  	_ = 	snop  }
0x3b: {  	_ = 	snop  }
0x3c: {  	p2 =	seq.s32 s10, $0x1;
	s10 =	sld [smem:$0x3FB6]  }
0x3d: {  	_ =	shalt  }
0x3e: {  	_ =	shalt  }
0x3f: {  	_ =	shalt  }
0x40: {  	_ =	shalt  }
0x41: {  	_ =	shalt  }
0x42: {  	_ =	shalt  }
0x43: {  	_ =	shalt  }
0x44: {  	_ =	shalt  }
0x45: {  	_ =	shalt  }
0x46: {  	_ =	shalt  }
0x47: {  	_ =	shalt  }
0x48: {  	_ =	shalt  }
0x49: {  	_ =	shalt  }
0x4a: {  	_ =	shalt  }
0x4b: {  	_ =	shalt  }
0x4c: {  	_ =	shalt  }
0x4d: {  	_ =	shalt  }
0x4e: {  	_ =	shalt  }
0x4f: {  	_ =	shalt  }
0x50: {  	_ =	shalt  }
0x51: {  	_ =	shalt  }
0x52: {  	_ =	shalt  }
0x53: {  	_ =	shalt  }
0x54: {  	_ =	shalt  }
0x55: {  	_ =	shalt  }
0x56: {  	_ =	shalt  }
0x57: {  	_ =	shalt  }
0x58: {  	_ =	shalt  }
0x59: {  	_ =	shalt  }
0x5a: {  	_ =	shalt  }
0x5b: {  	_ =	shalt  }
0x5c: {  	_ =	shalt  }
0x5d: {  	_ =	shalt  }
0x5e: {  	_ =	shalt  }
0x5f: {  	_ =	shalt  }
0x60: {  	_ =	shalt  }
0x61: {  	_ =	shalt  }
0x62: {  	_ =	shalt  }
0x63: {  	_ =	shalt  }
0x64: {  	_ =	shalt  }
0x65: {  	_ =	shalt  }
0x66: {  	_ =	shalt  }
0x67: {  	_ =	shalt  }
0x68: {  	_ =	shalt  }
0x69: {  	_ =	shalt  }
0x6a: {  	_ =	shalt  }
0x6b: {  	_ =	shalt  }
0x6c: {  	_ =	shalt  }
0x6d: {  	_ =	shalt  }
0x6e: {  	_ =	shalt  }
0x6f: {  	_ =	shalt  }
0x70: {  	_ =	shalt  }
0x71: {  	_ =	shalt  }
0x72: {  	_ =	shalt  }
0x73: {  	_ =	shalt  }
0x74: {  	_ =	shalt  }
0x75: {  	_ =	shalt  }
0x76: {  	_ =	shalt  }
0x77: {  	_ =	shalt  }
0x78: {  	_ =	shalt  }
0x79: {  	_ =	shalt  }
0x7a: {  	_ =	shalt  }
0x7b: {  	_ =	shalt  }
0x7c: {  	_ =	shalt  }
0x7d: {  	_ =	shalt  }
0x7e: {  	_ =	shalt  }
0x7f: {  	_ =	shalt  }
0x80: {  	_ =	shalt  }
0x81: {  	_ =	shalt  }
0x82: {  	_ =	shalt  }
0x83: {  	_ =	shalt  }
0x84: {  	_ =	shalt  }
0x85: {  	_ =	shalt  }
0x86: {  	_ =	shalt  }
0x87: {  	_ =	shalt  }
.Lfunc_end0:
.L_simem_size_0:
called_computation_lowered:
.L_overlay_start_0:
0x88: {  	s2 =	sld [smem:$0x3FD9]  }
0x89: {  	s3 =	sld [smem:$0x3FFE];
	_ =	sdelay $0x1  }
0x8a: {  	s1 =	srdreg.scid  }
0x8b: {  	s0 =	sand.u32 $0x1, s1  }
0x8c: {  	s18 =	sshll.u32 s0, $0xA;
	s2 =	sadd.s32 s3, s2  }
0x8d: {  	s2 =	sadd.s32 s2, s18  }
0x8e: {  	[smem:$0x3FC2] =	sst s2  }
0x8f: {  	_ = 	snop  }
0x90: {  	s2 =	sld [smem:$0x3FC9]  }
0x91: {  	s19 =	sld [smem:$0x3FC8]  }
0x92: {  	s4 =	sld [smem:$0x3FC7]  }
0x93: {  	s5 =	sld [smem:$0x3FC6]  }
0x94: {  	s6 =	sld [smem:$0x3FC5]  }
0x95: {  	s7 =	sld [smem:$0x3FC4]  }
0x96: {  	s8 =	sld [smem:$0x3FD0];
	(tm) =	ssettm $0x1  }
0x97: {  	s9 =	sld [smem:$0x3FFB];
	_ =	sdelay $0x3  }
0x98: {  	_ =	strace s9  }
0x99: {  	s9 =	sld [smem:$0x3FFC];
	_ =	sdelay $0x3  }
0x9a: {  	_ =	strace s9  }
0x9b: {  	s9 =	sld [smem:$0x3FFD];
	_ =	sdelay $0x3  }
0x9c: {  	_ =	strace s9  }
0x9d: {  	_ =	strace $0x8FFFFFFF  }
0x9e: {  	s20 =	sld [smem:$0x3FDB];
	_ =	sdelay $0x1  }
0x9f: {  	s10 =	simm.s32 $_scs_section_size  }
0xa0: {  	s11 =	simm.s32 $_size__tile_overlayer_lowered;
	s12 =	simm.s32 $_tile_overlayer_lowered  }
0xa1: {  	s23 =	simm.s32 $0x1BFF;
	s22 =	sshll.u32 s12, $0x1;
	s9 =	sadd.s32 s10, s20  }
0xa2: {  	s13 =	simm.s32 $0x0;
	s21 =	sshll.u32 s11, $0x1;
	s11 =	sadd.s32 s22, s9  }
0xa3: {  	[timem:s13], [sflag:s23] =	dma.local [hbm:s11], s21  }
0xa4: {  	_ =	swait.ge [sflag:s23], s21  }
0xa5: {  	s10 =	ssub.s32 $0x0, s21;
	[sflag:s23] =	ssyncset.done $0x0  }
0xa6: {  	[sflag:s23] =	ssyncadd.s32 s10;
	_ =	sdelay $0x1  }
0xa7: {  	s24 =	simm.s32 $0x1B8B  }
0xa8: {  	_ =	swait.ge [sflag:s24], $0x1  }
0xa9: {  	[sflag:s24] =	ssyncset.done $0x0  }
0xaa: {  	s25 =	simm.s32 $0x1B8E;
	[sflag:s24] =	ssyncadd.s32 $0xFFFFFFFF  }
0xab: {  	s26 =	simm.s32 $execute0_lowered;
	[smem:$0x3FD2] =	sst s25  }
0xac: {  	s10 =	sshll.u32 s26, $0x1;
	_ =	strace $0x80000046;
	[dreg:$0x1] =	wrdreg $0xFFFFFFFF  }
0xad: {  	s28 =	simm.s32 $_size_execute0_lowered;
	s9 =	sadd.s32 s9, s10;
	[dreg:$0x0] =	wrdreg $0x0  }
0xae: {  	s10 =	sshll.u32 s28, $0x1;
	[dreg:$0x2] =	wrdreg s9  }
0xaf: {  	[dreg:$0x3] =	wrdreg s10  }
0xb0: {  	[dreg:$0x4] =	wrdreg $0xC0  }
0xb1: {  	_ =	task [dreg:s13], $0x5FFFF  }
0xb2: {  	[dreg:$0x1] =	wrdreg $0xFFFFFFFF  }
0xb3: {  	[dreg:$0x0] =	wrdreg $0x60  }
0xb4: {  	[dreg:$0x2] =	wrdreg s2  }
0xb5: {  	[dreg:$0x3] =	wrdreg s19  }
0xb6: {  	[dreg:$0x4] =	wrdreg s4  }
0xb7: {  	[dreg:$0x5] =	wrdreg s5  }
0xb8: {  	[dreg:$0x6] =	wrdreg s6  }
0xb9: {  	[dreg:$0x7] =	wrdreg s7  }
0xba: {  	[dreg:$0x8] =	wrdreg s8  }
0xbb: {  	[dreg:$0x9] =	wrdreg $0x9  }
0xbc: {  	_ =	task.clear_ibuf [dreg:s13], $0xAFFFF;
	_ =	strace $0x90000046  }
0xbd: {  	s29 =	simm.s32 $0x9;
	_ =	strace $0x80000048  }
0xbe: {  	_ =	swait.ge [sflag:s29], $0x1  }
0xbf: {  	[sflag:s29] =	ssyncadd.s32 $0xFFFFFFFF  }
0xc0: {  	_ =	strace $0x90000048  }
0xc1: {  	_ =	sfence  }
0xc2: {  	s30 =	sld [smem:$0x0];
	_ =	sdelay $0x2  }
0xc3: {  	s31 =	sshll.u32 s1, $0xD;
	s1 =	sshrl.u32 s1, $0x2  }
0xc4: {  	s3 =	sand.u32 $0x4000, s31;
	s1 =	sadd.s32 s1, s30  }
0xc5: {  	s0 =	sor.u32 s3, s0;
	s1 =	sshll.u32 s1, $0x11  }
0xc6: {  	s0 =	sor.u32 s1, s0  }
0xc7: {  	s0 =	sadd.s32 $0x8F2B, s0  }
0xc8: {  	[sflag:s0] =	ssyncadd.remote.s32 $0x1  }
0xc9: {  	_ =	sfence.sel $0xFFFF  }
0xca: {  	[dreg:$0x0] =	wrdreg $0xFFFFFFFF;
	(pc) =	sbr.abs _section_cstart, $3  }
0xcb: {  	[dreg:$0x1] =	wrdreg $0xFFFFFFFF  }
0xcc: {  	_ =	task.clear_ibuf [dreg:s13], $0x2FFFF;
	_ =	strace $0x9FFFFFFF  }
0xcd: {  	(tm) =	ssettm $0x7FFFFFFF  }
tec
execute0_lowered:
.L_overlay_start_1:
0x0: {  	(tag) =	ssettag $0x1  }
0x1: {  	s3 =	rddreg [dreg:$0x0]  }
0x2: {  	s4 =	rddreg [dreg:$0x1];
	s0 =	srdreg.scid  }
0x3: {  	s6 =	rddreg [dreg:$0x2];
	s2 =	stileid.u32;
	s0 =	sand.u32 $0x1, s0  }
0x4: {  	s2 =	sshll.u32 s2, $0x6;
	s1 =	ssub.s32 $0x2, s0;
	s0 =	sshll.u32 s0, $0x5  }
0x5: {  	s7 =	rddreg [dreg:$0x3];
	s9 =	simm.s32 $0x0;
	s10 =	sor.u32 s0, s2  }
0x6: {  	[smem:$0x7FF] =	sst s9;
	s23 =	sshll.u32 s10, $0x9  }
0x7: {  	s8 =	rddreg [dreg:$0x6];
	_ =	strace $0x80000047;
	s24 =	sadd.s32 s4, s23  }
0x8: {  	s5 =	sshrl.u32 s1, $0x1;
	s25 =	sadd.s32 s6, s23;
	[dreg:$0x8] =	wrdreg s24  }
0x9: {  	s26 =	sshll.u32 s10, $0xA;
	s28 =	sadd.s32 s7, s23;
	[dreg:$0x9] =	wrdreg s25  }
0xa: {  	s22 =	ssub.s32 s1, s5;
	s2 =	sadd.s32 s3, s26;
	[dreg:$0xa] =	wrdreg s28  }
0xb: {  	s1 =	sor.u32 $0x200, s23;
	s0 =	smax.u32 s22, $0x1;
	[dreg:$0xb] =	wrdreg s2  }
.Ltmp0:
0xc: {  	s29 =	sadd.s32 s4, s1;
	[dreg:$0x10] =	wrdreg s0;
	(pc) =	sbr.rel .LBB2_1-.Ltmp0, $4  }
0xd: {  	s5 =	simm.s32 $0x1;
	s30 =	sadd.s32 s6, s1;
	[dreg:$0xc] =	wrdreg s29  }
0xe: {  	s26 =	simm.s32 $0x1000;
	s1 =	sadd.s32 s7, s1;
	[dreg:$0xd] =	wrdreg s30  }
0xf: {  	s22 =	simm.s32 $0x2;
	s31 =	sadd.s32 $0x80, s2;
	[dreg:$0xe] =	wrdreg s1  }
0x10: {  	s25 =	simm.s32 $0x400;
	s2 =	simm.s32 $0x0;
	[dreg:$0xf] =	wrdreg s31  }
.LBB2_8:
0x11: {  	s0 =	simm.s32 $0x3  }
0x12: {  	_ =	swait.ge [sflag:s0], $0x4000  }
0x13: {  	[sflag:s0] =	ssyncset.done $0x0  }
0x14: {  	s1 =	simm.s32 $0x4;
	[sflag:s0] =	ssyncadd.s32 $0xFFFFC000  }
0x15: {  	_ =	swait.ge [sflag:s1], $0x4000  }
0x16: {  	s2 =	rddreg [dreg:$0x11]  }
0x17: {  	s31 =	rddreg [dreg:$0x10];
	s2 =	sadd.s32 $0x1, s2  }
0x18: {  	p0 =	sne.s32 s2, s31  }
.Ltmp1:
0x19: {  	_ = 	snop;
	(pc) =	sbr.rel @!p0 .LBB2_9-.Ltmp1, $3  }
0x1a: {  	_ =	sdelay $0x1  }
0x1b: {  	[sflag:s1] =	ssyncset.done $0x0  }
0x1c: {  	[sflag:s1] =	ssyncadd.s32 $0xFFFFC000  }
.LBB2_1:
0x1d: {  	[dreg:$0x11] =	wrdreg s2  }
0x1e: {  	s0 =	rddreg [dreg:$0x4];
	s1 =	simm.s32 $0x16000;
	s6 =	simm.s32 $0x5  }
0x1f: {  	[tilespmem:s1], [sflag:$0x5] =	stream.linear.gather [hbm4b:s0+s9], $0x80, $0x38;
	[tilespmem:$0x16100] =	vst v63  }
0x20: {  	_ =	swait.ge [sflag:s6], $0x80  }
0x21: {  	[sflag:s6] =	ssyncset.done $0x0  }
0x22: {  	[sflag:s6] =	ssyncadd.s32 $0xFFFFFF80  }
0x23: {  	s11 =	simm.s32 $0x16080;
	s7 =	rddreg [dreg:$0x5]  }
0x24: {  	[tilespmem:s11], [sflag:$0x5] =	stream.linear.gather [hbm4b:s7+s9], $0x80, $0x38;
	[tilespmem:$0x16100] =	vst v63  }
0x25: {  	_ =	swait.ge [sflag:s6], $0x80  }
0x26: {  	[sflag:s6] =	ssyncset.done $0x0  }
0x27: {  	[sflag:s6] =	ssyncadd.s32 $0xFFFFFF80  }
0x28: {  	s12 =	rddreg [dreg:$0x8];
	v0 =	vld [tilespmem:$0x16000]  }
0x29: {  	v1 =	vld [tilespmem:$0x16080];
	[tilespmem:s9], [sflag:$0x1] =	stream.linear.gather [hbm4b:s12+s9], $0x1000, $0x38  }
0x2a: {  	s14 =	simm.s32 $0x2000;
	s13 =	rddreg [dreg:$0x9]  }
0x2b: {  	[tilespmem:s14], [sflag:$0x1] =	stream.linear.gather [hbm4b:s13+s9], $0x1000, $0x38;
	[tilespmem:$0x16100] =	vst v63  }
0x2c: {  	s16 =	simm.s32 $0x4000;
	s15 =	rddreg [dreg:$0xa]  }
0x2d: {  	[tilespmem:s16], [sflag:$0x1] =	stream.linear.gather [hbm4b:s15+s9], $0x1000, $0x38;
	[tilespmem:$0x16100] =	vst v63  }
0x2e: {  	s18 =	simm.s32 $0x6000;
	s17 =	rddreg [dreg:$0xb]  }
0x2f: {  	[tilespmem:s18], [sflag:$0x1] =	stream.strided.gather [hbm4b:s17+s25], $0x2000, s26, s25, $0x38;
	[tilespmem:$0x16100] =	vst v63  }
0x30: {  	s19 =	simm.s32 $0x8000;
	s0 =	sadd.s32 $0x100000, s17  }
0x31: {  	[tilespmem:s19], [sflag:$0x1] =	stream.strided.gather [hbm4b:s0+s25], $0x2000, s26, s25, $0x38;
	[tilespmem:$0x16100] =	vst v63  }
0x32: {  	s20 =	rddreg [dreg:$0xc]  }
0x33: {  	[tilespmem:s26], [sflag:$0x2] =	stream.linear.gather [hbm4b:s20+s9], $0x1000, $0x38;
	[tilespmem:$0x16100] =	vst v63  }
0x34: {  	s23 =	simm.s32 $0x3000;
	s21 =	rddreg [dreg:$0xd]  }
0x35: {  	[tilespmem:s23], [sflag:$0x2] =	stream.linear.gather [hbm4b:s21+s9], $0x1000, $0x38;
	[tilespmem:$0x16100] =	vst v63  }
0x36: {  	s28 =	simm.s32 $0x5000;
	s24 =	rddreg [dreg:$0xe]  }
0x37: {  	[tilespmem:s28], [sflag:$0x2] =	stream.linear.gather [hbm4b:s24+s9], $0x1000, $0x38;
	[tilespmem:$0x16100] =	vst v63  }
0x38: {  	s30 =	simm.s32 $0xA000;
	s29 =	rddreg [dreg:$0xf]  }
0x39: {  	[tilespmem:s30], [sflag:$0x2] =	stream.strided.gather [hbm4b:s29+s25], $0x2000, s26, s25, $0x38;
	[tilespmem:$0x16100] =	vst v63  }
0x3a: {  	s31 =	simm.s32 $0xC000;
	s12 =	simm.s32 $0x0;
	[tilespmem:$0x1FFF0] =	vst v1;
	s0 =	sadd.s32 $0x100000, s29  }
0x3b: {  	[tilespmem:s31], [sflag:$0x2] =	stream.strided.gather [hbm4b:s0+s25], $0x2000, s26, s25, $0x38;
	[tilespmem:$0x16100] =	vst v63  }
.LBB2_2:
0x3c: {  	_ =	swait.ge [sflag:s5], $0x1000  }
0x3d: {  	[sflag:s5] =	ssyncset.done $0x0  }
0x3e: {  	[sflag:s5] =	ssyncadd.s32 $0xFFFFF000  }
0x3f: {  	_ =	swait.ge [sflag:s5], $0x1000  }
0x40: {  	[sflag:s5] =	ssyncset.done $0x0  }
0x41: {  	[sflag:s5] =	ssyncadd.s32 $0xFFFFF000  }
0x42: {  	_ =	swait.ge [sflag:s5], $0x1000  }
0x43: {  	[sflag:s5] =	ssyncset.done $0x0  }
0x44: {  	[sflag:s5] =	ssyncadd.s32 $0xFFFFF000  }
0x45: {  	_ =	swait.ge [sflag:s5], $0x4000  }
0x46: {  	p1 =	seq.s32 s12, $0x0;
	s1 =	simm.s32 $0x0;
	[sflag:s5] =	ssyncset.done $0x0  }
0x47: {  	s0 =	simm.s32 @!p1 $0x3;
	s2 =	sand.u32 $0x2, s1;
	[sflag:s5] =	ssyncadd.s32 $0xFFFFC000  }
0x48: {  	s6 =	sor.u32 $0x1, s2;
	_ =	swait.ge @!p1 [sflag:s0], $0x4000  }
0x49: {  	s7 =	simm.s32 $0x0;
	s18 =	sshll.u32 s6, $0xA;
	[sflag:s0] =	ssyncset.done @!p1 $0x0  }
0x4a: {  	s20 =	sshll.u32 s6, $0x8;
	s19 =	sadd.s32 $0x0, s18;
	[sflag:s0] =	ssyncadd.s32 @!p1 $0xFFFFC000  }
0x4b: {  	s14 =	sor.u32 s7, s20;
	v3 =	vld [tilespmem:s19+$0x2000]  }
0x4c: {  	v5 =	vld [tilespmem:s14+$0x6000]  }
0x4d: {  	v6 =	vld [tilespmem:s14+$0x6080]  }
0x4e: {  	v7 =	vld [tilespmem:s14+$0x8000]  }
0x4f: {  	v8 =	vld [tilespmem:s14+$0x8080];
	_ =	sdelay $0x1  }
0x50: {  	v1 =	vld [tilespmem:$0x1FFF0]  }
0x51: {  	v4 =	vld [tilespmem:s19+$0x0]  }
0x52: {  	v2 =	vld [tilespmem:s19+$0x4000]  }
0x53: {  	vm0 =	veq.s32 v3, $0x0;
	v12 =	vmax.f32 v5, v6;
	v13 =	vmax.f32 v7, v8  }
0x54: {  	v12 =	vsel vm0, v12, v13  }
0x55: {  	s21 =	sshll.u32 s2, $0xA;
	v12 =	vmul.f32 v12, v1  }
0x56: {  	s2 =	sshll.u32 s2, $0x8;
	s13 =	sadd.s32 $0x0, s21  }
0x57: {  	s16 =	sor.u32 s2, s7;
	v9 =	vld [tilespmem:s13+$0x2000];
	v16 =	vor.u32 v4, v3;
	v12 =	vadd.f32 v12, v2  }
0x58: {  	v10 =	vld [tilespmem:s16+$0x6000];
	vm1 =	vne.s32 v4, $0x0;
	vm2 =	vne.s32 v3, $0x0;
	vm3 =	veq.s32 v16, $0x0  }
0x59: {  	v11 =	vld [tilespmem:s16+$0x6080];
	vm4 =	vmor vm1, vm0;
	vm0 =	vmand vm1, vm0;
	v16 =	vsub.f32 v12, v5  }
0x5a: {  	v18 =	vld [tilespmem:s16+$0x8000];
	vm1 =	vmand vm1, vm2;
	v17 =	vnsel vm3, $0x0, v0;
	v19 =	vsub.f32 v12, v6  }
0x5b: {  	v13 =	vld [tilespmem:s16+$0x8080];
	v20 =	vsel vm4, $0x0, v0;
	v16 =	vmul.f32 v16, v17;
	v17 =	vsub.f32 v12, v7  }
0x5c: {  	v21 =	vnsel vm0, $0x0, v0;
	v19 =	vmul.f32 v19, v20;
	v12 =	vsub.f32 v12, v8  }
0x5d: {  	v15 =	vld [tilespmem:s13+$0x0];
	v20 =	vnsel vm1, $0x0, v0;
	v5 =	vadd.f32 v16, v5;
	v16 =	vmul.f32 v17, v21  }
0x5e: {  	v14 =	vld [tilespmem:s13+$0x4000];
	v6 =	vadd.f32 v19, v6;
	v12 =	vmul.f32 v12, v20  }
0x5f: {  	vm0 =	veq.s32 v9, $0x0;
	v19 =	vld [tilespmem:s14+$0x6090];
	[tilespmem:s14+$0xE000] =	vst v5;
	v5 =	vadd.f32 v16, v7  }
0x60: {  	v17 =	vmax.f32 v18, v13;
	v7 =	vld [tilespmem:s14+$0x6010];
	v16 =	vmax.f32 v10, v11;
	[tilespmem:s14+$0xE080] =	vst v6;
	v6 =	vadd.f32 v12, v8  }
0x61: {  	v8 =	vsel vm0, v16, v17;
	[tilespmem:s14+$0x10000] =	vst v5;
	v5 =	vld [tilespmem:s14+$0x8010]  }
0x62: {  	vm2 =	vne.s32 v15, $0x0;
	vm1 =	vne.s32 v9, $0x0;
	v8 =	vmul.f32 v8, v1;
	[tilespmem:s14+$0x10080] =	vst v6;
	v6 =	vld [tilespmem:s14+$0x8090]  }
0x63: {  	vm9 =	vmor vm2, vm0;
	v9 =	vor.u32 v15, v9;
	vm1 =	vmand vm2, vm1;
	v20 =	vld [tilespmem:s19+$0x2010]  }
0x64: {  	vm3 =	veq.s32 v9, $0x0;
	v29 =	vnsel vm1, $0x0, v0;
	v8 =	vadd.f32 v8, v14  }
0x65: {  	v12 =	vnsel vm3, $0x0, v0;
	vm0 =	vmand vm2, vm0;
	v17 =	vsel vm9, $0x0, v0;
	v21 =	vld [tilespmem:s19+$0x10]  }
0x66: {  	v31 =	vmax.f32 v7, v19;
	v44 =	vsub.f32 v8, v10;
	v28 =	vsub.f32 v8, v11  }
0x67: {  	v27 =	vld [tilespmem:s19+$0x4010];
	v30 =	vsub.f32 v8, v18;
	v8 =	vsub.f32 v8, v13;
	v32 =	vmax.f32 v5, v6  }
0x68: {  	v9 =	vmul.f32 v44, v12;
	v12 =	vnsel vm0, $0x0, v0;
	vm0 =	veq.s32 v20, $0x0  }
0x69: {  	v28 =	vmul.f32 v28, v17;
	v12 =	vmul.f32 v30, v12;
	v30 =	vsel vm0, v31, v32  }
0x6a: {  	vm1 =	vne.s32 v21, $0x0;
	v9 =	vadd.f32 v9, v10;
	v45 =	vmul.f32 v30, v1  }
0x6b: {  	v26 =	vld [tilespmem:s16+$0x8090];
	v8 =	vmul.f32 v8, v29;
	vm2 =	vne.s32 v20, $0x0;
	vm10 =	vmor vm1, vm0  }
0x6c: {  	v46 =	vld [tilespmem:s14+$0x80A0];
	vm0 =	vmand vm1, vm0;
	v18 =	vadd.f32 v12, v18;
	[tilespmem:s16+$0xE000] =	vst v9;
	v9 =	vadd.f32 v45, v27  }
0x6d: {  	v3 =	vld [tilespmem:s16+$0x6090];
	vm1 =	vmand vm1, vm2;
	v8 =	vadd.f32 v8, v13;
	v13 =	vor.u32 v21, v20  }
0x6e: {  	v4 =	vld [tilespmem:s16+$0x8010];
	v28 =	vadd.f32 v28, v11;
	vm3 =	veq.s32 v13, $0x0;
	[tilespmem:s16+$0x10000] =	vst v18;
	v18 =	vsub.f32 v9, v7  }
0x6f: {  	v2 =	vld [tilespmem:s16+$0x6010];
	v21 =	vsel vm10, $0x0, v0;
	[tilespmem:s16+$0x10080] =	vst v8;
	v8 =	vnsel vm3, $0x0, v0;
	v20 =	vsub.f32 v9, v19  }
0x70: {  	v31 =	vld [tilespmem:s14+$0x8020];
	[tilespmem:s16+$0xE080] =	vst v28;
	v28 =	vsub.f32 v9, v5;
	v9 =	vsub.f32 v9, v6;
	v18 =	vmul.f32 v18, v8  }
0x71: {  	v30 =	vnsel vm1, $0x0, v0;
	v27 =	vld [tilespmem:s13+$0x2010];
	v20 =	vmul.f32 v20, v21  }
0x72: {  	v29 =	vnsel vm0, $0x0, v0;
	v9 =	vmul.f32 v9, v30;
	v30 =	vld [tilespmem:s14+$0x60A0];
	v7 =	vadd.f32 v18, v7  }
0x73: {  	v18 =	vmul.f32 v28, v29;
	v28 =	vld [tilespmem:s13+$0x10];
	v19 =	vadd.f32 v20, v19  }
0x74: {  	v29 =	vld [tilespmem:s14+$0x6020];
	v6 =	vadd.f32 v9, v6;
	[tilespmem:s14+$0xE010] =	vst v7  }
0x75: {  	v21 =	vld [tilespmem:s13+$0x4010];
	v5 =	vadd.f32 v18, v5;
	[tilespmem:s14+$0xE090] =	vst v19  }
0x76: {  	v20 =	vmax.f32 v2, v3;
	vm0 =	veq.s32 v27, $0x0;
	v7 =	vmax.f32 v4, v26;
	[tilespmem:s14+$0x10090] =	vst v6  }
0x77: {  	v7 =	vsel vm0, v20, v7;
	[tilespmem:s14+$0x10010] =	vst v5  }
0x78: {  	v38 =	vmax.f32 v31, v46;
	v5 =	vmul.f32 v7, v1;
	v33 =	vld [tilespmem:s19+$0x2020]  }
0x79: {  	vm1 =	vne.s32 v28, $0x0;
	v6 =	vor.u32 v28, v27;
	v37 =	vmax.f32 v29, v30  }
0x7a: {  	v28 =	vadd.f32 v5, v21;
	vm2 =	veq.s32 v6, $0x0;
	vm3 =	vmor vm1, vm0  }
0x7b: {  	v34 =	vld [tilespmem:s19+$0x20];
	vm0 =	vmand vm1, vm0;
	v5 =	vnsel vm2, $0x0, v0;
	v18 =	vsel vm3, $0x0, v0  }
0x7c: {  	v36 =	vld [tilespmem:s19+$0x4020];
	v20 =	vnsel vm0, $0x0, v0;
	v19 =	vsub.f32 v28, v2;
	v21 =	vsub.f32 v28, v3  }
0x7d: {  	vm0 =	vne.s32 v27, $0x0;
	v35 =	vsub.f32 v28, v4;
	vm2 =	veq.s32 v33, $0x0  }
0x7e: {  	v5 =	vmul.f32 v19, v5;
	v19 =	vmul.f32 v21, v18;
	v37 =	vsel vm2, v37, v38  }
0x7f: {  	vm0 =	vmand vm1, vm0;
	v20 =	vmul.f32 v35, v20;
	v27 =	vmul.f32 v37, v1  }
0x80: {  	vm1 =	vne.s32 v34, $0x0;
	vm3 =	vne.s32 v33, $0x0;
	v2 =	vadd.f32 v5, v2  }
0x81: {  	vm5 =	vmor vm1, vm2;
	v3 =	vadd.f32 v19, v3;
	v27 =	vadd.f32 v27, v36  }
0x82: {  	vm2 =	vmand vm1, vm2;
	v4 =	vadd.f32 v20, v4;
	v5 =	vor.u32 v34, v33;
	[tilespmem:s16+$0xE010] =	vst v2  }
0x83: {  	vm1 =	vmand vm1, vm3;
	vm11 =	veq.s32 v5, $0x0;
	[tilespmem:s16+$0xE090] =	vst v3;
	v2 =	vsub.f32 v27, v29  }
0x84: {  	v47 =	vsel vm5, $0x0, v0;
	[tilespmem:s16+$0x10010] =	vst v4;
	v3 =	vnsel vm11, $0x0, v0;
	v4 =	vsub.f32 v27, v30  }
0x85: {  	v49 =	vsub.f32 v27, v31;
	v27 =	vsub.f32 v27, v46;
	v48 =	vmul.f32 v2, v3  }
0x86: {  	v50 =	vnsel vm2, $0x0, v0;
	v51 =	vnsel vm1, $0x0, v0;
	v33 =	vmul.f32 v4, v47  }
0x87: {  	v52 =	vmul.f32 v49, v50;
	v27 =	vmul.f32 v27, v51;
	v29 =	vadd.f32 v48, v29  }
0x88: {  	v28 =	vsub.f32 v28, v26;
	v30 =	vadd.f32 v33, v30  }
0x89: {  	v27 =	vadd.f32 v27, v46;
	[tilespmem:s14+$0xE020] =	vst v29;
	v29 =	vadd.f32 v52, v31;
	v31 =	vld [tilespmem:s14+$0x6030]  }
0x8a: {  	v53 =	vnsel vm0, $0x0, v0;
	[tilespmem:s14+$0xE0A0] =	vst v30;
	v30 =	vld [tilespmem:s14+$0x60B0]  }
0x8b: {  	v28 =	vmul.f32 v28, v53;
	[tilespmem:s14+$0x100A0] =	vst v27;
	v27 =	vld [tilespmem:s14+$0x80B0]  }
0x8c: {  	[tilespmem:s14+$0x10020] =	vst v29;
	v29 =	vld [tilespmem:s14+$0x8030]  }
0x8d: {  	v26 =	vadd.f32 v28, v26;
	v28 =	vld [tilespmem:s19+$0x2030]  }
0x8e: {  	v22 =	vld [tilespmem:s16+$0x6020]  }
0x8f: {  	v23 =	vld [tilespmem:s16+$0x60A0]  }
0x90: {  	v54 =	vld [tilespmem:s19+$0x30]  }
0x91: {  	v55 =	vld [tilespmem:s19+$0x4030]  }
0x92: {  	v56 =	vmax.f32 v31, v30;
	v57 =	vmax.f32 v29, v27;
	vm1 =	veq.s32 v28, $0x0  }
0x93: {  	v34 =	vsel vm1, v56, v57  }
0x94: {  	v34 =	vmul.f32 v34, v1  }
0x95: {  	v62 =	vmax.f32 v22, v23  }
0x96: {  	v24 =	vld [tilespmem:s16+$0x8020];
	v41 =	vor.u32 v54, v28;
	vm2 =	vne.s32 v54, $0x0;
	v33 =	vadd.f32 v34, v55  }
0x97: {  	v25 =	vld [tilespmem:s16+$0x80A0];
	[tilespmem:s16+$0x10090] =	vst v26;
	vm3 =	vne.s32 v28, $0x0;
	vm12 =	veq.s32 v41, $0x0;
	vm13 =	vmor vm2, vm1  }
0x98: {  	v26 =	vld [tilespmem:s13+$0x2020];
	vm1 =	vmand vm2, vm1;
	vm2 =	vmand vm2, vm3;
	v28 =	vsub.f32 v33, v31  }
0x99: {  	v42 =	vnsel vm12, $0x0, v0;
	v44 =	vsel vm13, $0x0, v0;
	v43 =	vsub.f32 v33, v30  }
0x9a: {  	v45 =	vsub.f32 v33, v29;
	v33 =	vsub.f32 v33, v27;
	v28 =	vmul.f32 v28, v42  }
0x9b: {  	v47 =	vld [tilespmem:s13+$0x20];
	v39 =	vnsel vm1, $0x0, v0;
	v40 =	vnsel vm2, $0x0, v0;
	v34 =	vmul.f32 v43, v44  }
0x9c: {  	v46 =	vld [tilespmem:s13+$0x4020];
	v33 =	vmul.f32 v33, v40;
	v28 =	vadd.f32 v28, v31;
	v31 =	vmul.f32 v45, v39  }
0x9d: {  	v63 =	vmax.f32 v24, v25;
	vm0 =	veq.s32 v26, $0x0;
	v30 =	vadd.f32 v34, v30  }
0x9e: {  	v48 =	vsel vm0, v62, v63;
	v27 =	vadd.f32 v33, v27;
	[tilespmem:s14+$0xE030] =	vst v28;
	v28 =	vadd.f32 v31, v29;
	v29 =	vld [tilespmem:s14+$0x6040]  }
0x9f: {  	v32 =	vmul.f32 v48, v1;
	[tilespmem:s14+$0xE0B0] =	vst v30;
	v30 =	vld [tilespmem:s14+$0x60C0]  }
0xa0: {  	vm1 =	vne.s32 v26, $0x0;
	v26 =	vor.u32 v47, v26;
	[tilespmem:s14+$0x100B0] =	vst v27;
	v27 =	vld [tilespmem:s14+$0x80C0]  }
0xa1: {  	vm2 =	vne.s32 v47, $0x0;
	vm3 =	veq.s32 v26, $0x0;
	v31 =	vadd.f32 v32, v46;
	[tilespmem:s14+$0x10030] =	vst v28;
	v28 =	vld [tilespmem:s14+$0x8040]  }
0xa2: {  	vm14 =	vmor vm2, vm0;
	vm0 =	vmand vm2, vm0;
	vm1 =	vmand vm2, vm1;
	v49 =	vld [tilespmem:s19+$0x2040]  }
0xa3: {  	v52 =	vnsel vm3, $0x0, v0;
	v53 =	vsel vm14, $0x0, v0;
	v26 =	vsub.f32 v31, v22  }
0xa4: {  	v54 =	vnsel vm0, $0x0, v0;
	v50 =	vsub.f32 v31, v23;
	v51 =	vsub.f32 v31, v24  }
0xa5: {  	v56 =	vnsel vm1, $0x0, v0;
	v31 =	vsub.f32 v31, v25;
	v55 =	vld [tilespmem:s19+$0x40];
	v26 =	vmul.f32 v26, v52  }
0xa6: {  	v57 =	vld [tilespmem:s19+$0x4040];
	v33 =	vmul.f32 v50, v53;
	v34 =	vmul.f32 v51, v54;
	v62 =	vmax.f32 v29, v30  }
0xa7: {  	v22 =	vadd.f32 v26, v22;
	v63 =	vmax.f32 v28, v27;
	vm0 =	veq.s32 v49, $0x0  }
0xa8: {  	v31 =	vmul.f32 v31, v56;
	v23 =	vadd.f32 v33, v23;
	v26 =	vsel vm0, v62, v63  }
0xa9: {  	v24 =	vadd.f32 v34, v24;
	[tilespmem:s16+$0xE020] =	vst v22;
	v26 =	vmul.f32 v26, v1  }
0xaa: {  	v15 =	vld [tilespmem:s16+$0x60B0];
	v22 =	vadd.f32 v31, v25;
	[tilespmem:s16+$0xE0A0] =	vst v23  }
0xab: {  	v16 =	vld [tilespmem:s16+$0x8030];
	v25 =	vor.u32 v55, v49;
	[tilespmem:s16+$0x10020] =	vst v24;
	v23 =	vadd.f32 v26, v57  }
0xac: {  	v14 =	vld [tilespmem:s16+$0x6030];
	vm1 =	vne.s32 v55, $0x0;
	vm2 =	vne.s32 v49, $0x0;
	vm3 =	veq.s32 v25, $0x0;
	[tilespmem:s16+$0x100A0] =	vst v22  }
0xad: {  	vm15 =	vmor vm1, vm0;
	vm0 =	vmand vm1, vm0;
	v24 =	vld [tilespmem:s13+$0x2030];
	v22 =	vsub.f32 v23, v29  }
0xae: {  	v17 =	vld [tilespmem:s16+$0x80B0];
	vm1 =	vmand vm1, vm2;
	v25 =	vnsel vm3, $0x0, v0;
	v26 =	vsub.f32 v23, v30  }
0xaf: {  	v31 =	vsel vm15, $0x0, v0;
	v22 =	vmul.f32 v22, v25;
	v25 =	vsub.f32 v23, v28  }
0xb0: {  	v42 =	vnsel vm0, $0x0, v0;
	v26 =	vmul.f32 v26, v31;
	v23 =	vsub.f32 v23, v27  }
0xb1: {  	v43 =	vnsel vm1, $0x0, v0;
	v31 =	vld [tilespmem:s13+$0x30];
	v22 =	vadd.f32 v22, v29;
	v25 =	vmul.f32 v25, v42  }
0xb2: {  	v44 =	vld [tilespmem:s13+$0x4030];
	vm0 =	veq.s32 v24, $0x0;
	v26 =	vadd.f32 v26, v30;
	v23 =	vmul.f32 v23, v43  }
0xb3: {  	v29 =	vmax.f32 v14, v15;
	v30 =	vmax.f32 v16, v17;
	[tilespmem:s14+$0xE040] =	vst v22;
	v22 =	vadd.f32 v25, v28;
	v25 =	vld [tilespmem:s14+$0x6050]  }
0xb4: {  	v28 =	vsel vm0, v29, v30;
	[tilespmem:s14+$0xE0C0] =	vst v26;
	v23 =	vadd.f32 v23, v27;
	v26 =	vld [tilespmem:s14+$0x60D0]  }
0xb5: {  	v27 =	vmul.f32 v28, v1;
	[tilespmem:s14+$0x10040] =	vst v22;
	v22 =	vld [tilespmem:s14+$0x8050]  }
0xb6: {  	vm2 =	vne.s32 v24, $0x0;
	vm1 =	vne.s32 v31, $0x0;
	v24 =	vor.u32 v31, v24;
	[tilespmem:s14+$0x100C0] =	vst v23;
	v23 =	vld [tilespmem:s14+$0x80D0]  }
0xb7: {  	vm3 =	vmor vm1, vm0;
	vm8 =	veq.s32 v24, $0x0;
	v27 =	vadd.f32 v27, v44;
	v24 =	vld [tilespmem:s19+$0x2050]  }
0xb8: {  	vm0 =	vmand vm1, vm0;
	vm1 =	vmand vm1, vm2;
	v28 =	vnsel vm8, $0x0, v0  }
0xb9: {  	v10 =	vld [tilespmem:s16+$0x6040];
	v29 =	vsel vm3, $0x0, v0;
	v30 =	vsub.f32 v27, v14;
	v31 =	vsub.f32 v27, v15  }
0xba: {  	v45 =	vnsel vm0, $0x0, v0;
	v46 =	vnsel vm1, $0x0, v0;
	v48 =	vld [tilespmem:s19+$0x50];
	v47 =	vsub.f32 v27, v16  }
0xbb: {  	v27 =	vsub.f32 v27, v17;
	v28 =	vmul.f32 v30, v28;
	v29 =	vmul.f32 v31, v29;
	v30 =	vld [tilespmem:s19+$0x4050]  }
0xbc: {  	v11 =	vld [tilespmem:s16+$0x60C0];
	v31 =	vmax.f32 v25, v26;
	v49 =	vmax.f32 v22, v23;
	vm0 =	veq.s32 v24, $0x0  }
0xbd: {  	v12 =	vld [tilespmem:s16+$0x8040];
	v32 =	vmul.f32 v47, v45;
	v14 =	vadd.f32 v28, v14;
	v28 =	vsel vm0, v31, v49  }
0xbe: {  	v13 =	vld [tilespmem:s16+$0x80C0];
	v27 =	vmul.f32 v27, v46;
	v15 =	vadd.f32 v29, v15;
	v28 =	vmul.f32 v28, v1  }
0xbf: {  	v8 =	vld [tilespmem:s16+$0x6050];
	v16 =	vadd.f32 v32, v16;
	[tilespmem:s16+$0xE030] =	vst v14  }
0xc0: {  	v61 =	vld [tilespmem:s16+$0x6070];
	vm1 =	vne.s32 v48, $0x0;
	v14 =	vadd.f32 v27, v17;
	[tilespmem:s16+$0xE0B0] =	vst v15;
	v15 =	vadd.f32 v28, v30  }
0xc1: {  	v59 =	vld [tilespmem:s16+$0x60F0];
	vm2 =	vne.s32 v24, $0x0;
	vm9 =	vmor vm1, vm0;
	v17 =	vor.u32 v48, v24;
	[tilespmem:s16+$0x10030] =	vst v16  }
0xc2: {  	v58 =	vld [tilespmem:s16+$0x8070];
	vm0 =	vmand vm1, vm0;
	vm3 =	veq.s32 v17, $0x0;
	[tilespmem:s16+$0x100B0] =	vst v14;
	v14 =	vsub.f32 v15, v25  }
0xc3: {  	vm1 =	vmand vm1, vm2;
	v17 =	vnsel vm3, $0x0, v0;
	v16 =	vld [tilespmem:s13+$0x2040];
	v24 =	vsub.f32 v15, v26  }
0xc4: {  	v60 =	vld [tilespmem:s16+$0x80F0];
	v27 =	vsel vm9, $0x0, v0;
	v14 =	vmul.f32 v14, v17;
	v17 =	vsub.f32 v15, v22  }
0xc5: {  	v9 =	vld [tilespmem:s16+$0x60D0];
	v28 =	vnsel vm0, $0x0, v0;
	v24 =	vmul.f32 v24, v27;
	v15 =	vsub.f32 v15, v23  }
0xc6: {  	v29 =	vnsel vm1, $0x0, v0;
	v27 =	vld [tilespmem:s13+$0x40];
	v14 =	vadd.f32 v14, v25;
	v17 =	vmul.f32 v17, v28  }
0xc7: {  	v25 =	vmax.f32 v10, v11;
	v28 =	vld [tilespmem:s13+$0x4040];
	v24 =	vadd.f32 v24, v26;
	v15 =	vmul.f32 v15, v29  }
0xc8: {  	v26 =	vmax.f32 v12, v13;
	vm0 =	veq.s32 v16, $0x0;
	[tilespmem:s14+$0xE050] =	vst v14;
	v14 =	vadd.f32 v17, v22;
	v17 =	vld [tilespmem:s14+$0x6060]  }
0xc9: {  	v22 =	vsel vm0, v25, v26;
	[tilespmem:s14+$0xE0D0] =	vst v24;
	v15 =	vadd.f32 v15, v23;
	v23 =	vld [tilespmem:s14+$0x60E0]  }
0xca: {  	s18 =	simm.s32 $0x2;
	v22 =	vmul.f32 v22, v1;
	[tilespmem:s14+$0x10050] =	vst v14;
	v14 =	vld [tilespmem:s14+$0x8060]  }
0xcb: {  	s23 =	sand.u32 $0x2, s18;
	vm1 =	vne.s32 v16, $0x0;
	vm2 =	vne.s32 v27, $0x0;
	v16 =	vor.u32 v27, v16;
	[tilespmem:s14+$0x100D0] =	vst v15;
	v15 =	vld [tilespmem:s14+$0x80E0]  }
0xcc: {  	s24 =	sor.u32 $0x1, s23;
	vm3 =	veq.s32 v16, $0x0;
	vm10 =	vmor vm2, vm0;
	v16 =	vadd.f32 v22, v28;
	v22 =	vld [tilespmem:s19+$0x2060]  }
0xcd: {  	s29 =	sshll.u32 s24, $0xA;
	vm0 =	vmand vm2, vm0;
	vm1 =	vmand vm2, vm1;
	v24 =	vnsel vm3, $0x0, v0;
	v25 =	vld [tilespmem:s19+$0x60]  }
0xce: {  	s30 =	simm.s32 $0x0;
	s2 =	sshll.u32 s24, $0x8;
	s15 =	sadd.s32 $0x0, s29;
	v7 =	vld [tilespmem:s16+$0x8050];
	v26 =	vsel vm10, $0x0, v0;
	v27 =	vsub.f32 v16, v10;
	v28 =	vsub.f32 v16, v11  }
0xcf: {  	s17 =	sor.u32 s30, s2;
	v51 =	vld [tilespmem:s15+$0x2000];
	v30 =	vnsel vm0, $0x0, v0;
	v31 =	vnsel vm1, $0x0, v0;
	v50 =	vsub.f32 v16, v12  }
0xd0: {  	v53 =	vld [tilespmem:s17+$0x6080];
	v16 =	vsub.f32 v16, v13;
	v24 =	vmul.f32 v27, v24;
	v26 =	vmul.f32 v28, v26  }
0xd1: {  	v29 =	vld [tilespmem:s19+$0x4060];
	v28 =	vmax.f32 v17, v23;
	v52 =	vmax.f32 v14, v15;
	v30 =	vmul.f32 v50, v30  }
0xd2: {  	v27 =	vld [tilespmem:s17+$0x6000];
	v16 =	vmul.f32 v16, v31;
	vm0 =	veq.s32 v22, $0x0;
	vm1 =	vne.s32 v25, $0x0  }
0xd3: {  	v31 =	vld [tilespmem:s17+$0x8000];
	vm2 =	vne.s32 v22, $0x0;
	v28 =	vsel vm0, v28, v52;
	v10 =	vadd.f32 v24, v10  }
0xd4: {  	v11 =	vadd.f32 v26, v11;
	v26 =	vld [tilespmem:s17+$0x8080];
	v12 =	vadd.f32 v30, v12;
	v24 =	vmul.f32 v28, v1  }
0xd5: {  	v6 =	vld [tilespmem:s16+$0x80D0];
	v13 =	vadd.f32 v16, v13;
	vm11 =	vmor vm1, vm0;
	vm12 =	vmand vm1, vm0  }
0xd6: {  	v21 =	vld [tilespmem:s16+$0x6060];
	vm0 =	veq.s32 v51, $0x0;
	v16 =	vadd.f32 v24, v29;
	v24 =	vor.u32 v25, v22  }
0xd7: {  	vm1 =	vmand vm1, vm2;
	v28 =	vld [tilespmem:s15+$0x0];
	v29 =	vmax.f32 v27, v53;
	vm3 =	veq.s32 v24, $0x0  }
0xd8: {  	v25 =	vld [tilespmem:s15+$0x4000];
	v22 =	vsub.f32 v16, v17;
	v24 =	vnsel vm3, $0x0, v0;
	v54 =	vsub.f32 v16, v23  }
0xd9: {  	v18 =	vld [tilespmem:s16+$0x60E0];
	v30 =	vmax.f32 v31, v26;
	v55 =	vsub.f32 v16, v14;
	v56 =	vsub.f32 v16, v15  }
0xda: {  	v19 =	vld [tilespmem:s16+$0x8060];
	v16 =	vnsel vm1, $0x0, v0;
	vm3 =	vne.s32 v51, $0x0;
	v29 =	vsel vm0, v29, v30  }
0xdb: {  	v20 =	vld [tilespmem:s16+$0x80E0];
	[tilespmem:s16+$0xE040] =	vst v10;
	v30 =	vsel vm11, $0x0, v0;
	v22 =	vmul.f32 v22, v24;
	v24 =	vmul.f32 v29, v1  }
0xdc: {  	[tilespmem:s16+$0xE0C0] =	vst v11;
	vm2 =	vne.s32 v28, $0x0;
	v29 =	vnsel vm12, $0x0, v0;
	v30 =	vmul.f32 v54, v30  }
0xdd: {  	[tilespmem:s16+$0x10040] =	vst v12;
	v11 =	vmul.f32 v56, v16;
	v10 =	vmul.f32 v55, v29;
	v25 =	vadd.f32 v24, v25  }
0xde: {  	[tilespmem:s16+$0x100C0] =	vst v13;
	v12 =	vadd.f32 v22, v17;
	v17 =	vor.u32 v28, v51;
	v13 =	vadd.f32 v30, v23  }
0xdf: {  	v11 =	vadd.f32 v11, v15;
	vm1 =	veq.s32 v17, $0x0;
	v10 =	vadd.f32 v10, v14  }
0xe0: {  	v17 =	vsub.f32 v25, v27;
	v16 =	vnsel vm1, $0x0, v0;
	vm1 =	vmor vm2, vm0  }
0xe1: {  	v22 =	vsub.f32 v25, v53;
	vm0 =	vmand vm2, vm0;
	[tilespmem:s14+$0xE060] =	vst v12;
	v12 =	vsub.f32 v25, v31  }
0xe2: {  	v14 =	vsub.f32 v25, v26;
	v24 =	vsel vm1, $0x0, v0;
	v16 =	vmul.f32 v17, v16  }
0xe3: {  	v29 =	vld [tilespmem:s13+$0x2050];
	[tilespmem:s14+$0xE0E0] =	vst v13;
	vm1 =	vmand vm2, vm3;
	v13 =	vnsel vm0, $0x0, v0;
	v30 =	vmul.f32 v22, v24  }
0xe4: {  	v28 =	vld [tilespmem:s13+$0x4050];
	v12 =	vmul.f32 v12, v13;
	v15 =	vnsel vm1, $0x0, v0;
	v16 =	vadd.f32 v16, v27  }
0xe5: {  	v25 =	vld [tilespmem:s17+$0x8010];
	v14 =	vmul.f32 v14, v15;
	v13 =	vadd.f32 v30, v53  }
0xe6: {  	v17 =	vld [tilespmem:s13+$0x50];
	v12 =	vadd.f32 v12, v31;
	[tilespmem:s17+$0xE000] =	vst v16  }
0xe7: {  	v15 =	vld [tilespmem:s17+$0x6090];
	v14 =	vadd.f32 v14, v26;
	[tilespmem:s17+$0xE080] =	vst v13  }
0xe8: {  	vm1 =	veq.s32 v29, $0x0;
	v27 =	vmax.f32 v8, v9;
	v30 =	vmax.f32 v7, v6;
	v16 =	vld [tilespmem:s17+$0x6010];
	[tilespmem:s17+$0x10000] =	vst v12  }
0xe9: {  	s31 =	sshll.u32 s23, $0xA;
	v27 =	vsel vm1, v27, v30;
	[tilespmem:s17+$0x10080] =	vst v14;
	v14 =	vld [tilespmem:s17+$0x8090]  }
0xea: {  	s28 =	sadd.s32 $0x0, s31;
	v38 =	vmax.f32 v21, v18;
	v40 =	vmax.f32 v19, v20;
	v27 =	vmul.f32 v27, v1;
	v26 =	vld [tilespmem:s15+$0x2010]  }
0xeb: {  	v32 =	vld [tilespmem:s28+$0x2000];
	vm2 =	vne.s32 v29, $0x0;
	vm3 =	vne.s32 v17, $0x0;
	v17 =	vor.u32 v17, v29  }
0xec: {  	v23 =	vld [tilespmem:s14+$0x6070];
	vm13 =	veq.s32 v17, $0x0;
	vm14 =	vmor vm3, vm1;
	v27 =	vadd.f32 v27, v28  }
0xed: {  	v31 =	vld [tilespmem:s15+$0x10];
	vm1 =	vmand vm3, vm1;
	vm2 =	vmand vm3, vm2;
	v63 =	vnsel vm13, $0x0, v0  }
0xee: {  	[tilespmem:s14+$0x100E0] =	vst v11;
	v29 =	vld [tilespmem:s15+$0x4010];
	v44 =	vsel vm14, $0x0, v0;
	v49 =	vsub.f32 v27, v8;
	v50 =	vsub.f32 v27, v9  }
0xef: {  	v51 =	vld [tilespmem:s28+$0x0];
	[tilespmem:s14+$0x10060] =	vst v10;
	v57 =	vmax.f32 v16, v15;
	v62 =	vmax.f32 v25, v14;
	vm0 =	veq.s32 v26, $0x0  }
0xf0: {  	v11 =	vld [tilespmem:s19+$0x2070];
	v52 =	vsub.f32 v27, v7;
	v27 =	vsub.f32 v27, v6;
	v17 =	vsel vm0, v57, v62  }
0xf1: {  	s0 =	sshll.u32 s23, $0x8;
	v13 =	vld [tilespmem:s19+$0x4070];
	v46 =	vnsel vm1, $0x0, v0;
	v47 =	vnsel vm2, $0x0, v0;
	v17 =	vmul.f32 v17, v1  }
0xf2: {  	v12 =	vld [tilespmem:s19+$0x70];
	s19 =	sor.u32 s0, s30;
	v33 =	vmul.f32 v49, v63;
	v47 =	vmul.f32 v27, v47;
	vm2 =	vne.s32 v31, $0x0  }
0xf3: {  	v45 =	vld [tilespmem:s19+$0x8080];
	vm3 =	vne.s32 v26, $0x0;
	v29 =	vadd.f32 v17, v29;
	v17 =	vor.u32 v31, v26  }
0xf4: {  	v28 =	vld [tilespmem:s19+$0x8000];
	vm15 =	vmand vm2, vm0;
	v8 =	vadd.f32 v33, v8;
	vm1 =	veq.s32 v17, $0x0  }
0xf5: {  	v10 =	vld [tilespmem:s14+$0x80F0];
	v6 =	vadd.f32 v47, v6;
	v53 =	vsub.f32 v29, v16;
	v31 =	vnsel vm1, $0x0, v0  }
0xf6: {  	v24 =	vld [tilespmem:s14+$0x60F0];
	vm1 =	vmor vm2, vm0;
	v54 =	vsub.f32 v29, v15;
	v55 =	vsub.f32 v29, v25  }
0xf7: {  	v30 =	vld [tilespmem:s19+$0x6000];
	vm0 =	veq.s32 v11, $0x0;
	vm2 =	vmand vm2, vm3;
	v29 =	vsub.f32 v29, v14  }
0xf8: {  	v39 =	vld [tilespmem:s19+$0x6080];
	vm3 =	vne.s32 v51, $0x0;
	v26 =	vsel vm1, $0x0, v0;
	v31 =	vmul.f32 v53, v31  }
0xf9: {  	v22 =	vld [tilespmem:s14+$0x8070];
	vm1 =	veq.s32 v32, $0x0;
	v26 =	vmul.f32 v54, v26;
	v54 =	vmax.f32 v28, v45  }
0xfa: {  	vm9 =	vmor vm3, vm1;
	v16 =	vadd.f32 v31, v16;
	v31 =	vnsel vm15, $0x0, v0  }
0xfb: {  	v15 =	vadd.f32 v26, v15;
	v26 =	vnsel vm2, $0x0, v0;
	v31 =	vmul.f32 v55, v31  }
0xfc: {  	v48 =	vld [tilespmem:s28+$0x4000];
	v57 =	vsel vm9, $0x0, v0;
	vm2 =	vne.s32 v32, $0x0;
	v26 =	vmul.f32 v29, v26;
	[tilespmem:s17+$0xE010] =	vst v16  }
0xfd: {  	v53 =	vld [tilespmem:s17+$0x6020];
	v16 =	vmax.f32 v30, v39;
	[tilespmem:s17+$0xE090] =	vst v15;
	v15 =	vmax.f32 v23, v24;
	v29 =	vadd.f32 v31, v25  }
0xfe: {  	v31 =	vmax.f32 v22, v10;
	v16 =	vsel vm1, v16, v54;
	v54 =	vld [tilespmem:s17+$0x60A0];
	v14 =	vadd.f32 v26, v14  }
0xff: {  	v26 =	vmul.f32 v50, v44;
	v44 =	vld [tilespmem:s17+$0x8020];
	vm1 =	vmand vm3, vm1;
	v16 =	vmul.f32 v16, v1;
	[tilespmem:s17+$0x10010] =	vst v29  }
0x100: {  	vm3 =	vmand vm3, vm2;
	v15 =	vsel vm0, v15, v31;
	v29 =	vmul.f32 v52, v46;
	[tilespmem:s17+$0x10090] =	vst v14;
	v46 =	vld [tilespmem:s17+$0x80A0]  }
0x101: {  	v15 =	vmul.f32 v15, v1;
	v9 =	vadd.f32 v26, v9;
	v16 =	vadd.f32 v16, v48;
	v48 =	vld [tilespmem:s15+$0x2020]  }
0x102: {  	v14 =	vor.u32 v51, v32;
	v51 =	vnsel vm1, $0x0, v0;
	vm1 =	vne.s32 v12, $0x0;
	v63 =	vld [tilespmem:s15+$0x20]  }
0x103: {  	vm8 =	veq.s32 v14, $0x0;
	v7 =	vadd.f32 v29, v7;
	v14 =	vsub.f32 v16, v30  }
0x104: {  	v26 =	vnsel vm8, $0x0, v0;
	v56 =	vsub.f32 v16, v39;
	v62 =	vsub.f32 v16, v28  }
0x105: {  	v36 =	vld [tilespmem:s19+$0x8020];
	v16 =	vsub.f32 v16, v45;
	v55 =	vmax.f32 v53, v54;
	v14 =	vmul.f32 v14, v26  }
0x106: {  	v37 =	vld [tilespmem:s19+$0x80A0];
	v49 =	vmul.f32 v56, v57;
	v56 =	vmax.f32 v44, v46;
	v51 =	vmul.f32 v62, v51  }
0x107: {  	vm2 =	veq.s32 v48, $0x0;
	vm11 =	vne.s32 v63, $0x0;
	v14 =	vadd.f32 v14, v30  }
0x108: {  	vm6 =	vne.s32 v48, $0x0;
	v30 =	vld [tilespmem:s15+$0x4020];
	v39 =	vadd.f32 v49, v39;
	v29 =	vadd.f32 v51, v28  }
0x109: {  	vm12 =	vmor vm11, vm2;
	[tilespmem:s19+$0xE000] =	vst v14;
	v14 =	vsel vm2, v55, v56;
	v56 =	vnsel vm3, $0x0, v0  }
0x10a: {  	[tilespmem:s19+$0xE080] =	vst v39;
	v39 =	vadd.f32 v15, v13;
	vm3 =	vne.s32 v11, $0x0;
	vm2 =	vmand vm11, vm2  }
0x10b: {  	v11 =	vor.u32 v12, v11;
	v55 =	vmax.f32 v36, v37;
	v14 =	vmul.f32 v14, v1  }
0x10c: {  	v43 =	vld [tilespmem:s19+$0x6010];
	v16 =	vmul.f32 v16, v56;
	vm3 =	vmand vm1, vm3;
	v56 =	vnsel vm2, $0x0, v0  }
0x10d: {  	v42 =	vld [tilespmem:s19+$0x6090];
	[tilespmem:s16+$0xE050] =	vst v8;
	vm2 =	veq.s32 v11, $0x0;
	v8 =	vnsel vm3, $0x0, v0;
	v15 =	vadd.f32 v14, v30  }
0x10e: {  	v41 =	vld [tilespmem:s19+$0x8090];
	[tilespmem:s16+$0x100D0] =	vst v6;
	vm3 =	vmand vm11, vm6;
	v13 =	vadd.f32 v16, v45;
	v14 =	vor.u32 v63, v48  }
0x10f: {  	v17 =	vld [tilespmem:s19+$0x8010];
	[tilespmem:s19+$0x10000] =	vst v29;
	v47 =	vsub.f32 v39, v23;
	vm10 =	veq.s32 v14, $0x0;
	v14 =	vsub.f32 v15, v53  }
0x110: {  	v6 =	vsub.f32 v39, v24;
	v16 =	vsub.f32 v39, v10;
	[tilespmem:s19+$0x10080] =	vst v13;
	v30 =	vnsel vm10, $0x0, v0  }
0x111: {  	v57 =	vsub.f32 v15, v54;
	v62 =	vsub.f32 v15, v44;
	v49 =	vld [tilespmem:s28+$0x2010];
	v14 =	vmul.f32 v14, v30  }
0x112: {  	[tilespmem:s16+$0x10050] =	vst v7;
	v39 =	vsub.f32 v39, v22;
	v7 =	vmul.f32 v16, v8;
	v51 =	vld [tilespmem:s28+$0x10];
	v30 =	vsel vm12, $0x0, v0  }
0x113: {  	v34 =	vld [tilespmem:s19+$0x6020];
	v50 =	vmul.f32 v62, v56;
	v30 =	vmul.f32 v57, v30;
	v63 =	vadd.f32 v14, v53  }
0x114: {  	v35 =	vld [tilespmem:s19+$0x60A0];
	v62 =	vmax.f32 v17, v41;
	v57 =	vmax.f32 v43, v42;
	v53 =	vsub.f32 v15, v46  }
0x115: {  	v48 =	vld [tilespmem:s28+$0x4010];
	v44 =	vadd.f32 v50, v44;
	v30 =	vadd.f32 v30, v54;
	[tilespmem:s17+$0xE020] =	vst v63;
	v63 =	vnsel vm3, $0x0, v0  }
0x116: {  	v5 =	vld [tilespmem:s19+$0x8060];
	vm13 =	veq.s32 v49, $0x0;
	vm3 =	vmor vm1, vm0;
	vm14 =	vne.s32 v49, $0x0  }
0x117: {  	[tilespmem:s16+$0xE0D0] =	vst v9;
	v45 =	vld [tilespmem:s17+$0x60B0];
	vm15 =	vne.s32 v51, $0x0;
	vm0 =	vmand vm1, vm0;
	v8 =	vsel vm13, v57, v62  }
0x118: {  	v54 =	vld [tilespmem:s17+$0x6030];
	v52 =	vmul.f32 v53, v63;
	[tilespmem:s17+$0xE0A0] =	vst v30;
	v30 =	vadd.f32 v7, v10;
	v8 =	vmul.f32 v8, v1  }
0x119: {  	[tilespmem:s17+$0x10020] =	vst v44;
	v44 =	vld [tilespmem:s17+$0x8030];
	vm8 =	vmor vm15, vm13;
	vm4 =	vmand vm15, vm13;
	vm6 =	vmand vm15, vm14  }
0x11a: {  	v10 =	vnsel vm2, $0x0, v0;
	v57 =	vadd.f32 v52, v46;
	v46 =	vld [tilespmem:s13+$0x2060];
	v7 =	vadd.f32 v8, v48  }
0x11b: {  	v11 =	vsel vm8, $0x0, v0;
	v56 =	vnsel vm4, $0x0, v0;
	v8 =	vor.u32 v51, v49;
	v49 =	vld [tilespmem:s17+$0x80B0]  }
0x11c: {  	v9 =	vld [tilespmem:s19+$0x80E0];
	v48 =	vmax.f32 v34, v35;
	[tilespmem:s17+$0x100A0] =	vst v57;
	vm7 =	veq.s32 v8, $0x0;
	v8 =	vsub.f32 v7, v43  }
0x11d: {  	v50 =	vld [tilespmem:s15+$0x2030];
	v62 =	vnsel vm7, $0x0, v0;
	v12 =	vsub.f32 v7, v42;
	v63 =	vsub.f32 v7, v17  }
0x11e: {  	v13 =	vld [tilespmem:s19+$0x6050];
	v57 =	vmax.f32 v54, v45;
	v7 =	vsub.f32 v7, v41;
	v8 =	vmul.f32 v8, v62  }
0x11f: {  	v14 =	vld [tilespmem:s19+$0x60D0];
	v12 =	vmul.f32 v12, v11;
	v51 =	vmul.f32 v63, v56;
	v63 =	vnsel vm6, $0x0, v0  }
0x120: {  	v52 =	vld [tilespmem:s15+$0x30];
	v11 =	vsel vm3, $0x0, v0;
	vm10 =	veq.s32 v46, $0x0;
	v62 =	vmax.f32 v44, v49  }
0x121: {  	v7 =	vmul.f32 v7, v63;
	v38 =	vsel vm10, v38, v40;
	v8 =	vadd.f32 v8, v43;
	v43 =	vld [tilespmem:s15+$0x4030]  }
0x122: {  	v42 =	vadd.f32 v12, v42;
	v17 =	vadd.f32 v51, v17;
	vm9 =	veq.s32 v50, $0x0  }
0x123: {  	v38 =	vmul.f32 v38, v1;
	v12 =	vmax.f32 v5, v9;
	v53 =	vsel vm9, v57, v62;
	[tilespmem:s19+$0xE010] =	vst v8  }
0x124: {  	v41 =	vadd.f32 v7, v41;
	[tilespmem:s19+$0xE090] =	vst v42;
	v42 =	vmul.f32 v47, v10;
	v47 =	vld [tilespmem:s13+$0x60];
	v8 =	vmul.f32 v53, v1  }
0x125: {  	vm3 =	vne.s32 v52, $0x0;
	vm11 =	vne.s32 v50, $0x0;
	v7 =	vmax.f32 v13, v14;
	v53 =	vld [tilespmem:s13+$0x4060]  }
0x126: {  	v51 =	vadd.f32 v8, v43;
	v43 =	vmul.f32 v6, v11;
	v6 =	vor.u32 v52, v50  }
0x127: {  	[tilespmem:s19+$0x10010] =	vst v17;
	vm5 =	vmand vm3, vm9;
	vm6 =	vmand vm3, vm11;
	vm2 =	veq.s32 v6, $0x0  }
0x128: {  	[tilespmem:s19+$0x10090] =	vst v41;
	v57 =	vsub.f32 v51, v54;
	v10 =	vnsel vm2, $0x0, v0;
	vm2 =	vmor vm3, vm9  }
0x129: {  	v50 =	vld [tilespmem:s28+$0x2020];
	v52 =	vsub.f32 v51, v45;
	vm3 =	vne.s32 v46, $0x0;
	v46 =	vor.u32 v47, v46  }
0x12a: {  	v11 =	vsel vm2, $0x0, v0;
	vm2 =	vne.s32 v47, $0x0;
	v38 =	vadd.f32 v38, v53  }
0x12b: {  	vm13 =	veq.s32 v46, $0x0;
	v40 =	vmul.f32 v57, v10;
	v10 =	vsub.f32 v51, v44  }
0x12c: {  	v41 =	vmul.f32 v52, v11;
	v11 =	vnsel vm5, $0x0, v0;
	v51 =	vsub.f32 v51, v49  }
0x12d: {  	v47 =	vld [tilespmem:s28+$0x20];
	v57 =	vnsel vm6, $0x0, v0;
	vm12 =	vmor vm2, vm10;
	vm4 =	vmand vm2, vm10  }
0x12e: {  	vm2 =	vmand vm2, vm3;
	vm6 =	veq.s32 v50, $0x0;
	v56 =	vsel vm12, $0x0, v0  }
0x12f: {  	vm14 =	vne.s32 v50, $0x0;
	v40 =	vadd.f32 v40, v54;
	v52 =	vmul.f32 v10, v11  }
0x130: {  	v54 =	vld [tilespmem:s28+$0x4020];
	v41 =	vadd.f32 v41, v45;
	v48 =	vsel vm6, v48, v55;
	v11 =	vnsel vm13, $0x0, v0  }
0x131: {  	v10 =	vmul.f32 v48, v1;
	[tilespmem:s17+$0xE030] =	vst v40;
	v40 =	vmul.f32 v51, v57;
	v44 =	vadd.f32 v52, v44  }
0x132: {  	v45 =	vld [tilespmem:s17+$0x6040];
	v57 =	vsub.f32 v38, v18;
	v50 =	vor.u32 v47, v50;
	vm15 =	vne.s32 v47, $0x0  }
0x133: {  	v48 =	vld [tilespmem:s17+$0x8040];
	[tilespmem:s17+$0xE0B0] =	vst v41;
	vm12 =	veq.s32 v50, $0x0;
	vm9 =	vmor vm15, vm6;
	v40 =	vadd.f32 v40, v49  }
0x134: {  	v41 =	vld [tilespmem:s17+$0x60C0];
	vm6 =	vmand vm15, vm6;
	[tilespmem:s17+$0x10030] =	vst v44;
	v44 =	vsub.f32 v38, v21;
	v51 =	vmul.f32 v57, v56  }
0x135: {  	vm5 =	vmand vm15, vm14;
	v49 =	vld [tilespmem:s17+$0x80C0];
	v46 =	vadd.f32 v10, v54;
	[tilespmem:s17+$0x100B0] =	vst v40;
	v40 =	vsub.f32 v38, v19  }
0x136: {  	v57 =	vsel vm9, $0x0, v0;
	v38 =	vsub.f32 v38, v20;
	v18 =	vadd.f32 v51, v18  }
0x137: {  	v44 =	vmul.f32 v44, v11;
	v52 =	vld [tilespmem:s15+$0x2040];
	v47 =	vsub.f32 v46, v34;
	v10 =	vsub.f32 v46, v35  }
0x138: {  	v11 =	vnsel vm12, $0x0, v0;
	v53 =	vsub.f32 v46, v36;
	v46 =	vsub.f32 v46, v37  }
0x139: {  	v55 =	vld [tilespmem:s15+$0x40];
	v21 =	vadd.f32 v44, v21;
	v47 =	vmul.f32 v47, v11;
	v50 =	vmul.f32 v10, v57  }
0x13a: {  	v25 =	vld [tilespmem:s19+$0x6030];
	v10 =	vmax.f32 v45, v41;
	v57 =	vmax.f32 v48, v49;
	v11 =	vnsel vm6, $0x0, v0  }
0x13b: {  	v54 =	vld [tilespmem:s15+$0x4040];
	v53 =	vmul.f32 v53, v11;
	v11 =	vnsel vm4, $0x0, v0;
	v34 =	vadd.f32 v47, v34  }
0x13c: {  	v31 =	vld [tilespmem:s19+$0x60B0];
	v40 =	vmul.f32 v40, v11;
	v35 =	vadd.f32 v50, v35;
	vm13 =	veq.s32 v52, $0x0  }
0x13d: {  	v36 =	vadd.f32 v53, v36;
	v56 =	vsel vm13, v10, v57;
	v10 =	vnsel vm5, $0x0, v0  }
0x13e: {  	v53 =	vor.u32 v55, v52;
	v56 =	vmul.f32 v56, v1;
	v46 =	vmul.f32 v46, v10  }
0x13f: {  	vm14 =	vne.s32 v55, $0x0;
	vm10 =	vne.s32 v52, $0x0;
	[tilespmem:s19+$0xE020] =	vst v34;
	vm15 =	veq.s32 v53, $0x0  }
0x140: {  	v33 =	vld [tilespmem:s19+$0x8030];
	[tilespmem:s19+$0xE0A0] =	vst v35;
	vm9 =	vmor vm14, vm13;
	v47 =	vadd.f32 v56, v54;
	v37 =	vadd.f32 v46, v37  }
0x141: {  	v32 =	vld [tilespmem:s19+$0x80B0];
	vm11 =	vmand vm14, vm13;
	v53 =	vmax.f32 v25, v31;
	vm4 =	vmand vm14, vm10;
	[tilespmem:s19+$0x10020] =	vst v36  }
0x142: {  	v3 =	vld [tilespmem:s19+$0x6060];
	v19 =	vadd.f32 v40, v19;
	v57 =	vnsel vm15, $0x0, v0;
	v56 =	vsub.f32 v47, v45;
	[tilespmem:s19+$0x100A0] =	vst v37  }
0x143: {  	v11 =	vsel vm9, $0x0, v0;
	v10 =	vsub.f32 v47, v41;
	v52 =	vsub.f32 v47, v48;
	v46 =	vld [tilespmem:s28+$0x2030]  }
0x144: {  	v27 =	vld [tilespmem:s19+$0x60C0];
	v55 =	vnsel vm11, $0x0, v0;
	[tilespmem:s16+$0x10060] =	vst v19;
	v19 =	vmax.f32 v61, v59;
	v34 =	vmul.f32 v56, v57  }
0x145: {  	v26 =	vld [tilespmem:s19+$0x6040];
	v47 =	vsub.f32 v47, v49;
	v36 =	vmul.f32 v10, v11;
	v35 =	vmul.f32 v52, v55  }
0x146: {  	v56 =	vmax.f32 v33, v32;
	v11 =	vnsel vm2, $0x0, v0;
	v52 =	vld [tilespmem:s28+$0x30];
	v34 =	vadd.f32 v34, v45  }
0x147: {  	v57 =	vld [tilespmem:s28+$0x4030];
	v10 =	vnsel vm4, $0x0, v0;
	v38 =	vmul.f32 v38, v11;
	v35 =	vadd.f32 v35, v48  }
0x148: {  	v4 =	vld [tilespmem:s19+$0x60E0];
	v36 =	vadd.f32 v36, v41;
	[tilespmem:s17+$0xE040] =	vst v34;
	v34 =	vmul.f32 v47, v10;
	vm2 =	veq.s32 v46, $0x0  }
0x149: {  	v6 =	vld [tilespmem:s17+$0x8050];
	v20 =	vadd.f32 v38, v20;
	[tilespmem:s17+$0x10040] =	vst v35;
	v35 =	vadd.f32 v42, v23;
	v37 =	vsel vm2, v53, v56  }
0x14a: {  	v44 =	vld [tilespmem:s17+$0x60D0];
	[tilespmem:s17+$0xE0C0] =	vst v36;
	v23 =	vadd.f32 v43, v24;
	v34 =	vadd.f32 v34, v49;
	v37 =	vmul.f32 v37, v1  }
0x14b: {  	v50 =	vmovc v3;
	v47 =	vld [tilespmem:s17+$0x6050];
	v53 =	vnsel vm0, $0x0, v0;
	vm1 =	vne.s32 v52, $0x0;
	v24 =	vor.u32 v52, v46;
	[tilespmem:s16+$0x100E0] =	vst v20  }
0x14c: {  	v20 =	vmax.f32 v26, v27;
	v3 =	vmul.f32 v39, v53;
	[tilespmem:s17+$0x100C0] =	vst v34;
	v34 =	vadd.f32 v37, v57;
	v37 =	vld [tilespmem:s17+$0x80D0]  }
0x14d: {  	vm0 =	vmor vm1, vm2;
	vm2 =	vmand vm1, vm2;
	vm3 =	veq.s32 v24, $0x0;
	v36 =	vld [tilespmem:s15+$0x2050]  }
0x14e: {  	v28 =	vld [tilespmem:s19+$0x8040];
	v55 =	vnsel vm3, $0x0, v0;
	v10 =	vnsel vm2, $0x0, v0;
	vm2 =	vne.s32 v46, $0x0  }
0x14f: {  	v29 =	vld [tilespmem:s19+$0x80C0];
	v57 =	vsel vm0, $0x0, v0;
	vm1 =	vmand vm1, vm2;
	v24 =	vsub.f32 v34, v25  }
0x150: {  	v22 =	vadd.f32 v3, v22;
	v51 =	vld [tilespmem:s15+$0x50];
	v52 =	vmax.f32 v47, v44;
	v56 =	vsub.f32 v34, v31  }
0x151: {  	v49 =	vld [tilespmem:s15+$0x4050];
	v41 =	vsub.f32 v34, v33;
	v34 =	vsub.f32 v34, v32;
	v24 =	vmul.f32 v24, v55  }
0x152: {  	v16 =	vld [tilespmem:s19+$0x80D0];
	[tilespmem:s16+$0xE0E0] =	vst v18;
	v11 =	vmul.f32 v56, v57;
	v53 =	vmax.f32 v6, v37;
	vm0 =	veq.s32 v36, $0x0  }
0x153: {  	v15 =	vld [tilespmem:s19+$0x8050];
	[tilespmem:s16+$0xE060] =	vst v21;
	v48 =	vmul.f32 v41, v10;
	v55 =	vmax.f32 v58, v60;
	v43 =	vsel vm0, v52, v53  }
0x154: {  	v57 =	vld [tilespmem:s13+$0x2070];
	v21 =	vadd.f32 v24, v25;
	v24 =	vnsel vm1, $0x0, v0;
	v25 =	vmul.f32 v43, v1  }
0x155: {  	v63 =	vld [tilespmem:s19+$0x80F0];
	v56 =	vor.u32 v51, v36;
	v18 =	vmul.f32 v34, v24;
	v24 =	vadd.f32 v11, v31  }
0x156: {  	v62 =	vld [tilespmem:s19+$0x8070];
	vm1 =	vne.s32 v51, $0x0;
	v31 =	vadd.f32 v48, v33;
	v25 =	vadd.f32 v25, v49  }
0x157: {  	v54 =	vmovc v4;
	v4 =	vld [tilespmem:s13+$0x4070];
	vm2 =	veq.s32 v56, $0x0;
	vm3 =	vmor vm1, vm0;
	vm0 =	vmand vm1, vm0  }
0x158: {  	v48 =	vld [tilespmem:s17+$0x8060];
	[tilespmem:s19+$0xE030] =	vst v21;
	v43 =	vnsel vm0, $0x0, v0;
	v18 =	vadd.f32 v18, v32;
	v21 =	vsub.f32 v25, v47  }
0x159: {  	[tilespmem:s19+$0xE0B0] =	vst v24;
	v24 =	vnsel vm2, $0x0, v0;
	vm2 =	vne.s32 v36, $0x0;
	vm0 =	veq.s32 v57, $0x0;
	v32 =	vld [tilespmem:s17+$0x80E0]  }
0x15a: {  	v19 =	vsel vm0, v19, v55;
	[tilespmem:s19+$0x100B0] =	vst v18;
	v18 =	vld [tilespmem:s13+$0x70];
	v10 =	vsub.f32 v25, v44;
	v21 =	vmul.f32 v21, v24  }
0x15b: {  	[tilespmem:s19+$0x10030] =	vst v31;
	vm1 =	vmand vm1, vm2;
	v19 =	vmul.f32 v19, v1;
	v24 =	vsel vm3, $0x0, v0  }
0x15c: {  	v11 =	vld [tilespmem:s28+$0x2040];
	v34 =	vmul.f32 v10, v24;
	v24 =	vsub.f32 v25, v6;
	v21 =	vadd.f32 v21, v47  }
0x15d: {  	v2 =	vld [tilespmem:s19+$0x60F0];
	v41 =	vmax.f32 v62, v63;
	v31 =	vmax.f32 v28, v29;
	v45 =	vnsel vm1, $0x0, v0  }
0x15e: {  	v3 =	vadd.f32 v19, v4;
	v25 =	vsub.f32 v25, v37;
	v38 =	vmul.f32 v24, v43;
	[tilespmem:s17+$0xE050] =	vst v21;
	v21 =	vld [tilespmem:s28+$0x40]  }
0x15f: {  	v17 =	vld [tilespmem:s19+$0x6070];
	vm3 =	vne.s32 v57, $0x0;
	v55 =	vmax.f32 v48, v32;
	vm1 =	vne.s32 v18, $0x0  }
0x160: {  	v34 =	vadd.f32 v34, v44;
	v33 =	vmul.f32 v25, v45;
	v38 =	vadd.f32 v38, v6;
	v6 =	vld [tilespmem:s28+$0x4040]  }
0x161: {  	v18 =	vor.u32 v18, v57;
	v45 =	vmax.f32 v15, v16;
	vm4 =	veq.s32 v11, $0x0  }
0x162: {  	vm2 =	veq.s32 v18, $0x0;
	v20 =	vsel vm4, v20, v31;
	[tilespmem:s17+$0xE0D0] =	vst v34;
	v31 =	vadd.f32 v33, v37  }
0x163: {  	v47 =	vld [tilespmem:s17+$0x60E0];
	v44 =	vmovc v2;
	vm12 =	vne.s32 v11, $0x0;
	v18 =	vmul.f32 v20, v1;
	[tilespmem:s17+$0x10050] =	vst v38;
	v19 =	vor.u32 v21, v11  }
0x164: {  	v2 =	vld [tilespmem:s17+$0x6060];
	v40 =	vmax.f32 v17, v44;
	[tilespmem:s17+$0x100D0] =	vst v31;
	vm13 =	vne.s32 v21, $0x0;
	vm14 =	veq.s32 v19, $0x0  }
0x165: {  	v31 =	vld [tilespmem:s15+$0x2060];
	v18 =	vadd.f32 v18, v6;
	vm15 =	vmor vm13, vm4;
	vm4 =	vmand vm13, vm4  }
0x166: {  	v56 =	vld [tilespmem:s15+$0x60];
	vm5 =	vmand vm13, vm12;
	vm12 =	vmor vm1, vm0;
	vm0 =	vmand vm1, vm0  }
0x167: {  	vm1 =	vmand vm1, vm3;
	v19 =	vnsel vm14, $0x0, v0;
	v20 =	vsel vm15, $0x0, v0  }
0x168: {  	v49 =	vnsel vm4, $0x0, v0;
	v21 =	vsub.f32 v18, v26;
	v52 =	vsub.f32 v18, v27  }
0x169: {  	v4 =	vld [tilespmem:s15+$0x4060];
	v51 =	vnsel vm5, $0x0, v0;
	v53 =	vsub.f32 v18, v28;
	v18 =	vsub.f32 v18, v29  }
0x16a: {  	vm5 =	veq.s32 v31, $0x0;
	v36 =	vmul.f32 v52, v20;
	v20 =	vmax.f32 v2, v47  }
0x16b: {  	[tilespmem:$0x1FFE0] =	vst v5;
	vm3 =	vne.s32 v56, $0x0;
	v19 =	vmul.f32 v21, v19;
	v37 =	vsel vm5, v20, v55  }
0x16c: {  	[tilespmem:s14+$0x100F0] =	vst v30;
	v30 =	vor.u32 v56, v31;
	vm13 =	vne.s32 v31, $0x0;
	v57 =	vmul.f32 v37, v1  }
0x16d: {  	v33 =	vmul.f32 v53, v49;
	v34 =	vmul.f32 v18, v51;
	v26 =	vadd.f32 v19, v26  }
0x16e: {  	v21 =	vmax.f32 v50, v54;
	v27 =	vadd.f32 v36, v27;
	v36 =	vadd.f32 v57, v4  }
0x16f: {  	vm14 =	veq.s32 v30, $0x0;
	vm15 =	vmor vm3, vm5;
	vm5 =	vmand vm3, vm5  }
0x170: {  	vm3 =	vmand vm3, vm13;
	v28 =	vadd.f32 v33, v28;
	[tilespmem:s19+$0xE040] =	vst v26;
	v26 =	vsub.f32 v36, v2  }
0x171: {  	v29 =	vadd.f32 v34, v29;
	[tilespmem:s19+$0xE0C0] =	vst v27;
	v27 =	vnsel vm14, $0x0, v0;
	v30 =	vsub.f32 v36, v47  }
0x172: {  	[tilespmem:s14+$0xE070] =	vst v35;
	v33 =	vsub.f32 v3, v61;
	v26 =	vmul.f32 v26, v27;
	v27 =	vsel vm15, $0x0, v0  }
0x173: {  	v34 =	vsub.f32 v3, v59;
	[tilespmem:s19+$0x10040] =	vst v28;
	v28 =	vsub.f32 v36, v48;
	v27 =	vmul.f32 v30, v27  }
0x174: {  	v18 =	vld [tilespmem:s17+$0x6070];
	[tilespmem:s19+$0x100C0] =	vst v29;
	v30 =	vsub.f32 v36, v32;
	v29 =	vadd.f32 v26, v2;
	v26 =	vnsel vm5, $0x0, v0  }
0x175: {  	[tilespmem:s14+$0xE0F0] =	vst v23;
	v23 =	vnsel vm3, $0x0, v0;
	v19 =	vsub.f32 v3, v60;
	v35 =	vld [tilespmem:s28+$0x2050];
	v28 =	vmul.f32 v28, v26  }
0x176: {  	[tilespmem:s14+$0x10070] =	vst v22;
	v31 =	vld [tilespmem:s28+$0x4050];
	v37 =	vadd.f32 v27, v47;
	v27 =	vsub.f32 v3, v58;
	v26 =	vmul.f32 v30, v23  }
0x177: {  	v46 =	vmovc v9;
	s13 =	sshll.u32 s12, $0x1;
	v36 =	vld [tilespmem:s28+$0x50];
	v30 =	vnsel vm2, $0x0, v0;
	[tilespmem:s17+$0xE060] =	vst v29;
	v29 =	vsel vm12, $0x0, v0;
	v28 =	vadd.f32 v28, v48  }
.LBB2_3:
0x178: {  	_ = 	snop  }
0x179: {  	v1 =	vnsel vm1, $0x0, v0;
	[tilespmem:s17+$0xE0E0] =	vst v37  }
0x17a: {  	[tilespmem:$0x1FF00] =	vst v1;
	v1 =	vld [tilespmem:$0x1FFF0]  }
0x17b: {  	v53 =	vld [tilespmem:s17+$0x80F0];
	v2 =	vmov v17;
	v51 =	vadd.f32 v26, v32;
	[tilespmem:s17+$0x10060] =	vst v28;
	v30 =	vmul.f32 v33, v30  }
0x17c: {  	v25 =	vnsel vm0, $0x0, v0;
	v32 =	vld [tilespmem:s17+$0x60F0];
	v3 =	vmul.f32 v34, v29;
	[tilespmem:$0x1FEE0] =	vst v2  }
0x17d: {  	s18 =	sadd.s32 $0x2, s18;
	v28 =	vld [tilespmem:s17+$0x8070];
	v2 =	vmul.f32 v27, v25;
	[tilespmem:s17+$0x100E0] =	vst v51;
	v30 =	vadd.f32 v30, v61;
	vm3 =	veq.s32 v35, $0x0  }
0x17e: {  	s0 =	sand.u32 $0x2, s18;
	vm2 =	vne.s32 v35, $0x0;
	v52 =	vor.u32 v36, v35;
	v55 =	vld [tilespmem:s15+$0x2070];
	v24 =	vsel vm3, v7, v45  }
0x17f: {  	s1 =	sshrl.u32 s18, $0x2;
	s6 =	sor.u32 $0x1, s0;
	vm0 =	vne.s32 v36, $0x0;
	v29 =	vld [tilespmem:s15+$0x70];
	vm1 =	veq.s32 v52, $0x0;
	v24 =	vmul.f32 v24, v1  }
0x180: {  	[tilespmem:$0x1FF20] =	vst v59;
	s7 =	sshll.u32 s1, $0x7;
	s11 =	sshll.u32 s6, $0xA;
	vm4 =	vmor vm0, vm3;
	vm3 =	vmand vm0, vm3;
	vm0 =	vmand vm0, vm2  }
0x181: {  	[tilespmem:$0x1FF40] =	vst v58;
	s14 =	sshll.u32 s1, $0xA;
	s6 =	sshll.u32 s6, $0x8;
	s20 =	sadd.s32 s7, s11;
	v58 =	vld [tilespmem:s15+$0x4070];
	v38 =	vsel vm4, $0x0, v0;
	v39 =	vnsel vm3, $0x0, v0;
	v24 =	vadd.f32 v24, v31  }
0x182: {  	[tilespmem:$0x1FF60] =	vst v60;
	s6 =	sor.u32 s14, s6;
	v37 =	vld [tilespmem:s20+$0x2000];
	v56 =	vnsel vm0, $0x0, v0;
	v59 =	vmax.f32 v18, v32;
	v60 =	vmax.f32 v28, v53  }
0x183: {  	[tilespmem:$0x1FED0] =	vst v46;
	v46 =	vld [tilespmem:s6+$0x8000];
	v31 =	vnsel vm1, $0x0, v0;
	vm0 =	veq.s32 v55, $0x0;
	v57 =	vsub.f32 v24, v13  }
0x184: {  	v48 =	vld [tilespmem:s6+$0x8080];
	vm6 =	vne.s32 v29, $0x0;
	vm1 =	vne.s32 v55, $0x0;
	v42 =	vsub.f32 v24, v14  }
0x185: {  	[tilespmem:$0x1FF50] =	vst v44;
	v44 =	vld [tilespmem:s6+$0x6000];
	v43 =	vsub.f32 v24, v15;
	v34 =	vsel vm0, v59, v60;
	v31 =	vmul.f32 v57, v31  }
0x186: {  	s2 =	sshll.u32 s0, $0xA;
	s15 =	smov.u32 s20;
	v47 =	vld [tilespmem:s6+$0x6080];
	v24 =	vsub.f32 v24, v16;
	v34 =	vmul.f32 v34, v1;
	v38 =	vmul.f32 v42, v38  }
0x187: {  	s0 =	sshll.u32 s0, $0x8;
	s31 =	sadd.s32 s7, s2;
	v27 =	vld [tilespmem:s15+$0x4000];
	vm1 =	vmand vm6, vm1;
	v39 =	vmul.f32 v43, v39;
	v17 =	vadd.f32 v31, v13  }
0x188: {  	s1 =	sor.u32 s0, s14;
	v24 =	vmul.f32 v24, v56;
	v9 =	vadd.f32 v34, v58;
	v14 =	vadd.f32 v38, v14;
	v31 =	vld [tilespmem:s31+$0x2000];
	[tilespmem:s16+$0xE070] =	vst v30  }
0x189: {  	vm5 =	veq.s32 v37, $0x0;
	v10 =	vmax.f32 v46, v48;
	v15 =	vadd.f32 v39, v15;
	v13 =	vld [tilespmem:s1+$0x6000];
	[tilespmem:s19+$0xE050] =	vst v17  }
0x18a: {  	vm7 =	vne.s32 v37, $0x0;
	v16 =	vadd.f32 v24, v16;
	v24 =	vld [tilespmem:s15+$0x0];
	[tilespmem:s19+$0xE0D0] =	vst v14;
	v17 =	vsub.f32 v9, v53  }
0x18b: {  	v25 =	vnsel vm1, $0x0, v0;
	vm1 =	vmor vm6, vm0;
	v30 =	vmax.f32 v44, v47;
	[tilespmem:s19+$0x10050] =	vst v15  }
0x18c: {  	v14 =	vor.u32 v29, v55;
	v29 =	vld [tilespmem:s1+$0x6080];
	[tilespmem:s19+$0x100D0] =	vst v16;
	v16 =	vmul.f32 v17, v25;
	v17 =	vsel vm5, v30, v10  }
0x18d: {  	[tilespmem:$0x1FF30] =	vst v2;
	vm0 =	vmand vm6, vm0;
	v2 =	vsub.f32 v9, v28;
	v17 =	vmul.f32 v17, v1  }
0x18e: {  	v15 =	vsub.f32 v9, v18;
	vm2 =	veq.s32 v14, $0x0;
	v25 =	vsub.f32 v9, v32  }
0x18f: {  	v55 =	vor.u32 v24, v37;
	v16 =	vadd.f32 v16, v53;
	v27 =	vadd.f32 v17, v27  }
0x190: {  	v39 =	vld [tilespmem:s1+$0x8000];
	vm4 =	veq.s32 v31, $0x0;
	vm12 =	vne.s32 v24, $0x0;
	vm8 =	veq.s32 v55, $0x0  }
0x191: {  	v30 =	vld [tilespmem:s1+$0x8080];
	vm9 =	vmor vm12, vm5;
	vm5 =	vmand vm12, vm5;
	[tilespmem:s17+$0x100F0] =	vst v16;
	v16 =	vsub.f32 v27, v44  }
0x192: {  	v14 =	vld [tilespmem:s31+$0x0];
	vm6 =	vmand vm12, vm7;
	v24 =	vnsel vm8, $0x0, v0;
	v56 =	vsub.f32 v27, v47  }
0x193: {  	v57 =	vsel vm9, $0x0, v0;
	v16 =	vmul.f32 v16, v24;
	v24 =	vsub.f32 v27, v46  }
0x194: {  	v11 =	vld [tilespmem:s31+$0x4000];
	v58 =	vnsel vm5, $0x0, v0;
	v36 =	vmul.f32 v56, v57;
	v27 =	vsub.f32 v27, v48  }
0x195: {  	v35 =	vld [tilespmem:s1+$0x6030];
	v59 =	vnsel vm6, $0x0, v0;
	v16 =	vadd.f32 v16, v44;
	v24 =	vmul.f32 v24, v58  }
0x196: {  	[tilespmem:$0x1FF80] =	vst v40;
	v60 =	vmax.f32 v13, v29;
	v40 =	vld [tilespmem:s6+$0x6090];
	v36 =	vadd.f32 v36, v47;
	v27 =	vmul.f32 v27, v59  }
0x197: {  	vm13 =	vne.s32 v14, $0x0;
	v61 =	vmax.f32 v39, v30;
	v49 =	vld [tilespmem:s6+$0x8090];
	[tilespmem:s6+$0xE000] =	vst v16;
	v16 =	vadd.f32 v24, v46  }
0x198: {  	v14 =	vor.u32 v14, v31;
	v37 =	vsel vm4, v60, v61;
	v24 =	vld [tilespmem:s6+$0x6010];
	[tilespmem:s6+$0xE080] =	vst v36;
	v27 =	vadd.f32 v27, v48  }
0x199: {  	vm3 =	vne.s32 v31, $0x0;
	vm14 =	veq.s32 v14, $0x0;
	v31 =	vmul.f32 v37, v1;
	v36 =	vld [tilespmem:s1+$0x60B0];
	[tilespmem:s6+$0x10000] =	vst v16  }
0x19a: {  	vm15 =	vmor vm13, vm4;
	vm4 =	vmand vm13, vm4;
	vm3 =	vmand vm13, vm3;
	v16 =	vld [tilespmem:s6+$0x8010];
	[tilespmem:s6+$0x10080] =	vst v27  }
0x19b: {  	v14 =	vnsel vm14, $0x0, v0;
	v37 =	vnsel vm4, $0x0, v0;
	v27 =	vadd.f32 v31, v11;
	v45 =	vld [tilespmem:s15+$0x2010]  }
0x19c: {  	v38 =	vnsel vm3, $0x0, v0;
	v58 =	vnsel vm2, $0x0, v0;
	v59 =	vsel vm1, $0x0, v0  }
0x19d: {  	v51 =	vld [tilespmem:s1+$0x8090];
	v31 =	vsel vm15, $0x0, v0;
	v9 =	vsub.f32 v27, v13;
	v10 =	vsub.f32 v27, v29  }
0x19e: {  	v57 =	vld [tilespmem:s15+$0x10];
	v11 =	vsub.f32 v27, v39;
	v27 =	vsub.f32 v27, v30;
	v34 =	vmax.f32 v24, v40  }
0x19f: {  	[tilespmem:$0x1FF10] =	vst v3;
	v33 =	vld [tilespmem:s15+$0x4010];
	v3 =	vmax.f32 v35, v36;
	v14 =	vmul.f32 v9, v14;
	v31 =	vmul.f32 v10, v31  }
0x1a0: {  	[tilespmem:$0x1FF90] =	vst v41;
	v26 =	vld [tilespmem:s1+$0x6050];
	v27 =	vmul.f32 v27, v38;
	v41 =	vmax.f32 v16, v49;
	vm1 =	veq.s32 v45, $0x0  }
0x1a1: {  	v23 =	vmovc v54;
	v53 =	vld [tilespmem:s1+$0x6090];
	v48 =	vmul.f32 v11, v37;
	v13 =	vadd.f32 v14, v13;
	v54 =	vsel vm1, v34, v41  }
0x1a2: {  	v14 =	vadd.f32 v31, v29;
	v9 =	vadd.f32 v27, v30;
	v27 =	vld [tilespmem:s1+$0x6040];
	v31 =	vmul.f32 v54, v1  }
0x1a3: {  	[tilespmem:$0x1FEF0] =	vst v2;
	v39 =	vadd.f32 v48, v39;
	v29 =	vld [tilespmem:s1+$0x60C0];
	v48 =	vnsel vm0, $0x0, v0;
	vm0 =	vne.s32 v57, $0x0  }
0x1a4: {  	v30 =	vld [tilespmem:s1+$0x8040];
	vm2 =	vne.s32 v45, $0x0;
	vm9 =	vmor vm0, vm1;
	[tilespmem:s1+$0xE000] =	vst v13;
	v47 =	vadd.f32 v31, v33  }
0x1a5: {  	vm1 =	vmand vm0, vm1;
	vm0 =	vmand vm0, vm2;
	v13 =	vor.u32 v57, v45;
	[tilespmem:s1+$0xE080] =	vst v14;
	v31 =	vld [tilespmem:s1+$0x80C0]  }
0x1a6: {  	v55 =	vld [tilespmem:s1+$0x8010];
	[tilespmem:s1+$0x10000] =	vst v39;
	v11 =	vsel vm9, $0x0, v0;
	vm3 =	veq.s32 v13, $0x0;
	v14 =	vsub.f32 v47, v24  }
0x1a7: {  	v17 =	vld [tilespmem:s1+$0x6010];
	[tilespmem:s1+$0x10080] =	vst v9;
	v2 =	vnsel vm0, $0x0, v0;
	v10 =	vnsel vm3, $0x0, v0;
	v45 =	vsub.f32 v47, v40  }
0x1a8: {  	v57 =	vld [tilespmem:s31+$0x2010];
	v39 =	vsub.f32 v47, v16;
	v47 =	vsub.f32 v47, v49;
	v14 =	vmul.f32 v14, v10  }
0x1a9: {  	[tilespmem:$0x1FF70] =	vst v3;
	v9 =	vld [tilespmem:s31+$0x4010];
	v3 =	vmax.f32 v27, v29;
	v10 =	vnsel vm1, $0x0, v0;
	v60 =	vmul.f32 v45, v11  }
0x1aa: {  	v13 =	vld [tilespmem:s1+$0x60D0];
	[tilespmem:$0x1FFA0] =	vst v3;
	v2 =	vmul.f32 v47, v2;
	v3 =	vmax.f32 v30, v31;
	v24 =	vadd.f32 v14, v24  }
0x1ab: {  	v33 =	vmov v62;
	v11 =	vld [tilespmem:s31+$0x10];
	v62 =	vmul.f32 v39, v10;
	v40 =	vadd.f32 v60, v40;
	[tilespmem:$0x1FFB0] =	vst v3  }
0x1ac: {  	v56 =	vmax.f32 v55, v51;
	v60 =	vld [tilespmem:s6+$0x6020];
	v2 =	vadd.f32 v2, v49;
	[tilespmem:s6+$0xE010] =	vst v24  }
0x1ad: {  	v52 =	vmax.f32 v17, v53;
	vm1 =	veq.s32 v57, $0x0;
	v3 =	vld [tilespmem:s6+$0x8020];
	v16 =	vadd.f32 v62, v16;
	[tilespmem:s6+$0xE090] =	vst v40  }
0x1ae: {  	vm0 =	vne.s32 v57, $0x0;
	v62 =	vld [tilespmem:s6+$0x60A0];
	v24 =	vsel vm1, v52, v56;
	[tilespmem:s6+$0x10090] =	vst v2  }
0x1af: {  	v6 =	vmax.f32 v26, v13;
	v49 =	vmul.f32 v15, v58;
	v2 =	vld [tilespmem:s6+$0x80A0];
	[tilespmem:s6+$0x10010] =	vst v16;
	v15 =	vmul.f32 v24, v1  }
0x1b0: {  	v52 =	vmul.f32 v25, v59;
	vm2 =	vne.s32 v11, $0x0;
	v16 =	vor.u32 v11, v57;
	v56 =	vld [tilespmem:s15+$0x2020]  }
0x1b1: {  	vm3 =	veq.s32 v16, $0x0;
	vm10 =	vmor vm2, vm1;
	v40 =	vadd.f32 v15, v9  }
0x1b2: {  	v42 =	vld [tilespmem:s1+$0x6020];
	vm1 =	vmand vm2, vm1;
	vm0 =	vmand vm2, vm0;
	v57 =	vnsel vm3, $0x0, v0  }
0x1b3: {  	v43 =	vld [tilespmem:s1+$0x60A0];
	v41 =	vsel vm10, $0x0, v0;
	v39 =	vnsel vm0, $0x0, v0;
	v4 =	vsub.f32 v40, v17  }
0x1b4: {  	v9 =	vld [tilespmem:s15+$0x4020];
	v25 =	vmax.f32 v60, v62;
	v5 =	vsub.f32 v40, v53;
	v7 =	vsub.f32 v40, v55  }
0x1b5: {  	[tilespmem:$0x1FFD0] =	vst v6;
	v6 =	vld [tilespmem:s15+$0x20];
	v8 =	vsub.f32 v40, v51;
	v40 =	vmax.f32 v3, v2;
	vm0 =	veq.s32 v56, $0x0  }
0x1b6: {  	v61 =	vld [tilespmem:s1+$0x60E0];
	v4 =	vmul.f32 v4, v57;
	v5 =	vmul.f32 v5, v41;
	v41 =	vsel vm0, v25, v40  }
0x1b7: {  	v44 =	vld [tilespmem:s1+$0x8020];
	v45 =	vnsel vm1, $0x0, v0;
	v57 =	vmul.f32 v41, v1  }
0x1b8: {  	v46 =	vld [tilespmem:s1+$0x80A0];
	v7 =	vmul.f32 v7, v45;
	v4 =	vadd.f32 v4, v17  }
0x1b9: {  	v10 =	vld [tilespmem:s28+$0x2060];
	v8 =	vmul.f32 v8, v39;
	v5 =	vadd.f32 v5, v53;
	v9 =	vadd.f32 v57, v9  }
0x1ba: {  	v14 =	vld [tilespmem:$0x1FFE0];
	vm1 =	vne.s32 v6, $0x0;
	v7 =	vadd.f32 v7, v55;
	v17 =	vor.u32 v6, v56;
	[tilespmem:s1+$0xE010] =	vst v4  }
0x1bb: {  	vm2 =	vne.s32 v56, $0x0;
	vm3 =	veq.s32 v17, $0x0;
	v4 =	vld [tilespmem:s28+$0x4060];
	[tilespmem:s1+$0xE090] =	vst v5;
	v5 =	vsub.f32 v9, v60  }
0x1bc: {  	vm11 =	vmor vm1, vm0;
	vm0 =	vmand vm1, vm0;
	v6 =	vld [tilespmem:s28+$0x60];
	[tilespmem:s1+$0x10010] =	vst v7;
	v7 =	vnsel vm3, $0x0, v0  }
0x1bd: {  	v59 =	vld [tilespmem:s1+$0x8060];
	v40 =	vsel vm11, $0x0, v0;
	v39 =	vsub.f32 v9, v62;
	v5 =	vmul.f32 v5, v7  }
0x1be: {  	v34 =	vmovc v63;
	v11 =	vld [tilespmem:s1+$0x6060];
	vm1 =	vmand vm1, vm2;
	v63 =	vnsel vm0, $0x0, v0;
	v7 =	vsub.f32 v9, v3  }
0x1bf: {  	v25 =	vld [tilespmem:$0x1FED0];
	v53 =	vmul.f32 v39, v40;
	v9 =	vsub.f32 v9, v2;
	v5 =	vadd.f32 v5, v60  }
0x1c0: {  	v55 =	vld [tilespmem:s1+$0x80E0];
	v8 =	vadd.f32 v8, v51;
	v40 =	vmovc v18;
	v18 =	vnsel vm1, $0x0, v0;
	v7 =	vmul.f32 v7, v63  }
0x1c1: {  	vm0 =	veq.s32 v10, $0x0;
	v41 =	vadd.f32 v53, v62;
	v9 =	vmul.f32 v9, v18;
	[tilespmem:s6+$0xE020] =	vst v5;
	v5 =	vld [tilespmem:s6+$0x6030]  }
0x1c2: {  	[tilespmem:s1+$0x10090] =	vst v8;
	vm1 =	vne.s32 v6, $0x0;
	v6 =	vor.u32 v6, v10;
	v3 =	vadd.f32 v7, v3;
	v7 =	vld [tilespmem:s6+$0x60B0]  }
0x1c3: {  	v22 =	vmovc v50;
	v53 =	vsel vm0, v21, v12;
	[tilespmem:s6+$0xE0A0] =	vst v41;
	v2 =	vadd.f32 v9, v2;
	vm12 =	veq.s32 v6, $0x0;
	v6 =	vld [tilespmem:s31+$0x2020]  }
0x1c4: {  	v50 =	vmax.f32 v42, v43;
	v54 =	vmax.f32 v44, v46;
	v9 =	vmul.f32 v53, v1;
	[tilespmem:s6+$0x10020] =	vst v3;
	v3 =	vld [tilespmem:s6+$0x8030]  }
0x1c5: {  	vm2 =	vne.s32 v10, $0x0;
	v18 =	vmax.f32 v11, v61;
	v12 =	vmax.f32 v59, v55;
	[tilespmem:s6+$0x100A0] =	vst v2;
	v2 =	vld [tilespmem:s6+$0x80B0]  }
0x1c6: {  	vm3 =	vmor vm1, vm0;
	vm0 =	vmand vm1, vm0;
	v4 =	vadd.f32 v9, v4;
	v8 =	vld [tilespmem:s15+$0x2030]  }
0x1c7: {  	v39 =	vmovc v18;
	vm1 =	vmand vm1, vm2;
	v10 =	vsel vm3, $0x0, v0;
	v18 =	vnsel vm0, $0x0, v0  }
0x1c8: {  	[tilespmem:$0x1FFC0] =	vst v12;
	v62 =	vnsel vm1, $0x0, v0;
	v63 =	vsub.f32 v4, v22;
	v12 =	vsub.f32 v4, v23  }
0x1c9: {  	v9 =	vnsel vm12, $0x0, v0;
	v41 =	vmovc v19;
	v19 =	vld [tilespmem:s15+$0x30];
	v20 =	vsub.f32 v4, v14;
	v4 =	vsub.f32 v4, v25  }
0x1ca: {  	v21 =	vld [tilespmem:s15+$0x4030];
	vm0 =	vne.s32 v6, $0x0;
	vm1 =	veq.s32 v6, $0x0;
	v9 =	vmul.f32 v63, v9  }
0x1cb: {  	v37 =	vld [tilespmem:s1+$0x8030];
	v63 =	vmax.f32 v5, v7;
	v17 =	vmax.f32 v3, v2;
	vm2 =	veq.s32 v8, $0x0  }
0x1cc: {  	v38 =	vld [tilespmem:s1+$0x80B0];
	v10 =	vmul.f32 v12, v10;
	v18 =	vmul.f32 v20, v18;
	v17 =	vsel vm2, v63, v17  }
0x1cd: {  	v58 =	vld [tilespmem:s1+$0x60F0];
	v54 =	vsel vm1, v50, v54;
	v4 =	vmul.f32 v4, v62;
	v17 =	vmul.f32 v17, v1  }
0x1ce: {  	v12 =	vld [tilespmem:s31+$0x20];
	v20 =	vmul.f32 v54, v1;
	v9 =	vadd.f32 v9, v22;
	v10 =	vadd.f32 v10, v23  }
0x1cf: {  	v24 =	vld [tilespmem:s1+$0x8050];
	v50 =	vmovc v11;
	vm3 =	vne.s32 v19, $0x0;
	vm13 =	vne.s32 v8, $0x0;
	v11 =	vadd.f32 v17, v21  }
0x1d0: {  	v60 =	vld [tilespmem:s31+$0x4020];
	vm15 =	vmor vm3, vm2;
	vm2 =	vmand vm3, vm2;
	v17 =	vor.u32 v19, v8  }
0x1d1: {  	v16 =	vld [tilespmem:s1+$0x80D0];
	vm3 =	vmand vm3, vm13;
	vm14 =	veq.s32 v17, $0x0;
	v8 =	vsub.f32 v11, v5  }
0x1d2: {  	v15 =	vld [tilespmem:s1+$0x6070];
	v19 =	vnsel vm2, $0x0, v0;
	v63 =	vnsel vm14, $0x0, v0;
	v62 =	vsub.f32 v11, v7  }
0x1d3: {  	v56 =	vld [tilespmem:s1+$0x80F0];
	vm2 =	vne.s32 v12, $0x0;
	v17 =	vsel vm15, $0x0, v0;
	v8 =	vmul.f32 v8, v63  }
0x1d4: {  	v57 =	vld [tilespmem:s1+$0x8070];
	[tilespmem:s19+$0xE0E0] =	vst v10;
	v63 =	vsub.f32 v11, v3;
	v10 =	vmul.f32 v62, v17;
	v11 =	vsub.f32 v11, v2  }
0x1d5: {  	vm9 =	vmor vm2, vm1;
	v62 =	vadd.f32 v20, v60;
	v5 =	vadd.f32 v8, v5  }
0x1d6: {  	[tilespmem:s19+$0xE060] =	vst v9;
	v17 =	vnsel vm3, $0x0, v0;
	v8 =	vmul.f32 v63, v19;
	v7 =	vadd.f32 v10, v7  }
0x1d7: {  	vm1 =	vmand vm2, vm1;
	v63 =	vmul.f32 v11, v17;
	v60 =	vsub.f32 v62, v44;
	[tilespmem:s6+$0xE030] =	vst v5;
	v5 =	vld [tilespmem:s6+$0x6040]  }
0x1d8: {  	vm0 =	vmand vm2, vm0;
	v9 =	vsub.f32 v62, v46;
	v3 =	vadd.f32 v8, v3;
	[tilespmem:s6+$0xE0B0] =	vst v7;
	v7 =	vld [tilespmem:s6+$0x60C0]  }
0x1d9: {  	v20 =	vnsel vm0, $0x0, v0;
	v2 =	vadd.f32 v63, v2;
	v63 =	vadd.f32 v18, v14;
	v14 =	vmovc v13;
	v13 =	vld [tilespmem:$0x1FEF0]  }
0x1da: {  	v6 =	vor.u32 v12, v6;
	v17 =	vnsel vm1, $0x0, v0;
	v9 =	vmul.f32 v9, v20;
	[tilespmem:s6+$0x10030] =	vst v3;
	v3 =	vld [tilespmem:s6+$0x8040]  }
0x1db: {  	v21 =	vsel vm9, $0x0, v0;
	v8 =	vsub.f32 v62, v43;
	v10 =	vmul.f32 v60, v17;
	[tilespmem:s6+$0x100B0] =	vst v2;
	v2 =	vld [tilespmem:s6+$0x80C0]  }
0x1dc: {  	v12 =	vmovc v59;
	vm3 =	veq.s32 v6, $0x0;
	v6 =	vsub.f32 v62, v42;
	v9 =	vadd.f32 v9, v46;
	v46 =	vld [tilespmem:$0x1FF00]  }
0x1dd: {  	[tilespmem:$0x1FFE0] =	vst v12;
	v62 =	vnsel vm3, $0x0, v0;
	v8 =	vmul.f32 v8, v21;
	v10 =	vadd.f32 v10, v44;
	v19 =	vld [tilespmem:s15+$0x2040]  }
0x1de: {  	v6 =	vmul.f32 v6, v62;
	[tilespmem:s19+$0x10060] =	vst v63;
	v12 =	vld [tilespmem:s15+$0x40]  }
0x1df: {  	v18 =	vld [tilespmem:s15+$0x4040];
	v8 =	vadd.f32 v8, v43;
	[tilespmem:s1+$0x10020] =	vst v10  }
0x1e0: {  	v6 =	vadd.f32 v6, v42;
	[tilespmem:s1+$0x100A0] =	vst v9;
	v17 =	vmul.f32 v13, v48;
	v13 =	vld [tilespmem:$0x1FF20]  }
0x1e1: {  	v4 =	vadd.f32 v4, v25;
	[tilespmem:s1+$0xE0A0] =	vst v8;
	v8 =	vadd.f32 v49, v40;
	v49 =	vld [tilespmem:$0x1FF10]  }
0x1e2: {  	[tilespmem:s1+$0xE020] =	vst v6;
	v6 =	vmax.f32 v5, v7;
	v20 =	vmax.f32 v3, v2;
	vm0 =	veq.s32 v19, $0x0  }
0x1e3: {  	v21 =	vld [tilespmem:s31+$0x2030];
	v6 =	vsel vm0, v6, v20  }
0x1e4: {  	v51 =	vmax.f32 v57, v56;
	[tilespmem:s19+$0x100E0] =	vst v4;
	v4 =	vld [tilespmem:$0x1FF60];
	v6 =	vmul.f32 v6, v1  }
0x1e5: {  	v48 =	vadd.f32 v52, v32;
	v11 =	vmul.f32 v41, v46;
	v17 =	vadd.f32 v17, v28;
	v20 =	vld [tilespmem:$0x1FF40]  }
0x1e6: {  	vm1 =	vne.s32 v12, $0x0;
	v9 =	vadd.f32 v49, v13;
	v13 =	vld [tilespmem:$0x1FF30];
	v6 =	vadd.f32 v6, v18  }
0x1e7: {  	v52 =	vld [tilespmem:s31+$0x4030];
	vm2 =	vne.s32 v19, $0x0;
	vm10 =	vmor vm1, vm0;
	v18 =	vor.u32 v12, v19  }
0x1e8: {  	[tilespmem:s17+$0xE070] =	vst v8;
	v8 =	vld [tilespmem:s31+$0x30];
	vm0 =	vmand vm1, vm0;
	vm3 =	veq.s32 v18, $0x0;
	v18 =	vsub.f32 v6, v7  }
0x1e9: {  	v22 =	vld [tilespmem:s28+$0x4070];
	vm1 =	vmand vm1, vm2;
	[tilespmem:s17+$0x10070] =	vst v17;
	v17 =	vsel vm10, $0x0, v0;
	v12 =	vsub.f32 v6, v5  }
0x1ea: {  	v46 =	vmovc v55;
	v4 =	vadd.f32 v11, v4;
	v19 =	vld [tilespmem:s28+$0x2070];
	[tilespmem:s16+$0xE0F0] =	vst v9;
	v55 =	vnsel vm3, $0x0, v0;
	v17 =	vmul.f32 v18, v17  }
0x1eb: {  	v20 =	vadd.f32 v13, v20;
	v10 =	vmul.f32 v12, v55;
	v12 =	vsub.f32 v6, v3;
	v18 =	vld [tilespmem:s28+$0x70]  }
0x1ec: {  	v63 =	vmovc v56;
	v56 =	vnsel vm0, $0x0, v0;
	v6 =	vsub.f32 v6, v2;
	[tilespmem:s16+$0x100F0] =	vst v4;
	v4 =	vadd.f32 v17, v7;
	v7 =	vld [tilespmem:$0x1FF70]  }
0x1ed: {  	[tilespmem:s16+$0x10070] =	vst v20;
	v20 =	vnsel vm1, $0x0, v0;
	v5 =	vadd.f32 v10, v5;
	v9 =	vmul.f32 v12, v56  }
0x1ee: {  	[tilespmem:s17+$0xE0F0] =	vst v48;
	s17 =	smov.u32 s6;
	v6 =	vmul.f32 v6, v20  }
0x1ef: {  	[tilespmem:s17+$0xE040] =	vst v5;
	v3 =	vadd.f32 v9, v3  }
0x1f0: {  	v47 =	vmax.f32 v37, v38;
	vm0 =	veq.s32 v21, $0x0;
	v5 =	vld [tilespmem:s17+$0x6050];
	[tilespmem:s17+$0xE0C0] =	vst v4;
	v2 =	vadd.f32 v6, v2  }
0x1f1: {  	[tilespmem:s17+$0x10040] =	vst v3;
	v3 =	vld [tilespmem:s17+$0x8050];
	v7 =	vsel vm0, v7, v47  }
0x1f2: {  	vm1 =	vne.s32 v8, $0x0;
	[tilespmem:s17+$0x100C0] =	vst v2;
	v2 =	vld [tilespmem:s17+$0x80D0];
	v7 =	vmul.f32 v7, v1  }
0x1f3: {  	vm2 =	vne.s32 v21, $0x0;
	vm3 =	vmor vm1, vm0;
	v32 =	vld [tilespmem:s15+$0x2050]  }
0x1f4: {  	v4 =	vld [tilespmem:s17+$0x60D0];
	v6 =	vor.u32 v8, v21;
	v8 =	vsel vm3, $0x0, v0;
	v7 =	vadd.f32 v7, v52  }
0x1f5: {  	vm11 =	veq.s32 v6, $0x0;
	vm0 =	vmand vm1, vm0;
	vm1 =	vmand vm1, vm2  }
0x1f6: {  	v21 =	vld [tilespmem:$0x1FF90];
	v6 =	vnsel vm11, $0x0, v0;
	v12 =	vsub.f32 v7, v35;
	v17 =	vsub.f32 v7, v36  }
0x1f7: {  	v60 =	vmovc v34;
	v62 =	vmovc v57;
	v57 =	vnsel vm0, $0x0, v0;
	v34 =	vld [tilespmem:s15+$0x4050];
	v20 =	vsub.f32 v7, v37;
	v7 =	vsub.f32 v7, v38  }
0x1f8: {  	v23 =	vmax.f32 v3, v2;
	vm4 =	veq.s32 v32, $0x0;
	v6 =	vmul.f32 v12, v6;
	v12 =	vld [tilespmem:s15+$0x50]  }
0x1f9: {  	v8 =	vmul.f32 v17, v8;
	v17 =	vld [tilespmem:$0x1FF80];
	v9 =	vmul.f32 v20, v57;
	v20 =	vmax.f32 v5, v4  }
0x1fa: {  	v53 =	vmax.f32 v15, v58;
	v44 =	vmovc v58;
	v58 =	vmovc v33;
	v33 =	vnsel vm1, $0x0, v0;
	v20 =	vsel vm4, v20, v23  }
0x1fb: {  	v7 =	vmul.f32 v7, v33;
	v8 =	vadd.f32 v8, v36;
	v20 =	vmul.f32 v20, v1  }
0x1fc: {  	s16 =	smov.u32 s19;
	s19 =	smov.u32 s1;
	vm3 =	vne.s32 v19, $0x0;
	vm0 =	veq.s32 v19, $0x0;
	v6 =	vadd.f32 v6, v35  }
0x1fd: {  	vm13 =	vne.s32 v32, $0x0;
	v7 =	vadd.f32 v7, v38;
	[tilespmem:s19+$0xE0B0] =	vst v8;
	v8 =	vadd.f32 v20, v34  }
0x1fe: {  	v9 =	vadd.f32 v9, v37;
	v17 =	vsel vm0, v17, v21;
	v37 =	vor.u32 v12, v32  }
0x1ff: {  	[tilespmem:s19+$0x100B0] =	vst v7;
	vm12 =	vne.s32 v12, $0x0;
	vm14 =	veq.s32 v37, $0x0;
	v7 =	vsub.f32 v8, v5  }
0x200: {  	[tilespmem:s19+$0xE030] =	vst v6;
	v6 =	vmul.f32 v17, v1;
	vm15 =	vmor vm12, vm4;
	v38 =	vnsel vm14, $0x0, v0  }
0x201: {  	v54 =	vmovc v61;
	v61 =	vld [tilespmem:$0x1FEE0];
	vm4 =	vmand vm12, vm4;
	v42 =	vsub.f32 v8, v3;
	v7 =	vmul.f32 v7, v38  }
0x202: {  	v43 =	vld [tilespmem:$0x1FFB0];
	[tilespmem:s19+$0x10030] =	vst v9;
	v17 =	vor.u32 v18, v19;
	vm5 =	vmand vm12, vm13;
	v19 =	vnsel vm4, $0x0, v0  }
0x203: {  	v13 =	vld [tilespmem:$0x1FF50];
	s28 =	smov.u32 s31;
	v21 =	vmovc v39;
	v39 =	vsub.f32 v8, v4;
	v5 =	vadd.f32 v7, v5;
	v7 =	vmul.f32 v42, v19  }
0x204: {  	v9 =	vld [tilespmem:s28+$0x2040];
	v8 =	vsub.f32 v8, v2;
	vm2 =	veq.s32 v17, $0x0;
	v17 =	vsel vm15, $0x0, v0  }
0x205: {  	v11 =	vmul.f32 v39, v17;
	v17 =	vnsel vm5, $0x0, v0;
	v3 =	vadd.f32 v7, v3;
	v7 =	vld [tilespmem:$0x1FFA0]  }
0x206: {  	vm1 =	vne.s32 v18, $0x0;
	v18 =	vld [tilespmem:s28+$0x40];
	v8 =	vmul.f32 v8, v17  }
0x207: {  	v12 =	vld [tilespmem:s28+$0x4040];
	v4 =	vadd.f32 v11, v4  }
0x208: {  	v32 =	vld [tilespmem:s17+$0x80E0];
	v6 =	vadd.f32 v6, v22;
	v2 =	vadd.f32 v8, v2;
	[tilespmem:s17+$0xE050] =	vst v5  }
0x209: {  	v45 =	vmax.f32 v24, v16;
	vm12 =	veq.s32 v9, $0x0;
	v5 =	vld [tilespmem:s17+$0x6060];
	[tilespmem:s17+$0xE0D0] =	vst v4  }
0x20a: {  	vm4 =	vne.s32 v9, $0x0;
	v33 =	vsub.f32 v6, v61;
	v4 =	vld [tilespmem:s17+$0x60E0];
	[tilespmem:s17+$0x100D0] =	vst v2;
	v7 =	vsel vm12, v7, v43  }
0x20b: {  	v59 =	vmovc v13;
	vm13 =	vne.s32 v18, $0x0;
	v8 =	vor.u32 v18, v9;
	[tilespmem:s17+$0x10050] =	vst v3;
	v3 =	vld [tilespmem:s17+$0x8060];
	v7 =	vmul.f32 v7, v1  }
0x20c: {  	v34 =	vsub.f32 v6, v59;
	vm14 =	veq.s32 v8, $0x0;
	vm15 =	vmor vm13, vm12;
	v8 =	vld [tilespmem:s15+$0x2060]  }
0x20d: {  	vm5 =	vmand vm13, vm12;
	vm4 =	vmand vm13, vm4;
	v19 =	vld [tilespmem:s15+$0x60];
	v2 =	vadd.f32 v7, v12  }
0x20e: {  	v47 =	vsel vm15, $0x0, v0;
	v48 =	vnsel vm5, $0x0, v0;
	v49 =	vnsel vm4, $0x0, v0  }
0x20f: {  	vm4 =	vmor vm1, vm0;
	vm0 =	vmand vm1, vm0;
	v12 =	vsub.f32 v2, v27  }
0x210: {  	vm1 =	vmand vm1, vm3;
	v22 =	vmax.f32 v5, v4;
	v7 =	vnsel vm14, $0x0, v0  }
0x211: {  	v20 =	vmax.f32 v3, v32;
	vm12 =	veq.s32 v8, $0x0;
	v7 =	vmul.f32 v12, v7;
	v12 =	vld [tilespmem:s15+$0x4060]  }
0x212: {  	v52 =	vor.u32 v19, v8;
	vm3 =	vne.s32 v19, $0x0;
	v17 =	vsub.f32 v2, v29  }
0x213: {  	v41 =	vmovc v51;
	v51 =	vsel vm12, v22, v20;
	v18 =	vsub.f32 v2, v30;
	v2 =	vsub.f32 v2, v31  }
0x214: {  	v11 =	vmul.f32 v51, v1;
	v9 =	vmul.f32 v17, v47;
	v7 =	vadd.f32 v7, v27  }
0x215: {  	vm13 =	vne.s32 v8, $0x0;
	v19 =	vsub.f32 v6, v60;
	v2 =	vmul.f32 v2, v49  }
0x216: {  	v10 =	vmul.f32 v18, v48;
	v9 =	vadd.f32 v9, v29;
	[tilespmem:s19+$0xE040] =	vst v7;
	v7 =	vadd.f32 v11, v12  }
0x217: {  	vm14 =	veq.s32 v52, $0x0;
	vm15 =	vmor vm3, vm12;
	v2 =	vadd.f32 v2, v31  }
0x218: {  	vm5 =	vmand vm3, vm12;
	v10 =	vadd.f32 v10, v30;
	[tilespmem:s19+$0xE0C0] =	vst v9;
	v8 =	vsub.f32 v7, v5  }
0x219: {  	p0 =	slt.u32 s18, $0x1E;
	v40 =	vmovc v53;
	vm3 =	vmand vm3, vm13;
	v18 =	vld [tilespmem:s17+$0x6070];
	[tilespmem:s19+$0x100C0] =	vst v2;
	v2 =	vnsel vm14, $0x0, v0;
	v53 =	vsub.f32 v7, v4  }
.Ltmp2:
0x21a: {  	v55 =	vsel vm15, $0x0, v0;
	[tilespmem:s19+$0x10040] =	vst v10;
	v12 =	vld [tilespmem:$0x1FFC0];
	v2 =	vmul.f32 v8, v2;
	v8 =	vsub.f32 v7, v3;
	(pc) =	sbr.rel @p0 .LBB2_3-.Ltmp2, $4  }
0x21b: {  	v56 =	vnsel vm5, $0x0, v0;
	v57 =	vnsel vm3, $0x0, v0;
	v35 =	vld [tilespmem:s28+$0x2050];
	v9 =	vmul.f32 v53, v55  }
0x21c: {  	v13 =	vmovc v26;
	v31 =	vld [tilespmem:s28+$0x4050];
	v7 =	vsub.f32 v7, v32;
	v2 =	vadd.f32 v2, v5;
	v5 =	vmul.f32 v8, v56  }
0x21d: {  	v17 =	vmovc v15;
	v15 =	vmovc v24;
	v27 =	vsub.f32 v6, v58;
	v30 =	vnsel vm2, $0x0, v0;
	v29 =	vsel vm4, $0x0, v0;
	v36 =	vld [tilespmem:s28+$0x50]  }
0x21e: {  	v37 =	vadd.f32 v9, v4;
	v26 =	vmul.f32 v7, v57;
	v7 =	vld [tilespmem:$0x1FFD0];
	[tilespmem:s17+$0xE060] =	vst v2;
	v28 =	vadd.f32 v5, v3  }
0x21f: {  	v1 =	vld [tilespmem:$0x1FFF0];
	_ =	sdelay $0x2  }
0x220: {  	vm2 =	veq.s32 v35, $0x0  }
0x221: {  	v2 =	vsel vm2, v7, v45  }
0x222: {  	v2 =	vmul.f32 v2, v1;
	_ =	sdelay $0x1  }
0x223: {  	v3 =	vor.u32 v36, v35;
	v2 =	vadd.f32 v2, v31  }
0x224: {  	vm3 =	vne.s32 v35, $0x0;
	vm4 =	vne.s32 v36, $0x0;
	vm5 =	veq.s32 v3, $0x0  }
0x225: {  	vm6 =	vmor vm4, vm2;
	vm3 =	vmand vm4, vm3;
	v3 =	vsub.f32 v2, v13  }
0x226: {  	v4 =	vnsel vm5, $0x0, v0;
	v6 =	vsel vm6, $0x0, v0;
	v5 =	vsub.f32 v2, v14  }
0x227: {  	v7 =	vsub.f32 v2, v15;
	v2 =	vsub.f32 v2, v16;
	v3 =	vmul.f32 v3, v4  }
0x228: {  	vm2 =	vmand vm4, vm2;
	v8 =	vnsel vm3, $0x0, v0;
	v5 =	vmul.f32 v5, v6  }
0x229: {  	v4 =	vnsel vm2, $0x0, v0;
	v2 =	vmul.f32 v2, v8;
	v3 =	vadd.f32 v3, v13  }
0x22a: {  	v4 =	vmul.f32 v7, v4;
	v5 =	vadd.f32 v5, v14  }
0x22b: {  	v2 =	vadd.f32 v2, v16;
	[tilespmem:s19+$0xE050] =	vst v3  }
0x22c: {  	v4 =	vadd.f32 v4, v15;
	[tilespmem:s19+$0xE0D0] =	vst v5  }
0x22d: {  	v6 =	vld [tilespmem:s17+$0x60F0];
	[tilespmem:s19+$0x100D0] =	vst v2  }
0x22e: {  	v5 =	vld [tilespmem:s17+$0x80F0];
	[tilespmem:s19+$0x10050] =	vst v4  }
0x22f: {  	v2 =	vld [tilespmem:s28+$0x2060]  }
0x230: {  	[tilespmem:s17+$0xE0E0] =	vst v37;
	v3 =	vadd.f32 v26, v32;
	v4 =	vld [tilespmem:s17+$0x8070]  }
0x231: {  	[tilespmem:s17+$0x10060] =	vst v28;
	v7 =	vld [tilespmem:s28+$0x4060]  }
0x232: {  	[tilespmem:s17+$0x100E0] =	vst v3;
	v8 =	vld [tilespmem:s28+$0x60]  }
0x233: {  	v3 =	vld [tilespmem:s15+$0x2070]  }
0x234: {  	vm3 =	veq.s32 v2, $0x0  }
0x235: {  	v9 =	vsel vm3, v21, v12  }
0x236: {  	v10 =	vmax.f32 v18, v6;
	v9 =	vmul.f32 v9, v1  }
0x237: {  	v15 =	vld [tilespmem:$0x1FFE0];
	v11 =	vmax.f32 v4, v5;
	vm9 =	vne.s32 v8, $0x0;
	vm10 =	vne.s32 v2, $0x0  }
0x238: {  	v2 =	vor.u32 v8, v2;
	vm2 =	veq.s32 v3, $0x0;
	v7 =	vadd.f32 v9, v7  }
0x239: {  	vm11 =	vmor vm9, vm3;
	vm3 =	vmand vm9, vm3;
	vm7 =	veq.s32 v2, $0x0  }
0x23a: {  	vm4 =	vmand vm9, vm10;
	v10 =	vsel vm2, v10, v11;
	v2 =	vsub.f32 v7, v50  }
0x23b: {  	v8 =	vld [tilespmem:s15+$0x4070];
	v39 =	vnsel vm7, $0x0, v0;
	v13 =	vsel vm11, $0x0, v0;
	v42 =	vsub.f32 v7, v54  }
0x23c: {  	v12 =	vld [tilespmem:s15+$0x70];
	v14 =	vsub.f32 v7, v15;
	v7 =	vsub.f32 v7, v46;
	v2 =	vmul.f32 v2, v39  }
0x23d: {  	v43 =	vnsel vm3, $0x0, v0;
	v11 =	vmul.f32 v42, v13;
	v13 =	vnsel vm4, $0x0, v0  }
0x23e: {  	v10 =	vmul.f32 v10, v1;
	v7 =	vmul.f32 v7, v13;
	v2 =	vadd.f32 v2, v50  }
0x23f: {  	v9 =	vmul.f32 v14, v43;
	v11 =	vadd.f32 v11, v54  }
0x240: {  	v45 =	vmul.f32 v33, v30;
	v8 =	vadd.f32 v10, v8;
	v7 =	vadd.f32 v7, v46;
	[tilespmem:s19+$0xE060] =	vst v2  }
0x241: {  	vm3 =	vne.s32 v3, $0x0;
	v3 =	vor.u32 v12, v3;
	v2 =	vadd.f32 v9, v15;
	[tilespmem:s19+$0xE0E0] =	vst v11  }
0x242: {  	v10 =	vsub.f32 v8, v5;
	v13 =	vnsel vm0, $0x0, v0;
	vm0 =	vne.s32 v12, $0x0;
	[tilespmem:s19+$0x100E0] =	vst v7  }
0x243: {  	v12 =	vsub.f32 v8, v18;
	vm3 =	vmand vm0, vm3;
	v47 =	vmul.f32 v27, v13;
	[tilespmem:s19+$0x10060] =	vst v2  }
0x244: {  	v46 =	vmul.f32 v34, v29;
	v14 =	vnsel vm3, $0x0, v0;
	vm3 =	vmor vm0, vm2;
	v13 =	vld [tilespmem:s28+$0x2070]  }
0x245: {  	vm0 =	vmand vm0, vm2;
	v10 =	vmul.f32 v10, v14;
	v14 =	vsub.f32 v8, v6  }
0x246: {  	v15 =	vsel vm3, $0x0, v0;
	v2 =	vnsel vm1, $0x0, v0;
	vm1 =	veq.s32 v3, $0x0  }
0x247: {  	v16 =	vnsel vm0, $0x0, v0;
	v3 =	vsub.f32 v8, v4;
	v8 =	vnsel vm1, $0x0, v0;
	v48 =	vld [tilespmem:s28+$0x4070]  }
0x248: {  	v9 =	vadd.f32 v47, v58;
	v7 =	vadd.f32 v45, v61;
	v8 =	vmul.f32 v12, v8;
	v12 =	vld [tilespmem:s28+$0x70]  }
0x249: {  	v11 =	vadd.f32 v46, v59;
	v3 =	vmul.f32 v3, v16;
	vm0 =	veq.s32 v13, $0x0  }
0x24a: {  	v14 =	vmul.f32 v14, v15;
	v2 =	vmul.f32 v19, v2;
	v15 =	vsel vm0, v40, v41  }
0x24b: {  	v5 =	vadd.f32 v10, v5;
	v3 =	vadd.f32 v3, v4;
	v4 =	vmul.f32 v15, v1  }
0x24c: {  	v6 =	vadd.f32 v14, v6;
	v2 =	vadd.f32 v2, v60  }
0x24d: {  	[tilespmem:s16+$0xE070] =	vst v7;
	v8 =	vadd.f32 v8, v18;
	v7 =	vor.u32 v12, v13;
	v4 =	vadd.f32 v4, v48  }
0x24e: {  	[tilespmem:s17+$0x100F0] =	vst v5;
	vm2 =	vne.s32 v13, $0x0;
	vm1 =	vne.s32 v12, $0x0;
	vm3 =	veq.s32 v7, $0x0  }
0x24f: {  	s0 =	sand.u32 $0x1, s12;
	s15 =	sor.u32 s10, s13;
	[tilespmem:s17+$0xE0F0] =	vst v6;
	vm12 =	vmor vm1, vm0;
	vm0 =	vmand vm1, vm0;
	v5 =	vsub.f32 v4, v17  }
0x250: {  	p2 =	seq.s32 s0, $0x1;
	p0 =	seq.s32 s15, $0x0;
	[tilespmem:s17+$0xE070] =	vst v8;
	vm1 =	vmand vm1, vm2;
	v7 =	vnsel vm3, $0x0, v0;
	v6 =	vsub.f32 v4, v44  }
0x251: {  	p0 =	por !p0, !p2;
	[tilespmem:s17+$0x10070] =	vst v3;
	v8 =	vsel vm12, $0x0, v0;
	v3 =	vsub.f32 v4, v62;
	v5 =	vmul.f32 v5, v7  }
0x252: {  	s0 =	simm.s32 $0x1;
	p0 =	por !p0, !p0;
	[tilespmem:s16+$0x10070] =	vst v9;
	v4 =	vsub.f32 v4, v63;
	v7 =	vnsel vm0, $0x0, v0;
	v6 =	vmul.f32 v6, v8  }
0x253: {  	s1 =	sshrl.u32 s15, $0x2;
	s0 =	simm.s32 @!p0 $0x0;
	[tilespmem:s16+$0xE0F0] =	vst v11;
	v8 =	vnsel vm1, $0x0, v0;
	v3 =	vmul.f32 v3, v7;
	v5 =	vadd.f32 v5, v17  }
0x254: {  	s0 =	ssub.s32 s1, s0;
	[tilespmem:s16+$0x100F0] =	vst v2;
	s17 =	sshll.u32 s12, $0xB;
	v2 =	vmul.f32 v4, v8;
	v4 =	vadd.f32 v6, v44  }
0x255: {  	s0 =	sshll.u32 s0, $0xF;
	s1 =	sand.u32 $0x800, s17;
	v3 =	vadd.f32 v3, v62;
	[tilespmem:s19+$0xE070] =	vst v5  }
0x256: {  	s0 =	sor.u32 s1, s0;
	v2 =	vadd.f32 v2, v63;
	[tilespmem:s19+$0xE0F0] =	vst v4  }
0x257: {  	s0 =	sshrl.u32 s0, $0x3;
	[tilespmem:s19+$0x10070] =	vst v3  }
0x258: {  	s18 =	simm.s32 $0xE000;
	s0 =	sadd.s32 s8, s0;
	[tilespmem:s19+$0x100F0] =	vst v2  }
0x259: {  	[hbm4b:s0+s25] =	stream.strided.scatter [tilespmem:s18], [sflag:$0x3], $0x2000, s26, s25, $0x38;
	[tilespmem:$0x16100] =	vst v63  }
0x25a: {  	p0 =	seq.s32 s12, $0xF;
	s19 =	simm.s32 $0x10000;
	s0 =	sadd.s32 $0x100000, s0  }
0x25b: {  	[hbm4b:s0+s25] =	stream.strided.scatter [tilespmem:s19], [sflag:$0x3], $0x2000, s26, s25, $0x38;
	[tilespmem:$0x16100] =	vst v63  }
0x25c: {  	s0 =	sadd.s32 @!p0 $0x2, s13  }
0x25d: {  	s1 =	sadd.s32 @!p0 s10, s0;
	s0 =	sshll.u32 @!p0 s0, $0x2  }
0x25e: {  	s1 =	sshrl.u32 @!p0 s1, $0x2;
	s0 =	sand.u32 @!p0 $0x8, s0  }
0x25f: {  	s2 =	sshll.u32 @!p0 s1, $0xB;
	s6 =	sshll.u32 @!p0 s0, $0x7  }
0x260: {  	s3 =	rddreg [dreg:$0x1];
	s2 =	sor.u32 @!p0 s6, s2  }
0x261: {  	s7 =	simm.s32 @!p0 $0x0;
	s6 =	sadd.s32 @!p0 s3, s2;
	s3 =	rddreg [dreg:$0x2]  }
0x262: {  	[tilespmem:s7], [sflag:$0x1] =	stream.linear.gather @!p0 [hbm4b:s6+s7], $0x1000, $0x38;
	[tilespmem:$0x16100] =	vst v63  }
0x263: {  	s11 =	simm.s32 @!p0 $0x2000;
	s6 =	sadd.s32 @!p0 s3, s2;
	s3 =	rddreg [dreg:$0x3]  }
0x264: {  	[tilespmem:s11], [sflag:$0x1] =	stream.linear.gather @!p0 [hbm4b:s6+s7], $0x1000, $0x38;
	[tilespmem:$0x16100] =	vst v63  }
0x265: {  	s2 =	sadd.s32 @!p0 s3, s2;
	s6 =	simm.s32 @!p0 $0x4000  }
0x266: {  	[tilespmem:s6], [sflag:$0x1] =	stream.linear.gather @!p0 [hbm4b:s2+s7], $0x1000, $0x38;
	[tilespmem:$0x16100] =	vst v63  }
0x267: {  	s0 =	sshll.u32 @!p0 s0, $0x5;
	s2 =	rddreg [dreg:$0x0]  }
0x268: {  	s1 =	sshll.u32 @!p0 s1, $0xC;
	s6 =	simm.s32 @!p0 $0x6000;
	s0 =	sadd.s32 @!p0 s2, s0  }
0x269: {  	s2 =	simm.s32 @!p0 $0x1000;
	s0 =	sadd.s32 @!p0 s1, s0;
	s1 =	simm.s32 @!p0 $0x400  }
0x26a: {  	[tilespmem:s6], [sflag:$0x1] =	stream.strided.gather @!p0 [hbm4b:s0+s1], $0x2000, s2, s1, $0x38;
	[tilespmem:$0x16100] =	vst v63  }
0x26b: {  	s0 =	sadd.s32 @!p0 $0x100000, s0;
	s6 =	simm.s32 @!p0 $0x8000  }
0x26c: {  	[tilespmem:s6], [sflag:$0x1] =	stream.strided.gather @!p0 [hbm4b:s0+s1], $0x2000, s2, s1, $0x38;
	[tilespmem:$0x16100] =	vst v63  }
0x26d: {  	_ =	swait.ge [sflag:s22], $0x1000  }
0x26e: {  	[sflag:s22] =	ssyncset.done $0x0  }
0x26f: {  	[sflag:s22] =	ssyncadd.s32 $0xFFFFF000  }
0x270: {  	_ =	swait.ge [sflag:s22], $0x1000  }
0x271: {  	[sflag:s22] =	ssyncset.done $0x0  }
0x272: {  	[sflag:s22] =	ssyncadd.s32 $0xFFFFF000  }
0x273: {  	_ =	swait.ge [sflag:s22], $0x1000  }
0x274: {  	[sflag:s22] =	ssyncset.done $0x0  }
0x275: {  	[sflag:s22] =	ssyncadd.s32 $0xFFFFF000  }
0x276: {  	_ =	swait.ge [sflag:s22], $0x4000  }
0x277: {  	s20 =	simm.s32 $0x0;
	[sflag:s22] =	ssyncset.done $0x0  }
0x278: {  	s21 =	sand.u32 $0x2, s20;
	s0 =	simm.s32 @!p1 $0x4;
	[sflag:s22] =	ssyncadd.s32 $0xFFFFC000  }
0x279: {  	s23 =	sor.u32 $0x1, s21;
	_ =	swait.ge @!p1 [sflag:s0], $0x4000  }
0x27a: {  	s30 =	simm.s32 $0x0;
	s24 =	sshll.u32 s23, $0xA;
	[sflag:s0] =	ssyncset.done @!p1 $0x0  }
0x27b: {  	s31 =	sshll.u32 s23, $0x8;
	s1 =	sadd.s32 $0x0, s24;
	[sflag:s0] =	ssyncadd.s32 @!p1 $0xFFFFC000  }
0x27c: {  	s14 =	sor.u32 s30, s31;
	v3 =	vld [tilespmem:s1+$0x3000]  }
0x27d: {  	v5 =	vld [tilespmem:s14+$0xA000]  }
0x27e: {  	v6 =	vld [tilespmem:s14+$0xA080]  }
0x27f: {  	v7 =	vld [tilespmem:s14+$0xC000]  }
0x280: {  	v8 =	vld [tilespmem:s14+$0xC080];
	_ =	sdelay $0x2  }
0x281: {  	s4 =	sor.u32 $0x1000, s1;
	v2 =	vld [tilespmem:s1+$0x5000]  }
0x282: {  	v4 =	vld [tilespmem:s4+$0x0]  }
0x283: {  	vm0 =	veq.s32 v3, $0x0;
	v12 =	vmax.f32 v5, v6;
	v13 =	vmax.f32 v7, v8  }
0x284: {  	v12 =	vsel vm0, v12, v13  }
0x285: {  	s3 =	sshll.u32 s21, $0xA;
	v12 =	vmul.f32 v12, v1  }
0x286: {  	s2 =	sshll.u32 s21, $0x8;
	s21 =	sadd.s32 $0x0, s3  }
0x287: {  	s16 =	sor.u32 s2, s30;
	v49 =	vld [tilespmem:s21+$0x3000];
	v16 =	vor.u32 v4, v3;
	v12 =	vadd.f32 v12, v2  }
0x288: {  	v50 =	vld [tilespmem:s16+$0xA000];
	vm1 =	vne.s32 v4, $0x0;
	vm2 =	vne.s32 v3, $0x0;
	vm3 =	veq.s32 v16, $0x0  }
0x289: {  	v51 =	vld [tilespmem:s16+$0xA080];
	vm13 =	vmor vm1, vm0;
	vm0 =	vmand vm1, vm0;
	v16 =	vsub.f32 v12, v5  }
0x28a: {  	v18 =	vld [tilespmem:s16+$0xC000];
	vm1 =	vmand vm1, vm2;
	v17 =	vnsel vm3, $0x0, v0;
	v19 =	vsub.f32 v12, v6  }
0x28b: {  	s6 =	sor.u32 $0x1000, s21;
	v13 =	vld [tilespmem:s16+$0xC080];
	v20 =	vsel vm13, $0x0, v0;
	v16 =	vmul.f32 v16, v17;
	v17 =	vsub.f32 v12, v7  }
0x28c: {  	v15 =	vld [tilespmem:s6+$0x0];
	v21 =	vnsel vm0, $0x0, v0;
	v19 =	vmul.f32 v19, v20;
	v12 =	vsub.f32 v12, v8  }
0x28d: {  	v20 =	vnsel vm1, $0x0, v0;
	v5 =	vadd.f32 v16, v5;
	v16 =	vmul.f32 v17, v21  }
0x28e: {  	v14 =	vld [tilespmem:s21+$0x5000];
	v6 =	vadd.f32 v19, v6;
	v12 =	vmul.f32 v12, v20  }
0x28f: {  	vm0 =	veq.s32 v49, $0x0;
	v19 =	vld [tilespmem:s14+$0xA090];
	[tilespmem:s14+$0x12000] =	vst v5;
	v5 =	vadd.f32 v16, v7  }
0x290: {  	v17 =	vmax.f32 v18, v13;
	v7 =	vld [tilespmem:s14+$0xA010];
	v16 =	vmax.f32 v50, v51;
	[tilespmem:s14+$0x12080] =	vst v6;
	v6 =	vadd.f32 v12, v8  }
0x291: {  	v9 =	vor.u32 v15, v49;
	v8 =	vsel vm0, v16, v17;
	[tilespmem:s14+$0x14000] =	vst v5;
	v5 =	vld [tilespmem:s14+$0xC010]  }
0x292: {  	vm2 =	vne.s32 v15, $0x0;
	vm1 =	vne.s32 v49, $0x0;
	v8 =	vmul.f32 v8, v1;
	[tilespmem:s14+$0x14080] =	vst v6;
	v6 =	vld [tilespmem:s14+$0xC090]  }
0x293: {  	vm3 =	veq.s32 v9, $0x0;
	vm1 =	vmand vm2, vm1;
	v20 =	vld [tilespmem:s1+$0x3010]  }
0x294: {  	s7 =	sor.u32 $0x1010, s1;
	vm14 =	vmor vm2, vm0;
	v29 =	vnsel vm1, $0x0, v0;
	v8 =	vadd.f32 v8, v14  }
0x295: {  	v12 =	vnsel vm3, $0x0, v0;
	vm0 =	vmand vm2, vm0;
	v17 =	vsel vm14, $0x0, v0;
	v21 =	vld [tilespmem:s7+$0x0]  }
0x296: {  	v31 =	vmax.f32 v7, v19;
	v52 =	vsub.f32 v8, v50;
	v28 =	vsub.f32 v8, v51  }
0x297: {  	v27 =	vld [tilespmem:s1+$0x5010];
	v30 =	vsub.f32 v8, v18;
	v8 =	vsub.f32 v8, v13;
	v53 =	vmax.f32 v5, v6  }
0x298: {  	v9 =	vmul.f32 v52, v12;
	v12 =	vnsel vm0, $0x0, v0;
	vm0 =	veq.s32 v20, $0x0  }
0x299: {  	v28 =	vmul.f32 v28, v17;
	v12 =	vmul.f32 v30, v12;
	v30 =	vsel vm0, v31, v53  }
0x29a: {  	vm1 =	vne.s32 v21, $0x0;
	v9 =	vadd.f32 v9, v50;
	v54 =	vmul.f32 v30, v1  }
0x29b: {  	v26 =	vld [tilespmem:s16+$0xC090];
	v8 =	vmul.f32 v8, v29;
	vm2 =	vne.s32 v20, $0x0;
	vm15 =	vmor vm1, vm0  }
0x29c: {  	v55 =	vld [tilespmem:s14+$0xC0A0];
	vm0 =	vmand vm1, vm0;
	v18 =	vadd.f32 v12, v18;
	[tilespmem:s16+$0x12000] =	vst v9;
	v9 =	vadd.f32 v54, v27  }
0x29d: {  	v3 =	vld [tilespmem:s16+$0xA090];
	vm1 =	vmand vm1, vm2;
	v8 =	vadd.f32 v8, v13;
	v13 =	vor.u32 v21, v20  }
0x29e: {  	v4 =	vld [tilespmem:s16+$0xC010];
	v28 =	vadd.f32 v28, v51;
	vm3 =	veq.s32 v13, $0x0;
	[tilespmem:s16+$0x14000] =	vst v18;
	v18 =	vsub.f32 v9, v7  }
0x29f: {  	v2 =	vld [tilespmem:s16+$0xA010];
	v21 =	vsel vm15, $0x0, v0;
	[tilespmem:s16+$0x14080] =	vst v8;
	v8 =	vnsel vm3, $0x0, v0;
	v20 =	vsub.f32 v9, v19  }
0x2a0: {  	v31 =	vld [tilespmem:s14+$0xC020];
	[tilespmem:s16+$0x12080] =	vst v28;
	v28 =	vsub.f32 v9, v5;
	v9 =	vsub.f32 v9, v6;
	v18 =	vmul.f32 v18, v8  }
0x2a1: {  	v30 =	vnsel vm1, $0x0, v0;
	v27 =	vld [tilespmem:s21+$0x3010];
	v20 =	vmul.f32 v20, v21  }
0x2a2: {  	s11 =	sor.u32 $0x1010, s21;
	v29 =	vnsel vm0, $0x0, v0;
	v9 =	vmul.f32 v9, v30;
	v30 =	vld [tilespmem:s14+$0xA0A0];
	v7 =	vadd.f32 v18, v7  }
0x2a3: {  	v18 =	vmul.f32 v28, v29;
	v28 =	vld [tilespmem:s11+$0x0];
	v19 =	vadd.f32 v20, v19  }
0x2a4: {  	v29 =	vld [tilespmem:s14+$0xA020];
	v6 =	vadd.f32 v9, v6;
	[tilespmem:s14+$0x12010] =	vst v7  }
0x2a5: {  	v21 =	vld [tilespmem:s21+$0x5010];
	v5 =	vadd.f32 v18, v5;
	[tilespmem:s14+$0x12090] =	vst v19  }
0x2a6: {  	v20 =	vmax.f32 v2, v3;
	vm0 =	veq.s32 v27, $0x0;
	v7 =	vmax.f32 v4, v26;
	[tilespmem:s14+$0x14090] =	vst v6  }
0x2a7: {  	v7 =	vsel vm0, v20, v7;
	[tilespmem:s14+$0x14010] =	vst v5  }
0x2a8: {  	v38 =	vmax.f32 v31, v55;
	v5 =	vmul.f32 v7, v1;
	v58 =	vld [tilespmem:s1+$0x3020]  }
0x2a9: {  	vm1 =	vne.s32 v28, $0x0;
	v6 =	vor.u32 v28, v27;
	v62 =	vmax.f32 v29, v30  }
0x2aa: {  	s17 =	sor.u32 $0x1020, s1;
	v28 =	vadd.f32 v5, v21;
	vm2 =	veq.s32 v6, $0x0;
	vm3 =	vmor vm1, vm0  }
0x2ab: {  	v59 =	vld [tilespmem:s17+$0x0];
	vm0 =	vmand vm1, vm0;
	v5 =	vnsel vm2, $0x0, v0;
	v18 =	vsel vm3, $0x0, v0  }
0x2ac: {  	v61 =	vld [tilespmem:s1+$0x5020];
	v20 =	vnsel vm0, $0x0, v0;
	v19 =	vsub.f32 v28, v2;
	v21 =	vsub.f32 v28, v3  }
0x2ad: {  	vm0 =	vne.s32 v27, $0x0;
	v60 =	vsub.f32 v28, v4;
	vm2 =	veq.s32 v58, $0x0  }
0x2ae: {  	v5 =	vmul.f32 v19, v5;
	v19 =	vmul.f32 v21, v18;
	v37 =	vsel vm2, v62, v38  }
0x2af: {  	vm0 =	vmand vm1, vm0;
	v20 =	vmul.f32 v60, v20;
	v27 =	vmul.f32 v37, v1  }
0x2b0: {  	vm1 =	vne.s32 v59, $0x0;
	vm3 =	vne.s32 v58, $0x0;
	v2 =	vadd.f32 v5, v2  }
0x2b1: {  	vm9 =	vmor vm1, vm2;
	v3 =	vadd.f32 v19, v3;
	v27 =	vadd.f32 v27, v61  }
0x2b2: {  	vm2 =	vmand vm1, vm2;
	v4 =	vadd.f32 v20, v4;
	v5 =	vor.u32 v59, v58;
	[tilespmem:s16+$0x12010] =	vst v2  }
0x2b3: {  	vm1 =	vmand vm1, vm3;
	vm8 =	veq.s32 v5, $0x0;
	[tilespmem:s16+$0x12090] =	vst v3;
	v2 =	vsub.f32 v27, v29  }
0x2b4: {  	v63 =	vsel vm9, $0x0, v0;
	[tilespmem:s16+$0x14010] =	vst v4;
	v3 =	vnsel vm8, $0x0, v0;
	v4 =	vsub.f32 v27, v30  }
0x2b5: {  	v41 =	vsub.f32 v27, v31;
	v27 =	vsub.f32 v27, v55;
	v40 =	vmul.f32 v2, v3  }
0x2b6: {  	v42 =	vnsel vm2, $0x0, v0;
	v43 =	vnsel vm1, $0x0, v0;
	v33 =	vmul.f32 v4, v63  }
0x2b7: {  	v44 =	vmul.f32 v41, v42;
	v27 =	vmul.f32 v27, v43;
	v29 =	vadd.f32 v40, v29  }
0x2b8: {  	v28 =	vsub.f32 v28, v26;
	v30 =	vadd.f32 v33, v30  }
0x2b9: {  	v27 =	vadd.f32 v27, v55;
	[tilespmem:s14+$0x12020] =	vst v29;
	v29 =	vadd.f32 v44, v31;
	v31 =	vld [tilespmem:s14+$0xA030]  }
0x2ba: {  	v45 =	vnsel vm0, $0x0, v0;
	[tilespmem:s14+$0x120A0] =	vst v30;
	v30 =	vld [tilespmem:s14+$0xA0B0]  }
0x2bb: {  	v28 =	vmul.f32 v28, v45;
	[tilespmem:s14+$0x140A0] =	vst v27;
	v27 =	vld [tilespmem:s14+$0xC0B0]  }
0x2bc: {  	[tilespmem:s14+$0x14020] =	vst v29;
	v29 =	vld [tilespmem:s14+$0xC030]  }
0x2bd: {  	v26 =	vadd.f32 v28, v26;
	v28 =	vld [tilespmem:s1+$0x3030]  }
0x2be: {  	v22 =	vld [tilespmem:s16+$0xA020]  }
0x2bf: {  	s18 =	sor.u32 $0x1030, s1;
	v23 =	vld [tilespmem:s16+$0xA0A0]  }
0x2c0: {  	v46 =	vld [tilespmem:s18+$0x0]  }
0x2c1: {  	v47 =	vld [tilespmem:s1+$0x5030]  }
0x2c2: {  	v48 =	vmax.f32 v31, v30;
	v49 =	vmax.f32 v29, v27;
	vm1 =	veq.s32 v28, $0x0  }
0x2c3: {  	v34 =	vsel vm1, v48, v49  }
0x2c4: {  	v34 =	vmul.f32 v34, v1  }
0x2c5: {  	v50 =	vmax.f32 v22, v23  }
0x2c6: {  	v24 =	vld [tilespmem:s16+$0xC020];
	v52 =	vor.u32 v46, v28;
	vm2 =	vne.s32 v46, $0x0;
	v33 =	vadd.f32 v34, v47  }
0x2c7: {  	v25 =	vld [tilespmem:s16+$0xC0A0];
	[tilespmem:s16+$0x14090] =	vst v26;
	vm3 =	vne.s32 v28, $0x0;
	vm10 =	veq.s32 v52, $0x0;
	vm11 =	vmor vm2, vm1  }
0x2c8: {  	v26 =	vld [tilespmem:s21+$0x3020];
	vm1 =	vmand vm2, vm1;
	vm2 =	vmand vm2, vm3;
	v28 =	vsub.f32 v33, v31  }
0x2c9: {  	v53 =	vnsel vm10, $0x0, v0;
	v55 =	vsel vm11, $0x0, v0;
	v54 =	vsub.f32 v33, v30  }
0x2ca: {  	s19 =	sor.u32 $0x1020, s21;
	v56 =	vsub.f32 v33, v29;
	v33 =	vsub.f32 v33, v27;
	v28 =	vmul.f32 v28, v53  }
0x2cb: {  	v62 =	vld [tilespmem:s19+$0x0];
	v39 =	vnsel vm1, $0x0, v0;
	v63 =	vnsel vm2, $0x0, v0;
	v34 =	vmul.f32 v54, v55  }
0x2cc: {  	v57 =	vld [tilespmem:s21+$0x5020];
	v33 =	vmul.f32 v33, v63;
	v28 =	vadd.f32 v28, v31;
	v31 =	vmul.f32 v56, v39  }
0x2cd: {  	v51 =	vmax.f32 v24, v25;
	vm0 =	veq.s32 v26, $0x0;
	v30 =	vadd.f32 v34, v30  }
0x2ce: {  	v43 =	vsel vm0, v50, v51;
	v27 =	vadd.f32 v33, v27;
	[tilespmem:s14+$0x12030] =	vst v28;
	v28 =	vadd.f32 v31, v29;
	v29 =	vld [tilespmem:s14+$0xA040]  }
0x2cf: {  	v32 =	vmul.f32 v43, v1;
	[tilespmem:s14+$0x120B0] =	vst v30;
	v30 =	vld [tilespmem:s14+$0xA0C0]  }
0x2d0: {  	vm1 =	vne.s32 v26, $0x0;
	v26 =	vor.u32 v62, v26;
	[tilespmem:s14+$0x140B0] =	vst v27;
	v27 =	vld [tilespmem:s14+$0xC0C0]  }
0x2d1: {  	vm2 =	vne.s32 v62, $0x0;
	vm3 =	veq.s32 v26, $0x0;
	v31 =	vadd.f32 v32, v57;
	[tilespmem:s14+$0x14030] =	vst v28;
	v28 =	vld [tilespmem:s14+$0xC040]  }
0x2d2: {  	vm12 =	vmor vm2, vm0;
	vm0 =	vmand vm2, vm0;
	vm1 =	vmand vm2, vm1;
	v44 =	vld [tilespmem:s1+$0x3040]  }
0x2d3: {  	v47 =	vnsel vm3, $0x0, v0;
	v48 =	vsel vm12, $0x0, v0;
	v26 =	vsub.f32 v31, v22  }
0x2d4: {  	s20 =	sor.u32 $0x1040, s1;
	v49 =	vnsel vm0, $0x0, v0;
	v45 =	vsub.f32 v31, v23;
	v46 =	vsub.f32 v31, v24  }
0x2d5: {  	v51 =	vnsel vm1, $0x0, v0;
	v31 =	vsub.f32 v31, v25;
	v50 =	vld [tilespmem:s20+$0x0];
	v26 =	vmul.f32 v26, v47  }
0x2d6: {  	v52 =	vld [tilespmem:s1+$0x5040];
	v33 =	vmul.f32 v45, v48;
	v34 =	vmul.f32 v46, v49;
	v53 =	vmax.f32 v29, v30  }
0x2d7: {  	v22 =	vadd.f32 v26, v22;
	v54 =	vmax.f32 v28, v27;
	vm0 =	veq.s32 v44, $0x0  }
0x2d8: {  	v31 =	vmul.f32 v31, v51;
	v23 =	vadd.f32 v33, v23;
	v26 =	vsel vm0, v53, v54  }
0x2d9: {  	v24 =	vadd.f32 v34, v24;
	[tilespmem:s16+$0x12020] =	vst v22;
	v26 =	vmul.f32 v26, v1  }
0x2da: {  	v15 =	vld [tilespmem:s16+$0xA0B0];
	v22 =	vadd.f32 v31, v25;
	[tilespmem:s16+$0x120A0] =	vst v23  }
0x2db: {  	v16 =	vld [tilespmem:s16+$0xC030];
	v25 =	vor.u32 v50, v44;
	[tilespmem:s16+$0x14020] =	vst v24;
	v23 =	vadd.f32 v26, v52  }
0x2dc: {  	v14 =	vld [tilespmem:s16+$0xA030];
	vm1 =	vne.s32 v50, $0x0;
	vm2 =	vne.s32 v44, $0x0;
	vm3 =	veq.s32 v25, $0x0;
	[tilespmem:s16+$0x140A0] =	vst v22  }
0x2dd: {  	vm13 =	vmor vm1, vm0;
	vm0 =	vmand vm1, vm0;
	v24 =	vld [tilespmem:s21+$0x3030];
	v22 =	vsub.f32 v23, v29  }
0x2de: {  	v17 =	vld [tilespmem:s16+$0xC0B0];
	vm1 =	vmand vm1, vm2;
	v25 =	vnsel vm3, $0x0, v0;
	v26 =	vsub.f32 v23, v30  }
0x2df: {  	v31 =	vsel vm13, $0x0, v0;
	v22 =	vmul.f32 v22, v25;
	v25 =	vsub.f32 v23, v28  }
0x2e0: {  	s23 =	sor.u32 $0x1030, s21;
	v55 =	vnsel vm0, $0x0, v0;
	v26 =	vmul.f32 v26, v31;
	v23 =	vsub.f32 v23, v27  }
0x2e1: {  	v56 =	vnsel vm1, $0x0, v0;
	v31 =	vld [tilespmem:s23+$0x0];
	v22 =	vadd.f32 v22, v29;
	v25 =	vmul.f32 v25, v55  }
0x2e2: {  	v57 =	vld [tilespmem:s21+$0x5030];
	vm0 =	veq.s32 v24, $0x0;
	v26 =	vadd.f32 v26, v30;
	v23 =	vmul.f32 v23, v56  }
0x2e3: {  	v29 =	vmax.f32 v14, v15;
	v30 =	vmax.f32 v16, v17;
	[tilespmem:s14+$0x12040] =	vst v22;
	v22 =	vadd.f32 v25, v28;
	v25 =	vld [tilespmem:s14+$0xA050]  }
0x2e4: {  	v28 =	vsel vm0, v29, v30;
	[tilespmem:s14+$0x120C0] =	vst v26;
	v23 =	vadd.f32 v23, v27;
	v26 =	vld [tilespmem:s14+$0xA0D0]  }
0x2e5: {  	v27 =	vmul.f32 v28, v1;
	[tilespmem:s14+$0x14040] =	vst v22;
	v22 =	vld [tilespmem:s14+$0xC050]  }
0x2e6: {  	vm2 =	vne.s32 v24, $0x0;
	vm1 =	vne.s32 v31, $0x0;
	v24 =	vor.u32 v31, v24;
	[tilespmem:s14+$0x140C0] =	vst v23;
	v23 =	vld [tilespmem:s14+$0xC0D0]  }
0x2e7: {  	vm3 =	vmor vm1, vm0;
	vm14 =	veq.s32 v24, $0x0;
	v27 =	vadd.f32 v27, v57;
	v24 =	vld [tilespmem:s1+$0x3050]  }
0x2e8: {  	vm0 =	vmand vm1, vm0;
	vm1 =	vmand vm1, vm2;
	v28 =	vnsel vm14, $0x0, v0  }
0x2e9: {  	s24 =	sor.u32 $0x1050, s1;
	v10 =	vld [tilespmem:s16+$0xA040];
	v29 =	vsel vm3, $0x0, v0;
	v30 =	vsub.f32 v27, v14;
	v31 =	vsub.f32 v27, v15  }
0x2ea: {  	v62 =	vnsel vm0, $0x0, v0;
	v63 =	vnsel vm1, $0x0, v0;
	v41 =	vld [tilespmem:s24+$0x0];
	v40 =	vsub.f32 v27, v16  }
0x2eb: {  	v27 =	vsub.f32 v27, v17;
	v28 =	vmul.f32 v30, v28;
	v29 =	vmul.f32 v31, v29;
	v30 =	vld [tilespmem:s1+$0x5050]  }
0x2ec: {  	v11 =	vld [tilespmem:s16+$0xA0C0];
	v31 =	vmax.f32 v25, v26;
	v42 =	vmax.f32 v22, v23;
	vm0 =	veq.s32 v24, $0x0  }
0x2ed: {  	v12 =	vld [tilespmem:s16+$0xC040];
	v32 =	vmul.f32 v40, v62;
	v14 =	vadd.f32 v28, v14;
	v28 =	vsel vm0, v31, v42  }
0x2ee: {  	v13 =	vld [tilespmem:s16+$0xC0C0];
	v27 =	vmul.f32 v27, v63;
	v15 =	vadd.f32 v29, v15;
	v28 =	vmul.f32 v28, v1  }
0x2ef: {  	v8 =	vld [tilespmem:s16+$0xA050];
	v16 =	vadd.f32 v32, v16;
	[tilespmem:s16+$0x12030] =	vst v14  }
0x2f0: {  	vm1 =	vne.s32 v41, $0x0;
	v14 =	vadd.f32 v27, v17;
	[tilespmem:s16+$0x120B0] =	vst v15;
	v15 =	vadd.f32 v28, v30  }
0x2f1: {  	v9 =	vld [tilespmem:s16+$0xA0D0];
	vm2 =	vne.s32 v24, $0x0;
	vm15 =	vmor vm1, vm0;
	v17 =	vor.u32 v41, v24;
	[tilespmem:s16+$0x14030] =	vst v16  }
0x2f2: {  	v7 =	vld [tilespmem:s16+$0xC050];
	vm0 =	vmand vm1, vm0;
	vm3 =	veq.s32 v17, $0x0;
	[tilespmem:s16+$0x140B0] =	vst v14;
	v14 =	vsub.f32 v15, v25  }
0x2f3: {  	vm1 =	vmand vm1, vm2;
	v17 =	vnsel vm3, $0x0, v0;
	v16 =	vld [tilespmem:s21+$0x3040];
	v24 =	vsub.f32 v15, v26  }
0x2f4: {  	v6 =	vld [tilespmem:s16+$0xC0D0];
	v27 =	vsel vm15, $0x0, v0;
	v14 =	vmul.f32 v14, v17;
	v17 =	vsub.f32 v15, v22  }
0x2f5: {  	s30 =	sor.u32 $0x1040, s21;
	v21 =	vld [tilespmem:s16+$0xA060];
	v28 =	vnsel vm0, $0x0, v0;
	v24 =	vmul.f32 v24, v27;
	v15 =	vsub.f32 v15, v23  }
0x2f6: {  	v29 =	vnsel vm1, $0x0, v0;
	v27 =	vld [tilespmem:s30+$0x0];
	v14 =	vadd.f32 v14, v25;
	v17 =	vmul.f32 v17, v28  }
0x2f7: {  	v25 =	vmax.f32 v10, v11;
	v28 =	vld [tilespmem:s21+$0x5040];
	v24 =	vadd.f32 v24, v26;
	v15 =	vmul.f32 v15, v29  }
0x2f8: {  	v26 =	vmax.f32 v12, v13;
	vm0 =	veq.s32 v16, $0x0;
	[tilespmem:s14+$0x12050] =	vst v14;
	v14 =	vadd.f32 v17, v22;
	v17 =	vld [tilespmem:s14+$0xA060]  }
0x2f9: {  	v22 =	vsel vm0, v25, v26;
	[tilespmem:s14+$0x120D0] =	vst v24;
	v15 =	vadd.f32 v15, v23;
	v23 =	vld [tilespmem:s14+$0xA0E0]  }
0x2fa: {  	s29 =	simm.s32 $0x2;
	v22 =	vmul.f32 v22, v1;
	[tilespmem:s14+$0x14050] =	vst v14;
	v14 =	vld [tilespmem:s14+$0xC060]  }
0x2fb: {  	s31 =	sand.u32 $0x2, s29;
	vm1 =	vne.s32 v16, $0x0;
	v16 =	vor.u32 v27, v16;
	vm2 =	vne.s32 v27, $0x0;
	[tilespmem:s14+$0x140D0] =	vst v15;
	v15 =	vld [tilespmem:s14+$0xC0E0]  }
0x2fc: {  	s3 =	sor.u32 $0x1060, s1;
	s4 =	sor.u32 $0x1, s31;
	vm3 =	veq.s32 v16, $0x0;
	vm8 =	vmor vm2, vm0;
	v16 =	vadd.f32 v22, v28;
	v22 =	vld [tilespmem:s1+$0x3060]  }
0x2fd: {  	s11 =	simm.s32 $0x0;
	s19 =	sshll.u32 s4, $0x8;
	vm0 =	vmand vm2, vm0;
	vm1 =	vmand vm2, vm1;
	v24 =	vnsel vm3, $0x0, v0;
	v27 =	vld [tilespmem:s3+$0x0]  }
0x2fe: {  	v18 =	vld [tilespmem:s16+$0xA0E0];
	s17 =	sor.u32 s11, s19;
	v25 =	vsel vm8, $0x0, v0;
	v28 =	vnsel vm0, $0x0, v0;
	v26 =	vsub.f32 v16, v10  }
0x2ff: {  	v46 =	vld [tilespmem:s17+$0xA000];
	v29 =	vnsel vm1, $0x0, v0;
	v30 =	vsub.f32 v16, v11;
	v43 =	vsub.f32 v16, v12  }
0x300: {  	s6 =	sshll.u32 s4, $0xA;
	v47 =	vld [tilespmem:s17+$0xA080];
	v16 =	vsub.f32 v16, v13;
	v44 =	vmax.f32 v17, v23;
	v24 =	vmul.f32 v26, v24  }
0x301: {  	s28 =	sadd.s32 $0x0, s6;
	v31 =	vld [tilespmem:s1+$0x5060];
	v45 =	vmax.f32 v14, v15;
	v25 =	vmul.f32 v30, v25;
	v28 =	vmul.f32 v43, v28  }
0x302: {  	v26 =	vld [tilespmem:s28+$0x3000];
	v16 =	vmul.f32 v16, v29;
	vm0 =	veq.s32 v22, $0x0;
	vm1 =	vne.s32 v27, $0x0  }
0x303: {  	v29 =	vld [tilespmem:s17+$0xC000];
	vm2 =	vne.s32 v22, $0x0;
	v10 =	vadd.f32 v24, v10;
	v11 =	vadd.f32 v25, v11  }
0x304: {  	s20 =	sor.u32 $0x1000, s28;
	v30 =	vsel vm0, v44, v45;
	v12 =	vadd.f32 v28, v12;
	v25 =	vld [tilespmem:s17+$0xC080];
	v13 =	vadd.f32 v16, v13  }
0x305: {  	vm9 =	vmor vm1, vm0;
	vm10 =	vmand vm1, vm0;
	v28 =	vld [tilespmem:s20+$0x0];
	v24 =	vmul.f32 v30, v1  }
0x306: {  	v60 =	vld [tilespmem:s16+$0xC0F0];
	vm1 =	vmand vm1, vm2;
	v30 =	vmax.f32 v46, v47;
	v49 =	vsel vm9, $0x0, v0  }
0x307: {  	v19 =	vld [tilespmem:s16+$0xC060];
	v50 =	vnsel vm10, $0x0, v0;
	v16 =	vadd.f32 v24, v31;
	v24 =	vor.u32 v27, v22  }
0x308: {  	v51 =	vnsel vm1, $0x0, v0;
	v27 =	vld [tilespmem:s28+$0x5000];
	vm0 =	veq.s32 v26, $0x0;
	vm3 =	veq.s32 v24, $0x0  }
0x309: {  	v20 =	vld [tilespmem:s16+$0xC0E0];
	v22 =	vsub.f32 v16, v17;
	v24 =	vnsel vm3, $0x0, v0;
	v31 =	vmax.f32 v29, v25  }
0x30a: {  	v59 =	vld [tilespmem:s16+$0xA0F0];
	v48 =	vsub.f32 v16, v23;
	vm2 =	vne.s32 v28, $0x0;
	v30 =	vsel vm0, v30, v31  }
0x30b: {  	v58 =	vld [tilespmem:s16+$0xC070];
	v22 =	vmul.f32 v22, v24;
	v24 =	vsub.f32 v16, v14;
	v30 =	vmul.f32 v30, v1  }
0x30c: {  	v61 =	vld [tilespmem:s16+$0xA070];
	[tilespmem:s16+$0x12040] =	vst v10;
	vm3 =	vne.s32 v26, $0x0;
	v31 =	vmul.f32 v48, v49;
	v16 =	vsub.f32 v16, v15  }
0x30d: {  	[tilespmem:s16+$0x120C0] =	vst v11;
	v17 =	vadd.f32 v22, v17;
	v27 =	vadd.f32 v30, v27;
	v10 =	vmul.f32 v24, v50  }
0x30e: {  	[tilespmem:s16+$0x14040] =	vst v12;
	v12 =	vadd.f32 v31, v23;
	v22 =	vor.u32 v28, v26;
	v11 =	vmul.f32 v16, v51  }
0x30f: {  	s0 =	sshll.u32 s31, $0x8;
	[tilespmem:s16+$0x140C0] =	vst v13;
	vm1 =	veq.s32 v22, $0x0;
	v13 =	vsub.f32 v27, v46;
	v10 =	vadd.f32 v10, v14  }
0x310: {  	s19 =	sor.u32 s0, s11;
	v14 =	vnsel vm1, $0x0, v0;
	vm1 =	vmor vm2, vm0;
	v22 =	vsub.f32 v27, v47  }
0x311: {  	v39 =	vld [tilespmem:s19+$0xC000];
	vm0 =	vmand vm2, vm0;
	[tilespmem:s14+$0x120E0] =	vst v12;
	v12 =	vsub.f32 v27, v29;
	v11 =	vadd.f32 v11, v15  }
0x312: {  	s23 =	sor.u32 $0x1050, s21;
	v45 =	vld [tilespmem:s19+$0xC080];
	[tilespmem:s14+$0x12060] =	vst v17;
	v15 =	vsub.f32 v27, v25;
	v17 =	vsel vm1, $0x0, v0;
	v13 =	vmul.f32 v13, v14  }
0x313: {  	v16 =	vld [tilespmem:s23+$0x0];
	vm1 =	vmand vm2, vm3;
	v52 =	vnsel vm0, $0x0, v0;
	v17 =	vmul.f32 v22, v17  }
0x314: {  	v28 =	vld [tilespmem:s21+$0x3050];
	v12 =	vmul.f32 v12, v52;
	v53 =	vnsel vm1, $0x0, v0;
	v13 =	vadd.f32 v13, v46  }
0x315: {  	v26 =	vld [tilespmem:s17+$0xA010];
	[tilespmem:s14+$0x140E0] =	vst v11;
	v11 =	vmul.f32 v15, v53;
	v17 =	vadd.f32 v17, v47  }
0x316: {  	v27 =	vld [tilespmem:s17+$0xC090];
	v12 =	vadd.f32 v12, v29;
	[tilespmem:s17+$0x12000] =	vst v13  }
0x317: {  	v14 =	vld [tilespmem:s21+$0x5050];
	[tilespmem:s17+$0x12080] =	vst v17;
	v17 =	vadd.f32 v11, v25  }
0x318: {  	v15 =	vld [tilespmem:s17+$0xA090];
	[tilespmem:s17+$0x14000] =	vst v12  }
0x319: {  	v63 =	vmax.f32 v39, v45;
	v25 =	vld [tilespmem:s17+$0xC010];
	[tilespmem:s17+$0x14080] =	vst v17  }
0x31a: {  	v30 =	vmax.f32 v7, v6;
	vm1 =	veq.s32 v28, $0x0;
	v17 =	vmax.f32 v8, v9;
	v29 =	vld [tilespmem:s28+$0x3010]  }
0x31b: {  	vm2 =	vne.s32 v28, $0x0;
	vm3 =	vne.s32 v16, $0x0;
	v17 =	vsel vm1, v17, v30  }
0x31c: {  	s30 =	sor.u32 $0x1010, s28;
	v16 =	vor.u32 v16, v28;
	vm12 =	vmor vm3, vm1;
	v17 =	vmul.f32 v17, v1  }
0x31d: {  	vm11 =	veq.s32 v16, $0x0;
	vm2 =	vmand vm3, vm2;
	v44 =	vsel vm12, $0x0, v0;
	v31 =	vld [tilespmem:s30+$0x0]  }
0x31e: {  	v47 =	vnsel vm2, $0x0, v0;
	v54 =	vmax.f32 v26, v15;
	v28 =	vld [tilespmem:s28+$0x5010];
	v14 =	vadd.f32 v17, v14  }
0x31f: {  	vm1 =	vmand vm3, vm1;
	v55 =	vmax.f32 v25, v27;
	vm0 =	veq.s32 v29, $0x0  }
0x320: {  	s24 =	sshll.u32 s31, $0xA;
	[tilespmem:s14+$0x14060] =	vst v10;
	v46 =	vnsel vm1, $0x0, v0;
	v49 =	vsub.f32 v14, v8;
	v33 =	vsel vm0, v54, v55  }
0x321: {  	s18 =	sadd.s32 $0x0, s24;
	v10 =	vld [tilespmem:s1+$0x3070];
	v50 =	vsub.f32 v14, v9;
	v52 =	vsub.f32 v14, v7;
	v17 =	vmul.f32 v33, v1  }
0x322: {  	s31 =	sor.u32 $0x1000, s18;
	v32 =	vld [tilespmem:s18+$0x3000];
	v14 =	vsub.f32 v14, v6;
	vm2 =	vne.s32 v31, $0x0;
	vm3 =	vne.s32 v29, $0x0  }
0x323: {  	v51 =	vld [tilespmem:s31+$0x0];
	vm13 =	vmand vm2, vm0;
	v28 =	vadd.f32 v17, v28;
	v17 =	vor.u32 v31, v29  }
0x324: {  	v23 =	vld [tilespmem:s14+$0xA070];
	v33 =	vnsel vm11, $0x0, v0;
	v47 =	vmul.f32 v14, v47;
	vm1 =	veq.s32 v17, $0x0  }
0x325: {  	v16 =	vld [tilespmem:s19+$0xA080];
	v56 =	vsub.f32 v28, v26;
	v31 =	vnsel vm1, $0x0, v0;
	vm1 =	vmor vm2, vm0  }
0x326: {  	v30 =	vld [tilespmem:s19+$0xA000];
	v57 =	vsub.f32 v28, v15;
	v62 =	vsub.f32 v28, v25;
	vm0 =	veq.s32 v10, $0x0  }
0x327: {  	v24 =	vld [tilespmem:s14+$0xA0F0];
	vm2 =	vmand vm2, vm3;
	v29 =	vsel vm1, $0x0, v0;
	v31 =	vmul.f32 v56, v31  }
0x328: {  	v22 =	vld [tilespmem:s14+$0xC070];
	vm3 =	vne.s32 v51, $0x0;
	vm1 =	veq.s32 v32, $0x0;
	v29 =	vmul.f32 v57, v29  }
0x329: {  	v12 =	vld [tilespmem:s14+$0xC0F0];
	vm15 =	vmor vm3, vm1;
	v26 =	vadd.f32 v31, v26;
	v31 =	vnsel vm13, $0x0, v0  }
0x32a: {  	v48 =	vld [tilespmem:s18+$0x5000];
	v28 =	vsub.f32 v28, v27;
	v57 =	vsel vm15, $0x0, v0;
	v31 =	vmul.f32 v62, v31  }
0x32b: {  	v15 =	vadd.f32 v29, v15;
	v29 =	vnsel vm2, $0x0, v0;
	[tilespmem:s17+$0x12010] =	vst v26;
	v26 =	vmax.f32 v30, v16  }
0x32c: {  	v28 =	vmul.f32 v28, v29;
	v29 =	vadd.f32 v31, v25;
	v25 =	vsel vm1, v26, v63  }
0x32d: {  	vm2 =	vne.s32 v32, $0x0;
	[tilespmem:s17+$0x12090] =	vst v15;
	v15 =	vmax.f32 v23, v24;
	v55 =	vmul.f32 v25, v1  }
0x32e: {  	v31 =	vmax.f32 v22, v12;
	v26 =	vmul.f32 v49, v33;
	v27 =	vadd.f32 v28, v27  }
0x32f: {  	v53 =	vld [tilespmem:s17+$0xA020];
	v28 =	vmul.f32 v50, v44;
	vm1 =	vmand vm3, vm1;
	v56 =	vadd.f32 v55, v48  }
0x330: {  	v13 =	vld [tilespmem:s1+$0x5070];
	vm3 =	vmand vm3, vm2;
	v8 =	vadd.f32 v26, v8;
	v26 =	vor.u32 v51, v32  }
0x331: {  	v54 =	vld [tilespmem:s17+$0xA0A0];
	v15 =	vsel vm0, v15, v31;
	vm14 =	veq.s32 v26, $0x0;
	v26 =	vsub.f32 v56, v30  }
0x332: {  	v44 =	vld [tilespmem:s17+$0xC020];
	[tilespmem:s17+$0x14090] =	vst v27;
	v9 =	vadd.f32 v28, v9;
	v27 =	vnsel vm14, $0x0, v0;
	v28 =	vsub.f32 v56, v16  }
0x333: {  	[tilespmem:s17+$0x14010] =	vst v29;
	v29 =	vmul.f32 v52, v46;
	v48 =	vld [tilespmem:s17+$0xC0A0];
	v62 =	vsub.f32 v56, v39;
	v27 =	vmul.f32 v26, v27  }
0x334: {  	s1 =	sor.u32 $0x1070, s1;
	v51 =	vnsel vm1, $0x0, v0;
	v49 =	vld [tilespmem:s28+$0x3020];
	v46 =	vsub.f32 v56, v45;
	v28 =	vmul.f32 v28, v57  }
0x335: {  	v11 =	vld [tilespmem:s1+$0x0];
	v14 =	vnsel vm3, $0x0, v0;
	v51 =	vmul.f32 v62, v51;
	v27 =	vadd.f32 v27, v30  }
0x336: {  	s1 =	sor.u32 $0x1020, s28;
	v15 =	vmul.f32 v15, v1;
	v14 =	vmul.f32 v46, v14;
	v16 =	vadd.f32 v28, v16  }
0x337: {  	v63 =	vld [tilespmem:s1+$0x0];
	v7 =	vadd.f32 v29, v7;
	v29 =	vadd.f32 v51, v39;
	[tilespmem:s19+$0x12000] =	vst v27  }
0x338: {  	v30 =	vld [tilespmem:s28+$0x5020];
	v39 =	vadd.f32 v15, v13;
	v13 =	vadd.f32 v14, v45;
	[tilespmem:s19+$0x12080] =	vst v16  }
0x339: {  	v42 =	vld [tilespmem:s19+$0xA090];
	v55 =	vmax.f32 v53, v54;
	vm2 =	veq.s32 v49, $0x0;
	v56 =	vmax.f32 v44, v48;
	[tilespmem:s19+$0x14000] =	vst v29  }
0x33a: {  	v41 =	vld [tilespmem:s19+$0xC090];
	vm3 =	vne.s32 v10, $0x0;
	vm1 =	vne.s32 v11, $0x0;
	v28 =	vsel vm2, v55, v56;
	[tilespmem:s19+$0x14080] =	vst v13  }
0x33b: {  	vm3 =	vmand vm1, vm3;
	v56 =	vmul.f32 v28, v1;
	v46 =	vld [tilespmem:s18+$0x3010]  }
0x33c: {  	v43 =	vld [tilespmem:s19+$0xA010];
	[tilespmem:s16+$0x12050] =	vst v8;
	v8 =	vnsel vm3, $0x0, v0;
	vm9 =	vne.s32 v63, $0x0;
	vm11 =	vne.s32 v49, $0x0  }
0x33d: {  	v17 =	vld [tilespmem:s19+$0xC010];
	v14 =	vor.u32 v63, v49;
	vm10 =	vmor vm9, vm2;
	v15 =	vadd.f32 v56, v30  }
0x33e: {  	vm2 =	vmand vm9, vm2;
	vm8 =	veq.s32 v14, $0x0;
	v16 =	vsub.f32 v39, v12  }
0x33f: {  	v30 =	vnsel vm8, $0x0, v0;
	v14 =	vsub.f32 v15, v53;
	v62 =	vsub.f32 v15, v44  }
0x340: {  	v56 =	vnsel vm2, $0x0, v0;
	v57 =	vsub.f32 v15, v54;
	vm12 =	veq.s32 v46, $0x0  }
0x341: {  	s2 =	sor.u32 $0x1010, s18;
	v49 =	vld [tilespmem:s18+$0x5010];
	v14 =	vmul.f32 v14, v30;
	v30 =	vsel vm10, $0x0, v0;
	v50 =	vmul.f32 v62, v56  }
0x342: {  	v51 =	vld [tilespmem:s2+$0x0];
	v62 =	vmax.f32 v17, v41;
	v30 =	vmul.f32 v57, v30;
	v57 =	vmax.f32 v43, v42  }
0x343: {  	[tilespmem:s16+$0x14050] =	vst v7;
	v7 =	vmul.f32 v16, v8;
	v8 =	vsel vm12, v57, v62  }
0x344: {  	v30 =	vadd.f32 v30, v54;
	v8 =	vmul.f32 v8, v1  }
0x345: {  	v63 =	vadd.f32 v14, v53;
	v53 =	vsub.f32 v15, v48  }
0x346: {  	vm3 =	vmand vm9, vm11;
	[tilespmem:s17+$0x120A0] =	vst v30;
	v30 =	vadd.f32 v7, v12;
	v7 =	vadd.f32 v8, v49  }
0x347: {  	v36 =	vld [tilespmem:s19+$0xC020];
	v6 =	vadd.f32 v47, v6;
	[tilespmem:s17+$0x12020] =	vst v63;
	v63 =	vnsel vm3, $0x0, v0;
	v8 =	vor.u32 v51, v46  }
0x348: {  	v37 =	vld [tilespmem:s19+$0xC0A0];
	v52 =	vmul.f32 v53, v63;
	vm15 =	veq.s32 v8, $0x0;
	v8 =	vsub.f32 v7, v43  }
0x349: {  	v45 =	vld [tilespmem:s17+$0xA0B0];
	v44 =	vadd.f32 v50, v44;
	v62 =	vnsel vm15, $0x0, v0  }
0x34a: {  	[tilespmem:s16+$0x140D0] =	vst v6;
	v54 =	vld [tilespmem:s17+$0xA030];
	v57 =	vadd.f32 v52, v48;
	v8 =	vmul.f32 v8, v62  }
0x34b: {  	[tilespmem:s17+$0x14020] =	vst v44;
	v44 =	vld [tilespmem:s17+$0xC030]  }
0x34c: {  	vm13 =	vne.s32 v46, $0x0;
	v46 =	vld [tilespmem:s17+$0xC0B0];
	[tilespmem:s17+$0x140A0] =	vst v57;
	v8 =	vadd.f32 v8, v43  }
0x34d: {  	v38 =	vmax.f32 v21, v18;
	v40 =	vmax.f32 v19, v20;
	v10 =	vor.u32 v11, v10;
	[tilespmem:s16+$0x120D0] =	vst v9;
	v50 =	vld [tilespmem:s28+$0x3030]  }
0x34e: {  	v55 =	vmax.f32 v36, v37;
	v47 =	vsub.f32 v39, v23;
	v6 =	vsub.f32 v39, v24;
	[tilespmem:s19+$0x12010] =	vst v8  }
0x34f: {  	v39 =	vsub.f32 v39, v22;
	vm2 =	veq.s32 v10, $0x0;
	vm14 =	vne.s32 v51, $0x0;
	v2 =	vld [tilespmem:$0x1FFF0]  }
0x350: {  	v10 =	vnsel vm2, $0x0, v0;
	vm8 =	vmor vm14, vm12;
	vm4 =	vmand vm14, vm12  }
0x351: {  	s3 =	sor.u32 $0x1030, s28;
	vm6 =	vmand vm14, vm13;
	v11 =	vsel vm8, $0x0, v0;
	v63 =	vsub.f32 v7, v17;
	v43 =	vld [tilespmem:s28+$0x5030]  }
0x352: {  	v57 =	vmax.f32 v54, v45;
	v52 =	vld [tilespmem:s3+$0x0];
	v62 =	vmax.f32 v44, v46;
	vm9 =	veq.s32 v50, $0x0  }
0x353: {  	v56 =	vnsel vm4, $0x0, v0;
	v12 =	vsub.f32 v7, v42;
	v53 =	vsel vm9, v57, v62  }
0x354: {  	vm3 =	vmor vm1, vm0;
	v48 =	vld [tilespmem:s21+$0x3060];
	v51 =	vmul.f32 v63, v56;
	v8 =	vmul.f32 v53, v2  }
0x355: {  	v7 =	vsub.f32 v7, v41;
	v12 =	vmul.f32 v12, v11;
	v63 =	vnsel vm6, $0x0, v0  }
0x356: {  	v11 =	vsel vm3, $0x0, v0;
	v17 =	vadd.f32 v51, v17;
	v51 =	vadd.f32 v8, v43  }
0x357: {  	v42 =	vadd.f32 v12, v42;
	v43 =	vmul.f32 v6, v11;
	v6 =	vor.u32 v52, v50  }
0x358: {  	v7 =	vmul.f32 v7, v63;
	vm2 =	veq.s32 v6, $0x0;
	v57 =	vsub.f32 v51, v54  }
0x359: {  	v35 =	vld [tilespmem:s19+$0xA0A0];
	vm10 =	veq.s32 v48, $0x0;
	[tilespmem:s19+$0x12090] =	vst v42;
	v42 =	vmul.f32 v47, v10;
	v10 =	vnsel vm2, $0x0, v0  }
0x35a: {  	s4 =	sor.u32 $0x1060, s21;
	v34 =	vld [tilespmem:s19+$0xA020];
	vm0 =	vmand vm1, vm0;
	v38 =	vsel vm10, v38, v40;
	v40 =	vmul.f32 v57, v10  }
0x35b: {  	v41 =	vadd.f32 v7, v41;
	v47 =	vld [tilespmem:s4+$0x0];
	vm3 =	vne.s32 v52, $0x0;
	vm11 =	vne.s32 v50, $0x0  }
0x35c: {  	v13 =	vld [tilespmem:s19+$0xA050];
	[tilespmem:s19+$0x14010] =	vst v17;
	vm2 =	vmor vm3, vm9;
	v52 =	vsub.f32 v51, v45;
	v40 =	vadd.f32 v40, v54  }
0x35d: {  	v14 =	vld [tilespmem:s19+$0xA0D0];
	[tilespmem:s19+$0x14090] =	vst v41;
	vm5 =	vmand vm3, vm9;
	v11 =	vsel vm2, $0x0, v0;
	v10 =	vsub.f32 v51, v44  }
0x35e: {  	vm6 =	vmand vm3, vm11;
	v50 =	vld [tilespmem:s18+$0x3020];
	v41 =	vmul.f32 v52, v11;
	v11 =	vnsel vm5, $0x0, v0;
	[tilespmem:s17+$0x12030] =	vst v40  }
0x35f: {  	vm3 =	vne.s32 v48, $0x0;
	v51 =	vsub.f32 v51, v46;
	v52 =	vmul.f32 v10, v11;
	v3 =	vld [tilespmem:$0x1FFF0]  }
0x360: {  	s6 =	sor.u32 $0x1020, s18;
	v53 =	vld [tilespmem:s21+$0x5060];
	vm2 =	vne.s32 v47, $0x0;
	v57 =	vnsel vm6, $0x0, v0;
	v41 =	vadd.f32 v41, v45  }
0x361: {  	v47 =	vor.u32 v47, v48;
	v48 =	vld [tilespmem:s6+$0x0];
	v40 =	vmul.f32 v51, v57;
	v44 =	vadd.f32 v52, v44  }
0x362: {  	v49 =	vmax.f32 v34, v35;
	v7 =	vmax.f32 v13, v14;
	vm12 =	vmor vm2, vm10;
	[tilespmem:s17+$0x120B0] =	vst v41  }
0x363: {  	vm4 =	vmand vm2, vm10;
	vm13 =	veq.s32 v47, $0x0;
	v40 =	vadd.f32 v40, v46;
	[tilespmem:s17+$0x14030] =	vst v44  }
0x364: {  	vm2 =	vmand vm2, vm3;
	vm6 =	veq.s32 v50, $0x0;
	v38 =	vmul.f32 v38, v3;
	v3 =	vld [tilespmem:$0x1FFF0]  }
0x365: {  	v56 =	vsel vm12, $0x0, v0;
	vm14 =	vne.s32 v50, $0x0;
	v54 =	vld [tilespmem:s18+$0x5020];
	v49 =	vsel vm6, v49, v55;
	[tilespmem:s17+$0x140B0] =	vst v40  }
0x366: {  	s7 =	sor.u32 $0x1040, s28;
	v50 =	vor.u32 v48, v50;
	vm15 =	vne.s32 v48, $0x0;
	v52 =	vld [tilespmem:s28+$0x3040];
	v38 =	vadd.f32 v38, v53  }
0x367: {  	v11 =	vnsel vm13, $0x0, v0;
	vm12 =	veq.s32 v50, $0x0;
	vm9 =	vmor vm15, vm6;
	v55 =	vld [tilespmem:s7+$0x0]  }
0x368: {  	v47 =	vld [tilespmem:s17+$0xC040];
	vm6 =	vmand vm15, vm6;
	v44 =	vsub.f32 v38, v21;
	v57 =	vsub.f32 v38, v18  }
0x369: {  	v45 =	vld [tilespmem:s17+$0xA040];
	vm5 =	vmand vm15, vm14;
	v40 =	vsub.f32 v38, v19;
	v10 =	vmul.f32 v49, v3  }
0x36a: {  	v41 =	vld [tilespmem:s17+$0xA0C0];
	v38 =	vsub.f32 v38, v20;
	v44 =	vmul.f32 v44, v11;
	v51 =	vmul.f32 v57, v56  }
0x36b: {  	v49 =	vld [tilespmem:s17+$0xC0C0];
	v11 =	vnsel vm12, $0x0, v0;
	v57 =	vsel vm9, $0x0, v0;
	v46 =	vadd.f32 v10, v54  }
0x36c: {  	v4 =	vld [tilespmem:s19+$0xA0E0];
	vm13 =	veq.s32 v52, $0x0;
	vm14 =	vne.s32 v55, $0x0;
	vm10 =	vne.s32 v52, $0x0  }
0x36d: {  	v25 =	vld [tilespmem:s19+$0xA030];
	vm9 =	vmor vm14, vm13;
	v48 =	vsub.f32 v46, v34;
	v10 =	vsub.f32 v46, v35  }
0x36e: {  	v3 =	vld [tilespmem:$0x1FFF0];
	vm11 =	vmand vm14, vm13;
	v21 =	vadd.f32 v44, v21;
	v18 =	vadd.f32 v51, v18  }
0x36f: {  	v1 =	vld [tilespmem:s19+$0xA060];
	v53 =	vsub.f32 v46, v36;
	v48 =	vmul.f32 v48, v11;
	v50 =	vmul.f32 v10, v57  }
0x370: {  	v54 =	vld [tilespmem:s28+$0x5040];
	v10 =	vmax.f32 v45, v41;
	v57 =	vmax.f32 v47, v49;
	v11 =	vnsel vm6, $0x0, v0  }
0x371: {  	v31 =	vld [tilespmem:s19+$0xA0B0];
	v46 =	vsub.f32 v46, v37;
	v56 =	vsel vm13, v10, v57;
	v53 =	vmul.f32 v53, v11  }
0x372: {  	v28 =	vld [tilespmem:s19+$0xC040];
	v10 =	vnsel vm5, $0x0, v0;
	v11 =	vnsel vm4, $0x0, v0;
	v34 =	vadd.f32 v48, v34  }
0x373: {  	v29 =	vld [tilespmem:s19+$0xC0C0];
	v56 =	vmul.f32 v56, v3;
	v46 =	vmul.f32 v46, v10;
	v35 =	vadd.f32 v50, v35  }
0x374: {  	vm4 =	vmand vm14, vm10;
	v40 =	vmul.f32 v40, v11;
	v36 =	vadd.f32 v53, v36;
	v50 =	vmovc v1;
	v1 =	vld [tilespmem:$0x1FFF0];
	[tilespmem:s19+$0x12020] =	vst v34  }
0x375: {  	v33 =	vld [tilespmem:s19+$0xC030];
	v53 =	vor.u32 v55, v52;
	v48 =	vadd.f32 v56, v54;
	v37 =	vadd.f32 v46, v37;
	[tilespmem:s19+$0x120A0] =	vst v35  }
0x376: {  	v32 =	vld [tilespmem:s19+$0xC0B0];
	v10 =	vsel vm9, $0x0, v0;
	v52 =	vmax.f32 v25, v31;
	vm15 =	veq.s32 v53, $0x0;
	[tilespmem:s19+$0x14020] =	vst v36  }
0x377: {  	v53 =	vnsel vm11, $0x0, v0;
	v19 =	vadd.f32 v40, v19;
	v55 =	vsub.f32 v48, v45;
	[tilespmem:s19+$0x140A0] =	vst v37  }
0x378: {  	v56 =	vnsel vm15, $0x0, v0;
	v57 =	vsub.f32 v48, v41;
	v11 =	vsub.f32 v48, v47;
	v46 =	vld [tilespmem:s18+$0x3030]  }
0x379: {  	v54 =	vmovc v4;
	v4 =	vmax.f32 v28, v29;
	v48 =	vsub.f32 v48, v49;
	v34 =	vmul.f32 v55, v56  }
0x37a: {  	s11 =	sor.u32 $0x1030, s18;
	[tilespmem:s16+$0x14060] =	vst v19;
	v19 =	vmax.f32 v61, v59;
	v36 =	vmul.f32 v57, v10;
	v35 =	vmul.f32 v11, v53  }
0x37b: {  	v55 =	vmax.f32 v33, v32;
	v10 =	vnsel vm2, $0x0, v0;
	v11 =	vld [tilespmem:s11+$0x0];
	v34 =	vadd.f32 v34, v45  }
0x37c: {  	v56 =	vld [tilespmem:s18+$0x5030];
	v57 =	vnsel vm4, $0x0, v0;
	v38 =	vmul.f32 v38, v10;
	v35 =	vadd.f32 v35, v47  }
0x37d: {  	v63 =	vld [tilespmem:s19+$0xC0F0];
	v36 =	vadd.f32 v36, v41;
	[tilespmem:s17+$0x12040] =	vst v34;
	v34 =	vmul.f32 v48, v57;
	vm2 =	veq.s32 v46, $0x0  }
0x37e: {  	v44 =	vld [tilespmem:s17+$0xA0D0];
	v20 =	vadd.f32 v38, v20;
	[tilespmem:s17+$0x14040] =	vst v35;
	v35 =	vadd.f32 v42, v23;
	v37 =	vsel vm2, v52, v55  }
0x37f: {  	v48 =	vld [tilespmem:s17+$0xA050];
	v23 =	vadd.f32 v43, v24;
	v34 =	vadd.f32 v34, v49;
	v37 =	vmul.f32 v37, v1  }
0x380: {  	v6 =	vld [tilespmem:s17+$0xC050];
	[tilespmem:s17+$0x120C0] =	vst v36;
	v24 =	vor.u32 v11, v46;
	v49 =	vnsel vm0, $0x0, v0;
	vm0 =	vne.s32 v11, $0x0  }
0x381: {  	vm3 =	veq.s32 v24, $0x0;
	v3 =	vmul.f32 v39, v49;
	[tilespmem:s17+$0x140C0] =	vst v34;
	v34 =	vadd.f32 v37, v56;
	v37 =	vld [tilespmem:s17+$0xC0D0]  }
0x382: {  	vm1 =	vmor vm0, vm2;
	vm2 =	vmand vm0, vm2;
	v52 =	vnsel vm3, $0x0, v0;
	v36 =	vld [tilespmem:s28+$0x3050]  }
0x383: {  	v62 =	vld [tilespmem:s19+$0xC070];
	v55 =	vsel vm1, $0x0, v0;
	v56 =	vnsel vm2, $0x0, v0;
	vm1 =	vne.s32 v46, $0x0  }
0x384: {  	s20 =	sor.u32 $0x1050, s28;
	v51 =	vmax.f32 v48, v44;
	v24 =	vsub.f32 v34, v25;
	v53 =	vsub.f32 v34, v31  }
0x385: {  	v49 =	vld [tilespmem:s20+$0x0];
	vm0 =	vmand vm0, vm1;
	v22 =	vadd.f32 v3, v22;
	v41 =	vsub.f32 v34, v33  }
0x386: {  	v11 =	vld [tilespmem:s28+$0x5050];
	v34 =	vsub.f32 v34, v32;
	v24 =	vmul.f32 v24, v52;
	v57 =	vmul.f32 v53, v55  }
0x387: {  	v26 =	vld [tilespmem:s19+$0xA040];
	v10 =	vmul.f32 v41, v56;
	v52 =	vmax.f32 v6, v37;
	vm2 =	veq.s32 v36, $0x0  }
0x388: {  	v27 =	vld [tilespmem:s19+$0xA0C0];
	[tilespmem:s16+$0x12060] =	vst v21;
	v53 =	vmax.f32 v58, v60;
	v41 =	vmax.f32 v62, v63;
	v43 =	vsel vm2, v51, v52  }
0x389: {  	v16 =	vld [tilespmem:s19+$0xC0D0];
	[tilespmem:s16+$0x120E0] =	vst v18;
	v21 =	vadd.f32 v24, v25;
	v24 =	vnsel vm0, $0x0, v0;
	v25 =	vmul.f32 v43, v1  }
0x38a: {  	s23 =	sor.u32 $0x1070, s21;
	v15 =	vld [tilespmem:s19+$0xC050];
	[tilespmem:s16+$0x140E0] =	vst v20;
	v20 =	vor.u32 v49, v36;
	v18 =	vmul.f32 v34, v24;
	v24 =	vadd.f32 v57, v31  }
0x38b: {  	v56 =	vld [tilespmem:s23+$0x0];
	vm1 =	vne.s32 v49, $0x0;
	v31 =	vadd.f32 v10, v33;
	v25 =	vadd.f32 v25, v11  }
0x38c: {  	vm0 =	veq.s32 v20, $0x0;
	vm3 =	vmor vm1, vm2;
	vm2 =	vmand vm1, vm2;
	[tilespmem:s19+$0x12030] =	vst v21;
	v21 =	vld [tilespmem:s21+$0x3070]  }
0x38d: {  	v57 =	vnsel vm2, $0x0, v0;
	v18 =	vadd.f32 v18, v32;
	[tilespmem:s19+$0x120B0] =	vst v24;
	v20 =	vsub.f32 v25, v48  }
0x38e: {  	v17 =	vld [tilespmem:s19+$0xA070];
	vm2 =	vne.s32 v36, $0x0;
	v24 =	vnsel vm0, $0x0, v0;
	[tilespmem:s19+$0x14030] =	vst v31;
	v55 =	vsub.f32 v25, v44  }
0x38f: {  	v2 =	vld [tilespmem:s19+$0xA0F0];
	v31 =	vsel vm3, $0x0, v0;
	vm1 =	vmand vm1, vm2;
	[tilespmem:s19+$0x140B0] =	vst v18;
	v20 =	vmul.f32 v20, v24  }
0x390: {  	v45 =	vnsel vm1, $0x0, v0;
	v10 =	vld [tilespmem:s18+$0x3040];
	v24 =	vsub.f32 v25, v6;
	v31 =	vmul.f32 v55, v31  }
0x391: {  	v3 =	vld [tilespmem:s17+$0xC060];
	vm1 =	vne.s32 v56, $0x0;
	vm0 =	veq.s32 v21, $0x0;
	v20 =	vadd.f32 v20, v48  }
0x392: {  	s24 =	sor.u32 $0x1040, s18;
	v11 =	vld [tilespmem:s21+$0x5070];
	v25 =	vsub.f32 v25, v37;
	v32 =	vmul.f32 v24, v57;
	v31 =	vadd.f32 v31, v44  }
0x393: {  	v18 =	vmax.f32 v26, v27;
	vm3 =	vne.s32 v21, $0x0;
	v19 =	vsel vm0, v19, v53;
	[tilespmem:s17+$0x12050] =	vst v20;
	v20 =	vld [tilespmem:s24+$0x0]  }
0x394: {  	v33 =	vmul.f32 v25, v45;
	v32 =	vadd.f32 v32, v6;
	v6 =	vld [tilespmem:s18+$0x5040];
	[tilespmem:s17+$0x120D0] =	vst v31;
	v31 =	vor.u32 v56, v21  }
0x395: {  	v19 =	vmul.f32 v19, v1;
	vm4 =	veq.s32 v10, $0x0;
	vm2 =	veq.s32 v31, $0x0;
	v31 =	vld [tilespmem:s17+$0xC0E0]  }
0x396: {  	v5 =	vld [tilespmem:s19+$0xC060];
	v45 =	vmax.f32 v15, v16;
	v18 =	vsel vm4, v18, v4;
	v33 =	vadd.f32 v33, v37  }
0x397: {  	v47 =	vld [tilespmem:s17+$0xA0E0];
	v44 =	vmovc v2;
	v38 =	vadd.f32 v19, v11;
	vm12 =	vne.s32 v10, $0x0;
	v18 =	vmul.f32 v18, v1;
	[tilespmem:s17+$0x14050] =	vst v32  }
0x398: {  	v2 =	vld [tilespmem:s17+$0xA060];
	v40 =	vmax.f32 v17, v44;
	[tilespmem:s17+$0x140D0] =	vst v33;
	v19 =	vor.u32 v20, v10;
	vm13 =	vne.s32 v20, $0x0  }
0x399: {  	s30 =	sor.u32 $0x1060, s28;
	v32 =	vld [tilespmem:s28+$0x3060];
	v18 =	vadd.f32 v18, v6;
	vm14 =	veq.s32 v19, $0x0;
	vm15 =	vmor vm13, vm4  }
0x39a: {  	v55 =	vld [tilespmem:s30+$0x0];
	vm4 =	vmand vm13, vm4;
	vm5 =	vmand vm13, vm12;
	v53 =	vmax.f32 v3, v31  }
0x39b: {  	vm12 =	vmor vm1, vm0;
	vm0 =	vmand vm1, vm0;
	vm1 =	vmand vm1, vm3  }
0x39c: {  	v19 =	vnsel vm14, $0x0, v0;
	v20 =	vsel vm15, $0x0, v0;
	v21 =	vsub.f32 v18, v26  }
0x39d: {  	v9 =	vld [tilespmem:s19+$0xC0E0];
	v48 =	vnsel vm4, $0x0, v0;
	v49 =	vnsel vm5, $0x0, v0;
	v51 =	vsub.f32 v18, v27  }
0x39e: {  	v4 =	vld [tilespmem:s28+$0x5060];
	v52 =	vsub.f32 v18, v28;
	v18 =	vsub.f32 v18, v29;
	vm5 =	veq.s32 v32, $0x0  }
0x39f: {  	[tilespmem:$0x1FEC0] =	vst v5;
	vm3 =	vne.s32 v55, $0x0;
	v36 =	vmul.f32 v51, v20;
	v20 =	vmax.f32 v2, v47  }
0x3a0: {  	[tilespmem:s14+$0x140F0] =	vst v30;
	v30 =	vor.u32 v55, v32;
	v19 =	vmul.f32 v21, v19;
	v37 =	vsel vm5, v20, v53  }
0x3a1: {  	vm13 =	vne.s32 v32, $0x0;
	v33 =	vmul.f32 v52, v48;
	v56 =	vmul.f32 v37, v1  }
0x3a2: {  	v34 =	vmul.f32 v18, v49;
	v21 =	vmax.f32 v50, v54;
	v26 =	vadd.f32 v19, v26  }
0x3a3: {  	v18 =	vmax.f32 v5, v9;
	v27 =	vadd.f32 v36, v27;
	v36 =	vadd.f32 v56, v4  }
0x3a4: {  	vm14 =	veq.s32 v30, $0x0;
	vm15 =	vmor vm3, vm5;
	vm5 =	vmand vm3, vm5  }
0x3a5: {  	vm3 =	vmand vm3, vm13;
	v20 =	vsub.f32 v38, v60;
	[tilespmem:s19+$0x12040] =	vst v26;
	v26 =	vsub.f32 v36, v2  }
0x3a6: {  	v28 =	vadd.f32 v33, v28;
	[tilespmem:s19+$0x120C0] =	vst v27;
	v27 =	vnsel vm14, $0x0, v0;
	v30 =	vsub.f32 v36, v47  }
0x3a7: {  	[tilespmem:s14+$0x12070] =	vst v35;
	v29 =	vadd.f32 v34, v29;
	v26 =	vmul.f32 v26, v27;
	v27 =	vsel vm15, $0x0, v0  }
0x3a8: {  	v33 =	vsub.f32 v38, v61;
	[tilespmem:s19+$0x14040] =	vst v28;
	v28 =	vsub.f32 v36, v3;
	v27 =	vmul.f32 v30, v27  }
0x3a9: {  	v19 =	vld [tilespmem:s17+$0xA070];
	[tilespmem:s19+$0x140C0] =	vst v29;
	v30 =	vsub.f32 v36, v31;
	v29 =	vadd.f32 v26, v2;
	v26 =	vnsel vm5, $0x0, v0  }
0x3aa: {  	[tilespmem:s14+$0x120F0] =	vst v23;
	v34 =	vsub.f32 v38, v59;
	v23 =	vnsel vm3, $0x0, v0;
	v35 =	vld [tilespmem:s18+$0x3050];
	v57 =	vmul.f32 v28, v26  }
0x3ab: {  	s31 =	sor.u32 $0x1050, s18;
	[tilespmem:s14+$0x14070] =	vst v22;
	v32 =	vld [tilespmem:s18+$0x5050];
	v27 =	vadd.f32 v27, v47;
	v28 =	vsub.f32 v38, v58;
	v26 =	vmul.f32 v30, v23  }
0x3ac: {  	v46 =	vmovc v9;
	s21 =	sor.u32 $0x1060, s18;
	s14 =	sor.u32 $0x1070, s18;
	v37 =	vld [tilespmem:s31+$0x0];
	v30 =	vnsel vm2, $0x0, v0;
	[tilespmem:s17+$0x12060] =	vst v29;
	v29 =	vsel vm12, $0x0, v0;
	v36 =	vadd.f32 v57, v3  }
.LBB2_5:
0x3ad: {  	_ = 	snop  }
0x3ae: {  	v1 =	vnsel vm1, $0x0, v0;
	[tilespmem:s17+$0x120E0] =	vst v27  }
0x3af: {  	[tilespmem:$0x1FDF0] =	vst v1;
	v1 =	vld [tilespmem:$0x1FFF0]  }
0x3b0: {  	v2 =	vmov v17;
	v38 =	vadd.f32 v26, v31;
	v26 =	vld [tilespmem:s17+$0xA0F0];
	[tilespmem:s17+$0x14060] =	vst v36;
	v30 =	vmul.f32 v33, v30  }
0x3b1: {  	v25 =	vnsel vm0, $0x0, v0;
	v27 =	vld [tilespmem:s17+$0xC070];
	v3 =	vmul.f32 v34, v29;
	[tilespmem:$0x1FDD0] =	vst v2  }
0x3b2: {  	s29 =	sadd.s32 $0x2, s29;
	v36 =	vld [tilespmem:s17+$0xC0F0];
	v2 =	vmul.f32 v28, v25;
	[tilespmem:s17+$0x140E0] =	vst v38;
	v30 =	vadd.f32 v30, v61;
	vm3 =	veq.s32 v35, $0x0  }
0x3b3: {  	s4 =	sor.u32 $0x1070, s28;
	s0 =	sand.u32 $0x2, s29;
	s1 =	sshrl.u32 s29, $0x2;
	vm2 =	vne.s32 v35, $0x0;
	v10 =	vor.u32 v37, v35;
	v11 =	vld [tilespmem:s28+$0x3070];
	v24 =	vsel vm3, v7, v45  }
0x3b4: {  	s2 =	sshll.u32 s0, $0xA;
	s6 =	sor.u32 $0x1, s0;
	s7 =	sshll.u32 s1, $0x7;
	vm0 =	vne.s32 v37, $0x0;
	v29 =	vld [tilespmem:s4+$0x0];
	vm1 =	veq.s32 v10, $0x0;
	v24 =	vmul.f32 v24, v1  }
0x3b5: {  	s20 =	sshll.u32 s1, $0xA;
	s11 =	sshll.u32 s6, $0xA;
	s1 =	sadd.s32 s7, s2;
	v57 =	vld [tilespmem:s28+$0x5070];
	vm4 =	vmor vm0, vm3;
	vm3 =	vmand vm0, vm3;
	vm0 =	vmand vm0, vm2  }
0x3b6: {  	[tilespmem:$0x1FE40] =	vst v60;
	s6 =	sshll.u32 s6, $0x8;
	s3 =	sadd.s32 s7, s11;
	v61 =	vld [tilespmem:s1+$0x3000];
	v51 =	vnsel vm1, $0x0, v0;
	v53 =	vsel vm4, $0x0, v0;
	v24 =	vadd.f32 v24, v32  }
0x3b7: {  	[tilespmem:$0x1FE20] =	vst v58;
	s7 =	sor.u32 s20, s6;
	v52 =	vld [tilespmem:s3+$0x3000];
	v39 =	vnsel vm3, $0x0, v0;
	v55 =	vnsel vm0, $0x0, v0;
	v58 =	vmax.f32 v19, v26  }
0x3b8: {  	[tilespmem:$0x1FE30] =	vst v44;
	v44 =	vld [tilespmem:s7+$0xA000];
	v60 =	vmax.f32 v27, v36;
	vm0 =	veq.s32 v11, $0x0;
	v56 =	vsub.f32 v24, v13  }
0x3b9: {  	v47 =	vld [tilespmem:s7+$0xA080];
	vm5 =	vne.s32 v29, $0x0;
	vm1 =	vne.s32 v11, $0x0;
	v42 =	vsub.f32 v24, v14  }
0x3ba: {  	[tilespmem:$0x1FDC0] =	vst v46;
	v46 =	vld [tilespmem:s7+$0xC000];
	v43 =	vsub.f32 v24, v15;
	v34 =	vsel vm0, v58, v60;
	v32 =	vmul.f32 v56, v51  }
0x3bb: {  	s28 =	smov.u32 s3;
	v48 =	vld [tilespmem:s7+$0xC080];
	v24 =	vsub.f32 v24, v16;
	v34 =	vmul.f32 v34, v1;
	v38 =	vmul.f32 v42, v53  }
0x3bc: {  	s0 =	sshll.u32 s0, $0x8;
	s3 =	sor.u32 $0x1000, s28;
	vm3 =	vne.s32 v61, $0x0;
	v39 =	vmul.f32 v43, v39;
	v17 =	vadd.f32 v32, v13  }
0x3bd: {  	s31 =	sor.u32 s0, s20;
	[tilespmem:s16+$0x12070] =	vst v30;
	v28 =	vld [tilespmem:s3+$0x0];
	v24 =	vmul.f32 v24, v55;
	v9 =	vadd.f32 v34, v57;
	v14 =	vadd.f32 v38, v14  }
0x3be: {  	vm4 =	veq.s32 v61, $0x0;
	vm1 =	vmand vm5, vm1;
	v15 =	vadd.f32 v39, v15;
	v13 =	vld [tilespmem:s31+$0xA000];
	[tilespmem:s19+$0x12050] =	vst v17  }
0x3bf: {  	vm6 =	veq.s32 v52, $0x0;
	v16 =	vadd.f32 v24, v16;
	v24 =	vsub.f32 v9, v36;
	v17 =	vld [tilespmem:s28+$0x5000];
	[tilespmem:s19+$0x120D0] =	vst v14  }
0x3c0: {  	v30 =	vmax.f32 v44, v47;
	v10 =	vmax.f32 v46, v48;
	v25 =	vnsel vm1, $0x0, v0;
	[tilespmem:s19+$0x14050] =	vst v15  }
0x3c1: {  	v14 =	vor.u32 v29, v11;
	v29 =	vld [tilespmem:s31+$0xA080];
	[tilespmem:s19+$0x140D0] =	vst v16;
	v16 =	vmul.f32 v24, v25;
	v25 =	vsel vm6, v30, v10  }
0x3c2: {  	vm7 =	vne.s32 v52, $0x0;
	vm1 =	vmor vm5, vm0;
	v35 =	vmul.f32 v25, v1  }
0x3c3: {  	vm0 =	vmand vm5, vm0;
	v43 =	vor.u32 v28, v52;
	vm12 =	vne.s32 v28, $0x0  }
0x3c4: {  	vm8 =	veq.s32 v43, $0x0;
	v16 =	vadd.f32 v16, v36;
	v35 =	vadd.f32 v35, v17  }
0x3c5: {  	vm9 =	vmor vm12, vm6;
	vm5 =	vmand vm12, vm7;
	v28 =	vnsel vm8, $0x0, v0;
	v24 =	vld [tilespmem:s31+$0xC000]  }
0x3c6: {  	s2 =	sor.u32 $0x1000, s1;
	v52 =	vsel vm9, $0x0, v0;
	v57 =	vnsel vm5, $0x0, v0;
	v30 =	vld [tilespmem:s31+$0xC080];
	[tilespmem:s17+$0x140F0] =	vst v16;
	v16 =	vsub.f32 v35, v44  }
0x3c7: {  	[tilespmem:$0x1FE10] =	vst v2;
	v2 =	vsub.f32 v9, v27;
	vm2 =	veq.s32 v14, $0x0;
	v14 =	vld [tilespmem:s2+$0x0];
	v45 =	vsub.f32 v35, v47  }
0x3c8: {  	v4 =	vld [tilespmem:$0x1FFF0];
	vm6 =	vmand vm12, vm6;
	v16 =	vmul.f32 v16, v28;
	v28 =	vsub.f32 v35, v46  }
0x3c9: {  	[tilespmem:$0x1FDE0] =	vst v2;
	v2 =	vld [tilespmem:$0x1FFF0];
	v56 =	vnsel vm6, $0x0, v0;
	v37 =	vmul.f32 v45, v52;
	v35 =	vsub.f32 v35, v48  }
0x3ca: {  	v34 =	vmovc v59;
	v59 =	vsel vm1, $0x0, v0;
	v11 =	vld [tilespmem:s1+$0x5000];
	v16 =	vadd.f32 v16, v44;
	v28 =	vmul.f32 v28, v56  }
0x3cb: {  	[tilespmem:$0x1FE60] =	vst v40;
	v58 =	vmax.f32 v13, v29;
	v40 =	vld [tilespmem:s7+$0xA010];
	v37 =	vadd.f32 v37, v47;
	v35 =	vmul.f32 v35, v57  }
0x3cc: {  	v39 =	vld [tilespmem:s7+$0xA090];
	vm13 =	vne.s32 v14, $0x0;
	v60 =	vmax.f32 v24, v30;
	[tilespmem:s7+$0x12000] =	vst v16;
	v16 =	vadd.f32 v28, v46  }
0x3cd: {  	v53 =	vld [tilespmem:s31+$0xA090];
	v14 =	vor.u32 v14, v61;
	v28 =	vsel vm4, v58, v60;
	[tilespmem:s7+$0x12080] =	vst v37;
	v61 =	vadd.f32 v35, v48  }
0x3ce: {  	v15 =	vsub.f32 v9, v19;
	v25 =	vsub.f32 v9, v26;
	v49 =	vld [tilespmem:s7+$0xC090];
	v28 =	vmul.f32 v28, v1;
	[tilespmem:s7+$0x14000] =	vst v16  }
0x3cf: {  	vm14 =	veq.s32 v14, $0x0;
	vm15 =	vmor vm13, vm4;
	vm3 =	vmand vm13, vm3;
	v16 =	vld [tilespmem:s7+$0xC010];
	[tilespmem:s7+$0x14080] =	vst v61  }
0x3d0: {  	v14 =	vnsel vm14, $0x0, v0;
	v9 =	vsel vm15, $0x0, v0;
	v28 =	vadd.f32 v28, v11;
	v45 =	vld [tilespmem:s28+$0x3010]  }
0x3d1: {  	[tilespmem:$0x1FE70] =	vst v41;
	v55 =	vld [tilespmem:s31+$0xC010];
	v38 =	vnsel vm3, $0x0, v0;
	v41 =	vmax.f32 v40, v39;
	vm4 =	vmand vm13, vm4  }
0x3d2: {  	s4 =	sor.u32 $0x1010, s28;
	v51 =	vld [tilespmem:s31+$0xC090];
	v58 =	vnsel vm2, $0x0, v0;
	v36 =	vsub.f32 v28, v13;
	v10 =	vsub.f32 v28, v29  }
0x3d3: {  	v37 =	vnsel vm4, $0x0, v0;
	v57 =	vld [tilespmem:s4+$0x0];
	v11 =	vsub.f32 v28, v24;
	v28 =	vsub.f32 v28, v30  }
0x3d4: {  	v47 =	vld [tilespmem:s28+$0x5010];
	v14 =	vmul.f32 v36, v14;
	v32 =	vmul.f32 v10, v9;
	v9 =	vmax.f32 v16, v49  }
0x3d5: {  	v35 =	vld [tilespmem:s31+$0xA030];
	v48 =	vmul.f32 v11, v37;
	v28 =	vmul.f32 v28, v38;
	vm1 =	veq.s32 v45, $0x0  }
0x3d6: {  	v22 =	vmovc v54;
	v36 =	vld [tilespmem:s31+$0xA0B0];
	vm2 =	vne.s32 v45, $0x0;
	v54 =	vsel vm1, v41, v9;
	v13 =	vadd.f32 v14, v13  }
0x3d7: {  	v14 =	vadd.f32 v32, v29;
	v11 =	vadd.f32 v28, v30;
	v28 =	vld [tilespmem:s31+$0xA040];
	v10 =	vmul.f32 v54, v2  }
0x3d8: {  	v24 =	vadd.f32 v48, v24;
	v29 =	vld [tilespmem:s31+$0xA0C0];
	v48 =	vnsel vm0, $0x0, v0;
	vm0 =	vne.s32 v57, $0x0  }
0x3d9: {  	v30 =	vld [tilespmem:s31+$0xC040];
	vm9 =	vmor vm0, vm1;
	vm1 =	vmand vm0, vm1;
	[tilespmem:s31+$0x12000] =	vst v13;
	v47 =	vadd.f32 v10, v47  }
0x3da: {  	v32 =	vld [tilespmem:s31+$0xC0C0];
	vm0 =	vmand vm0, vm2;
	v13 =	vor.u32 v57, v45;
	[tilespmem:s31+$0x12080] =	vst v14;
	v9 =	vnsel vm1, $0x0, v0  }
0x3db: {  	v23 =	vld [tilespmem:s31+$0xA0D0];
	[tilespmem:s31+$0x14000] =	vst v24;
	v2 =	vnsel vm0, $0x0, v0;
	vm3 =	veq.s32 v13, $0x0;
	v14 =	vsub.f32 v47, v40  }
0x3dc: {  	v31 =	vmovc v62;
	v17 =	vld [tilespmem:s31+$0xA010];
	[tilespmem:s31+$0x14080] =	vst v11;
	v10 =	vsel vm9, $0x0, v0;
	v24 =	vnsel vm3, $0x0, v0;
	v41 =	vsub.f32 v47, v39  }
0x3dd: {  	[tilespmem:$0x1FE00] =	vst v3;
	v57 =	vld [tilespmem:s1+$0x3010];
	v3 =	vmax.f32 v35, v36;
	v14 =	vmul.f32 v14, v24;
	v24 =	vsub.f32 v47, v16  }
0x3de: {  	v62 =	vld [tilespmem:s7+$0xA020];
	[tilespmem:$0x1FE50] =	vst v3;
	v3 =	vmax.f32 v28, v29;
	v60 =	vmul.f32 v41, v10;
	v47 =	vsub.f32 v47, v49  }
0x3df: {  	s0 =	sor.u32 $0x1010, s1;
	v13 =	vld [tilespmem:s31+$0xA050];
	[tilespmem:$0x1FE80] =	vst v3;
	v3 =	vmax.f32 v30, v32;
	v40 =	vadd.f32 v14, v40;
	v24 =	vmul.f32 v24, v9  }
0x3e0: {  	v10 =	vld [tilespmem:s0+$0x0];
	[tilespmem:$0x1FE90] =	vst v3;
	v60 =	vadd.f32 v60, v39;
	v2 =	vmul.f32 v47, v2  }
0x3e1: {  	v52 =	vmax.f32 v17, v53;
	v11 =	vld [tilespmem:s1+$0x5010];
	[tilespmem:s7+$0x12010] =	vst v40;
	v16 =	vadd.f32 v24, v16  }
0x3e2: {  	v56 =	vmax.f32 v55, v51;
	v3 =	vld [tilespmem:s7+$0xC020];
	vm1 =	veq.s32 v57, $0x0;
	[tilespmem:s7+$0x12090] =	vst v60;
	v2 =	vadd.f32 v2, v49  }
0x3e3: {  	vm0 =	vne.s32 v57, $0x0;
	v60 =	vld [tilespmem:s7+$0xA0A0];
	v24 =	vsel vm1, v52, v56;
	[tilespmem:s7+$0x14010] =	vst v16  }
0x3e4: {  	v6 =	vmax.f32 v13, v23;
	v49 =	vmul.f32 v15, v58;
	v15 =	vmul.f32 v24, v4;
	[tilespmem:s7+$0x14090] =	vst v2;
	v2 =	vld [tilespmem:s7+$0xC0A0]  }
0x3e5: {  	v52 =	vmul.f32 v25, v59;
	vm2 =	vne.s32 v10, $0x0;
	v16 =	vor.u32 v10, v57;
	v56 =	vld [tilespmem:s28+$0x3020]  }
0x3e6: {  	vm10 =	vmor vm2, vm1;
	vm1 =	vmand vm2, vm1;
	v11 =	vadd.f32 v15, v11  }
0x3e7: {  	v12 =	vld [tilespmem:$0x1FFF0];
	s3 =	sor.u32 $0x1020, s28;
	vm0 =	vmand vm2, vm0;
	vm3 =	veq.s32 v16, $0x0;
	v39 =	vsel vm10, $0x0, v0  }
0x3e8: {  	[tilespmem:$0x1FEB0] =	vst v6;
	v41 =	vnsel vm0, $0x0, v0;
	v6 =	vld [tilespmem:s3+$0x0];
	v57 =	vnsel vm3, $0x0, v0;
	v4 =	vsub.f32 v11, v17  }
0x3e9: {  	v9 =	vld [tilespmem:s28+$0x5020];
	v5 =	vsub.f32 v11, v53;
	v7 =	vsub.f32 v11, v55;
	v25 =	vmax.f32 v62, v60  }
0x3ea: {  	v45 =	vmax.f32 v3, v2;
	v4 =	vmul.f32 v4, v57;
	vm0 =	veq.s32 v56, $0x0  }
0x3eb: {  	v8 =	vsub.f32 v11, v51;
	v5 =	vmul.f32 v5, v39;
	v39 =	vsel vm0, v25, v45  }
0x3ec: {  	v42 =	vld [tilespmem:s31+$0xA020];
	v40 =	vnsel vm1, $0x0, v0;
	v4 =	vadd.f32 v4, v17;
	v57 =	vmul.f32 v39, v12  }
0x3ed: {  	v43 =	vld [tilespmem:s31+$0xA0A0];
	v7 =	vmul.f32 v7, v40;
	v8 =	vmul.f32 v8, v41;
	v5 =	vadd.f32 v5, v53  }
0x3ee: {  	v10 =	vld [tilespmem:s18+$0x3060];
	vm1 =	vne.s32 v6, $0x0;
	vm2 =	vne.s32 v56, $0x0;
	[tilespmem:s31+$0x12010] =	vst v4;
	v9 =	vadd.f32 v57, v9  }
0x3ef: {  	v7 =	vadd.f32 v7, v55;
	v17 =	vor.u32 v6, v56;
	vm11 =	vmor vm1, vm0;
	v4 =	vld [tilespmem:s18+$0x5060];
	[tilespmem:s31+$0x12090] =	vst v5  }
0x3f0: {  	vm0 =	vmand vm1, vm0;
	vm3 =	veq.s32 v17, $0x0;
	v6 =	vld [tilespmem:s21+$0x0];
	v5 =	vsub.f32 v9, v62  }
0x3f1: {  	v44 =	vld [tilespmem:s31+$0xC020];
	vm1 =	vmand vm1, vm2;
	v8 =	vadd.f32 v8, v51;
	[tilespmem:s31+$0x14010] =	vst v7;
	v7 =	vnsel vm3, $0x0, v0  }
0x3f2: {  	v46 =	vld [tilespmem:s31+$0xC0A0];
	v41 =	vsel vm11, $0x0, v0;
	v40 =	vsub.f32 v9, v60;
	v5 =	vmul.f32 v5, v7  }
0x3f3: {  	v59 =	vld [tilespmem:s31+$0xC060];
	v39 =	vnsel vm0, $0x0, v0;
	v12 =	vnsel vm1, $0x0, v0;
	v7 =	vsub.f32 v9, v3  }
0x3f4: {  	v17 =	vld [tilespmem:$0x1FFF0];
	v53 =	vmul.f32 v40, v41;
	v9 =	vsub.f32 v9, v2;
	v5 =	vadd.f32 v5, v62  }
0x3f5: {  	v55 =	vld [tilespmem:s31+$0xC0E0];
	[tilespmem:s31+$0x14090] =	vst v8;
	v7 =	vmul.f32 v7, v39;
	vm1 =	vne.s32 v6, $0x0;
	v6 =	vor.u32 v6, v10  }
0x3f6: {  	v40 =	vadd.f32 v53, v60;
	v9 =	vmul.f32 v9, v12;
	vm12 =	veq.s32 v6, $0x0;
	v6 =	vld [tilespmem:s1+$0x3020]  }
0x3f7: {  	vm0 =	veq.s32 v10, $0x0;
	[tilespmem:s7+$0x12020] =	vst v5;
	v3 =	vadd.f32 v7, v3;
	v5 =	vld [tilespmem:s7+$0xA030]  }
0x3f8: {  	v41 =	vsel vm0, v21, v18;
	[tilespmem:s7+$0x120A0] =	vst v40;
	v2 =	vadd.f32 v9, v2;
	v7 =	vld [tilespmem:s7+$0xA0B0]  }
0x3f9: {  	v9 =	vmul.f32 v41, v17;
	[tilespmem:s7+$0x14020] =	vst v3;
	v3 =	vld [tilespmem:s7+$0xC030]  }
0x3fa: {  	[tilespmem:s7+$0x140A0] =	vst v2;
	v2 =	vld [tilespmem:s7+$0xC0B0]  }
0x3fb: {  	v4 =	vadd.f32 v9, v4;
	v8 =	vld [tilespmem:s28+$0x3030]  }
0x3fc: {  	v1 =	vmovc v50;
	v50 =	vmax.f32 v42, v43;
	v61 =	vld [tilespmem:s31+$0xA0E0];
	v54 =	vmax.f32 v44, v46;
	vm2 =	vne.s32 v10, $0x0  }
0x3fd: {  	v33 =	vmovc v63;
	v37 =	vld [tilespmem:s31+$0xC030];
	v14 =	vmax.f32 v59, v55;
	vm3 =	vmor vm1, vm0;
	v63 =	vsub.f32 v4, v1  }
0x3fe: {  	v11 =	vld [tilespmem:s31+$0xA060];
	vm0 =	vmand vm1, vm0;
	vm1 =	vmand vm1, vm2;
	v9 =	vnsel vm12, $0x0, v0  }
0x3ff: {  	[tilespmem:$0x1FEA0] =	vst v14;
	v14 =	vld [tilespmem:$0x1FEC0];
	v62 =	vnsel vm1, $0x0, v0;
	vm1 =	veq.s32 v6, $0x0;
	v9 =	vmul.f32 v63, v9  }
0x400: {  	v25 =	vld [tilespmem:$0x1FDC0];
	v63 =	vmax.f32 v5, v7;
	v17 =	vmax.f32 v3, v2;
	vm2 =	veq.s32 v8, $0x0  }
0x401: {  	s4 =	sor.u32 $0x1030, s28;
	v17 =	vsel vm2, v63, v17;
	v63 =	vsel vm1, v50, v54;
	v50 =	vld [tilespmem:$0x1FFF0]  }
0x402: {  	v40 =	vmov v19;
	v19 =	vld [tilespmem:s4+$0x0]  }
0x403: {  	v21 =	vld [tilespmem:s28+$0x5030];
	v18 =	vsub.f32 v4, v22  }
0x404: {  	v38 =	vld [tilespmem:s31+$0xC0B0];
	v12 =	vmax.f32 v11, v61;
	v10 =	vsel vm3, $0x0, v0;
	v41 =	vmovc v20;
	v20 =	vsub.f32 v4, v14  }
0x405: {  	v58 =	vld [tilespmem:s31+$0xA0F0];
	v39 =	vmovc v12;
	v12 =	vnsel vm0, $0x0, v0;
	v4 =	vsub.f32 v4, v25;
	v10 =	vmul.f32 v18, v10  }
0x406: {  	v12 =	vmul.f32 v20, v12;
	v20 =	vld [tilespmem:$0x1FFF0];
	v17 =	vmul.f32 v17, v50  }
0x407: {  	v24 =	vld [tilespmem:s31+$0xC050];
	v4 =	vmul.f32 v4, v62;
	v9 =	vadd.f32 v9, v1;
	v10 =	vadd.f32 v10, v22  }
0x408: {  	v16 =	vld [tilespmem:s31+$0xC0D0];
	vm3 =	vne.s32 v19, $0x0;
	vm13 =	vne.s32 v8, $0x0;
	v50 =	vmovc v11;
	v11 =	vadd.f32 v17, v21  }
0x409: {  	v15 =	vld [tilespmem:s31+$0xA070];
	vm15 =	vmor vm3, vm2;
	vm2 =	vmand vm3, vm2;
	v17 =	vor.u32 v19, v8  }
0x40a: {  	v56 =	vld [tilespmem:s31+$0xC0F0];
	vm3 =	vmand vm3, vm13;
	vm14 =	veq.s32 v17, $0x0;
	v8 =	vsub.f32 v11, v5  }
0x40b: {  	v57 =	vld [tilespmem:s31+$0xC070];
	v20 =	vmul.f32 v63, v20;
	v63 =	vnsel vm14, $0x0, v0;
	v62 =	vsub.f32 v11, v7  }
0x40c: {  	s23 =	sor.u32 $0x1020, s1;
	v60 =	vld [tilespmem:s1+$0x5020];
	v17 =	vsel vm15, $0x0, v0;
	v8 =	vmul.f32 v8, v63;
	v63 =	vsub.f32 v11, v3  }
0x40d: {  	v18 =	vld [tilespmem:s23+$0x0];
	[tilespmem:s19+$0x120E0] =	vst v10;
	v19 =	vnsel vm2, $0x0, v0;
	v10 =	vmul.f32 v62, v17;
	v11 =	vsub.f32 v11, v2  }
0x40e: {  	v17 =	vnsel vm3, $0x0, v0;
	v5 =	vadd.f32 v8, v5;
	v8 =	vmul.f32 v63, v19  }
0x40f: {  	[tilespmem:s19+$0x12060] =	vst v9;
	v7 =	vadd.f32 v10, v7;
	v62 =	vmul.f32 v11, v17  }
0x410: {  	[tilespmem:s7+$0x12030] =	vst v5;
	v3 =	vadd.f32 v8, v3;
	v5 =	vld [tilespmem:s7+$0xA040]  }
0x411: {  	v60 =	vadd.f32 v20, v60;
	[tilespmem:s7+$0x120B0] =	vst v7;
	v2 =	vadd.f32 v62, v2;
	v7 =	vld [tilespmem:s7+$0xA0C0]  }
0x412: {  	vm0 =	vne.s32 v6, $0x0;
	v6 =	vor.u32 v18, v6;
	[tilespmem:s7+$0x14030] =	vst v3;
	v3 =	vld [tilespmem:s7+$0xC040]  }
0x413: {  	v9 =	vsub.f32 v60, v46;
	vm3 =	veq.s32 v6, $0x0;
	v6 =	vsub.f32 v60, v42;
	[tilespmem:s7+$0x140B0] =	vst v2;
	v2 =	vld [tilespmem:s7+$0xC0C0]  }
0x414: {  	v63 =	vsub.f32 v60, v44;
	v8 =	vsub.f32 v60, v43;
	v60 =	vnsel vm3, $0x0, v0;
	v19 =	vld [tilespmem:s28+$0x3040]  }
0x415: {  	vm2 =	vne.s32 v18, $0x0;
	v6 =	vmul.f32 v6, v60  }
0x416: {  	vm0 =	vmand vm2, vm0  }
0x417: {  	v20 =	vnsel vm0, $0x0, v0;
	v6 =	vadd.f32 v6, v42  }
0x418: {  	v9 =	vmul.f32 v9, v20  }
0x419: {  	v21 =	vld [tilespmem:$0x1FE20];
	[tilespmem:s31+$0x12020] =	vst v6;
	v6 =	vmax.f32 v5, v7;
	v20 =	vmax.f32 v3, v2;
	vm0 =	veq.s32 v19, $0x0  }
0x41a: {  	vm9 =	vmor vm2, vm1;
	vm1 =	vmand vm2, vm1;
	v6 =	vsel vm0, v6, v20;
	v20 =	vld [tilespmem:$0x1FE10]  }
0x41b: {  	v1 =	vld [tilespmem:$0x1FFF0];
	v18 =	vnsel vm1, $0x0, v0  }
0x41c: {  	v17 =	vsel vm9, $0x0, v0;
	v10 =	vmul.f32 v63, v18;
	v63 =	vld [tilespmem:$0x1FDF0]  }
0x41d: {  	s23 =	sor.u32 $0x1040, s28;
	v62 =	vadd.f32 v12, v14;
	v12 =	vmov v59;
	v8 =	vmul.f32 v8, v17;
	v17 =	vld [tilespmem:$0x1FDE0]  }
0x41e: {  	v9 =	vadd.f32 v9, v46;
	[tilespmem:$0x1FEC0] =	vst v12;
	v12 =	vld [tilespmem:s23+$0x0]  }
0x41f: {  	v20 =	vadd.f32 v20, v21;
	v21 =	vld [tilespmem:$0x1FE30]  }
0x420: {  	[tilespmem:s31+$0x140A0] =	vst v9;
	v10 =	vadd.f32 v10, v44;
	v18 =	vld [tilespmem:s28+$0x5040]  }
0x421: {  	[tilespmem:s19+$0x14060] =	vst v62;
	v8 =	vadd.f32 v8, v43  }
0x422: {  	[tilespmem:s31+$0x14020] =	vst v10  }
0x423: {  	v4 =	vadd.f32 v4, v25;
	[tilespmem:s31+$0x120A0] =	vst v8;
	v17 =	vmul.f32 v17, v48;
	v48 =	vld [tilespmem:$0x1FE00];
	v6 =	vmul.f32 v6, v1  }
0x424: {  	v11 =	vmul.f32 v41, v63;
	v41 =	vadd.f32 v52, v26;
	v59 =	vmov v21;
	v21 =	vld [tilespmem:s1+$0x3030]  }
0x425: {  	v8 =	vadd.f32 v49, v40;
	vm1 =	vne.s32 v12, $0x0;
	v6 =	vadd.f32 v6, v18;
	[tilespmem:s19+$0x140E0] =	vst v4;
	v4 =	vld [tilespmem:$0x1FE40]  }
0x426: {  	vm2 =	vne.s32 v19, $0x0;
	v17 =	vadd.f32 v17, v27;
	v18 =	vor.u32 v12, v19  }
0x427: {  	s20 =	sor.u32 $0x1030, s1;
	vm10 =	vmor vm1, vm0;
	vm3 =	veq.s32 v18, $0x0;
	v12 =	vsub.f32 v6, v5;
	v49 =	vld [tilespmem:s1+$0x5030]  }
0x428: {  	[tilespmem:s17+$0x12070] =	vst v8;
	v9 =	vadd.f32 v48, v34;
	v52 =	vnsel vm3, $0x0, v0;
	v18 =	vsub.f32 v6, v7;
	v8 =	vld [tilespmem:s20+$0x0]  }
0x429: {  	vm0 =	vmand vm1, vm0;
	[tilespmem:s17+$0x14070] =	vst v17;
	v17 =	vsel vm10, $0x0, v0;
	v10 =	vmul.f32 v12, v52;
	v19 =	vld [tilespmem:s18+$0x3070]  }
0x42a: {  	v12 =	vsub.f32 v6, v3;
	v17 =	vmul.f32 v18, v17;
	v22 =	vld [tilespmem:s18+$0x5070];
	[tilespmem:s16+$0x120F0] =	vst v9;
	v4 =	vadd.f32 v11, v4  }
0x42b: {  	v46 =	vmovc v55;
	vm1 =	vmand vm1, vm2;
	v55 =	vnsel vm0, $0x0, v0;
	v6 =	vsub.f32 v6, v2;
	v18 =	vld [tilespmem:s14+$0x0];
	[tilespmem:s16+$0x14070] =	vst v20  }
0x42c: {  	v9 =	vmul.f32 v12, v55;
	v20 =	vnsel vm1, $0x0, v0;
	[tilespmem:s16+$0x140F0] =	vst v4;
	v4 =	vadd.f32 v17, v7;
	v7 =	vld [tilespmem:$0x1FE50]  }
0x42d: {  	v5 =	vadd.f32 v10, v5;
	v6 =	vmul.f32 v6, v20  }
0x42e: {  	[tilespmem:s17+$0x120F0] =	vst v41;
	s17 =	smov.u32 s7;
	v3 =	vadd.f32 v9, v3  }
0x42f: {  	[tilespmem:s17+$0x12040] =	vst v5;
	v2 =	vadd.f32 v6, v2  }
0x430: {  	v47 =	vmax.f32 v37, v38;
	vm0 =	veq.s32 v21, $0x0;
	[tilespmem:s17+$0x14040] =	vst v3;
	v3 =	vld [tilespmem:s17+$0xC050]  }
0x431: {  	[tilespmem:s17+$0x140C0] =	vst v2;
	v2 =	vld [tilespmem:s17+$0xC0D0];
	v7 =	vsel vm0, v7, v47  }
0x432: {  	v51 =	vmax.f32 v57, v56;
	v5 =	vld [tilespmem:s17+$0xA050];
	[tilespmem:s17+$0x120C0] =	vst v4;
	v7 =	vmul.f32 v7, v1  }
0x433: {  	v62 =	vmovc v57;
	vm2 =	vne.s32 v21, $0x0;
	vm1 =	vne.s32 v8, $0x0;
	v6 =	vor.u32 v8, v21;
	v57 =	vld [tilespmem:s28+$0x3050]  }
0x434: {  	vm3 =	vmor vm1, vm0;
	vm11 =	veq.s32 v6, $0x0;
	v4 =	vld [tilespmem:s17+$0xA0D0];
	v7 =	vadd.f32 v7, v49  }
0x435: {  	v6 =	vnsel vm11, $0x0, v0;
	v8 =	vsel vm3, $0x0, v0;
	vm0 =	vmand vm1, vm0  }
0x436: {  	s24 =	sor.u32 $0x1060, s1;
	v14 =	vmovc v23;
	v21 =	vld [tilespmem:$0x1FE70];
	vm1 =	vmand vm1, vm2;
	v23 =	vmax.f32 v3, v2;
	v12 =	vsub.f32 v7, v35  }
0x437: {  	s21 =	smov.u32 s24;
	s24 =	sor.u32 $0x1050, s28;
	v63 =	vmovc v56;
	v34 =	vld [tilespmem:s28+$0x5050];
	v56 =	vnsel vm0, $0x0, v0;
	v17 =	vsub.f32 v7, v36;
	v20 =	vsub.f32 v7, v37  }
0x438: {  	vm4 =	veq.s32 v57, $0x0;
	v7 =	vsub.f32 v7, v38;
	v6 =	vmul.f32 v12, v6;
	v12 =	vld [tilespmem:s24+$0x0]  }
0x439: {  	v8 =	vmul.f32 v17, v8;
	v17 =	vld [tilespmem:$0x1FE60];
	v9 =	vmul.f32 v20, v56;
	v20 =	vmax.f32 v5, v4  }
0x43a: {  	v60 =	vmov v33;
	v33 =	vnsel vm1, $0x0, v0;
	v20 =	vsel vm4, v20, v23  }
0x43b: {  	v7 =	vmul.f32 v7, v33;
	v8 =	vadd.f32 v8, v36;
	v20 =	vmul.f32 v20, v1  }
0x43c: {  	s16 =	smov.u32 s19;
	s19 =	smov.u32 s31;
	vm3 =	vne.s32 v19, $0x0;
	vm0 =	veq.s32 v19, $0x0;
	v6 =	vadd.f32 v6, v35  }
0x43d: {  	vm13 =	vne.s32 v57, $0x0;
	v7 =	vadd.f32 v7, v38;
	[tilespmem:s19+$0x120B0] =	vst v8;
	v8 =	vadd.f32 v20, v34  }
0x43e: {  	v9 =	vadd.f32 v9, v37;
	v17 =	vsel vm0, v17, v21;
	v37 =	vor.u32 v12, v57  }
0x43f: {  	[tilespmem:s19+$0x140B0] =	vst v7;
	vm12 =	vne.s32 v12, $0x0;
	vm14 =	veq.s32 v37, $0x0;
	v7 =	vsub.f32 v8, v5  }
0x440: {  	[tilespmem:s19+$0x12030] =	vst v6;
	v6 =	vmul.f32 v17, v1;
	vm15 =	vmor vm12, vm4;
	v38 =	vnsel vm14, $0x0, v0  }
0x441: {  	vm4 =	vmand vm12, vm4;
	v42 =	vsub.f32 v8, v3;
	v7 =	vmul.f32 v7, v38  }
0x442: {  	v54 =	vmovc v61;
	v61 =	vld [tilespmem:$0x1FDD0];
	[tilespmem:s19+$0x14030] =	vst v9;
	v17 =	vor.u32 v18, v19;
	vm5 =	vmand vm12, vm13;
	v19 =	vnsel vm4, $0x0, v0  }
0x443: {  	v43 =	vld [tilespmem:$0x1FE90];
	s18 =	smov.u32 s1;
	v21 =	vmovc v39;
	v39 =	vsub.f32 v8, v4;
	v5 =	vadd.f32 v7, v5;
	v7 =	vmul.f32 v42, v19  }
0x444: {  	v9 =	vld [tilespmem:s18+$0x3040];
	v8 =	vsub.f32 v8, v2;
	vm2 =	veq.s32 v17, $0x0;
	v17 =	vsel vm15, $0x0, v0  }
0x445: {  	s30 =	sor.u32 $0x1040, s1;
	v11 =	vmul.f32 v39, v17;
	v17 =	vnsel vm5, $0x0, v0;
	v3 =	vadd.f32 v7, v3;
	v7 =	vld [tilespmem:$0x1FE80]  }
0x446: {  	vm1 =	vne.s32 v18, $0x0;
	v18 =	vld [tilespmem:s30+$0x0];
	v8 =	vmul.f32 v8, v17  }
0x447: {  	v53 =	vmax.f32 v15, v58;
	v44 =	vmovc v58;
	v58 =	vmov v31;
	v31 =	vld [tilespmem:s17+$0xC0E0];
	v4 =	vadd.f32 v11, v4  }
0x448: {  	v12 =	vld [tilespmem:s18+$0x5040];
	v6 =	vadd.f32 v6, v22;
	v2 =	vadd.f32 v8, v2;
	[tilespmem:s17+$0x12050] =	vst v5  }
0x449: {  	v45 =	vmax.f32 v24, v16;
	vm12 =	veq.s32 v9, $0x0;
	v5 =	vld [tilespmem:s17+$0xA060];
	[tilespmem:s17+$0x120D0] =	vst v4  }
0x44a: {  	vm4 =	vne.s32 v9, $0x0;
	v33 =	vsub.f32 v6, v61;
	v4 =	vld [tilespmem:s17+$0xA0E0];
	[tilespmem:s17+$0x140D0] =	vst v2;
	v7 =	vsel vm12, v7, v43  }
0x44b: {  	vm13 =	vne.s32 v18, $0x0;
	v8 =	vor.u32 v18, v9;
	[tilespmem:s17+$0x14050] =	vst v3;
	v3 =	vld [tilespmem:s17+$0xC060];
	v7 =	vmul.f32 v7, v1  }
0x44c: {  	s31 =	sor.u32 $0x1060, s28;
	v34 =	vsub.f32 v6, v59;
	vm14 =	veq.s32 v8, $0x0;
	vm15 =	vmor vm13, vm12;
	v8 =	vld [tilespmem:s28+$0x3060]  }
0x44d: {  	vm5 =	vmand vm13, vm12;
	vm4 =	vmand vm13, vm4;
	v19 =	vld [tilespmem:s31+$0x0];
	v2 =	vadd.f32 v7, v12  }
0x44e: {  	v47 =	vsel vm15, $0x0, v0;
	v48 =	vnsel vm5, $0x0, v0;
	v49 =	vnsel vm4, $0x0, v0  }
0x44f: {  	vm4 =	vmor vm1, vm0;
	vm0 =	vmand vm1, vm0;
	v12 =	vsub.f32 v2, v28  }
0x450: {  	vm1 =	vmand vm1, vm3;
	v22 =	vmax.f32 v5, v4;
	v7 =	vnsel vm14, $0x0, v0  }
0x451: {  	v20 =	vmax.f32 v3, v31;
	vm12 =	veq.s32 v8, $0x0;
	v7 =	vmul.f32 v12, v7;
	v12 =	vld [tilespmem:s28+$0x5060]  }
0x452: {  	v52 =	vor.u32 v19, v8;
	vm3 =	vne.s32 v19, $0x0;
	v17 =	vsub.f32 v2, v29  }
0x453: {  	v41 =	vmovc v51;
	v51 =	vsel vm12, v22, v20;
	v18 =	vsub.f32 v2, v30;
	v2 =	vsub.f32 v2, v32  }
0x454: {  	v11 =	vmul.f32 v51, v1;
	v9 =	vmul.f32 v17, v47;
	v7 =	vadd.f32 v7, v28  }
0x455: {  	vm13 =	vne.s32 v8, $0x0;
	vm14 =	veq.s32 v52, $0x0;
	v2 =	vmul.f32 v2, v49  }
0x456: {  	v10 =	vmul.f32 v18, v48;
	v9 =	vadd.f32 v9, v29;
	[tilespmem:s19+$0x12040] =	vst v7;
	v7 =	vadd.f32 v11, v12  }
0x457: {  	vm15 =	vmor vm3, vm12;
	vm5 =	vmand vm3, vm12;
	v2 =	vadd.f32 v2, v32  }
0x458: {  	vm3 =	vmand vm3, vm13;
	v10 =	vadd.f32 v10, v30;
	[tilespmem:s19+$0x120C0] =	vst v9;
	v8 =	vsub.f32 v7, v5  }
0x459: {  	p1 =	slt.u32 s29, $0x1E;
	v40 =	vmovc v53;
	v19 =	vld [tilespmem:s17+$0xA070];
	v20 =	vsub.f32 v6, v60;
	[tilespmem:s19+$0x140C0] =	vst v2;
	v2 =	vnsel vm14, $0x0, v0;
	v53 =	vsub.f32 v7, v4  }
.Ltmp3:
0x45a: {  	v55 =	vsel vm15, $0x0, v0;
	v18 =	vld [tilespmem:$0x1FEA0];
	[tilespmem:s19+$0x14040] =	vst v10;
	v2 =	vmul.f32 v8, v2;
	v8 =	vsub.f32 v7, v3;
	(pc) =	sbr.rel @p1 .LBB2_5-.Ltmp3, $4  }
0x45b: {  	v56 =	vnsel vm5, $0x0, v0;
	v57 =	vnsel vm3, $0x0, v0;
	v35 =	vld [tilespmem:s18+$0x3050];
	v9 =	vmul.f32 v53, v55  }
0x45c: {  	s11 =	sor.u32 $0x1050, s1;
	v32 =	vld [tilespmem:s18+$0x5050];
	v7 =	vsub.f32 v7, v31;
	v2 =	vadd.f32 v2, v5;
	v5 =	vmul.f32 v8, v56  }
0x45d: {  	s6 =	sor.u32 $0x1070, s1;
	v17 =	vmovc v15;
	v15 =	vmovc v24;
	v28 =	vsub.f32 v6, v58;
	v30 =	vnsel vm2, $0x0, v0;
	v29 =	vsel vm4, $0x0, v0;
	v37 =	vld [tilespmem:s11+$0x0]  }
0x45e: {  	s14 =	smov.u32 s6;
	v27 =	vadd.f32 v9, v4;
	v26 =	vmul.f32 v7, v57;
	v7 =	vld [tilespmem:$0x1FEB0];
	[tilespmem:s17+$0x12060] =	vst v2;
	v36 =	vadd.f32 v5, v3  }
0x45f: {  	v1 =	vld [tilespmem:$0x1FFF0];
	_ =	sdelay $0x2  }
0x460: {  	vm2 =	veq.s32 v35, $0x0  }
0x461: {  	v2 =	vsel vm2, v7, v45  }
0x462: {  	v2 =	vmul.f32 v2, v1;
	_ =	sdelay $0x1  }
0x463: {  	v3 =	vor.u32 v37, v35;
	v2 =	vadd.f32 v2, v32  }
0x464: {  	vm3 =	vne.s32 v35, $0x0;
	vm4 =	vne.s32 v37, $0x0;
	vm5 =	veq.s32 v3, $0x0  }
0x465: {  	vm6 =	vmor vm4, vm2;
	vm2 =	vmand vm4, vm2;
	v3 =	vsub.f32 v2, v13  }
0x466: {  	vm3 =	vmand vm4, vm3;
	v4 =	vnsel vm5, $0x0, v0;
	v5 =	vsub.f32 v2, v14  }
0x467: {  	v6 =	vsel vm6, $0x0, v0;
	v52 =	vsub.f32 v2, v15;
	v3 =	vmul.f32 v3, v4  }
0x468: {  	v53 =	vnsel vm2, $0x0, v0;
	v2 =	vsub.f32 v2, v16;
	v5 =	vmul.f32 v5, v6  }
0x469: {  	[tilespmem:s17+$0x120E0] =	vst v27;
	v55 =	vnsel vm3, $0x0, v0;
	v4 =	vmul.f32 v52, v53;
	v3 =	vadd.f32 v3, v13  }
0x46a: {  	[tilespmem:s17+$0x14060] =	vst v36;
	v2 =	vmul.f32 v2, v55;
	v5 =	vadd.f32 v5, v14  }
0x46b: {  	v4 =	vadd.f32 v4, v15;
	[tilespmem:s19+$0x12050] =	vst v3  }
0x46c: {  	v2 =	vadd.f32 v2, v16;
	[tilespmem:s19+$0x120D0] =	vst v5  }
0x46d: {  	v57 =	vld [tilespmem:s17+$0xC070];
	v56 =	vadd.f32 v26, v31;
	[tilespmem:s19+$0x14050] =	vst v4  }
0x46e: {  	v8 =	vld [tilespmem:s17+$0xC0F0];
	[tilespmem:s19+$0x140D0] =	vst v2  }
0x46f: {  	[tilespmem:s17+$0x140E0] =	vst v56;
	v2 =	vld [tilespmem:s18+$0x3060]  }
0x470: {  	v22 =	vld [tilespmem:s28+$0x3070]  }
0x471: {  	v3 =	vld [tilespmem:s17+$0xA0F0]  }
0x472: {  	v5 =	vld [tilespmem:s21+$0x0]  }
0x473: {  	v16 =	vld [tilespmem:s18+$0x5060]  }
0x474: {  	vm9 =	veq.s32 v2, $0x0  }
0x475: {  	v9 =	vsel vm9, v21, v18  }
0x476: {  	v9 =	vmul.f32 v9, v1  }
0x477: {  	v36 =	vnsel vm0, $0x0, v0;
	v24 =	vmax.f32 v57, v8;
	vm15 =	veq.s32 v22, $0x0;
	v27 =	vld [tilespmem:$0x1FEC0]  }
0x478: {  	v23 =	vmax.f32 v19, v3;
	vm10 =	vne.s32 v5, $0x0;
	v4 =	vadd.f32 v9, v16  }
0x479: {  	vm11 =	vne.s32 v2, $0x0;
	v2 =	vor.u32 v5, v2;
	vm12 =	vmor vm10, vm9  }
0x47a: {  	vm14 =	veq.s32 v2, $0x0;
	vm3 =	vmand vm10, vm11;
	v10 =	vsub.f32 v4, v50  }
0x47b: {  	v2 =	vnsel vm14, $0x0, v0;
	v11 =	vsel vm12, $0x0, v0;
	v25 =	vsub.f32 v4, v54  }
0x47c: {  	s0 =	sor.u32 $0x1070, s28;
	v12 =	vld [tilespmem:s28+$0x5070];
	v31 =	vsub.f32 v4, v27;
	v4 =	vsub.f32 v4, v46;
	v2 =	vmul.f32 v10, v2  }
0x47d: {  	v26 =	vld [tilespmem:s0+$0x0];
	vm13 =	vmand vm10, vm9;
	v35 =	vnsel vm3, $0x0, v0;
	v9 =	vmul.f32 v25, v11  }
0x47e: {  	v32 =	vnsel vm13, $0x0, v0;
	v4 =	vmul.f32 v4, v35;
	v2 =	vadd.f32 v2, v50  }
0x47f: {  	v5 =	vsel vm15, v23, v24;
	v10 =	vmul.f32 v31, v32;
	v9 =	vadd.f32 v9, v54  }
0x480: {  	v37 =	vmul.f32 v33, v30;
	v5 =	vmul.f32 v5, v1;
	v4 =	vadd.f32 v4, v46;
	[tilespmem:s19+$0x12060] =	vst v2  }
0x481: {  	v39 =	vmul.f32 v34, v29;
	v45 =	vmul.f32 v28, v36;
	v2 =	vadd.f32 v10, v27;
	[tilespmem:s19+$0x120E0] =	vst v9  }
0x482: {  	v43 =	vadd.f32 v37, v61;
	vm7 =	vne.s32 v26, $0x0;
	v5 =	vadd.f32 v5, v12;
	[tilespmem:s19+$0x140E0] =	vst v4  }
0x483: {  	vm8 =	vne.s32 v22, $0x0;
	v7 =	vor.u32 v26, v22;
	vm0 =	vmand vm7, vm15;
	[tilespmem:s19+$0x14060] =	vst v2  }
0x484: {  	vm9 =	veq.s32 v7, $0x0;
	v38 =	vsub.f32 v5, v8;
	v47 =	vsub.f32 v5, v19;
	v46 =	vld [tilespmem:s18+$0x3070]  }
0x485: {  	v7 =	vnsel vm9, $0x0, v0;
	v48 =	vsub.f32 v5, v3;
	v5 =	vsub.f32 v5, v57  }
0x486: {  	v51 =	vnsel vm0, $0x0, v0;
	vm3 =	vmand vm7, vm8;
	v7 =	vmul.f32 v47, v7  }
0x487: {  	vm10 =	vmor vm7, vm15;
	v42 =	vnsel vm3, $0x0, v0;
	v5 =	vmul.f32 v5, v51;
	v49 =	vld [tilespmem:s18+$0x5070]  }
0x488: {  	v12 =	vadd.f32 v39, v59;
	v7 =	vadd.f32 v7, v19;
	v50 =	vsel vm10, $0x0, v0;
	v52 =	vld [tilespmem:s14+$0x0]  }
0x489: {  	v5 =	vadd.f32 v5, v57;
	v14 =	vmul.f32 v48, v50;
	vm11 =	veq.s32 v46, $0x0  }
0x48a: {  	v10 =	vmul.f32 v38, v42;
	v2 =	vnsel vm1, $0x0, v0;
	v53 =	vsel vm11, v40, v41  }
0x48b: {  	v9 =	vadd.f32 v45, v58;
	v2 =	vmul.f32 v20, v2;
	v54 =	vmul.f32 v53, v1  }
0x48c: {  	v3 =	vadd.f32 v14, v3;
	v8 =	vadd.f32 v10, v8  }
0x48d: {  	[tilespmem:s16+$0x12070] =	vst v43;
	v2 =	vadd.f32 v2, v60;
	v55 =	vor.u32 v52, v46;
	v6 =	vadd.f32 v54, v49  }
0x48e: {  	[tilespmem:s16+$0x120F0] =	vst v12;
	vm12 =	vne.s32 v52, $0x0;
	vm13 =	vne.s32 v46, $0x0;
	vm14 =	veq.s32 v55, $0x0  }
0x48f: {  	[tilespmem:s17+$0x12070] =	vst v7;
	vm15 =	vmor vm12, vm11;
	vm0 =	vmand vm12, vm11;
	v56 =	vsub.f32 v6, v17  }
0x490: {  	[tilespmem:s17+$0x120F0] =	vst v3;
	vm1 =	vmand vm12, vm13;
	v57 =	vnsel vm14, $0x0, v0;
	v3 =	vsub.f32 v6, v44  }
0x491: {  	[tilespmem:s17+$0x14070] =	vst v5;
	v59 =	vsel vm15, $0x0, v0;
	v58 =	vsub.f32 v6, v62;
	v4 =	vmul.f32 v56, v57  }
0x492: {  	[tilespmem:s16+$0x14070] =	vst v9;
	v60 =	vnsel vm0, $0x0, v0;
	v6 =	vsub.f32 v6, v63;
	v3 =	vmul.f32 v3, v59  }
0x493: {  	[tilespmem:s17+$0x140F0] =	vst v8;
	v61 =	vnsel vm1, $0x0, v0;
	v5 =	vmul.f32 v58, v60;
	v4 =	vadd.f32 v4, v17  }
0x494: {  	s30 =	sshll.u32 s12, $0x8;
	[tilespmem:s16+$0x140F0] =	vst v2;
	v2 =	vmul.f32 v6, v61;
	v3 =	vadd.f32 v3, v44  }
0x495: {  	s1 =	sshll.u32 s15, $0xA;
	s0 =	sand.u32 $0x100, s30;
	v62 =	vadd.f32 v5, v62;
	[tilespmem:s19+$0x12070] =	vst v4  }
0x496: {  	s1 =	sand.u32 $0xFF000, s1;
	s0 =	sadd.s32 s0, s8;
	v2 =	vadd.f32 v2, v63;
	[tilespmem:s19+$0x120F0] =	vst v3  }
.Ltmp4:
0x497: {  	s0 =	sadd.s32 s1, s0;
	[tilespmem:s19+$0x14070] =	vst v62;
	(pc) =	sbr.rel @p0 .LBB2_8-.Ltmp4, $4  }
0x498: {  	s2 =	simm.s32 $0x12000;
	s1 =	sadd.s32 $0x80, s0;
	[tilespmem:s19+$0x140F0] =	vst v2  }
0x499: {  	[hbm4b:s1+s25] =	stream.strided.scatter [tilespmem:s2], [sflag:$0x4], $0x2000, s26, s25, $0x38;
	[tilespmem:$0x16100] =	vst v63  }
0x49a: {  	s31 =	simm.s32 $0x14000;
	s0 =	sadd.s32 $0x100080, s0  }
0x49b: {  	[hbm4b:s0+s25] =	stream.strided.scatter [tilespmem:s31], [sflag:$0x4], $0x2000, s26, s25, $0x38;
	[tilespmem:$0x16100] =	vst v63  }
0x49c: {  	s0 =	sadd.s32 $0x3, s13  }
0x49d: {  	s1 =	sadd.s32 s10, s0;
	s0 =	sshll.u32 s0, $0x2  }
0x49e: {  	s1 =	sshrl.u32 s1, $0x2;
	s0 =	sand.u32 $0xC, s0  }
0x49f: {  	s2 =	sshll.u32 s1, $0xB;
	s3 =	sshll.u32 s0, $0x7  }
0x4a0: {  	s21 =	rddreg [dreg:$0x1];
	s2 =	sor.u32 s3, s2  }
0x4a1: {  	s23 =	rddreg [dreg:$0x2];
	s4 =	simm.s32 $0x3000;
	s3 =	sadd.s32 s21, s2  }
0x4a2: {  	[tilespmem:s26], [sflag:$0x2] =	stream.linear.gather [hbm4b:s3+s9], $0x1000, $0x38;
	[tilespmem:$0x16100] =	vst v63  }
0x4a3: {  	s24 =	rddreg [dreg:$0x3];
	s28 =	simm.s32 $0x5000;
	s3 =	sadd.s32 s23, s2  }
0x4a4: {  	[tilespmem:s4], [sflag:$0x2] =	stream.linear.gather [hbm4b:s3+s9], $0x1000, $0x38;
	[tilespmem:$0x16100] =	vst v63  }
0x4a5: {  	s29 =	rddreg [dreg:$0x0];
	s0 =	sshll.u32 s0, $0x5;
	s2 =	sadd.s32 s24, s2  }
0x4a6: {  	[tilespmem:s28], [sflag:$0x2] =	stream.linear.gather [hbm4b:s2+s9], $0x1000, $0x38;
	[tilespmem:$0x16100] =	vst v63  }
.Ltmp5:
0x4a7: {  	s1 =	sshll.u32 s1, $0xC;
	s0 =	sadd.s32 s29, s0;
	(pc) =	sbr.rel .LBB2_2-.Ltmp5, $4  }
0x4a8: {  	s30 =	simm.s32 $0xA000;
	s0 =	sadd.s32 s1, s0  }
0x4a9: {  	[tilespmem:s30], [sflag:$0x2] =	stream.strided.gather [hbm4b:s0+s25], $0x2000, s26, s25, $0x38;
	[tilespmem:$0x16100] =	vst v63  }
0x4aa: {  	s31 =	simm.s32 $0xC000;
	s12 =	sadd.s32 $0x1, s12;
	s0 =	sadd.s32 $0x100000, s0  }
0x4ab: {  	[tilespmem:s31], [sflag:$0x2] =	stream.strided.gather [hbm4b:s0+s25], $0x2000, s26, s25, $0x38;
	[tilespmem:$0x16100] =	vst v63  }
.LBB2_9:
0x4ac: {  	_ =	sfence.sel $0x180000  }
0x4ad: {  	[bflag:$0x0] =	sbarrier.arrive $0xFFFF  }
0x4ae: {  	_ =	strace $0x90000047  }
0x4af: {  	s0 =	stileid.u32;
	[bflag:$0x2] =	sbarrier.arrive $0xFFFF  }
0x4b0: {  	p0 =	sne.s32 s0, $0x0;
	s0 =	rddreg [dreg:$0x7]  }
0x4b1: {  	s0 =	sadd.s32 @!p0 $0x100000, s0  }
0x4b2: {  	[sflag:s0] =	ssyncadd.tile.s32 @!p0 $0x1;
	_ =	shalt  }
.Lfunc_end2:
_tile_overlayer_lowered:
.L_overlay_start_2:
0x4b3: {  	(tag) =	ssettag $0x2  }
0x4b4: {  	s0 =	rddreg [dreg:$0x0];
	s2 =	stileid.u32  }
0x4b5: {  	s1 =	rddreg [dreg:$0x1];
	p0 =	sne.s32 s2, $0x0  }
0x4b6: {  	s3 =	rddreg [dreg:$0x2];
	[bflag:$0x3] =	sbarrier.arrive $0xFFFF;
	s2 =	simm.s32 @!p0 $0x1C05  }
0x4b7: {  	[timem:s3], [sflag:s2] =	dma.local @!p0 [hbm:s0], s1  }
0x4b8: {  	s0 =	simm.s32 @!p0 $0x5  }
0x4b9: {  	_ =	swait.ge @!p0 [sflag:s0], s1  }
0x4ba: {  	s1 =	ssub.s32 @!p0 $0x0, s1;
	[sflag:s0] =	ssyncset.done @!p0 $0x0  }
0x4bb: {  	[sflag:s0] =	ssyncadd.s32 @!p0 s1  }
0x4bc: {  	[bflag:$0x3] =	sbarrier.arrive $0xFFFF  }
0x4bd: {  	_ =	shalt  }

</sc_bundles>
